<compile_context>
chip_gen: v7x
topology: tpu7x:2x2x1
jax: 0.10.2.dev20260603
libtpu: 0.0.44.dev20260713+nightly
codegen_flags: <defaults>
</compile_context>

<pallas_src>
import functools

import jax
import jax.numpy as jnp
from jax import lax
from jax.experimental import pallas as pl
from jax.experimental.pallas import tpu as pltpu
from jax.experimental.pallas import tpu_sc as plsc

N = 10000
NPAD = 10240
NB = NPAD // 128
BGRAPH = 64
KNN = 5

_NC = 2
_NS = 16
NW = _NC * _NS
BPW = NPAD // NW
CH = 80
NCH = BPW // CH

_F32 = jnp.float32
_I32 = jnp.int32
_INF = float("inf")
_PREC = jax.lax.Precision.DEFAULT


def _prep_body(emb_ref, w_ref, out_ref):
    out_ref[...] = jnp.dot(emb_ref[...], w_ref[...],
                           preferred_element_type=_F32, precision=_PREC)


def _prep_call(emb_pad, w0):
    return pl.pallas_call(
        _prep_body,
        out_shape=jax.ShapeDtypeStruct((104, 128), _F32),
    )(emb_pad, w0)


def _knn_body(lo_ref, nt_ref, posr_ref, batchr_ref, posT_ref, batchT_ref,
              out_ref):
    i = pl.program_id(0)
    lo = pl.multiple_of(lo_ref[i], 128)
    nt = nt_ref[i]
    pr = posr_ref[...]
    br = batchr_ref[0]
    sqr = jnp.sum(pr * pr, axis=1, keepdims=True)
    row_ids = lax.broadcasted_iota(_I32, (128, 1), 0) + i * 128

    init_d = jnp.full((128, 8), _INF, _F32)
    col8f = lax.broadcasted_iota(_I32, (128, 8), 1).astype(_F32)
    wcolf = lax.broadcasted_iota(_I32, (128, 264), 1).astype(_F32)
    init_i = col8f

    def tile(t, carry):
        bd, bi = carry
        c0 = pl.multiple_of(lo + t * 256, 128)
        pc = posT_ref[:, pl.ds(c0, 256)]
        bc = batchT_ref[pl.ds(0, 1), pl.ds(c0, 256)]
        sqc = jnp.sum(pc * pc, axis=0, keepdims=True)
        dot = lax.dot_general(pr, pc, (((1,), (0,)), ((), ())),
                              preferred_element_type=_F32, precision=_PREC)
        d2 = sqr + sqc - 2.0 * dot
        col_ids = lax.broadcasted_iota(_I32, (128, 256), 1) + c0
        valid = (bc == br) & (col_ids != row_ids)
        d2 = jnp.where(valid, d2, _INF)
        c0f = (c0 - 8).astype(_F32)

        wd = jnp.concatenate([bd, d2], axis=1)
        nd, ni = [], []
        for _ in range(KNN):
            m = jnp.min(wd, axis=1, keepdims=True)
            a = jnp.min(jnp.where(wd == m, wcolf, 1e9),
                        axis=1, keepdims=True)
            ga = jnp.sum(jnp.where(col8f == a, bi, 0.0),
                         axis=1, keepdims=True)
            nd.append(m)
            ni.append(jnp.where(a < 8.0, ga, a + c0f))
            wd = jnp.where(wcolf == a, _INF, wd)
        pad_d = jnp.full((128, 3), _INF, _F32)
        pad_i = lax.broadcasted_iota(_I32, (128, 3), 1).astype(_F32) + 5.0
        nbd = jnp.concatenate(nd + [pad_d], axis=1)
        nbi = jnp.concatenate(ni + [pad_i], axis=1)
        return nbd, nbi

    _, bi = lax.fori_loop(0, nt, tile, (init_d, init_i))
    out_ref[...] = bi.astype(_I32)


def _knn_call(lo, nt, pos8, batch3, posT8, batchT8):
    grid_spec = pltpu.PrefetchScalarGridSpec(
        num_scalar_prefetch=2,
        grid=(NB,),
        in_specs=[
            pl.BlockSpec((128, 8), lambda i, lo, nt: (i, 0)),
            pl.BlockSpec((1, 128, 1), lambda i, lo, nt: (i, 0, 0)),
            pl.BlockSpec((8, NPAD), lambda i, lo, nt: (0, 0)),
            pl.BlockSpec((8, NPAD), lambda i, lo, nt: (0, 0)),
        ],
        out_specs=pl.BlockSpec((128, 8), lambda i, lo, nt: (i, 0)),
    )
    return pl.pallas_call(
        _knn_body,
        grid_spec=grid_spec,
        out_shape=jax.ShapeDtypeStruct((NPAD, 8), _I32),
    )(lo, nt, pos8, batch3, posT8, batchT8)


@functools.cache
def _sc_mesh():
    return plsc.VectorSubcoreMesh(core_axis_name="c", subcore_axis_name="s")


def _lookup_kernel(table_hbm, idx_hbm, out_hbm, idx_v, rows_v, sem):
    wid = lax.axis_index("s") * _NC + lax.axis_index("c")
    base = wid * BPW
    pltpu.sync_copy(idx_hbm.at[wid], idx_v)
    for j in range(NCH):
        pltpu.async_copy(table_hbm.at[idx_v.at[j]],
                         rows_v.at[pl.ds(j * CH, CH)], sem).wait()
    pltpu.sync_copy(rows_v, out_hbm.at[pl.ds(base, BPW)])


def _lookup_call(table, idx3):
    k = functools.partial(
        pl.kernel,
        mesh=_sc_mesh(),
        out_type=jax.ShapeDtypeStruct((NPAD, 128), _F32),
        scratch_types=[
            pltpu.VMEM((NCH, CH), _I32),
            pltpu.VMEM((BPW, 128), _F32),
            pltpu.SemaphoreType.DMA,
        ],
    )(_lookup_kernel)
    return k(table, idx3)


def _agg_kernel(h_hbm, idx_hbm, out_hbm, idx_v, acc_v, sem0, sem1):
    wid = lax.axis_index("s") * _NC + lax.axis_index("c")
    base = wid * BPW
    pltpu.sync_copy(idx_hbm.at[:, wid], idx_v)
    copies = []
    for j in range(NCH):
        copies.append(pltpu.async_copy(h_hbm.at[idx_v.at[0, j]],
                                       acc_v.at[pl.ds(j * CH, CH)], sem0))
    for c in copies:
        c.wait()
    copies = []
    for k in range(1, KNN):
        for j in range(NCH):
            copies.append(pltpu.async_copy(h_hbm.at[idx_v.at[k, j]],
                                           acc_v.at[pl.ds(j * CH, CH)],
                                           sem1, add=True))
    for c in copies:
        c.wait()
    pltpu.sync_copy(acc_v, out_hbm.at[pl.ds(base, BPW)])


def _agg_call(h, idx4):
    k = functools.partial(
        pl.kernel,
        mesh=_sc_mesh(),
        out_type=jax.ShapeDtypeStruct((NPAD, 128), _F32),
        scratch_types=[
            pltpu.VMEM((KNN, NCH, CH), _I32),
            pltpu.VMEM((BPW, 128), _F32),
            pltpu.SemaphoreType.DMA,
            pltpu.SemaphoreType.DMA,
        ],
    )(_agg_kernel)
    return k(h, idx4)


def _fused_body(acc_ref, h_ref, b_ref, w_ref, out_ref):
    x = jnp.maximum((acc_ref[...] + h_ref[...]) * (1.0 / 6.0) + b_ref[...],
                    0.0)
    out_ref[...] = jnp.dot(x, w_ref[...], preferred_element_type=_F32, precision=_PREC)


def _fused_call(acc, h, brow, wnext):
    return pl.pallas_call(
        _fused_body,
        grid=(NB,),
        in_specs=[
            pl.BlockSpec((128, 128), lambda i: (i, 0)),
            pl.BlockSpec((128, 128), lambda i: (i, 0)),
            pl.BlockSpec((1, 128), lambda i: (0, 0)),
            pl.BlockSpec((128, 128), lambda i: (0, 0)),
        ],
        out_specs=pl.BlockSpec((128, 128), lambda i: (i, 0)),
        out_shape=jax.ShapeDtypeStruct((NPAD, 128), _F32),
    )(acc, h, brow, wnext)


def _final_body(acc_ref, h_ref, b_ref, batch_ref, invc_ref,
                rw0_ref, rb0_ref, rw1_ref, rb1_ref, rw2_ref, rb2_ref,
                out_ref, pool_ref):
    i = pl.program_id(0)
    x = jnp.maximum((acc_ref[...] + h_ref[...]) * (1.0 / 6.0) + b_ref[...],
                    0.0)
    bcol = batch_ref[0]
    gids = lax.broadcasted_iota(_I32, (128, BGRAPH), 1)
    oh = (bcol == gids).astype(_F32)
    part = lax.dot_general(oh, x, (((0,), (0,)), ((), ())),
                           preferred_element_type=_F32, precision=_PREC)

    @pl.when(i == 0)
    def _():
        pool_ref[...] = jnp.zeros_like(pool_ref)

    pool_ref[...] += part

    @pl.when(i == NB - 1)
    def _():
        pooled = pool_ref[...] * invc_ref[...]
        hh = jnp.maximum(jnp.dot(pooled, rw0_ref[...],
                                 preferred_element_type=_F32, precision=_PREC) + rb0_ref[...],
                         0.0)
        gg = jnp.maximum(jnp.dot(hh, rw1_ref[...],
                                 preferred_element_type=_F32, precision=_PREC) + rb1_ref[...],
                         0.0)
        out_ref[...] = (jnp.dot(gg, rw2_ref[...],
                                preferred_element_type=_F32, precision=_PREC) + rb2_ref[...])


def _final_call(acc, h, brow, batch3, invc, rw0, rb0r, rw1, rb1r, rw2b, rb2r):
    return pl.pallas_call(
        _final_body,
        grid=(NB,),
        in_specs=[
            pl.BlockSpec((128, 128), lambda i: (i, 0)),
            pl.BlockSpec((128, 128), lambda i: (i, 0)),
            pl.BlockSpec((1, 128), lambda i: (0, 0)),
            pl.BlockSpec((1, 128, 1), lambda i: (i, 0, 0)),
            pl.BlockSpec((BGRAPH, 1), lambda i: (0, 0)),
            pl.BlockSpec((128, BGRAPH), lambda i: (0, 0)),
            pl.BlockSpec((1, BGRAPH), lambda i: (0, 0)),
            pl.BlockSpec((BGRAPH, 32), lambda i: (0, 0)),
            pl.BlockSpec((1, 32), lambda i: (0, 0)),
            pl.BlockSpec((32, 128), lambda i: (0, 0)),
            pl.BlockSpec((1, 128), lambda i: (0, 0)),
        ],
        out_specs=pl.BlockSpec((BGRAPH, 128), lambda i: (0, 0)),
        out_shape=jax.ShapeDtypeStruct((BGRAPH, 128), _F32),
        scratch_shapes=[pltpu.VMEM((BGRAPH, 128), _F32)],
    )(acc, h, brow, batch3, invc, rw0, rb0r, rw1, rb1r, rw2b, rb2r)


def kernel(z, pos, batch, emb, W0, b0, W1, b1, W2, b2,
           rW0, rb0, rW1, rb1, rW2, rb2):
    z = z.astype(_I32)
    batch = batch.astype(_I32)

    pos8 = jnp.zeros((NPAD, 8), _F32).at[:N, :3].set(pos)
    posT8 = pos8.T
    batch_pad = jnp.concatenate(
        [batch, jnp.full((NPAD - N,), BGRAPH, _I32)])
    batchT8 = jnp.broadcast_to(batch_pad, (8, NPAD))
    batch3 = batch_pad.reshape(NB, 128, 1)

    bounds = jnp.searchsorted(batch, jnp.arange(BGRAPH + 1)).astype(_I32)
    blk = jnp.arange(NB) * 128
    bfirst = jnp.clip(batch_pad[blk], 0, BGRAPH - 1)
    blast = jnp.clip(batch_pad[blk + 127], 0, BGRAPH - 1)
    lo = bounds[bfirst]
    hi = bounds[blast + 1]
    lo_al = (lo // 128) * 128
    nt = (hi - lo_al + 255) // 256

    cnts = (bounds[1:] - bounds[:-1]).astype(_F32)
    invc = (1.0 / jnp.maximum(cnts, 1.0)).reshape(BGRAPH, 1)

    z3 = jnp.concatenate([z, jnp.zeros((NPAD - N,), _I32)]).reshape(
        NW, NCH, CH)
    emb_pad = jnp.zeros((104, 128), _F32).at[:100].set(emb)

    b0r, b1r, b2r = b0.reshape(1, 128), b1.reshape(1, 128), b2.reshape(1, 128)
    rb0r, rb1r = rb0.reshape(1, BGRAPH), rb1.reshape(1, 32)
    rw2b = jnp.broadcast_to(rW2, (32, 128))
    rb2r = jnp.broadcast_to(rb2.reshape(1, 1), (1, 128))

    embw0 = _prep_call(emb_pad, W0)[:100]
    idx = _knn_call(lo_al, nt, pos8, batch3, posT8, batchT8)
    h0 = _lookup_call(embw0, z3)

    idx4 = idx.T[:KNN].reshape(KNN, NW, NCH, CH)

    acc0 = _agg_call(h0, idx4)
    h1 = _fused_call(acc0, h0, b0r, W1)
    acc1 = _agg_call(h1, idx4)
    h2 = _fused_call(acc1, h1, b1r, W2)
    acc2 = _agg_call(h2, idx4)
    res = _final_call(acc2, h2, b2r, batch3, invc,
                      rW0, rb0r, rW1, rb1r, rw2b, rb2r)
    return res[:, 0]

# --- scband reference (transcript-rebuilt; emitter-appended) ---
"""Pipeline reference for scband-egnnregressor-7138235646498 (READ-ONLY COPY).

The authoritative reference and input builder live on the scoring server;
editing this copy changes nothing except your own understanding.
"""

import jax, jax.numpy as jnp
import numpy as np

N = 10000
M = 128
B = 64
K = 5


def setup_inputs(seed: int = 0):
    key = jax.random.key(seed)
    ks = jax.random.split(key, 16)
    inp = {}
    inp['z'] = jax.random.randint(ks[0], (N,), 0, 100)
    inp['pos'] = jax.random.normal(ks[1], (N, 3), dtype=jnp.float32)
    inp['batch'] = jnp.sort(jax.random.randint(ks[2], (N,), 0, B))
    inp['emb'] = jax.random.normal(ks[3], (100, M), dtype=jnp.float32) * 0.05
    for i in range(3):
        inp['W%d' % i] = jax.random.normal(ks[4 + i], (M, M), dtype=jnp.float32) * (1.0 / np.sqrt(M))
        inp['b%d' % i] = jnp.zeros((M,), dtype=jnp.float32)
    inp['rW0'] = jax.random.normal(ks[8], (M, M // 2), dtype=jnp.float32) * (1.0 / np.sqrt(M))
    inp['rb0'] = jnp.zeros((M // 2,), dtype=jnp.float32)
    inp['rW1'] = jax.random.normal(ks[9], (M // 2, M // 4), dtype=jnp.float32) * (1.0 / np.sqrt(M // 2))
    inp['rb1'] = jnp.zeros((M // 4,), dtype=jnp.float32)
    inp['rW2'] = jax.random.normal(ks[10], (M // 4, 1), dtype=jnp.float32) * (1.0 / np.sqrt(M // 4))
    inp['rb2'] = jnp.zeros((1,), dtype=jnp.float32)
    return inp


def knn_graph(pos, batch, k):
    n = pos.shape[0]
    sq = jnp.sum(pos * pos, axis=1)
    d2 = sq[:, None] + sq[None, :] - 2.0 * (pos @ pos.T)
    same = batch[:, None] == batch[None, :]
    d2 = jnp.where(same, d2, jnp.inf)
    ar = jnp.arange(n)
    d2 = d2.at[ar, ar].set(jnp.inf)
    _, idx = jax.lax.top_k(-d2, k)
    src = idx.reshape(-1)
    dst = jnp.repeat(ar, k)
    return jnp.stack([src, dst])


def gcn_conv(x, edge_index, W, b):
    n = x.shape[0]
    ar = jnp.arange(n)
    src = jnp.concatenate([edge_index[0], ar])
    dst = jnp.concatenate([edge_index[1], ar])
    deg = jnp.zeros((n,), x.dtype).at[dst].add(1.0)
    dinv = jnp.where(deg > 0, jax.lax.rsqrt(deg), 0.0)
    norm = dinv[src] * dinv[dst]
    h = x @ W
    msg = h[src] * norm[:, None]
    out = jnp.zeros_like(h).at[dst].add(msg)
    return out + b


def reference(z, pos, batch, emb, W0, b0, W1, b1, W2, b2, rW0, rb0, rW1, rb1, rW2, rb2):
    edge_index = knn_graph(pos, batch, K)
    x = emb[z]
    for (W, b) in ((W0, b0), (W1, b1), (W2, b2)):
        x = jax.nn.relu(gcn_conv(x, edge_index, W, b))
    sums = jax.ops.segment_sum(x, batch, num_segments=B)
    cnts = jax.ops.segment_sum(jnp.ones((x.shape[0],), x.dtype), batch, num_segments=B)
    pooled = sums / jnp.maximum(cnts, 1.0)[:, None]
    h = jax.nn.relu(pooled @ rW0 + rb0)
    h = jax.nn.relu(h @ rW1 + rb1)
    out = h @ rW2 + rb2
    return jnp.squeeze(out)

if __name__ == "__main__":
    import jax
    _d = setup_inputs()
    print(jax.jit(kernel)(*tuple(_d.values())))

</pallas_src>

<mosaic_0001>
#map = affine_map<(d0, d1) -> (0, 0)>
#map1 = affine_map<(d0, d1) -> (0, 0, 0, 0)>
module attributes {stable_mosaic.version = 14 : i64} {
  func.func @_agg_kernel(%arg0: i32, %arg1: i32, %arg2: memref<10240x128xf32, #tpu.memory_space<hbm>>, %arg3: memref<5x32x4x80xi32, #tpu.memory_space<hbm>>, %arg4: memref<10240x128xf32, #tpu.memory_space<hbm>>, %arg5: memref<5x4x80xi32, #tpu.memory_space<vmem>>, %arg6: memref<320x128xf32, #tpu.memory_space<vmem>>, %arg7: memref<!tpu.dma_semaphore, #tpu.memory_space<semaphore_mem>>, %arg8: memref<!tpu.dma_semaphore, #tpu.memory_space<semaphore_mem>>) attributes {dimension_semantics = [#tpu.dimension_semantics<core_parallel>, #tpu.dimension_semantics<subcore_parallel>], iteration_bounds = array<i64: 2, 16>, scalar_prefetch = 0 : i64, scratch_operands = 4 : i64, tpu.core_type = #tpu.core_type<sc_vector_subcore>, window_params = [{transform_indices = #map}, {transform_indices = #map1}, {transform_indices = #map}]} {
    %mul3A = arith.constant 2 : i32
    %mul3A_0 = arith.muli %arg1, %mul3A : i32
    %add3A = arith.addi %mul3A_0, %arg0 : i32
    %mul3A_1 = arith.constant 320 : i32
    %mul3A_2 = arith.muli %add3A, %mul3A_1 : i32
    "tpu.region"() ({
      %run_scoped3A = tpu.sem_alloc : memref<!tpu.dma_semaphore, #tpu.memory_space<semaphore_mem>>
      %dma_start3A_441 = arith.constant 0 : i32
      %dma_start3A_442 = arith.constant 0 : i32
      %dma_start3A_443 = arith.constant 0 : i32
      %dma_start3A_444 = tpu.memref_slice %arg3[%dma_start3A_441, %add3A, %dma_start3A_442, %dma_start3A_443] : memref<5x32x4x80xi32, #tpu.memory_space<hbm>> -> memref<5x1x4x80xi32, #tpu.memory_space<hbm>>
      %dma_start3A_445 = tpu.memref_squeeze %dma_start3A_444 : memref<5x1x4x80xi32, #tpu.memory_space<hbm>> -> memref<5x4x80xi32, #tpu.memory_space<hbm>>
      %dma_start3A_446 = arith.constant 0 : i32
      %dma_start3A_447 = arith.constant 0 : i32
      %dma_start3A_448 = arith.constant 0 : i32
      %dma_start3A_449 = tpu.memref_slice %arg3[%dma_start3A_446, %add3A, %dma_start3A_447, %dma_start3A_448] : memref<5x32x4x80xi32, #tpu.memory_space<hbm>> -> memref<5x1x4x80xi32, #tpu.memory_space<hbm>>
      %dma_start3A_450 = tpu.memref_squeeze %dma_start3A_449 : memref<5x1x4x80xi32, #tpu.memory_space<hbm>> -> memref<5x4x80xi32, #tpu.memory_space<hbm>>
      tpu.enqueue_dma source(%dma_start3A_450 : memref<5x4x80xi32, #tpu.memory_space<hbm>>) target(%arg5 : memref<5x4x80xi32, #tpu.memory_space<vmem>>) target_semaphore(%run_scoped3A : memref<!tpu.dma_semaphore, #tpu.memory_space<semaphore_mem>>)
      %dma_wait3A_451 = arith.constant 0 : i32
      %dma_wait3A_452 = arith.constant 0 : i32
      %dma_wait3A_453 = arith.constant 0 : i32
      %dma_wait3A_454 = tpu.memref_slice %arg3[%dma_wait3A_451, %add3A, %dma_wait3A_452, %dma_wait3A_453] : memref<5x32x4x80xi32, #tpu.memory_space<hbm>> -> memref<5x1x4x80xi32, #tpu.memory_space<hbm>>
      %dma_wait3A_455 = tpu.memref_squeeze %dma_wait3A_454 : memref<5x1x4x80xi32, #tpu.memory_space<hbm>> -> memref<5x4x80xi32, #tpu.memory_space<hbm>>
      %dma_wait3A_456 = arith.constant 0 : i32
      %dma_wait3A_457 = arith.constant 0 : i32
      %dma_wait3A_458 = arith.constant 0 : i32
      %dma_wait3A_459 = tpu.memref_slice %arg3[%dma_wait3A_456, %add3A, %dma_wait3A_457, %dma_wait3A_458] : memref<5x32x4x80xi32, #tpu.memory_space<hbm>> -> memref<5x1x4x80xi32, #tpu.memory_space<hbm>>
      %dma_wait3A_460 = tpu.memref_squeeze %dma_wait3A_459 : memref<5x1x4x80xi32, #tpu.memory_space<hbm>> -> memref<5x4x80xi32, #tpu.memory_space<hbm>>
      tpu.wait_dma2 semaphore(%run_scoped3A : memref<!tpu.dma_semaphore, #tpu.memory_space<semaphore_mem>>) src(%dma_wait3A_460 : memref<5x4x80xi32, #tpu.memory_space<hbm>>) dst(%arg5 : memref<5x4x80xi32, #tpu.memory_space<vmem>>)
      tpu.yield
    }) : () -> ()
    %dma_start3A = arith.constant 0 : i32
    %dma_start3A_3 = arith.constant 0 : i32
    %dma_start3A_4 = arith.constant 0 : i32
    %dma_start3A_5 = arith.constant 0 : i32
    %dma_start3A_6 = tpu.memref_slice %arg6[%dma_start3A_4, %dma_start3A_5] : memref<320x128xf32, #tpu.memory_space<vmem>> -> memref<80x128xf32, #tpu.memory_space<vmem>>
    %dma_start3A_7 = arith.constant 0 : i32
    %dma_start3A_8 = tpu.memref_slice %arg5[%dma_start3A, %dma_start3A_3, %dma_start3A_7] : memref<5x4x80xi32, #tpu.memory_space<vmem>> -> memref<1x1x80xi32, #tpu.memory_space<vmem>>
    %dma_start3A_9 = tpu.memref_squeeze %dma_start3A_8 : memref<1x1x80xi32, #tpu.memory_space<vmem>> -> memref<80xi32, #tpu.memory_space<vmem>>
    %dma_start3A_10 = arith.constant 0 : i32
    %dma_start3A_11 = arith.constant 0 : i32
    %dma_start3A_12 = tpu.memref_slice %arg2[%dma_start3A_10, %dma_start3A_11] : memref<10240x128xf32, #tpu.memory_space<hbm>> -> memref<10240x128xf32, #tpu.memory_space<hbm>>
    tpu.enqueue_indirect_dma source(%dma_start3A_12 : memref<10240x128xf32, #tpu.memory_space<hbm>>) target(%dma_start3A_6 : memref<80x128xf32, #tpu.memory_space<vmem>>) offsets(%dma_start3A_9 : memref<80xi32, #tpu.memory_space<vmem>>) semaphore(%arg7 : memref<!tpu.dma_semaphore, #tpu.memory_space<semaphore_mem>>)
    %dma_start3A_13 = arith.constant 0 : i32
    %dma_start3A_14 = arith.constant 1 : i32
    %dma_start3A_15 = arith.constant 80 : i32
    %dma_start3A_16 = arith.constant 0 : i32
    %dma_start3A_17 = tpu.memref_slice %arg6[%dma_start3A_15, %dma_start3A_16] : memref<320x128xf32, #tpu.memory_space<vmem>> -> memref<80x128xf32, #tpu.memory_space<vmem>>
    %dma_start3A_18 = arith.constant 0 : i32
    %dma_start3A_19 = tpu.memref_slice %arg5[%dma_start3A_13, %dma_start3A_14, %dma_start3A_18] : memref<5x4x80xi32, #tpu.memory_space<vmem>> -> memref<1x1x80xi32, #tpu.memory_space<vmem>>
    %dma_start3A_20 = tpu.memref_squeeze %dma_start3A_19 : memref<1x1x80xi32, #tpu.memory_space<vmem>> -> memref<80xi32, #tpu.memory_space<vmem>>
    %dma_start3A_21 = arith.constant 0 : i32
    %dma_start3A_22 = arith.constant 0 : i32
    %dma_start3A_23 = tpu.memref_slice %arg2[%dma_start3A_21, %dma_start3A_22] : memref<10240x128xf32, #tpu.memory_space<hbm>> -> memref<10240x128xf32, #tpu.memory_space<hbm>>
    tpu.enqueue_indirect_dma source(%dma_start3A_23 : memref<10240x128xf32, #tpu.memory_space<hbm>>) target(%dma_start3A_17 : memref<80x128xf32, #tpu.memory_space<vmem>>) offsets(%dma_start3A_20 : memref<80xi32, #tpu.memory_space<vmem>>) semaphore(%arg7 : memref<!tpu.dma_semaphore, #tpu.memory_space<semaphore_mem>>)
    %dma_start3A_24 = arith.constant 0 : i32
    %dma_start3A_25 = arith.constant 2 : i32
    %dma_start3A_26 = arith.constant 160 : i32
    %dma_start3A_27 = arith.constant 0 : i32
    %dma_start3A_28 = tpu.memref_slice %arg6[%dma_start3A_26, %dma_start3A_27] : memref<320x128xf32, #tpu.memory_space<vmem>> -> memref<80x128xf32, #tpu.memory_space<vmem>>
    %dma_start3A_29 = arith.constant 0 : i32
    %dma_start3A_30 = tpu.memref_slice %arg5[%dma_start3A_24, %dma_start3A_25, %dma_start3A_29] : memref<5x4x80xi32, #tpu.memory_space<vmem>> -> memref<1x1x80xi32, #tpu.memory_space<vmem>>
    %dma_start3A_31 = tpu.memref_squeeze %dma_start3A_30 : memref<1x1x80xi32, #tpu.memory_space<vmem>> -> memref<80xi32, #tpu.memory_space<vmem>>
    %dma_start3A_32 = arith.constant 0 : i32
    %dma_start3A_33 = arith.constant 0 : i32
    %dma_start3A_34 = tpu.memref_slice %arg2[%dma_start3A_32, %dma_start3A_33] : memref<10240x128xf32, #tpu.memory_space<hbm>> -> memref<10240x128xf32, #tpu.memory_space<hbm>>
    tpu.enqueue_indirect_dma source(%dma_start3A_34 : memref<10240x128xf32, #tpu.memory_space<hbm>>) target(%dma_start3A_28 : memref<80x128xf32, #tpu.memory_space<vmem>>) offsets(%dma_start3A_31 : memref<80xi32, #tpu.memory_space<vmem>>) semaphore(%arg7 : memref<!tpu.dma_semaphore, #tpu.memory_space<semaphore_mem>>)
    %dma_start3A_35 = arith.constant 0 : i32
    %dma_start3A_36 = arith.constant 3 : i32
    %dma_start3A_37 = arith.constant 240 : i32
    %dma_start3A_38 = arith.constant 0 : i32
    %dma_start3A_39 = tpu.memref_slice %arg6[%dma_start3A_37, %dma_start3A_38] : memref<320x128xf32, #tpu.memory_space<vmem>> -> memref<80x128xf32, #tpu.memory_space<vmem>>
    %dma_start3A_40 = arith.constant 0 : i32
    %dma_start3A_41 = tpu.memref_slice %arg5[%dma_start3A_35, %dma_start3A_36, %dma_start3A_40] : memref<5x4x80xi32, #tpu.memory_space<vmem>> -> memref<1x1x80xi32, #tpu.memory_space<vmem>>
    %dma_start3A_42 = tpu.memref_squeeze %dma_start3A_41 : memref<1x1x80xi32, #tpu.memory_space<vmem>> -> memref<80xi32, #tpu.memory_space<vmem>>
    %dma_start3A_43 = arith.constant 0 : i32
    %dma_start3A_44 = arith.constant 0 : i32
    %dma_start3A_45 = tpu.memref_slice %arg2[%dma_start3A_43, %dma_start3A_44] : memref<10240x128xf32, #tpu.memory_space<hbm>> -> memref<10240x128xf32, #tpu.memory_space<hbm>>
    tpu.enqueue_indirect_dma source(%dma_start3A_45 : memref<10240x128xf32, #tpu.memory_space<hbm>>) target(%dma_start3A_39 : memref<80x128xf32, #tpu.memory_space<vmem>>) offsets(%dma_start3A_42 : memref<80xi32, #tpu.memory_space<vmem>>) semaphore(%arg7 : memref<!tpu.dma_semaphore, #tpu.memory_space<semaphore_mem>>)
    %dma_wait3A = arith.constant 0 : i32
    %dma_wait3A_46 = arith.constant 0 : i32
    %dma_wait3A_47 = arith.constant 0 : i32
    %dma_wait3A_48 = arith.constant 0 : i32
    %dma_wait3A_49 = tpu.memref_slice %arg6[%dma_wait3A_47, %dma_wait3A_48] : memref<320x128xf32, #tpu.memory_space<vmem>> -> memref<80x128xf32, #tpu.memory_space<vmem>>
    %dma_wait3A_50 = arith.constant 0 : i32
    %dma_wait3A_51 = tpu.memref_slice %arg5[%dma_wait3A, %dma_wait3A_46, %dma_wait3A_50] : memref<5x4x80xi32, #tpu.memory_space<vmem>> -> memref<1x1x80xi32, #tpu.memory_space<vmem>>
    %dma_wait3A_52 = tpu.memref_squeeze %dma_wait3A_51 : memref<1x1x80xi32, #tpu.memory_space<vmem>> -> memref<80xi32, #tpu.memory_space<vmem>>
    %dma_wait3A_53 = arith.constant 0 : i32
    %dma_wait3A_54 = arith.constant 0 : i32
    %dma_wait3A_55 = tpu.memref_slice %arg2[%dma_wait3A_53, %dma_wait3A_54] : memref<10240x128xf32, #tpu.memory_space<hbm>> -> memref<10240x128xf32, #tpu.memory_space<hbm>>
    tpu.wait_indirect_dma semaphore(%arg7 : memref<!tpu.dma_semaphore, #tpu.memory_space<semaphore_mem>>) src(%dma_wait3A_55 : memref<10240x128xf32, #tpu.memory_space<hbm>>) dst(%dma_wait3A_49 : memref<80x128xf32, #tpu.memory_space<vmem>>)
    %dma_wait3A_56 = arith.constant 0 : i32
    %dma_wait3A_57 = arith.constant 1 : i32
    %dma_wait3A_58 = arith.constant 80 : i32
    %dma_wait3A_59 = arith.constant 0 : i32
    %dma_wait3A_60 = tpu.memref_slice %arg6[%dma_wait3A_58, %dma_wait3A_59] : memref<320x128xf32, #tpu.memory_space<vmem>> -> memref<80x128xf32, #tpu.memory_space<vmem>>
    %dma_wait3A_61 = arith.constant 0 : i32
    %dma_wait3A_62 = tpu.memref_slice %arg5[%dma_wait3A_56, %dma_wait3A_57, %dma_wait3A_61] : memref<5x4x80xi32, #tpu.memory_space<vmem>> -> memref<1x1x80xi32, #tpu.memory_space<vmem>>
    %dma_wait3A_63 = tpu.memref_squeeze %dma_wait3A_62 : memref<1x1x80xi32, #tpu.memory_space<vmem>> -> memref<80xi32, #tpu.memory_space<vmem>>
    %dma_wait3A_64 = arith.constant 0 : i32
    %dma_wait3A_65 = arith.constant 0 : i32
    %dma_wait3A_66 = tpu.memref_slice %arg2[%dma_wait3A_64, %dma_wait3A_65] : memref<10240x128xf32, #tpu.memory_space<hbm>> -> memref<10240x128xf32, #tpu.memory_space<hbm>>
    tpu.wait_indirect_dma semaphore(%arg7 : memref<!tpu.dma_semaphore, #tpu.memory_space<semaphore_mem>>) src(%dma_wait3A_66 : memref<10240x128xf32, #tpu.memory_space<hbm>>) dst(%dma_wait3A_60 : memref<80x128xf32, #tpu.memory_space<vmem>>)
    %dma_wait3A_67 = arith.constant 0 : i32
    %dma_wait3A_68 = arith.constant 2 : i32
    %dma_wait3A_69 = arith.constant 160 : i32
    %dma_wait3A_70 = arith.constant 0 : i32
    %dma_wait3A_71 = tpu.memref_slice %arg6[%dma_wait3A_69, %dma_wait3A_70] : memref<320x128xf32, #tpu.memory_space<vmem>> -> memref<80x128xf32, #tpu.memory_space<vmem>>
    %dma_wait3A_72 = arith.constant 0 : i32
    %dma_wait3A_73 = tpu.memref_slice %arg5[%dma_wait3A_67, %dma_wait3A_68, %dma_wait3A_72] : memref<5x4x80xi32, #tpu.memory_space<vmem>> -> memref<1x1x80xi32, #tpu.memory_space<vmem>>
    %dma_wait3A_74 = tpu.memref_squeeze %dma_wait3A_73 : memref<1x1x80xi32, #tpu.memory_space<vmem>> -> memref<80xi32, #tpu.memory_space<vmem>>
    %dma_wait3A_75 = arith.constant 0 : i32
    %dma_wait3A_76 = arith.constant 0 : i32
    %dma_wait3A_77 = tpu.memref_slice %arg2[%dma_wait3A_75, %dma_wait3A_76] : memref<10240x128xf32, #tpu.memory_space<hbm>> -> memref<10240x128xf32, #tpu.memory_space<hbm>>
    tpu.wait_indirect_dma semaphore(%arg7 : memref<!tpu.dma_semaphore, #tpu.memory_space<semaphore_mem>>) src(%dma_wait3A_77 : memref<10240x128xf32, #tpu.memory_space<hbm>>) dst(%dma_wait3A_71 : memref<80x128xf32, #tpu.memory_space<vmem>>)
    %dma_wait3A_78 = arith.constant 0 : i32
    %dma_wait3A_79 = arith.constant 3 : i32
    %dma_wait3A_80 = arith.constant 240 : i32
    %dma_wait3A_81 = arith.constant 0 : i32
    %dma_wait3A_82 = tpu.memref_slice %arg6[%dma_wait3A_80, %dma_wait3A_81] : memref<320x128xf32, #tpu.memory_space<vmem>> -> memref<80x128xf32, #tpu.memory_space<vmem>>
    %dma_wait3A_83 = arith.constant 0 : i32
    %dma_wait3A_84 = tpu.memref_slice %arg5[%dma_wait3A_78, %dma_wait3A_79, %dma_wait3A_83] : memref<5x4x80xi32, #tpu.memory_space<vmem>> -> memref<1x1x80xi32, #tpu.memory_space<vmem>>
    %dma_wait3A_85 = tpu.memref_squeeze %dma_wait3A_84 : memref<1x1x80xi32, #tpu.memory_space<vmem>> -> memref<80xi32, #tpu.memory_space<vmem>>
    %dma_wait3A_86 = arith.constant 0 : i32
    %dma_wait3A_87 = arith.constant 0 : i32
    %dma_wait3A_88 = tpu.memref_slice %arg2[%dma_wait3A_86, %dma_wait3A_87] : memref<10240x128xf32, #tpu.memory_space<hbm>> -> memref<10240x128xf32, #tpu.memory_space<hbm>>
    tpu.wait_indirect_dma semaphore(%arg7 : memref<!tpu.dma_semaphore, #tpu.memory_space<semaphore_mem>>) src(%dma_wait3A_88 : memref<10240x128xf32, #tpu.memory_space<hbm>>) dst(%dma_wait3A_82 : memref<80x128xf32, #tpu.memory_space<vmem>>)
    %dma_start3A_89 = arith.constant 1 : i32
    %dma_start3A_90 = arith.constant 0 : i32
    %dma_start3A_91 = arith.constant 0 : i32
    %dma_start3A_92 = arith.constant 0 : i32
    %dma_start3A_93 = tpu.memref_slice %arg6[%dma_start3A_91, %dma_start3A_92] : memref<320x128xf32, #tpu.memory_space<vmem>> -> memref<80x128xf32, #tpu.memory_space<vmem>>
    %dma_start3A_94 = arith.constant 0 : i32
    %dma_start3A_95 = tpu.memref_slice %arg5[%dma_start3A_89, %dma_start3A_90, %dma_start3A_94] : memref<5x4x80xi32, #tpu.memory_space<vmem>> -> memref<1x1x80xi32, #tpu.memory_space<vmem>>
    %dma_start3A_96 = tpu.memref_squeeze %dma_start3A_95 : memref<1x1x80xi32, #tpu.memory_space<vmem>> -> memref<80xi32, #tpu.memory_space<vmem>>
    %dma_start3A_97 = arith.constant 0 : i32
    %dma_start3A_98 = arith.constant 0 : i32
    %dma_start3A_99 = tpu.memref_slice %arg2[%dma_start3A_97, %dma_start3A_98] : memref<10240x128xf32, #tpu.memory_space<hbm>> -> memref<10240x128xf32, #tpu.memory_space<hbm>>
    tpu.enqueue_indirect_dma source(%dma_start3A_99 : memref<10240x128xf32, #tpu.memory_space<hbm>>) target(%dma_start3A_93 : memref<80x128xf32, #tpu.memory_space<vmem>>) offsets(%dma_start3A_96 : memref<80xi32, #tpu.memory_space<vmem>>) semaphore(%arg8 : memref<!tpu.dma_semaphore, #tpu.memory_space<semaphore_mem>>) {add = true}
    %dma_start3A_100 = arith.constant 1 : i32
    %dma_start3A_101 = arith.constant 1 : i32
    %dma_start3A_102 = arith.constant 80 : i32
    %dma_start3A_103 = arith.constant 0 : i32
    %dma_start3A_104 = tpu.memref_slice %arg6[%dma_start3A_102, %dma_start3A_103] : memref<320x128xf32, #tpu.memory_space<vmem>> -> memref<80x128xf32, #tpu.memory_space<vmem>>
    %dma_start3A_105 = arith.constant 0 : i32
    %dma_start3A_106 = tpu.memref_slice %arg5[%dma_start3A_100, %dma_start3A_101, %dma_start3A_105] : memref<5x4x80xi32, #tpu.memory_space<vmem>> -> memref<1x1x80xi32, #tpu.memory_space<vmem>>
    %dma_start3A_107 = tpu.memref_squeeze %dma_start3A_106 : memref<1x1x80xi32, #tpu.memory_space<vmem>> -> memref<80xi32, #tpu.memory_space<vmem>>
    %dma_start3A_108 = arith.constant 0 : i32
    %dma_start3A_109 = arith.constant 0 : i32
    %dma_start3A_110 = tpu.memref_slice %arg2[%dma_start3A_108, %dma_start3A_109] : memref<10240x128xf32, #tpu.memory_space<hbm>> -> memref<10240x128xf32, #tpu.memory_space<hbm>>
    tpu.enqueue_indirect_dma source(%dma_start3A_110 : memref<10240x128xf32, #tpu.memory_space<hbm>>) target(%dma_start3A_104 : memref<80x128xf32, #tpu.memory_space<vmem>>) offsets(%dma_start3A_107 : memref<80xi32, #tpu.memory_space<vmem>>) semaphore(%arg8 : memref<!tpu.dma_semaphore, #tpu.memory_space<semaphore_mem>>) {add = true}
    %dma_start3A_111 = arith.constant 1 : i32
    %dma_start3A_112 = arith.constant 2 : i32
    %dma_start3A_113 = arith.constant 160 : i32
    %dma_start3A_114 = arith.constant 0 : i32
    %dma_start3A_115 = tpu.memref_slice %arg6[%dma_start3A_113, %dma_start3A_114] : memref<320x128xf32, #tpu.memory_space<vmem>> -> memref<80x128xf32, #tpu.memory_space<vmem>>
    %dma_start3A_116 = arith.constant 0 : i32
    %dma_start3A_117 = tpu.memref_slice %arg5[%dma_start3A_111, %dma_start3A_112, %dma_start3A_116] : memref<5x4x80xi32, #tpu.memory_space<vmem>> -> memref<1x1x80xi32, #tpu.memory_space<vmem>>
    %dma_start3A_118 = tpu.memref_squeeze %dma_start3A_117 : memref<1x1x80xi32, #tpu.memory_space<vmem>> -> memref<80xi32, #tpu.memory_space<vmem>>
    %dma_start3A_119 = arith.constant 0 : i32
    %dma_start3A_120 = arith.constant 0 : i32
    %dma_start3A_121 = tpu.memref_slice %arg2[%dma_start3A_119, %dma_start3A_120] : memref<10240x128xf32, #tpu.memory_space<hbm>> -> memref<10240x128xf32, #tpu.memory_space<hbm>>
    tpu.enqueue_indirect_dma source(%dma_start3A_121 : memref<10240x128xf32, #tpu.memory_space<hbm>>) target(%dma_start3A_115 : memref<80x128xf32, #tpu.memory_space<vmem>>) offsets(%dma_start3A_118 : memref<80xi32, #tpu.memory_space<vmem>>) semaphore(%arg8 : memref<!tpu.dma_semaphore, #tpu.memory_space<semaphore_mem>>) {add = true}
    %dma_start3A_122 = arith.constant 1 : i32
    %dma_start3A_123 = arith.constant 3 : i32
    %dma_start3A_124 = arith.constant 240 : i32
    %dma_start3A_125 = arith.constant 0 : i32
    %dma_start3A_126 = tpu.memref_slice %arg6[%dma_start3A_124, %dma_start3A_125] : memref<320x128xf32, #tpu.memory_space<vmem>> -> memref<80x128xf32, #tpu.memory_space<vmem>>
    %dma_start3A_127 = arith.constant 0 : i32
    %dma_start3A_128 = tpu.memref_slice %arg5[%dma_start3A_122, %dma_start3A_123, %dma_start3A_127] : memref<5x4x80xi32, #tpu.memory_space<vmem>> -> memref<1x1x80xi32, #tpu.memory_space<vmem>>
    %dma_start3A_129 = tpu.memref_squeeze %dma_start3A_128 : memref<1x1x80xi32, #tpu.memory_space<vmem>> -> memref<80xi32, #tpu.memory_space<vmem>>
    %dma_start3A_130 = arith.constant 0 : i32
    %dma_start3A_131 = arith.constant 0 : i32
    %dma_start3A_132 = tpu.memref_slice %arg2[%dma_start3A_130, %dma_start3A_131] : memref<10240x128xf32, #tpu.memory_space<hbm>> -> memref<10240x128xf32, #tpu.memory_space<hbm>>
    tpu.enqueue_indirect_dma source(%dma_start3A_132 : memref<10240x128xf32, #tpu.memory_space<hbm>>) target(%dma_start3A_126 : memref<80x128xf32, #tpu.memory_space<vmem>>) offsets(%dma_start3A_129 : memref<80xi32, #tpu.memory_space<vmem>>) semaphore(%arg8 : memref<!tpu.dma_semaphore, #tpu.memory_space<semaphore_mem>>) {add = true}
    %dma_start3A_133 = arith.constant 2 : i32
    %dma_start3A_134 = arith.constant 0 : i32
    %dma_start3A_135 = arith.constant 0 : i32
    %dma_start3A_136 = arith.constant 0 : i32
    %dma_start3A_137 = tpu.memref_slice %arg6[%dma_start3A_135, %dma_start3A_136] : memref<320x128xf32, #tpu.memory_space<vmem>> -> memref<80x128xf32, #tpu.memory_space<vmem>>
    %dma_start3A_138 = arith.constant 0 : i32
    %dma_start3A_139 = tpu.memref_slice %arg5[%dma_start3A_133, %dma_start3A_134, %dma_start3A_138] : memref<5x4x80xi32, #tpu.memory_space<vmem>> -> memref<1x1x80xi32, #tpu.memory_space<vmem>>
    %dma_start3A_140 = tpu.memref_squeeze %dma_start3A_139 : memref<1x1x80xi32, #tpu.memory_space<vmem>> -> memref<80xi32, #tpu.memory_space<vmem>>
    %dma_start3A_141 = arith.constant 0 : i32
    %dma_start3A_142 = arith.constant 0 : i32
    %dma_start3A_143 = tpu.memref_slice %arg2[%dma_start3A_141, %dma_start3A_142] : memref<10240x128xf32, #tpu.memory_space<hbm>> -> memref<10240x128xf32, #tpu.memory_space<hbm>>
    tpu.enqueue_indirect_dma source(%dma_start3A_143 : memref<10240x128xf32, #tpu.memory_space<hbm>>) target(%dma_start3A_137 : memref<80x128xf32, #tpu.memory_space<vmem>>) offsets(%dma_start3A_140 : memref<80xi32, #tpu.memory_space<vmem>>) semaphore(%arg8 : memref<!tpu.dma_semaphore, #tpu.memory_space<semaphore_mem>>) {add = true}
    %dma_start3A_144 = arith.constant 2 : i32
    %dma_start3A_145 = arith.constant 1 : i32
    %dma_start3A_146 = arith.constant 80 : i32
    %dma_start3A_147 = arith.constant 0 : i32
    %dma_start3A_148 = tpu.memref_slice %arg6[%dma_start3A_146, %dma_start3A_147] : memref<320x128xf32, #tpu.memory_space<vmem>> -> memref<80x128xf32, #tpu.memory_space<vmem>>
    %dma_start3A_149 = arith.constant 0 : i32
    %dma_start3A_150 = tpu.memref_slice %arg5[%dma_start3A_144, %dma_start3A_145, %dma_start3A_149] : memref<5x4x80xi32, #tpu.memory_space<vmem>> -> memref<1x1x80xi32, #tpu.memory_space<vmem>>
    %dma_start3A_151 = tpu.memref_squeeze %dma_start3A_150 : memref<1x1x80xi32, #tpu.memory_space<vmem>> -> memref<80xi32, #tpu.memory_space<vmem>>
    %dma_start3A_152 = arith.constant 0 : i32
    %dma_start3A_153 = arith.constant 0 : i32
    %dma_start3A_154 = tpu.memref_slice %arg2[%dma_start3A_152, %dma_start3A_153] : memref<10240x128xf32, #tpu.memory_space<hbm>> -> memref<10240x128xf32, #tpu.memory_space<hbm>>
    tpu.enqueue_indirect_dma source(%dma_start3A_154 : memref<10240x128xf32, #tpu.memory_space<hbm>>) target(%dma_start3A_148 : memref<80x128xf32, #tpu.memory_space<vmem>>) offsets(%dma_start3A_151 : memref<80xi32, #tpu.memory_space<vmem>>) semaphore(%arg8 : memref<!tpu.dma_semaphore, #tpu.memory_space<semaphore_mem>>) {add = true}
    %dma_start3A_155 = arith.constant 2 : i32
    %dma_start3A_156 = arith.constant 2 : i32
    %dma_start3A_157 = arith.constant 160 : i32
    %dma_start3A_158 = arith.constant 0 : i32
    %dma_start3A_159 = tpu.memref_slice %arg6[%dma_start3A_157, %dma_start3A_158] : memref<320x128xf32, #tpu.memory_space<vmem>> -> memref<80x128xf32, #tpu.memory_space<vmem>>
    %dma_start3A_160 = arith.constant 0 : i32
    %dma_start3A_161 = tpu.memref_slice %arg5[%dma_start3A_155, %dma_start3A_156, %dma_start3A_160] : memref<5x4x80xi32, #tpu.memory_space<vmem>> -> memref<1x1x80xi32, #tpu.memory_space<vmem>>
    %dma_start3A_162 = tpu.memref_squeeze %dma_start3A_161 : memref<1x1x80xi32, #tpu.memory_space<vmem>> -> memref<80xi32, #tpu.memory_space<vmem>>
    %dma_start3A_163 = arith.constant 0 : i32
    %dma_start3A_164 = arith.constant 0 : i32
    %dma_start3A_165 = tpu.memref_slice %arg2[%dma_start3A_163, %dma_start3A_164] : memref<10240x128xf32, #tpu.memory_space<hbm>> -> memref<10240x128xf32, #tpu.memory_space<hbm>>
    tpu.enqueue_indirect_dma source(%dma_start3A_165 : memref<10240x128xf32, #tpu.memory_space<hbm>>) target(%dma_start3A_159 : memref<80x128xf32, #tpu.memory_space<vmem>>) offsets(%dma_start3A_162 : memref<80xi32, #tpu.memory_space<vmem>>) semaphore(%arg8 : memref<!tpu.dma_semaphore, #tpu.memory_space<semaphore_mem>>) {add = true}
    %dma_start3A_166 = arith.constant 2 : i32
    %dma_start3A_167 = arith.constant 3 : i32
    %dma_start3A_168 = arith.constant 240 : i32
    %dma_start3A_169 = arith.constant 0 : i32
    %dma_start3A_170 = tpu.memref_slice %arg6[%dma_start3A_168, %dma_start3A_169] : memref<320x128xf32, #tpu.memory_space<vmem>> -> memref<80x128xf32, #tpu.memory_space<vmem>>
    %dma_start3A_171 = arith.constant 0 : i32
    %dma_start3A_172 = tpu.memref_slice %arg5[%dma_start3A_166, %dma_start3A_167, %dma_start3A_171] : memref<5x4x80xi32, #tpu.memory_space<vmem>> -> memref<1x1x80xi32, #tpu.memory_space<vmem>>
    %dma_start3A_173 = tpu.memref_squeeze %dma_start3A_172 : memref<1x1x80xi32, #tpu.memory_space<vmem>> -> memref<80xi32, #tpu.memory_space<vmem>>
    %dma_start3A_174 = arith.constant 0 : i32
    %dma_start3A_175 = arith.constant 0 : i32
    %dma_start3A_176 = tpu.memref_slice %arg2[%dma_start3A_174, %dma_start3A_175] : memref<10240x128xf32, #tpu.memory_space<hbm>> -> memref<10240x128xf32, #tpu.memory_space<hbm>>
    tpu.enqueue_indirect_dma source(%dma_start3A_176 : memref<10240x128xf32, #tpu.memory_space<hbm>>) target(%dma_start3A_170 : memref<80x128xf32, #tpu.memory_space<vmem>>) offsets(%dma_start3A_173 : memref<80xi32, #tpu.memory_space<vmem>>) semaphore(%arg8 : memref<!tpu.dma_semaphore, #tpu.memory_space<semaphore_mem>>) {add = true}
    %dma_start3A_177 = arith.constant 3 : i32
    %dma_start3A_178 = arith.constant 0 : i32
    %dma_start3A_179 = arith.constant 0 : i32
    %dma_start3A_180 = arith.constant 0 : i32
    %dma_start3A_181 = tpu.memref_slice %arg6[%dma_start3A_179, %dma_start3A_180] : memref<320x128xf32, #tpu.memory_space<vmem>> -> memref<80x128xf32, #tpu.memory_space<vmem>>
    %dma_start3A_182 = arith.constant 0 : i32
    %dma_start3A_183 = tpu.memref_slice %arg5[%dma_start3A_177, %dma_start3A_178, %dma_start3A_182] : memref<5x4x80xi32, #tpu.memory_space<vmem>> -> memref<1x1x80xi32, #tpu.memory_space<vmem>>
    %dma_start3A_184 = tpu.memref_squeeze %dma_start3A_183 : memref<1x1x80xi32, #tpu.memory_space<vmem>> -> memref<80xi32, #tpu.memory_space<vmem>>
    %dma_start3A_185 = arith.constant 0 : i32
    %dma_start3A_186 = arith.constant 0 : i32
    %dma_start3A_187 = tpu.memref_slice %arg2[%dma_start3A_185, %dma_start3A_186] : memref<10240x128xf32, #tpu.memory_space<hbm>> -> memref<10240x128xf32, #tpu.memory_space<hbm>>
    tpu.enqueue_indirect_dma source(%dma_start3A_187 : memref<10240x128xf32, #tpu.memory_space<hbm>>) target(%dma_start3A_181 : memref<80x128xf32, #tpu.memory_space<vmem>>) offsets(%dma_start3A_184 : memref<80xi32, #tpu.memory_space<vmem>>) semaphore(%arg8 : memref<!tpu.dma_semaphore, #tpu.memory_space<semaphore_mem>>) {add = true}
    %dma_start3A_188 = arith.constant 3 : i32
    %dma_start3A_189 = arith.constant 1 : i32
    %dma_start3A_190 = arith.constant 80 : i32
    %dma_start3A_191 = arith.constant 0 : i32
    %dma_start3A_192 = tpu.memref_slice %arg6[%dma_start3A_190, %dma_start3A_191] : memref<320x128xf32, #tpu.memory_space<vmem>> -> memref<80x128xf32, #tpu.memory_space<vmem>>
    %dma_start3A_193 = arith.constant 0 : i32
    %dma_start3A_194 = tpu.memref_slice %arg5[%dma_start3A_188, %dma_start3A_189, %dma_start3A_193] : memref<5x4x80xi32, #tpu.memory_space<vmem>> -> memref<1x1x80xi32, #tpu.memory_space<vmem>>
    %dma_start3A_195 = tpu.memref_squeeze %dma_start3A_194 : memref<1x1x80xi32, #tpu.memory_space<vmem>> -> memref<80xi32, #tpu.memory_space<vmem>>
    %dma_start3A_196 = arith.constant 0 : i32
    %dma_start3A_197 = arith.constant 0 : i32
    %dma_start3A_198 = tpu.memref_slice %arg2[%dma_start3A_196, %dma_start3A_197] : memref<10240x128xf32, #tpu.memory_space<hbm>> -> memref<10240x128xf32, #tpu.memory_space<hbm>>
    tpu.enqueue_indirect_dma source(%dma_start3A_198 : memref<10240x128xf32, #tpu.memory_space<hbm>>) target(%dma_start3A_192 : memref<80x128xf32, #tpu.memory_space<vmem>>) offsets(%dma_start3A_195 : memref<80xi32, #tpu.memory_space<vmem>>) semaphore(%arg8 : memref<!tpu.dma_semaphore, #tpu.memory_space<semaphore_mem>>) {add = true}
    %dma_start3A_199 = arith.constant 3 : i32
    %dma_start3A_200 = arith.constant 2 : i32
    %dma_start3A_201 = arith.constant 160 : i32
    %dma_start3A_202 = arith.constant 0 : i32
    %dma_start3A_203 = tpu.memref_slice %arg6[%dma_start3A_201, %dma_start3A_202] : memref<320x128xf32, #tpu.memory_space<vmem>> -> memref<80x128xf32, #tpu.memory_space<vmem>>
    %dma_start3A_204 = arith.constant 0 : i32
    %dma_start3A_205 = tpu.memref_slice %arg5[%dma_start3A_199, %dma_start3A_200, %dma_start3A_204] : memref<5x4x80xi32, #tpu.memory_space<vmem>> -> memref<1x1x80xi32, #tpu.memory_space<vmem>>
    %dma_start3A_206 = tpu.memref_squeeze %dma_start3A_205 : memref<1x1x80xi32, #tpu.memory_space<vmem>> -> memref<80xi32, #tpu.memory_space<vmem>>
    %dma_start3A_207 = arith.constant 0 : i32
    %dma_start3A_208 = arith.constant 0 : i32
    %dma_start3A_209 = tpu.memref_slice %arg2[%dma_start3A_207, %dma_start3A_208] : memref<10240x128xf32, #tpu.memory_space<hbm>> -> memref<10240x128xf32, #tpu.memory_space<hbm>>
    tpu.enqueue_indirect_dma source(%dma_start3A_209 : memref<10240x128xf32, #tpu.memory_space<hbm>>) target(%dma_start3A_203 : memref<80x128xf32, #tpu.memory_space<vmem>>) offsets(%dma_start3A_206 : memref<80xi32, #tpu.memory_space<vmem>>) semaphore(%arg8 : memref<!tpu.dma_semaphore, #tpu.memory_space<semaphore_mem>>) {add = true}
    %dma_start3A_210 = arith.constant 3 : i32
    %dma_start3A_211 = arith.constant 3 : i32
    %dma_start3A_212 = arith.constant 240 : i32
    %dma_start3A_213 = arith.constant 0 : i32
    %dma_start3A_214 = tpu.memref_slice %arg6[%dma_start3A_212, %dma_start3A_213] : memref<320x128xf32, #tpu.memory_space<vmem>> -> memref<80x128xf32, #tpu.memory_space<vmem>>
    %dma_start3A_215 = arith.constant 0 : i32
    %dma_start3A_216 = tpu.memref_slice %arg5[%dma_start3A_210, %dma_start3A_211, %dma_start3A_215] : memref<5x4x80xi32, #tpu.memory_space<vmem>> -> memref<1x1x80xi32, #tpu.memory_space<vmem>>
    %dma_start3A_217 = tpu.memref_squeeze %dma_start3A_216 : memref<1x1x80xi32, #tpu.memory_space<vmem>> -> memref<80xi32, #tpu.memory_space<vmem>>
    %dma_start3A_218 = arith.constant 0 : i32
    %dma_start3A_219 = arith.constant 0 : i32
    %dma_start3A_220 = tpu.memref_slice %arg2[%dma_start3A_218, %dma_start3A_219] : memref<10240x128xf32, #tpu.memory_space<hbm>> -> memref<10240x128xf32, #tpu.memory_space<hbm>>
    tpu.enqueue_indirect_dma source(%dma_start3A_220 : memref<10240x128xf32, #tpu.memory_space<hbm>>) target(%dma_start3A_214 : memref<80x128xf32, #tpu.memory_space<vmem>>) offsets(%dma_start3A_217 : memref<80xi32, #tpu.memory_space<vmem>>) semaphore(%arg8 : memref<!tpu.dma_semaphore, #tpu.memory_space<semaphore_mem>>) {add = true}
    %dma_start3A_221 = arith.constant 4 : i32
    %dma_start3A_222 = arith.constant 0 : i32
    %dma_start3A_223 = arith.constant 0 : i32
    %dma_start3A_224 = arith.constant 0 : i32
    %dma_start3A_225 = tpu.memref_slice %arg6[%dma_start3A_223, %dma_start3A_224] : memref<320x128xf32, #tpu.memory_space<vmem>> -> memref<80x128xf32, #tpu.memory_space<vmem>>
    %dma_start3A_226 = arith.constant 0 : i32
    %dma_start3A_227 = tpu.memref_slice %arg5[%dma_start3A_221, %dma_start3A_222, %dma_start3A_226] : memref<5x4x80xi32, #tpu.memory_space<vmem>> -> memref<1x1x80xi32, #tpu.memory_space<vmem>>
    %dma_start3A_228 = tpu.memref_squeeze %dma_start3A_227 : memref<1x1x80xi32, #tpu.memory_space<vmem>> -> memref<80xi32, #tpu.memory_space<vmem>>
    %dma_start3A_229 = arith.constant 0 : i32
    %dma_start3A_230 = arith.constant 0 : i32
    %dma_start3A_231 = tpu.memref_slice %arg2[%dma_start3A_229, %dma_start3A_230] : memref<10240x128xf32, #tpu.memory_space<hbm>> -> memref<10240x128xf32, #tpu.memory_space<hbm>>
    tpu.enqueue_indirect_dma source(%dma_start3A_231 : memref<10240x128xf32, #tpu.memory_space<hbm>>) target(%dma_start3A_225 : memref<80x128xf32, #tpu.memory_space<vmem>>) offsets(%dma_start3A_228 : memref<80xi32, #tpu.memory_space<vmem>>) semaphore(%arg8 : memref<!tpu.dma_semaphore, #tpu.memory_space<semaphore_mem>>) {add = true}
    %dma_start3A_232 = arith.constant 4 : i32
    %dma_start3A_233 = arith.constant 1 : i32
    %dma_start3A_234 = arith.constant 80 : i32
    %dma_start3A_235 = arith.constant 0 : i32
    %dma_start3A_236 = tpu.memref_slice %arg6[%dma_start3A_234, %dma_start3A_235] : memref<320x128xf32, #tpu.memory_space<vmem>> -> memref<80x128xf32, #tpu.memory_space<vmem>>
    %dma_start3A_237 = arith.constant 0 : i32
    %dma_start3A_238 = tpu.memref_slice %arg5[%dma_start3A_232, %dma_start3A_233, %dma_start3A_237] : memref<5x4x80xi32, #tpu.memory_space<vmem>> -> memref<1x1x80xi32, #tpu.memory_space<vmem>>
    %dma_start3A_239 = tpu.memref_squeeze %dma_start3A_238 : memref<1x1x80xi32, #tpu.memory_space<vmem>> -> memref<80xi32, #tpu.memory_space<vmem>>
    %dma_start3A_240 = arith.constant 0 : i32
    %dma_start3A_241 = arith.constant 0 : i32
    %dma_start3A_242 = tpu.memref_slice %arg2[%dma_start3A_240, %dma_start3A_241] : memref<10240x128xf32, #tpu.memory_space<hbm>> -> memref<10240x128xf32, #tpu.memory_space<hbm>>
    tpu.enqueue_indirect_dma source(%dma_start3A_242 : memref<10240x128xf32, #tpu.memory_space<hbm>>) target(%dma_start3A_236 : memref<80x128xf32, #tpu.memory_space<vmem>>) offsets(%dma_start3A_239 : memref<80xi32, #tpu.memory_space<vmem>>) semaphore(%arg8 : memref<!tpu.dma_semaphore, #tpu.memory_space<semaphore_mem>>) {add = true}
    %dma_start3A_243 = arith.constant 4 : i32
    %dma_start3A_244 = arith.constant 2 : i32
    %dma_start3A_245 = arith.constant 160 : i32
    %dma_start3A_246 = arith.constant 0 : i32
    %dma_start3A_247 = tpu.memref_slice %arg6[%dma_start3A_245, %dma_start3A_246] : memref<320x128xf32, #tpu.memory_space<vmem>> -> memref<80x128xf32, #tpu.memory_space<vmem>>
    %dma_start3A_248 = arith.constant 0 : i32
    %dma_start3A_249 = tpu.memref_slice %arg5[%dma_start3A_243, %dma_start3A_244, %dma_start3A_248] : memref<5x4x80xi32, #tpu.memory_space<vmem>> -> memref<1x1x80xi32, #tpu.memory_space<vmem>>
    %dma_start3A_250 = tpu.memref_squeeze %dma_start3A_249 : memref<1x1x80xi32, #tpu.memory_space<vmem>> -> memref<80xi32, #tpu.memory_space<vmem>>
    %dma_start3A_251 = arith.constant 0 : i32
    %dma_start3A_252 = arith.constant 0 : i32
    %dma_start3A_253 = tpu.memref_slice %arg2[%dma_start3A_251, %dma_start3A_252] : memref<10240x128xf32, #tpu.memory_space<hbm>> -> memref<10240x128xf32, #tpu.memory_space<hbm>>
    tpu.enqueue_indirect_dma source(%dma_start3A_253 : memref<10240x128xf32, #tpu.memory_space<hbm>>) target(%dma_start3A_247 : memref<80x128xf32, #tpu.memory_space<vmem>>) offsets(%dma_start3A_250 : memref<80xi32, #tpu.memory_space<vmem>>) semaphore(%arg8 : memref<!tpu.dma_semaphore, #tpu.memory_space<semaphore_mem>>) {add = true}
    %dma_start3A_254 = arith.constant 4 : i32
    %dma_start3A_255 = arith.constant 3 : i32
    %dma_start3A_256 = arith.constant 240 : i32
    %dma_start3A_257 = arith.constant 0 : i32
    %dma_start3A_258 = tpu.memref_slice %arg6[%dma_start3A_256, %dma_start3A_257] : memref<320x128xf32, #tpu.memory_space<vmem>> -> memref<80x128xf32, #tpu.memory_space<vmem>>
    %dma_start3A_259 = arith.constant 0 : i32
    %dma_start3A_260 = tpu.memref_slice %arg5[%dma_start3A_254, %dma_start3A_255, %dma_start3A_259] : memref<5x4x80xi32, #tpu.memory_space<vmem>> -> memref<1x1x80xi32, #tpu.memory_space<vmem>>
    %dma_start3A_261 = tpu.memref_squeeze %dma_start3A_260 : memref<1x1x80xi32, #tpu.memory_space<vmem>> -> memref<80xi32, #tpu.memory_space<vmem>>
    %dma_start3A_262 = arith.constant 0 : i32
    %dma_start3A_263 = arith.constant 0 : i32
    %dma_start3A_264 = tpu.memref_slice %arg2[%dma_start3A_262, %dma_start3A_263] : memref<10240x128xf32, #tpu.memory_space<hbm>> -> memref<10240x128xf32, #tpu.memory_space<hbm>>
    tpu.enqueue_indirect_dma source(%dma_start3A_264 : memref<10240x128xf32, #tpu.memory_space<hbm>>) target(%dma_start3A_258 : memref<80x128xf32, #tpu.memory_space<vmem>>) offsets(%dma_start3A_261 : memref<80xi32, #tpu.memory_space<vmem>>) semaphore(%arg8 : memref<!tpu.dma_semaphore, #tpu.memory_space<semaphore_mem>>) {add = true}
    %dma_wait3A_265 = arith.constant 1 : i32
    %dma_wait3A_266 = arith.constant 0 : i32
    %dma_wait3A_267 = arith.constant 0 : i32
    %dma_wait3A_268 = arith.constant 0 : i32
    %dma_wait3A_269 = tpu.memref_slice %arg6[%dma_wait3A_267, %dma_wait3A_268] : memref<320x128xf32, #tpu.memory_space<vmem>> -> memref<80x128xf32, #tpu.memory_space<vmem>>
    %dma_wait3A_270 = arith.constant 0 : i32
    %dma_wait3A_271 = tpu.memref_slice %arg5[%dma_wait3A_265, %dma_wait3A_266, %dma_wait3A_270] : memref<5x4x80xi32, #tpu.memory_space<vmem>> -> memref<1x1x80xi32, #tpu.memory_space<vmem>>
    %dma_wait3A_272 = tpu.memref_squeeze %dma_wait3A_271 : memref<1x1x80xi32, #tpu.memory_space<vmem>> -> memref<80xi32, #tpu.memory_space<vmem>>
    %dma_wait3A_273 = arith.constant 0 : i32
    %dma_wait3A_274 = arith.constant 0 : i32
    %dma_wait3A_275 = tpu.memref_slice %arg2[%dma_wait3A_273, %dma_wait3A_274] : memref<10240x128xf32, #tpu.memory_space<hbm>> -> memref<10240x128xf32, #tpu.memory_space<hbm>>
    tpu.wait_indirect_dma semaphore(%arg8 : memref<!tpu.dma_semaphore, #tpu.memory_space<semaphore_mem>>) src(%dma_wait3A_275 : memref<10240x128xf32, #tpu.memory_space<hbm>>) dst(%dma_wait3A_269 : memref<80x128xf32, #tpu.memory_space<vmem>>)
    %dma_wait3A_276 = arith.constant 1 : i32
    %dma_wait3A_277 = arith.constant 1 : i32
    %dma_wait3A_278 = arith.constant 80 : i32
    %dma_wait3A_279 = arith.constant 0 : i32
    %dma_wait3A_280 = tpu.memref_slice %arg6[%dma_wait3A_278, %dma_wait3A_279] : memref<320x128xf32, #tpu.memory_space<vmem>> -> memref<80x128xf32, #tpu.memory_space<vmem>>
    %dma_wait3A_281 = arith.constant 0 : i32
    %dma_wait3A_282 = tpu.memref_slice %arg5[%dma_wait3A_276, %dma_wait3A_277, %dma_wait3A_281] : memref<5x4x80xi32, #tpu.memory_space<vmem>> -> memref<1x1x80xi32, #tpu.memory_space<vmem>>
    %dma_wait3A_283 = tpu.memref_squeeze %dma_wait3A_282 : memref<1x1x80xi32, #tpu.memory_space<vmem>> -> memref<80xi32, #tpu.memory_space<vmem>>
    %dma_wait3A_284 = arith.constant 0 : i32
    %dma_wait3A_285 = arith.constant 0 : i32
    %dma_wait3A_286 = tpu.memref_slice %arg2[%dma_wait3A_284, %dma_wait3A_285] : memref<10240x128xf32, #tpu.memory_space<hbm>> -> memref<10240x128xf32, #tpu.memory_space<hbm>>
    tpu.wait_indirect_dma semaphore(%arg8 : memref<!tpu.dma_semaphore, #tpu.memory_space<semaphore_mem>>) src(%dma_wait3A_286 : memref<10240x128xf32, #tpu.memory_space<hbm>>) dst(%dma_wait3A_280 : memref<80x128xf32, #tpu.memory_space<vmem>>)
    %dma_wait3A_287 = arith.constant 1 : i32
    %dma_wait3A_288 = arith.constant 2 : i32
    %dma_wait3A_289 = arith.constant 160 : i32
    %dma_wait3A_290 = arith.constant 0 : i32
    %dma_wait3A_291 = tpu.memref_slice %arg6[%dma_wait3A_289, %dma_wait3A_290] : memref<320x128xf32, #tpu.memory_space<vmem>> -> memref<80x128xf32, #tpu.memory_space<vmem>>
    %dma_wait3A_292 = arith.constant 0 : i32
    %dma_wait3A_293 = tpu.memref_slice %arg5[%dma_wait3A_287, %dma_wait3A_288, %dma_wait3A_292] : memref<5x4x80xi32, #tpu.memory_space<vmem>> -> memref<1x1x80xi32, #tpu.memory_space<vmem>>
    %dma_wait3A_294 = tpu.memref_squeeze %dma_wait3A_293 : memref<1x1x80xi32, #tpu.memory_space<vmem>> -> memref<80xi32, #tpu.memory_space<vmem>>
    %dma_wait3A_295 = arith.constant 0 : i32
    %dma_wait3A_296 = arith.constant 0 : i32
    %dma_wait3A_297 = tpu.memref_slice %arg2[%dma_wait3A_295, %dma_wait3A_296] : memref<10240x128xf32, #tpu.memory_space<hbm>> -> memref<10240x128xf32, #tpu.memory_space<hbm>>
    tpu.wait_indirect_dma semaphore(%arg8 : memref<!tpu.dma_semaphore, #tpu.memory_space<semaphore_mem>>) src(%dma_wait3A_297 : memref<10240x128xf32, #tpu.memory_space<hbm>>) dst(%dma_wait3A_291 : memref<80x128xf32, #tpu.memory_space<vmem>>)
    %dma_wait3A_298 = arith.constant 1 : i32
    %dma_wait3A_299 = arith.constant 3 : i32
    %dma_wait3A_300 = arith.constant 240 : i32
    %dma_wait3A_301 = arith.constant 0 : i32
    %dma_wait3A_302 = tpu.memref_slice %arg6[%dma_wait3A_300, %dma_wait3A_301] : memref<320x128xf32, #tpu.memory_space<vmem>> -> memref<80x128xf32, #tpu.memory_space<vmem>>
    %dma_wait3A_303 = arith.constant 0 : i32
    %dma_wait3A_304 = tpu.memref_slice %arg5[%dma_wait3A_298, %dma_wait3A_299, %dma_wait3A_303] : memref<5x4x80xi32, #tpu.memory_space<vmem>> -> memref<1x1x80xi32, #tpu.memory_space<vmem>>
    %dma_wait3A_305 = tpu.memref_squeeze %dma_wait3A_304 : memref<1x1x80xi32, #tpu.memory_space<vmem>> -> memref<80xi32, #tpu.memory_space<vmem>>
    %dma_wait3A_306 = arith.constant 0 : i32
    %dma_wait3A_307 = arith.constant 0 : i32
    %dma_wait3A_308 = tpu.memref_slice %arg2[%dma_wait3A_306, %dma_wait3A_307] : memref<10240x128xf32, #tpu.memory_space<hbm>> -> memref<10240x128xf32, #tpu.memory_space<hbm>>
    tpu.wait_indirect_dma semaphore(%arg8 : memref<!tpu.dma_semaphore, #tpu.memory_space<semaphore_mem>>) src(%dma_wait3A_308 : memref<10240x128xf32, #tpu.memory_space<hbm>>) dst(%dma_wait3A_302 : memref<80x128xf32, #tpu.memory_space<vmem>>)
    %dma_wait3A_309 = arith.constant 2 : i32
    %dma_wait3A_310 = arith.constant 0 : i32
    %dma_wait3A_311 = arith.constant 0 : i32
    %dma_wait3A_312 = arith.constant 0 : i32
    %dma_wait3A_313 = tpu.memref_slice %arg6[%dma_wait3A_311, %dma_wait3A_312] : memref<320x128xf32, #tpu.memory_space<vmem>> -> memref<80x128xf32, #tpu.memory_space<vmem>>
    %dma_wait3A_314 = arith.constant 0 : i32
    %dma_wait3A_315 = tpu.memref_slice %arg5[%dma_wait3A_309, %dma_wait3A_310, %dma_wait3A_314] : memref<5x4x80xi32, #tpu.memory_space<vmem>> -> memref<1x1x80xi32, #tpu.memory_space<vmem>>
    %dma_wait3A_316 = tpu.memref_squeeze %dma_wait3A_315 : memref<1x1x80xi32, #tpu.memory_space<vmem>> -> memref<80xi32, #tpu.memory_space<vmem>>
    %dma_wait3A_317 = arith.constant 0 : i32
    %dma_wait3A_318 = arith.constant 0 : i32
    %dma_wait3A_319 = tpu.memref_slice %arg2[%dma_wait3A_317, %dma_wait3A_318] : memref<10240x128xf32, #tpu.memory_space<hbm>> -> memref<10240x128xf32, #tpu.memory_space<hbm>>
    tpu.wait_indirect_dma semaphore(%arg8 : memref<!tpu.dma_semaphore, #tpu.memory_space<semaphore_mem>>) src(%dma_wait3A_319 : memref<10240x128xf32, #tpu.memory_space<hbm>>) dst(%dma_wait3A_313 : memref<80x128xf32, #tpu.memory_space<vmem>>)
    %dma_wait3A_320 = arith.constant 2 : i32
    %dma_wait3A_321 = arith.constant 1 : i32
    %dma_wait3A_322 = arith.constant 80 : i32
    %dma_wait3A_323 = arith.constant 0 : i32
    %dma_wait3A_324 = tpu.memref_slice %arg6[%dma_wait3A_322, %dma_wait3A_323] : memref<320x128xf32, #tpu.memory_space<vmem>> -> memref<80x128xf32, #tpu.memory_space<vmem>>
    %dma_wait3A_325 = arith.constant 0 : i32
    %dma_wait3A_326 = tpu.memref_slice %arg5[%dma_wait3A_320, %dma_wait3A_321, %dma_wait3A_325] : memref<5x4x80xi32, #tpu.memory_space<vmem>> -> memref<1x1x80xi32, #tpu.memory_space<vmem>>
    %dma_wait3A_327 = tpu.memref_squeeze %dma_wait3A_326 : memref<1x1x80xi32, #tpu.memory_space<vmem>> -> memref<80xi32, #tpu.memory_space<vmem>>
    %dma_wait3A_328 = arith.constant 0 : i32
    %dma_wait3A_329 = arith.constant 0 : i32
    %dma_wait3A_330 = tpu.memref_slice %arg2[%dma_wait3A_328, %dma_wait3A_329] : memref<10240x128xf32, #tpu.memory_space<hbm>> -> memref<10240x128xf32, #tpu.memory_space<hbm>>
    tpu.wait_indirect_dma semaphore(%arg8 : memref<!tpu.dma_semaphore, #tpu.memory_space<semaphore_mem>>) src(%dma_wait3A_330 : memref<10240x128xf32, #tpu.memory_space<hbm>>) dst(%dma_wait3A_324 : memref<80x128xf32, #tpu.memory_space<vmem>>)
    %dma_wait3A_331 = arith.constant 2 : i32
    %dma_wait3A_332 = arith.constant 2 : i32
    %dma_wait3A_333 = arith.constant 160 : i32
    %dma_wait3A_334 = arith.constant 0 : i32
    %dma_wait3A_335 = tpu.memref_slice %arg6[%dma_wait3A_333, %dma_wait3A_334] : memref<320x128xf32, #tpu.memory_space<vmem>> -> memref<80x128xf32, #tpu.memory_space<vmem>>
    %dma_wait3A_336 = arith.constant 0 : i32
    %dma_wait3A_337 = tpu.memref_slice %arg5[%dma_wait3A_331, %dma_wait3A_332, %dma_wait3A_336] : memref<5x4x80xi32, #tpu.memory_space<vmem>> -> memref<1x1x80xi32, #tpu.memory_space<vmem>>
    %dma_wait3A_338 = tpu.memref_squeeze %dma_wait3A_337 : memref<1x1x80xi32, #tpu.memory_space<vmem>> -> memref<80xi32, #tpu.memory_space<vmem>>
    %dma_wait3A_339 = arith.constant 0 : i32
    %dma_wait3A_340 = arith.constant 0 : i32
    %dma_wait3A_341 = tpu.memref_slice %arg2[%dma_wait3A_339, %dma_wait3A_340] : memref<10240x128xf32, #tpu.memory_space<hbm>> -> memref<10240x128xf32, #tpu.memory_space<hbm>>
    tpu.wait_indirect_dma semaphore(%arg8 : memref<!tpu.dma_semaphore, #tpu.memory_space<semaphore_mem>>) src(%dma_wait3A_341 : memref<10240x128xf32, #tpu.memory_space<hbm>>) dst(%dma_wait3A_335 : memref<80x128xf32, #tpu.memory_space<vmem>>)
    %dma_wait3A_342 = arith.constant 2 : i32
    %dma_wait3A_343 = arith.constant 3 : i32
    %dma_wait3A_344 = arith.constant 240 : i32
    %dma_wait3A_345 = arith.constant 0 : i32
    %dma_wait3A_346 = tpu.memref_slice %arg6[%dma_wait3A_344, %dma_wait3A_345] : memref<320x128xf32, #tpu.memory_space<vmem>> -> memref<80x128xf32, #tpu.memory_space<vmem>>
    %dma_wait3A_347 = arith.constant 0 : i32
    %dma_wait3A_348 = tpu.memref_slice %arg5[%dma_wait3A_342, %dma_wait3A_343, %dma_wait3A_347] : memref<5x4x80xi32, #tpu.memory_space<vmem>> -> memref<1x1x80xi32, #tpu.memory_space<vmem>>
    %dma_wait3A_349 = tpu.memref_squeeze %dma_wait3A_348 : memref<1x1x80xi32, #tpu.memory_space<vmem>> -> memref<80xi32, #tpu.memory_space<vmem>>
    %dma_wait3A_350 = arith.constant 0 : i32
    %dma_wait3A_351 = arith.constant 0 : i32
    %dma_wait3A_352 = tpu.memref_slice %arg2[%dma_wait3A_350, %dma_wait3A_351] : memref<10240x128xf32, #tpu.memory_space<hbm>> -> memref<10240x128xf32, #tpu.memory_space<hbm>>
    tpu.wait_indirect_dma semaphore(%arg8 : memref<!tpu.dma_semaphore, #tpu.memory_space<semaphore_mem>>) src(%dma_wait3A_352 : memref<10240x128xf32, #tpu.memory_space<hbm>>) dst(%dma_wait3A_346 : memref<80x128xf32, #tpu.memory_space<vmem>>)
    %dma_wait3A_353 = arith.constant 3 : i32
    %dma_wait3A_354 = arith.constant 0 : i32
    %dma_wait3A_355 = arith.constant 0 : i32
    %dma_wait3A_356 = arith.constant 0 : i32
    %dma_wait3A_357 = tpu.memref_slice %arg6[%dma_wait3A_355, %dma_wait3A_356] : memref<320x128xf32, #tpu.memory_space<vmem>> -> memref<80x128xf32, #tpu.memory_space<vmem>>
    %dma_wait3A_358 = arith.constant 0 : i32
    %dma_wait3A_359 = tpu.memref_slice %arg5[%dma_wait3A_353, %dma_wait3A_354, %dma_wait3A_358] : memref<5x4x80xi32, #tpu.memory_space<vmem>> -> memref<1x1x80xi32, #tpu.memory_space<vmem>>
    %dma_wait3A_360 = tpu.memref_squeeze %dma_wait3A_359 : memref<1x1x80xi32, #tpu.memory_space<vmem>> -> memref<80xi32, #tpu.memory_space<vmem>>
    %dma_wait3A_361 = arith.constant 0 : i32
    %dma_wait3A_362 = arith.constant 0 : i32
    %dma_wait3A_363 = tpu.memref_slice %arg2[%dma_wait3A_361, %dma_wait3A_362] : memref<10240x128xf32, #tpu.memory_space<hbm>> -> memref<10240x128xf32, #tpu.memory_space<hbm>>
    tpu.wait_indirect_dma semaphore(%arg8 : memref<!tpu.dma_semaphore, #tpu.memory_space<semaphore_mem>>) src(%dma_wait3A_363 : memref<10240x128xf32, #tpu.memory_space<hbm>>) dst(%dma_wait3A_357 : memref<80x128xf32, #tpu.memory_space<vmem>>)
    %dma_wait3A_364 = arith.constant 3 : i32
    %dma_wait3A_365 = arith.constant 1 : i32
    %dma_wait3A_366 = arith.constant 80 : i32
    %dma_wait3A_367 = arith.constant 0 : i32
    %dma_wait3A_368 = tpu.memref_slice %arg6[%dma_wait3A_366, %dma_wait3A_367] : memref<320x128xf32, #tpu.memory_space<vmem>> -> memref<80x128xf32, #tpu.memory_space<vmem>>
    %dma_wait3A_369 = arith.constant 0 : i32
    %dma_wait3A_370 = tpu.memref_slice %arg5[%dma_wait3A_364, %dma_wait3A_365, %dma_wait3A_369] : memref<5x4x80xi32, #tpu.memory_space<vmem>> -> memref<1x1x80xi32, #tpu.memory_space<vmem>>
    %dma_wait3A_371 = tpu.memref_squeeze %dma_wait3A_370 : memref<1x1x80xi32, #tpu.memory_space<vmem>> -> memref<80xi32, #tpu.memory_space<vmem>>
    %dma_wait3A_372 = arith.constant 0 : i32
    %dma_wait3A_373 = arith.constant 0 : i32
    %dma_wait3A_374 = tpu.memref_slice %arg2[%dma_wait3A_372, %dma_wait3A_373] : memref<10240x128xf32, #tpu.memory_space<hbm>> -> memref<10240x128xf32, #tpu.memory_space<hbm>>
    tpu.wait_indirect_dma semaphore(%arg8 : memref<!tpu.dma_semaphore, #tpu.memory_space<semaphore_mem>>) src(%dma_wait3A_374 : memref<10240x128xf32, #tpu.memory_space<hbm>>) dst(%dma_wait3A_368 : memref<80x128xf32, #tpu.memory_space<vmem>>)
    %dma_wait3A_375 = arith.constant 3 : i32
    %dma_wait3A_376 = arith.constant 2 : i32
    %dma_wait3A_377 = arith.constant 160 : i32
    %dma_wait3A_378 = arith.constant 0 : i32
    %dma_wait3A_379 = tpu.memref_slice %arg6[%dma_wait3A_377, %dma_wait3A_378] : memref<320x128xf32, #tpu.memory_space<vmem>> -> memref<80x128xf32, #tpu.memory_space<vmem>>
    %dma_wait3A_380 = arith.constant 0 : i32
    %dma_wait3A_381 = tpu.memref_slice %arg5[%dma_wait3A_375, %dma_wait3A_376, %dma_wait3A_380] : memref<5x4x80xi32, #tpu.memory_space<vmem>> -> memref<1x1x80xi32, #tpu.memory_space<vmem>>
    %dma_wait3A_382 = tpu.memref_squeeze %dma_wait3A_381 : memref<1x1x80xi32, #tpu.memory_space<vmem>> -> memref<80xi32, #tpu.memory_space<vmem>>
    %dma_wait3A_383 = arith.constant 0 : i32
    %dma_wait3A_384 = arith.constant 0 : i32
    %dma_wait3A_385 = tpu.memref_slice %arg2[%dma_wait3A_383, %dma_wait3A_384] : memref<10240x128xf32, #tpu.memory_space<hbm>> -> memref<10240x128xf32, #tpu.memory_space<hbm>>
    tpu.wait_indirect_dma semaphore(%arg8 : memref<!tpu.dma_semaphore, #tpu.memory_space<semaphore_mem>>) src(%dma_wait3A_385 : memref<10240x128xf32, #tpu.memory_space<hbm>>) dst(%dma_wait3A_379 : memref<80x128xf32, #tpu.memory_space<vmem>>)
    %dma_wait3A_386 = arith.constant 3 : i32
    %dma_wait3A_387 = arith.constant 3 : i32
    %dma_wait3A_388 = arith.constant 240 : i32
    %dma_wait3A_389 = arith.constant 0 : i32
    %dma_wait3A_390 = tpu.memref_slice %arg6[%dma_wait3A_388, %dma_wait3A_389] : memref<320x128xf32, #tpu.memory_space<vmem>> -> memref<80x128xf32, #tpu.memory_space<vmem>>
    %dma_wait3A_391 = arith.constant 0 : i32
    %dma_wait3A_392 = tpu.memref_slice %arg5[%dma_wait3A_386, %dma_wait3A_387, %dma_wait3A_391] : memref<5x4x80xi32, #tpu.memory_space<vmem>> -> memref<1x1x80xi32, #tpu.memory_space<vmem>>
    %dma_wait3A_393 = tpu.memref_squeeze %dma_wait3A_392 : memref<1x1x80xi32, #tpu.memory_space<vmem>> -> memref<80xi32, #tpu.memory_space<vmem>>
    %dma_wait3A_394 = arith.constant 0 : i32
    %dma_wait3A_395 = arith.constant 0 : i32
    %dma_wait3A_396 = tpu.memref_slice %arg2[%dma_wait3A_394, %dma_wait3A_395] : memref<10240x128xf32, #tpu.memory_space<hbm>> -> memref<10240x128xf32, #tpu.memory_space<hbm>>
    tpu.wait_indirect_dma semaphore(%arg8 : memref<!tpu.dma_semaphore, #tpu.memory_space<semaphore_mem>>) src(%dma_wait3A_396 : memref<10240x128xf32, #tpu.memory_space<hbm>>) dst(%dma_wait3A_390 : memref<80x128xf32, #tpu.memory_space<vmem>>)
    %dma_wait3A_397 = arith.constant 4 : i32
    %dma_wait3A_398 = arith.constant 0 : i32
    %dma_wait3A_399 = arith.constant 0 : i32
    %dma_wait3A_400 = arith.constant 0 : i32
    %dma_wait3A_401 = tpu.memref_slice %arg6[%dma_wait3A_399, %dma_wait3A_400] : memref<320x128xf32, #tpu.memory_space<vmem>> -> memref<80x128xf32, #tpu.memory_space<vmem>>
    %dma_wait3A_402 = arith.constant 0 : i32
    %dma_wait3A_403 = tpu.memref_slice %arg5[%dma_wait3A_397, %dma_wait3A_398, %dma_wait3A_402] : memref<5x4x80xi32, #tpu.memory_space<vmem>> -> memref<1x1x80xi32, #tpu.memory_space<vmem>>
    %dma_wait3A_404 = tpu.memref_squeeze %dma_wait3A_403 : memref<1x1x80xi32, #tpu.memory_space<vmem>> -> memref<80xi32, #tpu.memory_space<vmem>>
    %dma_wait3A_405 = arith.constant 0 : i32
    %dma_wait3A_406 = arith.constant 0 : i32
    %dma_wait3A_407 = tpu.memref_slice %arg2[%dma_wait3A_405, %dma_wait3A_406] : memref<10240x128xf32, #tpu.memory_space<hbm>> -> memref<10240x128xf32, #tpu.memory_space<hbm>>
    tpu.wait_indirect_dma semaphore(%arg8 : memref<!tpu.dma_semaphore, #tpu.memory_space<semaphore_mem>>) src(%dma_wait3A_407 : memref<10240x128xf32, #tpu.memory_space<hbm>>) dst(%dma_wait3A_401 : memref<80x128xf32, #tpu.memory_space<vmem>>)
    %dma_wait3A_408 = arith.constant 4 : i32
    %dma_wait3A_409 = arith.constant 1 : i32
    %dma_wait3A_410 = arith.constant 80 : i32
    %dma_wait3A_411 = arith.constant 0 : i32
    %dma_wait3A_412 = tpu.memref_slice %arg6[%dma_wait3A_410, %dma_wait3A_411] : memref<320x128xf32, #tpu.memory_space<vmem>> -> memref<80x128xf32, #tpu.memory_space<vmem>>
    %dma_wait3A_413 = arith.constant 0 : i32
    %dma_wait3A_414 = tpu.memref_slice %arg5[%dma_wait3A_408, %dma_wait3A_409, %dma_wait3A_413] : memref<5x4x80xi32, #tpu.memory_space<vmem>> -> memref<1x1x80xi32, #tpu.memory_space<vmem>>
    %dma_wait3A_415 = tpu.memref_squeeze %dma_wait3A_414 : memref<1x1x80xi32, #tpu.memory_space<vmem>> -> memref<80xi32, #tpu.memory_space<vmem>>
    %dma_wait3A_416 = arith.constant 0 : i32
    %dma_wait3A_417 = arith.constant 0 : i32
    %dma_wait3A_418 = tpu.memref_slice %arg2[%dma_wait3A_416, %dma_wait3A_417] : memref<10240x128xf32, #tpu.memory_space<hbm>> -> memref<10240x128xf32, #tpu.memory_space<hbm>>
    tpu.wait_indirect_dma semaphore(%arg8 : memref<!tpu.dma_semaphore, #tpu.memory_space<semaphore_mem>>) src(%dma_wait3A_418 : memref<10240x128xf32, #tpu.memory_space<hbm>>) dst(%dma_wait3A_412 : memref<80x128xf32, #tpu.memory_space<vmem>>)
    %dma_wait3A_419 = arith.constant 4 : i32
    %dma_wait3A_420 = arith.constant 2 : i32
    %dma_wait3A_421 = arith.constant 160 : i32
    %dma_wait3A_422 = arith.constant 0 : i32
    %dma_wait3A_423 = tpu.memref_slice %arg6[%dma_wait3A_421, %dma_wait3A_422] : memref<320x128xf32, #tpu.memory_space<vmem>> -> memref<80x128xf32, #tpu.memory_space<vmem>>
    %dma_wait3A_424 = arith.constant 0 : i32
    %dma_wait3A_425 = tpu.memref_slice %arg5[%dma_wait3A_419, %dma_wait3A_420, %dma_wait3A_424] : memref<5x4x80xi32, #tpu.memory_space<vmem>> -> memref<1x1x80xi32, #tpu.memory_space<vmem>>
    %dma_wait3A_426 = tpu.memref_squeeze %dma_wait3A_425 : memref<1x1x80xi32, #tpu.memory_space<vmem>> -> memref<80xi32, #tpu.memory_space<vmem>>
    %dma_wait3A_427 = arith.constant 0 : i32
    %dma_wait3A_428 = arith.constant 0 : i32
    %dma_wait3A_429 = tpu.memref_slice %arg2[%dma_wait3A_427, %dma_wait3A_428] : memref<10240x128xf32, #tpu.memory_space<hbm>> -> memref<10240x128xf32, #tpu.memory_space<hbm>>
    tpu.wait_indirect_dma semaphore(%arg8 : memref<!tpu.dma_semaphore, #tpu.memory_space<semaphore_mem>>) src(%dma_wait3A_429 : memref<10240x128xf32, #tpu.memory_space<hbm>>) dst(%dma_wait3A_423 : memref<80x128xf32, #tpu.memory_space<vmem>>)
    %dma_wait3A_430 = arith.constant 4 : i32
    %dma_wait3A_431 = arith.constant 3 : i32
    %dma_wait3A_432 = arith.constant 240 : i32
    %dma_wait3A_433 = arith.constant 0 : i32
    %dma_wait3A_434 = tpu.memref_slice %arg6[%dma_wait3A_432, %dma_wait3A_433] : memref<320x128xf32, #tpu.memory_space<vmem>> -> memref<80x128xf32, #tpu.memory_space<vmem>>
    %dma_wait3A_435 = arith.constant 0 : i32
    %dma_wait3A_436 = tpu.memref_slice %arg5[%dma_wait3A_430, %dma_wait3A_431, %dma_wait3A_435] : memref<5x4x80xi32, #tpu.memory_space<vmem>> -> memref<1x1x80xi32, #tpu.memory_space<vmem>>
    %dma_wait3A_437 = tpu.memref_squeeze %dma_wait3A_436 : memref<1x1x80xi32, #tpu.memory_space<vmem>> -> memref<80xi32, #tpu.memory_space<vmem>>
    %dma_wait3A_438 = arith.constant 0 : i32
    %dma_wait3A_439 = arith.constant 0 : i32
    %dma_wait3A_440 = tpu.memref_slice %arg2[%dma_wait3A_438, %dma_wait3A_439] : memref<10240x128xf32, #tpu.memory_space<hbm>> -> memref<10240x128xf32, #tpu.memory_space<hbm>>
    tpu.wait_indirect_dma semaphore(%arg8 : memref<!tpu.dma_semaphore, #tpu.memory_space<semaphore_mem>>) src(%dma_wait3A_440 : memref<10240x128xf32, #tpu.memory_space<hbm>>) dst(%dma_wait3A_434 : memref<80x128xf32, #tpu.memory_space<vmem>>)
    "tpu.region"() ({
      %run_scoped3A = tpu.sem_alloc : memref<!tpu.dma_semaphore, #tpu.memory_space<semaphore_mem>>
      %dma_start3A_441 = arith.constant 0 : i32
      %dma_start3A_442 = tpu.memref_slice %arg4[%mul3A_2, %dma_start3A_441] : memref<10240x128xf32, #tpu.memory_space<hbm>> -> memref<320x128xf32, #tpu.memory_space<hbm>>
      %dma_start3A_443 = arith.constant 0 : i32
      %dma_start3A_444 = tpu.memref_slice %arg4[%mul3A_2, %dma_start3A_443] : memref<10240x128xf32, #tpu.memory_space<hbm>> -> memref<320x128xf32, #tpu.memory_space<hbm>>
      tpu.enqueue_dma source(%arg6 : memref<320x128xf32, #tpu.memory_space<vmem>>) target(%dma_start3A_444 : memref<320x128xf32, #tpu.memory_space<hbm>>) target_semaphore(%run_scoped3A : memref<!tpu.dma_semaphore, #tpu.memory_space<semaphore_mem>>)
      %dma_wait3A_445 = arith.constant 0 : i32
      %dma_wait3A_446 = tpu.memref_slice %arg4[%mul3A_2, %dma_wait3A_445] : memref<10240x128xf32, #tpu.memory_space<hbm>> -> memref<320x128xf32, #tpu.memory_space<hbm>>
      %dma_wait3A_447 = arith.constant 0 : i32
      %dma_wait3A_448 = tpu.memref_slice %arg4[%mul3A_2, %dma_wait3A_447] : memref<10240x128xf32, #tpu.memory_space<hbm>> -> memref<320x128xf32, #tpu.memory_space<hbm>>
      tpu.wait_dma2 semaphore(%run_scoped3A : memref<!tpu.dma_semaphore, #tpu.memory_space<semaphore_mem>>) src(%arg6 : memref<320x128xf32, #tpu.memory_space<vmem>>) dst(%dma_wait3A_448 : memref<320x128xf32, #tpu.memory_space<hbm>>)
      tpu.yield
    }) : () -> ()
    return
  }
}

#map = affine_map<(d0, d1) -> (0, 0)>
#map1 = affine_map<(d0, d1) -> (0, 0, 0)>
module attributes {stable_mosaic.version = 14 : i64} {
  func.func @_lookup_kernel(%arg0: i32, %arg1: i32, %arg2: memref<100x128xf32, #tpu.memory_space<hbm>>, %arg3: memref<32x4x80xi32, #tpu.memory_space<hbm>>, %arg4: memref<10240x128xf32, #tpu.memory_space<hbm>>, %arg5: memref<4x80xi32, #tpu.memory_space<vmem>>, %arg6: memref<320x128xf32, #tpu.memory_space<vmem>>, %arg7: memref<!tpu.dma_semaphore, #tpu.memory_space<semaphore_mem>>) attributes {dimension_semantics = [#tpu.dimension_semantics<core_parallel>, #tpu.dimension_semantics<subcore_parallel>], iteration_bounds = array<i64: 2, 16>, scalar_prefetch = 0 : i64, scratch_operands = 3 : i64, tpu.core_type = #tpu.core_type<sc_vector_subcore>, window_params = [{transform_indices = #map}, {transform_indices = #map1}, {transform_indices = #map}]} {
    %mul3A = arith.constant 2 : i32
    %mul3A_0 = arith.muli %arg1, %mul3A : i32
    %add3A = arith.addi %mul3A_0, %arg0 : i32
    %mul3A_1 = arith.constant 320 : i32
    %mul3A_2 = arith.muli %add3A, %mul3A_1 : i32
    "tpu.region"() ({
      %run_scoped3A = tpu.sem_alloc : memref<!tpu.dma_semaphore, #tpu.memory_space<semaphore_mem>>
      %dma_start3A_81 = arith.constant 0 : i32
      %dma_start3A_82 = arith.constant 0 : i32
      %dma_start3A_83 = tpu.memref_slice %arg3[%add3A, %dma_start3A_81, %dma_start3A_82] : memref<32x4x80xi32, #tpu.memory_space<hbm>> -> memref<1x4x80xi32, #tpu.memory_space<hbm>>
      %dma_start3A_84 = tpu.memref_squeeze %dma_start3A_83 : memref<1x4x80xi32, #tpu.memory_space<hbm>> -> memref<4x80xi32, #tpu.memory_space<hbm>>
      %dma_start3A_85 = arith.constant 0 : i32
      %dma_start3A_86 = arith.constant 0 : i32
      %dma_start3A_87 = tpu.memref_slice %arg3[%add3A, %dma_start3A_85, %dma_start3A_86] : memref<32x4x80xi32, #tpu.memory_space<hbm>> -> memref<1x4x80xi32, #tpu.memory_space<hbm>>
      %dma_start3A_88 = tpu.memref_squeeze %dma_start3A_87 : memref<1x4x80xi32, #tpu.memory_space<hbm>> -> memref<4x80xi32, #tpu.memory_space<hbm>>
      tpu.enqueue_dma source(%dma_start3A_88 : memref<4x80xi32, #tpu.memory_space<hbm>>) target(%arg5 : memref<4x80xi32, #tpu.memory_space<vmem>>) target_semaphore(%run_scoped3A : memref<!tpu.dma_semaphore, #tpu.memory_space<semaphore_mem>>)
      %dma_wait3A_89 = arith.constant 0 : i32
      %dma_wait3A_90 = arith.constant 0 : i32
      %dma_wait3A_91 = tpu.memref_slice %arg3[%add3A, %dma_wait3A_89, %dma_wait3A_90] : memref<32x4x80xi32, #tpu.memory_space<hbm>> -> memref<1x4x80xi32, #tpu.memory_space<hbm>>
      %dma_wait3A_92 = tpu.memref_squeeze %dma_wait3A_91 : memref<1x4x80xi32, #tpu.memory_space<hbm>> -> memref<4x80xi32, #tpu.memory_space<hbm>>
      %dma_wait3A_93 = arith.constant 0 : i32
      %dma_wait3A_94 = arith.constant 0 : i32
      %dma_wait3A_95 = tpu.memref_slice %arg3[%add3A, %dma_wait3A_93, %dma_wait3A_94] : memref<32x4x80xi32, #tpu.memory_space<hbm>> -> memref<1x4x80xi32, #tpu.memory_space<hbm>>
      %dma_wait3A_96 = tpu.memref_squeeze %dma_wait3A_95 : memref<1x4x80xi32, #tpu.memory_space<hbm>> -> memref<4x80xi32, #tpu.memory_space<hbm>>
      tpu.wait_dma2 semaphore(%run_scoped3A : memref<!tpu.dma_semaphore, #tpu.memory_space<semaphore_mem>>) src(%dma_wait3A_96 : memref<4x80xi32, #tpu.memory_space<hbm>>) dst(%arg5 : memref<4x80xi32, #tpu.memory_space<vmem>>)
      tpu.yield
    }) : () -> ()
    %dma_start3A = arith.constant 0 : i32
    %dma_start3A_3 = arith.constant 0 : i32
    %dma_start3A_4 = arith.constant 0 : i32
    %dma_start3A_5 = tpu.memref_slice %arg6[%dma_start3A_3, %dma_start3A_4] : memref<320x128xf32, #tpu.memory_space<vmem>> -> memref<80x128xf32, #tpu.memory_space<vmem>>
    %dma_start3A_6 = arith.constant 0 : i32
    %dma_start3A_7 = tpu.memref_slice %arg5[%dma_start3A, %dma_start3A_6] : memref<4x80xi32, #tpu.memory_space<vmem>> -> memref<1x80xi32, #tpu.memory_space<vmem>>
    %dma_start3A_8 = tpu.memref_squeeze %dma_start3A_7 : memref<1x80xi32, #tpu.memory_space<vmem>> -> memref<80xi32, #tpu.memory_space<vmem>>
    %dma_start3A_9 = arith.constant 0 : i32
    %dma_start3A_10 = arith.constant 0 : i32
    %dma_start3A_11 = tpu.memref_slice %arg2[%dma_start3A_9, %dma_start3A_10] : memref<100x128xf32, #tpu.memory_space<hbm>> -> memref<100x128xf32, #tpu.memory_space<hbm>>
    tpu.enqueue_indirect_dma source(%dma_start3A_11 : memref<100x128xf32, #tpu.memory_space<hbm>>) target(%dma_start3A_5 : memref<80x128xf32, #tpu.memory_space<vmem>>) offsets(%dma_start3A_8 : memref<80xi32, #tpu.memory_space<vmem>>) semaphore(%arg7 : memref<!tpu.dma_semaphore, #tpu.memory_space<semaphore_mem>>)
    %dma_wait3A = arith.constant 0 : i32
    %dma_wait3A_12 = arith.constant 0 : i32
    %dma_wait3A_13 = arith.constant 0 : i32
    %dma_wait3A_14 = tpu.memref_slice %arg6[%dma_wait3A_12, %dma_wait3A_13] : memref<320x128xf32, #tpu.memory_space<vmem>> -> memref<80x128xf32, #tpu.memory_space<vmem>>
    %dma_wait3A_15 = arith.constant 0 : i32
    %dma_wait3A_16 = tpu.memref_slice %arg5[%dma_wait3A, %dma_wait3A_15] : memref<4x80xi32, #tpu.memory_space<vmem>> -> memref<1x80xi32, #tpu.memory_space<vmem>>
    %dma_wait3A_17 = tpu.memref_squeeze %dma_wait3A_16 : memref<1x80xi32, #tpu.memory_space<vmem>> -> memref<80xi32, #tpu.memory_space<vmem>>
    %dma_wait3A_18 = arith.constant 0 : i32
    %dma_wait3A_19 = arith.constant 0 : i32
    %dma_wait3A_20 = tpu.memref_slice %arg2[%dma_wait3A_18, %dma_wait3A_19] : memref<100x128xf32, #tpu.memory_space<hbm>> -> memref<100x128xf32, #tpu.memory_space<hbm>>
    tpu.wait_indirect_dma semaphore(%arg7 : memref<!tpu.dma_semaphore, #tpu.memory_space<semaphore_mem>>) src(%dma_wait3A_20 : memref<100x128xf32, #tpu.memory_space<hbm>>) dst(%dma_wait3A_14 : memref<80x128xf32, #tpu.memory_space<vmem>>)
    %dma_start3A_21 = arith.constant 1 : i32
    %dma_start3A_22 = arith.constant 80 : i32
    %dma_start3A_23 = arith.constant 0 : i32
    %dma_start3A_24 = tpu.memref_slice %arg6[%dma_start3A_22, %dma_start3A_23] : memref<320x128xf32, #tpu.memory_space<vmem>> -> memref<80x128xf32, #tpu.memory_space<vmem>>
    %dma_start3A_25 = arith.constant 0 : i32
    %dma_start3A_26 = tpu.memref_slice %arg5[%dma_start3A_21, %dma_start3A_25] : memref<4x80xi32, #tpu.memory_space<vmem>> -> memref<1x80xi32, #tpu.memory_space<vmem>>
    %dma_start3A_27 = tpu.memref_squeeze %dma_start3A_26 : memref<1x80xi32, #tpu.memory_space<vmem>> -> memref<80xi32, #tpu.memory_space<vmem>>
    %dma_start3A_28 = arith.constant 0 : i32
    %dma_start3A_29 = arith.constant 0 : i32
    %dma_start3A_30 = tpu.memref_slice %arg2[%dma_start3A_28, %dma_start3A_29] : memref<100x128xf32, #tpu.memory_space<hbm>> -> memref<100x128xf32, #tpu.memory_space<hbm>>
    tpu.enqueue_indirect_dma source(%dma_start3A_30 : memref<100x128xf32, #tpu.memory_space<hbm>>) target(%dma_start3A_24 : memref<80x128xf32, #tpu.memory_space<vmem>>) offsets(%dma_start3A_27 : memref<80xi32, #tpu.memory_space<vmem>>) semaphore(%arg7 : memref<!tpu.dma_semaphore, #tpu.memory_space<semaphore_mem>>)
    %dma_wait3A_31 = arith.constant 1 : i32
    %dma_wait3A_32 = arith.constant 80 : i32
    %dma_wait3A_33 = arith.constant 0 : i32
    %dma_wait3A_34 = tpu.memref_slice %arg6[%dma_wait3A_32, %dma_wait3A_33] : memref<320x128xf32, #tpu.memory_space<vmem>> -> memref<80x128xf32, #tpu.memory_space<vmem>>
    %dma_wait3A_35 = arith.constant 0 : i32
    %dma_wait3A_36 = tpu.memref_slice %arg5[%dma_wait3A_31, %dma_wait3A_35] : memref<4x80xi32, #tpu.memory_space<vmem>> -> memref<1x80xi32, #tpu.memory_space<vmem>>
    %dma_wait3A_37 = tpu.memref_squeeze %dma_wait3A_36 : memref<1x80xi32, #tpu.memory_space<vmem>> -> memref<80xi32, #tpu.memory_space<vmem>>
    %dma_wait3A_38 = arith.constant 0 : i32
    %dma_wait3A_39 = arith.constant 0 : i32
    %dma_wait3A_40 = tpu.memref_slice %arg2[%dma_wait3A_38, %dma_wait3A_39] : memref<100x128xf32, #tpu.memory_space<hbm>> -> memref<100x128xf32, #tpu.memory_space<hbm>>
    tpu.wait_indirect_dma semaphore(%arg7 : memref<!tpu.dma_semaphore, #tpu.memory_space<semaphore_mem>>) src(%dma_wait3A_40 : memref<100x128xf32, #tpu.memory_space<hbm>>) dst(%dma_wait3A_34 : memref<80x128xf32, #tpu.memory_space<vmem>>)
    %dma_start3A_41 = arith.constant 2 : i32
    %dma_start3A_42 = arith.constant 160 : i32
    %dma_start3A_43 = arith.constant 0 : i32
    %dma_start3A_44 = tpu.memref_slice %arg6[%dma_start3A_42, %dma_start3A_43] : memref<320x128xf32, #tpu.memory_space<vmem>> -> memref<80x128xf32, #tpu.memory_space<vmem>>
    %dma_start3A_45 = arith.constant 0 : i32
    %dma_start3A_46 = tpu.memref_slice %arg5[%dma_start3A_41, %dma_start3A_45] : memref<4x80xi32, #tpu.memory_space<vmem>> -> memref<1x80xi32, #tpu.memory_space<vmem>>
    %dma_start3A_47 = tpu.memref_squeeze %dma_start3A_46 : memref<1x80xi32, #tpu.memory_space<vmem>> -> memref<80xi32, #tpu.memory_space<vmem>>
    %dma_start3A_48 = arith.constant 0 : i32
    %dma_start3A_49 = arith.constant 0 : i32
    %dma_start3A_50 = tpu.memref_slice %arg2[%dma_start3A_48, %dma_start3A_49] : memref<100x128xf32, #tpu.memory_space<hbm>> -> memref<100x128xf32, #tpu.memory_space<hbm>>
    tpu.enqueue_indirect_dma source(%dma_start3A_50 : memref<100x128xf32, #tpu.memory_space<hbm>>) target(%dma_start3A_44 : memref<80x128xf32, #tpu.memory_space<vmem>>) offsets(%dma_start3A_47 : memref<80xi32, #tpu.memory_space<vmem>>) semaphore(%arg7 : memref<!tpu.dma_semaphore, #tpu.memory_space<semaphore_mem>>)
    %dma_wait3A_51 = arith.constant 2 : i32
    %dma_wait3A_52 = arith.constant 160 : i32
    %dma_wait3A_53 = arith.constant 0 : i32
    %dma_wait3A_54 = tpu.memref_slice %arg6[%dma_wait3A_52, %dma_wait3A_53] : memref<320x128xf32, #tpu.memory_space<vmem>> -> memref<80x128xf32, #tpu.memory_space<vmem>>
    %dma_wait3A_55 = arith.constant 0 : i32
    %dma_wait3A_56 = tpu.memref_slice %arg5[%dma_wait3A_51, %dma_wait3A_55] : memref<4x80xi32, #tpu.memory_space<vmem>> -> memref<1x80xi32, #tpu.memory_space<vmem>>
    %dma_wait3A_57 = tpu.memref_squeeze %dma_wait3A_56 : memref<1x80xi32, #tpu.memory_space<vmem>> -> memref<80xi32, #tpu.memory_space<vmem>>
    %dma_wait3A_58 = arith.constant 0 : i32
    %dma_wait3A_59 = arith.constant 0 : i32
    %dma_wait3A_60 = tpu.memref_slice %arg2[%dma_wait3A_58, %dma_wait3A_59] : memref<100x128xf32, #tpu.memory_space<hbm>> -> memref<100x128xf32, #tpu.memory_space<hbm>>
    tpu.wait_indirect_dma semaphore(%arg7 : memref<!tpu.dma_semaphore, #tpu.memory_space<semaphore_mem>>) src(%dma_wait3A_60 : memref<100x128xf32, #tpu.memory_space<hbm>>) dst(%dma_wait3A_54 : memref<80x128xf32, #tpu.memory_space<vmem>>)
    %dma_start3A_61 = arith.constant 3 : i32
    %dma_start3A_62 = arith.constant 240 : i32
    %dma_start3A_63 = arith.constant 0 : i32
    %dma_start3A_64 = tpu.memref_slice %arg6[%dma_start3A_62, %dma_start3A_63] : memref<320x128xf32, #tpu.memory_space<vmem>> -> memref<80x128xf32, #tpu.memory_space<vmem>>
    %dma_start3A_65 = arith.constant 0 : i32
    %dma_start3A_66 = tpu.memref_slice %arg5[%dma_start3A_61, %dma_start3A_65] : memref<4x80xi32, #tpu.memory_space<vmem>> -> memref<1x80xi32, #tpu.memory_space<vmem>>
    %dma_start3A_67 = tpu.memref_squeeze %dma_start3A_66 : memref<1x80xi32, #tpu.memory_space<vmem>> -> memref<80xi32, #tpu.memory_space<vmem>>
    %dma_start3A_68 = arith.constant 0 : i32
    %dma_start3A_69 = arith.constant 0 : i32
    %dma_start3A_70 = tpu.memref_slice %arg2[%dma_start3A_68, %dma_start3A_69] : memref<100x128xf32, #tpu.memory_space<hbm>> -> memref<100x128xf32, #tpu.memory_space<hbm>>
    tpu.enqueue_indirect_dma source(%dma_start3A_70 : memref<100x128xf32, #tpu.memory_space<hbm>>) target(%dma_start3A_64 : memref<80x128xf32, #tpu.memory_space<vmem>>) offsets(%dma_start3A_67 : memref<80xi32, #tpu.memory_space<vmem>>) semaphore(%arg7 : memref<!tpu.dma_semaphore, #tpu.memory_space<semaphore_mem>>)
    %dma_wait3A_71 = arith.constant 3 : i32
    %dma_wait3A_72 = arith.constant 240 : i32
    %dma_wait3A_73 = arith.constant 0 : i32
    %dma_wait3A_74 = tpu.memref_slice %arg6[%dma_wait3A_72, %dma_wait3A_73] : memref<320x128xf32, #tpu.memory_space<vmem>> -> memref<80x128xf32, #tpu.memory_space<vmem>>
    %dma_wait3A_75 = arith.constant 0 : i32
    %dma_wait3A_76 = tpu.memref_slice %arg5[%dma_wait3A_71, %dma_wait3A_75] : memref<4x80xi32, #tpu.memory_space<vmem>> -> memref<1x80xi32, #tpu.memory_space<vmem>>
    %dma_wait3A_77 = tpu.memref_squeeze %dma_wait3A_76 : memref<1x80xi32, #tpu.memory_space<vmem>> -> memref<80xi32, #tpu.memory_space<vmem>>
    %dma_wait3A_78 = arith.constant 0 : i32
    %dma_wait3A_79 = arith.constant 0 : i32
    %dma_wait3A_80 = tpu.memref_slice %arg2[%dma_wait3A_78, %dma_wait3A_79] : memref<100x128xf32, #tpu.memory_space<hbm>> -> memref<100x128xf32, #tpu.memory_space<hbm>>
    tpu.wait_indirect_dma semaphore(%arg7 : memref<!tpu.dma_semaphore, #tpu.memory_space<semaphore_mem>>) src(%dma_wait3A_80 : memref<100x128xf32, #tpu.memory_space<hbm>>) dst(%dma_wait3A_74 : memref<80x128xf32, #tpu.memory_space<vmem>>)
    "tpu.region"() ({
      %run_scoped3A = tpu.sem_alloc : memref<!tpu.dma_semaphore, #tpu.memory_space<semaphore_mem>>
      %dma_start3A_81 = arith.constant 0 : i32
      %dma_start3A_82 = tpu.memref_slice %arg4[%mul3A_2, %dma_start3A_81] : memref<10240x128xf32, #tpu.memory_space<hbm>> -> memref<320x128xf32, #tpu.memory_space<hbm>>
      %dma_start3A_83 = arith.constant 0 : i32
      %dma_start3A_84 = tpu.memref_slice %arg4[%mul3A_2, %dma_start3A_83] : memref<10240x128xf32, #tpu.memory_space<hbm>> -> memref<320x128xf32, #tpu.memory_space<hbm>>
      tpu.enqueue_dma source(%arg6 : memref<320x128xf32, #tpu.memory_space<vmem>>) target(%dma_start3A_84 : memref<320x128xf32, #tpu.memory_space<hbm>>) target_semaphore(%run_scoped3A : memref<!tpu.dma_semaphore, #tpu.memory_space<semaphore_mem>>)
      %dma_wait3A_85 = arith.constant 0 : i32
      %dma_wait3A_86 = tpu.memref_slice %arg4[%mul3A_2, %dma_wait3A_85] : memref<10240x128xf32, #tpu.memory_space<hbm>> -> memref<320x128xf32, #tpu.memory_space<hbm>>
      %dma_wait3A_87 = arith.constant 0 : i32
      %dma_wait3A_88 = tpu.memref_slice %arg4[%mul3A_2, %dma_wait3A_87] : memref<10240x128xf32, #tpu.memory_space<hbm>> -> memref<320x128xf32, #tpu.memory_space<hbm>>
      tpu.wait_dma2 semaphore(%run_scoped3A : memref<!tpu.dma_semaphore, #tpu.memory_space<semaphore_mem>>) src(%arg6 : memref<320x128xf32, #tpu.memory_space<vmem>>) dst(%dma_wait3A_88 : memref<320x128xf32, #tpu.memory_space<hbm>>)
      tpu.yield
    }) : () -> ()
    return
  }
}

#map = affine_map<(d0, d1) -> (0, 0)>
#map1 = affine_map<(d0, d1) -> (0, 0, 0, 0)>
module attributes {stable_mosaic.version = 14 : i64} {
  func.func @_agg_kernel(%arg0: i32, %arg1: i32, %arg2: memref<10240x128xf32, #tpu.memory_space<hbm>>, %arg3: memref<5x32x4x80xi32, #tpu.memory_space<hbm>>, %arg4: memref<10240x128xf32, #tpu.memory_space<hbm>>, %arg5: memref<5x4x80xi32, #tpu.memory_space<vmem>>, %arg6: memref<320x128xf32, #tpu.memory_space<vmem>>, %arg7: memref<!tpu.dma_semaphore, #tpu.memory_space<semaphore_mem>>, %arg8: memref<!tpu.dma_semaphore, #tpu.memory_space<semaphore_mem>>) attributes {dimension_semantics = [#tpu.dimension_semantics<core_parallel>, #tpu.dimension_semantics<subcore_parallel>], iteration_bounds = array<i64: 2, 16>, scalar_prefetch = 0 : i64, scratch_operands = 4 : i64, tpu.core_type = #tpu.core_type<sc_vector_subcore>, window_params = [{transform_indices = #map}, {transform_indices = #map1}, {transform_indices = #map}]} {
    %mul3A = arith.constant 2 : i32
    %mul3A_0 = arith.muli %arg1, %mul3A : i32
    %add3A = arith.addi %mul3A_0, %arg0 : i32
    %mul3A_1 = arith.constant 320 : i32
    %mul3A_2 = arith.muli %add3A, %mul3A_1 : i32
    "tpu.region"() ({
      %run_scoped3A = tpu.sem_alloc : memref<!tpu.dma_semaphore, #tpu.memory_space<semaphore_mem>>
      %dma_start3A_441 = arith.constant 0 : i32
      %dma_start3A_442 = arith.constant 0 : i32
      %dma_start3A_443 = arith.constant 0 : i32
      %dma_start3A_444 = tpu.memref_slice %arg3[%dma_start3A_441, %add3A, %dma_start3A_442, %dma_start3A_443] : memref<5x32x4x80xi32, #tpu.memory_space<hbm>> -> memref<5x1x4x80xi32, #tpu.memory_space<hbm>>
      %dma_start3A_445 = tpu.memref_squeeze %dma_start3A_444 : memref<5x1x4x80xi32, #tpu.memory_space<hbm>> -> memref<5x4x80xi32, #tpu.memory_space<hbm>>
      %dma_start3A_446 = arith.constant 0 : i32
      %dma_start3A_447 = arith.constant 0 : i32
      %dma_start3A_448 = arith.constant 0 : i32
      %dma_start3A_449 = tpu.memref_slice %arg3[%dma_start3A_446, %add3A, %dma_start3A_447, %dma_start3A_448] : memref<5x32x4x80xi32, #tpu.memory_space<hbm>> -> memref<5x1x4x80xi32, #tpu.memory_space<hbm>>
      %dma_start3A_450 = tpu.memref_squeeze %dma_start3A_449 : memref<5x1x4x80xi32, #tpu.memory_space<hbm>> -> memref<5x4x80xi32, #tpu.memory_space<hbm>>
      tpu.enqueue_dma source(%dma_start3A_450 : memref<5x4x80xi32, #tpu.memory_space<hbm>>) target(%arg5 : memref<5x4x80xi32, #tpu.memory_space<vmem>>) target_semaphore(%run_scoped3A : memref<!tpu.dma_semaphore, #tpu.memory_space<semaphore_mem>>)
      %dma_wait3A_451 = arith.constant 0 : i32
      %dma_wait3A_452 = arith.constant 0 : i32
      %dma_wait3A_453 = arith.constant 0 : i32
      %dma_wait3A_454 = tpu.memref_slice %arg3[%dma_wait3A_451, %add3A, %dma_wait3A_452, %dma_wait3A_453] : memref<5x32x4x80xi32, #tpu.memory_space<hbm>> -> memref<5x1x4x80xi32, #tpu.memory_space<hbm>>
      %dma_wait3A_455 = tpu.memref_squeeze %dma_wait3A_454 : memref<5x1x4x80xi32, #tpu.memory_space<hbm>> -> memref<5x4x80xi32, #tpu.memory_space<hbm>>
      %dma_wait3A_456 = arith.constant 0 : i32
      %dma_wait3A_457 = arith.constant 0 : i32
      %dma_wait3A_458 = arith.constant 0 : i32
      %dma_wait3A_459 = tpu.memref_slice %arg3[%dma_wait3A_456, %add3A, %dma_wait3A_457, %dma_wait3A_458] : memref<5x32x4x80xi32, #tpu.memory_space<hbm>> -> memref<5x1x4x80xi32, #tpu.memory_space<hbm>>
      %dma_wait3A_460 = tpu.memref_squeeze %dma_wait3A_459 : memref<5x1x4x80xi32, #tpu.memory_space<hbm>> -> memref<5x4x80xi32, #tpu.memory_space<hbm>>
      tpu.wait_dma2 semaphore(%run_scoped3A : memref<!tpu.dma_semaphore, #tpu.memory_space<semaphore_mem>>) src(%dma_wait3A_460 : memref<5x4x80xi32, #tpu.memory_space<hbm>>) dst(%arg5 : memref<5x4x80xi32, #tpu.memory_space<vmem>>)
      tpu.yield
    }) : () -> ()
    %dma_start3A = arith.constant 0 : i32
    %dma_start3A_3 = arith.constant 0 : i32
    %dma_start3A_4 = arith.constant 0 : i32
    %dma_start3A_5 = arith.constant 0 : i32
    %dma_start3A_6 = tpu.memref_slice %arg6[%dma_start3A_4, %dma_start3A_5] : memref<320x128xf32, #tpu.memory_space<vmem>> -> memref<80x128xf32, #tpu.memory_space<vmem>>
    %dma_start3A_7 = arith.constant 0 : i32
    %dma_start3A_8 = tpu.memref_slice %arg5[%dma_start3A, %dma_start3A_3, %dma_start3A_7] : memref<5x4x80xi32, #tpu.memory_space<vmem>> -> memref<1x1x80xi32, #tpu.memory_space<vmem>>
    %dma_start3A_9 = tpu.memref_squeeze %dma_start3A_8 : memref<1x1x80xi32, #tpu.memory_space<vmem>> -> memref<80xi32, #tpu.memory_space<vmem>>
    %dma_start3A_10 = arith.constant 0 : i32
    %dma_start3A_11 = arith.constant 0 : i32
    %dma_start3A_12 = tpu.memref_slice %arg2[%dma_start3A_10, %dma_start3A_11] : memref<10240x128xf32, #tpu.memory_space<hbm>> -> memref<10240x128xf32, #tpu.memory_space<hbm>>
    tpu.enqueue_indirect_dma source(%dma_start3A_12 : memref<10240x128xf32, #tpu.memory_space<hbm>>) target(%dma_start3A_6 : memref<80x128xf32, #tpu.memory_space<vmem>>) offsets(%dma_start3A_9 : memref<80xi32, #tpu.memory_space<vmem>>) semaphore(%arg7 : memref<!tpu.dma_semaphore, #tpu.memory_space<semaphore_mem>>)
    %dma_start3A_13 = arith.constant 0 : i32
    %dma_start3A_14 = arith.constant 1 : i32
    %dma_start3A_15 = arith.constant 80 : i32
    %dma_start3A_16 = arith.constant 0 : i32
    %dma_start3A_17 = tpu.memref_slice %arg6[%dma_start3A_15, %dma_start3A_16] : memref<320x128xf32, #tpu.memory_space<vmem>> -> memref<80x128xf32, #tpu.memory_space<vmem>>
    %dma_start3A_18 = arith.constant 0 : i32
    %dma_start3A_19 = tpu.memref_slice %arg5[%dma_start3A_13, %dma_start3A_14, %dma_start3A_18] : memref<5x4x80xi32, #tpu.memory_space<vmem>> -> memref<1x1x80xi32, #tpu.memory_space<vmem>>
    %dma_start3A_20 = tpu.memref_squeeze %dma_start3A_19 : memref<1x1x80xi32, #tpu.memory_space<vmem>> -> memref<80xi32, #tpu.memory_space<vmem>>
    %dma_start3A_21 = arith.constant 0 : i32
    %dma_start3A_22 = arith.constant 0 : i32
    %dma_start3A_23 = tpu.memref_slice %arg2[%dma_start3A_21, %dma_start3A_22] : memref<10240x128xf32, #tpu.memory_space<hbm>> -> memref<10240x128xf32, #tpu.memory_space<hbm>>
    tpu.enqueue_indirect_dma source(%dma_start3A_23 : memref<10240x128xf32, #tpu.memory_space<hbm>>) target(%dma_start3A_17 : memref<80x128xf32, #tpu.memory_space<vmem>>) offsets(%dma_start3A_20 : memref<80xi32, #tpu.memory_space<vmem>>) semaphore(%arg7 : memref<!tpu.dma_semaphore, #tpu.memory_space<semaphore_mem>>)
    %dma_start3A_24 = arith.constant 0 : i32
    %dma_start3A_25 = arith.constant 2 : i32
    %dma_start3A_26 = arith.constant 160 : i32
    %dma_start3A_27 = arith.constant 0 : i32
    %dma_start3A_28 = tpu.memref_slice %arg6[%dma_start3A_26, %dma_start3A_27] : memref<320x128xf32, #tpu.memory_space<vmem>> -> memref<80x128xf32, #tpu.memory_space<vmem>>
    %dma_start3A_29 = arith.constant 0 : i32
    %dma_start3A_30 = tpu.memref_slice %arg5[%dma_start3A_24, %dma_start3A_25, %dma_start3A_29] : memref<5x4x80xi32, #tpu.memory_space<vmem>> -> memref<1x1x80xi32, #tpu.memory_space<vmem>>
    %dma_start3A_31 = tpu.memref_squeeze %dma_start3A_30 : memref<1x1x80xi32, #tpu.memory_space<vmem>> -> memref<80xi32, #tpu.memory_space<vmem>>
    %dma_start3A_32 = arith.constant 0 : i32
    %dma_start3A_33 = arith.constant 0 : i32
    %dma_start3A_34 = tpu.memref_slice %arg2[%dma_start3A_32, %dma_start3A_33] : memref<10240x128xf32, #tpu.memory_space<hbm>> -> memref<10240x128xf32, #tpu.memory_space<hbm>>
    tpu.enqueue_indirect_dma source(%dma_start3A_34 : memref<10240x128xf32, #tpu.memory_space<hbm>>) target(%dma_start3A_28 : memref<80x128xf32, #tpu.memory_space<vmem>>) offsets(%dma_start3A_31 : memref<80xi32, #tpu.memory_space<vmem>>) semaphore(%arg7 : memref<!tpu.dma_semaphore, #tpu.memory_space<semaphore_mem>>)
    %dma_start3A_35 = arith.constant 0 : i32
    %dma_start3A_36 = arith.constant 3 : i32
    %dma_start3A_37 = arith.constant 240 : i32
    %dma_start3A_38 = arith.constant 0 : i32
    %dma_start3A_39 = tpu.memref_slice %arg6[%dma_start3A_37, %dma_start3A_38] : memref<320x128xf32, #tpu.memory_space<vmem>> -> memref<80x128xf32, #tpu.memory_space<vmem>>
    %dma_start3A_40 = arith.constant 0 : i32
    %dma_start3A_41 = tpu.memref_slice %arg5[%dma_start3A_35, %dma_start3A_36, %dma_start3A_40] : memref<5x4x80xi32, #tpu.memory_space<vmem>> -> memref<1x1x80xi32, #tpu.memory_space<vmem>>
    %dma_start3A_42 = tpu.memref_squeeze %dma_start3A_41 : memref<1x1x80xi32, #tpu.memory_space<vmem>> -> memref<80xi32, #tpu.memory_space<vmem>>
    %dma_start3A_43 = arith.constant 0 : i32
    %dma_start3A_44 = arith.constant 0 : i32
    %dma_start3A_45 = tpu.memref_slice %arg2[%dma_start3A_43, %dma_start3A_44] : memref<10240x128xf32, #tpu.memory_space<hbm>> -> memref<10240x128xf32, #tpu.memory_space<hbm>>
    tpu.enqueue_indirect_dma source(%dma_start3A_45 : memref<10240x128xf32, #tpu.memory_space<hbm>>) target(%dma_start3A_39 : memref<80x128xf32, #tpu.memory_space<vmem>>) offsets(%dma_start3A_42 : memref<80xi32, #tpu.memory_space<vmem>>) semaphore(%arg7 : memref<!tpu.dma_semaphore, #tpu.memory_space<semaphore_mem>>)
    %dma_wait3A = arith.constant 0 : i32
    %dma_wait3A_46 = arith.constant 0 : i32
    %dma_wait3A_47 = arith.constant 0 : i32
    %dma_wait3A_48 = arith.constant 0 : i32
    %dma_wait3A_49 = tpu.memref_slice %arg6[%dma_wait3A_47, %dma_wait3A_48] : memref<320x128xf32, #tpu.memory_space<vmem>> -> memref<80x128xf32, #tpu.memory_space<vmem>>
    %dma_wait3A_50 = arith.constant 0 : i32
    %dma_wait3A_51 = tpu.memref_slice %arg5[%dma_wait3A, %dma_wait3A_46, %dma_wait3A_50] : memref<5x4x80xi32, #tpu.memory_space<vmem>> -> memref<1x1x80xi32, #tpu.memory_space<vmem>>
    %dma_wait3A_52 = tpu.memref_squeeze %dma_wait3A_51 : memref<1x1x80xi32, #tpu.memory_space<vmem>> -> memref<80xi32, #tpu.memory_space<vmem>>
    %dma_wait3A_53 = arith.constant 0 : i32
    %dma_wait3A_54 = arith.constant 0 : i32
    %dma_wait3A_55 = tpu.memref_slice %arg2[%dma_wait3A_53, %dma_wait3A_54] : memref<10240x128xf32, #tpu.memory_space<hbm>> -> memref<10240x128xf32, #tpu.memory_space<hbm>>
    tpu.wait_indirect_dma semaphore(%arg7 : memref<!tpu.dma_semaphore, #tpu.memory_space<semaphore_mem>>) src(%dma_wait3A_55 : memref<10240x128xf32, #tpu.memory_space<hbm>>) dst(%dma_wait3A_49 : memref<80x128xf32, #tpu.memory_space<vmem>>)
    %dma_wait3A_56 = arith.constant 0 : i32
    %dma_wait3A_57 = arith.constant 1 : i32
    %dma_wait3A_58 = arith.constant 80 : i32
    %dma_wait3A_59 = arith.constant 0 : i32
    %dma_wait3A_60 = tpu.memref_slice %arg6[%dma_wait3A_58, %dma_wait3A_59] : memref<320x128xf32, #tpu.memory_space<vmem>> -> memref<80x128xf32, #tpu.memory_space<vmem>>
    %dma_wait3A_61 = arith.constant 0 : i32
    %dma_wait3A_62 = tpu.memref_slice %arg5[%dma_wait3A_56, %dma_wait3A_57, %dma_wait3A_61] : memref<5x4x80xi32, #tpu.memory_space<vmem>> -> memref<1x1x80xi32, #tpu.memory_space<vmem>>
    %dma_wait3A_63 = tpu.memref_squeeze %dma_wait3A_62 : memref<1x1x80xi32, #tpu.memory_space<vmem>> -> memref<80xi32, #tpu.memory_space<vmem>>
    %dma_wait3A_64 = arith.constant 0 : i32
    %dma_wait3A_65 = arith.constant 0 : i32
    %dma_wait3A_66 = tpu.memref_slice %arg2[%dma_wait3A_64, %dma_wait3A_65] : memref<10240x128xf32, #tpu.memory_space<hbm>> -> memref<10240x128xf32, #tpu.memory_space<hbm>>
    tpu.wait_indirect_dma semaphore(%arg7 : memref<!tpu.dma_semaphore, #tpu.memory_space<semaphore_mem>>) src(%dma_wait3A_66 : memref<10240x128xf32, #tpu.memory_space<hbm>>) dst(%dma_wait3A_60 : memref<80x128xf32, #tpu.memory_space<vmem>>)
    %dma_wait3A_67 = arith.constant 0 : i32
    %dma_wait3A_68 = arith.constant 2 : i32
    %dma_wait3A_69 = arith.constant 160 : i32
    %dma_wait3A_70 = arith.constant 0 : i32
    %dma_wait3A_71 = tpu.memref_slice %arg6[%dma_wait3A_69, %dma_wait3A_70] : memref<320x128xf32, #tpu.memory_space<vmem>> -> memref<80x128xf32, #tpu.memory_space<vmem>>
    %dma_wait3A_72 = arith.constant 0 : i32
    %dma_wait3A_73 = tpu.memref_slice %arg5[%dma_wait3A_67, %dma_wait3A_68, %dma_wait3A_72] : memref<5x4x80xi32, #tpu.memory_space<vmem>> -> memref<1x1x80xi32, #tpu.memory_space<vmem>>
    %dma_wait3A_74 = tpu.memref_squeeze %dma_wait3A_73 : memref<1x1x80xi32, #tpu.memory_space<vmem>> -> memref<80xi32, #tpu.memory_space<vmem>>
    %dma_wait3A_75 = arith.constant 0 : i32
    %dma_wait3A_76 = arith.constant 0 : i32
    %dma_wait3A_77 = tpu.memref_slice %arg2[%dma_wait3A_75, %dma_wait3A_76] : memref<10240x128xf32, #tpu.memory_space<hbm>> -> memref<10240x128xf32, #tpu.memory_space<hbm>>
    tpu.wait_indirect_dma semaphore(%arg7 : memref<!tpu.dma_semaphore, #tpu.memory_space<semaphore_mem>>) src(%dma_wait3A_77 : memref<10240x128xf32, #tpu.memory_space<hbm>>) dst(%dma_wait3A_71 : memref<80x128xf32, #tpu.memory_space<vmem>>)
    %dma_wait3A_78 = arith.constant 0 : i32
    %dma_wait3A_79 = arith.constant 3 : i32
    %dma_wait3A_80 = arith.constant 240 : i32
    %dma_wait3A_81 = arith.constant 0 : i32
    %dma_wait3A_82 = tpu.memref_slice %arg6[%dma_wait3A_80, %dma_wait3A_81] : memref<320x128xf32, #tpu.memory_space<vmem>> -> memref<80x128xf32, #tpu.memory_space<vmem>>
    %dma_wait3A_83 = arith.constant 0 : i32
    %dma_wait3A_84 = tpu.memref_slice %arg5[%dma_wait3A_78, %dma_wait3A_79, %dma_wait3A_83] : memref<5x4x80xi32, #tpu.memory_space<vmem>> -> memref<1x1x80xi32, #tpu.memory_space<vmem>>
    %dma_wait3A_85 = tpu.memref_squeeze %dma_wait3A_84 : memref<1x1x80xi32, #tpu.memory_space<vmem>> -> memref<80xi32, #tpu.memory_space<vmem>>
    %dma_wait3A_86 = arith.constant 0 : i32
    %dma_wait3A_87 = arith.constant 0 : i32
    %dma_wait3A_88 = tpu.memref_slice %arg2[%dma_wait3A_86, %dma_wait3A_87] : memref<10240x128xf32, #tpu.memory_space<hbm>> -> memref<10240x128xf32, #tpu.memory_space<hbm>>
    tpu.wait_indirect_dma semaphore(%arg7 : memref<!tpu.dma_semaphore, #tpu.memory_space<semaphore_mem>>) src(%dma_wait3A_88 : memref<10240x128xf32, #tpu.memory_space<hbm>>) dst(%dma_wait3A_82 : memref<80x128xf32, #tpu.memory_space<vmem>>)
    %dma_start3A_89 = arith.constant 1 : i32
    %dma_start3A_90 = arith.constant 0 : i32
    %dma_start3A_91 = arith.constant 0 : i32
    %dma_start3A_92 = arith.constant 0 : i32
    %dma_start3A_93 = tpu.memref_slice %arg6[%dma_start3A_91, %dma_start3A_92] : memref<320x128xf32, #tpu.memory_space<vmem>> -> memref<80x128xf32, #tpu.memory_space<vmem>>
    %dma_start3A_94 = arith.constant 0 : i32
    %dma_start3A_95 = tpu.memref_slice %arg5[%dma_start3A_89, %dma_start3A_90, %dma_start3A_94] : memref<5x4x80xi32, #tpu.memory_space<vmem>> -> memref<1x1x80xi32, #tpu.memory_space<vmem>>
    %dma_start3A_96 = tpu.memref_squeeze %dma_start3A_95 : memref<1x1x80xi32, #tpu.memory_space<vmem>> -> memref<80xi32, #tpu.memory_space<vmem>>
    %dma_start3A_97 = arith.constant 0 : i32
    %dma_start3A_98 = arith.constant 0 : i32
    %dma_start3A_99 = tpu.memref_slice %arg2[%dma_start3A_97, %dma_start3A_98] : memref<10240x128xf32, #tpu.memory_space<hbm>> -> memref<10240x128xf32, #tpu.memory_space<hbm>>
    tpu.enqueue_indirect_dma source(%dma_start3A_99 : memref<10240x128xf32, #tpu.memory_space<hbm>>) target(%dma_start3A_93 : memref<80x128xf32, #tpu.memory_space<vmem>>) offsets(%dma_start3A_96 : memref<80xi32, #tpu.memory_space<vmem>>) semaphore(%arg8 : memref<!tpu.dma_semaphore, #tpu.memory_space<semaphore_mem>>) {add = true}
    %dma_start3A_100 = arith.constant 1 : i32
    %dma_start3A_101 = arith.constant 1 : i32
    %dma_start3A_102 = arith.constant 80 : i32
    %dma_start3A_103 = arith.constant 0 : i32
    %dma_start3A_104 = tpu.memref_slice %arg6[%dma_start3A_102, %dma_start3A_103] : memref<320x128xf32, #tpu.memory_space<vmem>> -> memref<80x128xf32, #tpu.memory_space<vmem>>
    %dma_start3A_105 = arith.constant 0 : i32
    %dma_start3A_106 = tpu.memref_slice %arg5[%dma_start3A_100, %dma_start3A_101, %dma_start3A_105] : memref<5x4x80xi32, #tpu.memory_space<vmem>> -> memref<1x1x80xi32, #tpu.memory_space<vmem>>
    %dma_start3A_107 = tpu.memref_squeeze %dma_start3A_106 : memref<1x1x80xi32, #tpu.memory_space<vmem>> -> memref<80xi32, #tpu.memory_space<vmem>>
    %dma_start3A_108 = arith.constant 0 : i32
    %dma_start3A_109 = arith.constant 0 : i32
    %dma_start3A_110 = tpu.memref_slice %arg2[%dma_start3A_108, %dma_start3A_109] : memref<10240x128xf32, #tpu.memory_space<hbm>> -> memref<10240x128xf32, #tpu.memory_space<hbm>>
    tpu.enqueue_indirect_dma source(%dma_start3A_110 : memref<10240x128xf32, #tpu.memory_space<hbm>>) target(%dma_start3A_104 : memref<80x128xf32, #tpu.memory_space<vmem>>) offsets(%dma_start3A_107 : memref<80xi32, #tpu.memory_space<vmem>>) semaphore(%arg8 : memref<!tpu.dma_semaphore, #tpu.memory_space<semaphore_mem>>) {add = true}
    %dma_start3A_111 = arith.constant 1 : i32
    %dma_start3A_112 = arith.constant 2 : i32
    %dma_start3A_113 = arith.constant 160 : i32
    %dma_start3A_114 = arith.constant 0 : i32
    %dma_start3A_115 = tpu.memref_slice %arg6[%dma_start3A_113, %dma_start3A_114] : memref<320x128xf32, #tpu.memory_space<vmem>> -> memref<80x128xf32, #tpu.memory_space<vmem>>
    %dma_start3A_116 = arith.constant 0 : i32
    %dma_start3A_117 = tpu.memref_slice %arg5[%dma_start3A_111, %dma_start3A_112, %dma_start3A_116] : memref<5x4x80xi32, #tpu.memory_space<vmem>> -> memref<1x1x80xi32, #tpu.memory_space<vmem>>
    %dma_start3A_118 = tpu.memref_squeeze %dma_start3A_117 : memref<1x1x80xi32, #tpu.memory_space<vmem>> -> memref<80xi32, #tpu.memory_space<vmem>>
    %dma_start3A_119 = arith.constant 0 : i32
    %dma_start3A_120 = arith.constant 0 : i32
    %dma_start3A_121 = tpu.memref_slice %arg2[%dma_start3A_119, %dma_start3A_120] : memref<10240x128xf32, #tpu.memory_space<hbm>> -> memref<10240x128xf32, #tpu.memory_space<hbm>>
    tpu.enqueue_indirect_dma source(%dma_start3A_121 : memref<10240x128xf32, #tpu.memory_space<hbm>>) target(%dma_start3A_115 : memref<80x128xf32, #tpu.memory_space<vmem>>) offsets(%dma_start3A_118 : memref<80xi32, #tpu.memory_space<vmem>>) semaphore(%arg8 : memref<!tpu.dma_semaphore, #tpu.memory_space<semaphore_mem>>) {add = true}
    %dma_start3A_122 = arith.constant 1 : i32
    %dma_start3A_123 = arith.constant 3 : i32
    %dma_start3A_124 = arith.constant 240 : i32
    %dma_start3A_125 = arith.constant 0 : i32
    %dma_start3A_126 = tpu.memref_slice %arg6[%dma_start3A_124, %dma_start3A_125] : memref<320x128xf32, #tpu.memory_space<vmem>> -> memref<80x128xf32, #tpu.memory_space<vmem>>
    %dma_start3A_127 = arith.constant 0 : i32
    %dma_start3A_128 = tpu.memref_slice %arg5[%dma_start3A_122, %dma_start3A_123, %dma_start3A_127] : memref<5x4x80xi32, #tpu.memory_space<vmem>> -> memref<1x1x80xi32, #tpu.memory_space<vmem>>
    %dma_start3A_129 = tpu.memref_squeeze %dma_start3A_128 : memref<1x1x80xi32, #tpu.memory_space<vmem>> -> memref<80xi32, #tpu.memory_space<vmem>>
    %dma_start3A_130 = arith.constant 0 : i32
    %dma_start3A_131 = arith.constant 0 : i32
    %dma_start3A_132 = tpu.memref_slice %arg2[%dma_start3A_130, %dma_start3A_131] : memref<10240x128xf32, #tpu.memory_space<hbm>> -> memref<10240x128xf32, #tpu.memory_space<hbm>>
    tpu.enqueue_indirect_dma source(%dma_start3A_132 : memref<10240x128xf32, #tpu.memory_space<hbm>>) target(%dma_start3A_126 : memref<80x128xf32, #tpu.memory_space<vmem>>) offsets(%dma_start3A_129 : memref<80xi32, #tpu.memory_space<vmem>>) semaphore(%arg8 : memref<!tpu.dma_semaphore, #tpu.memory_space<semaphore_mem>>) {add = true}
    %dma_start3A_133 = arith.constant 2 : i32
    %dma_start3A_134 = arith.constant 0 : i32
    %dma_start3A_135 = arith.constant 0 : i32
    %dma_start3A_136 = arith.constant 0 : i32
    %dma_start3A_137 = tpu.memref_slice %arg6[%dma_start3A_135, %dma_start3A_136] : memref<320x128xf32, #tpu.memory_space<vmem>> -> memref<80x128xf32, #tpu.memory_space<vmem>>
    %dma_start3A_138 = arith.constant 0 : i32
    %dma_start3A_139 = tpu.memref_slice %arg5[%dma_start3A_133, %dma_start3A_134, %dma_start3A_138] : memref<5x4x80xi32, #tpu.memory_space<vmem>> -> memref<1x1x80xi32, #tpu.memory_space<vmem>>
    %dma_start3A_140 = tpu.memref_squeeze %dma_start3A_139 : memref<1x1x80xi32, #tpu.memory_space<vmem>> -> memref<80xi32, #tpu.memory_space<vmem>>
    %dma_start3A_141 = arith.constant 0 : i32
    %dma_start3A_142 = arith.constant 0 : i32
    %dma_start3A_143 = tpu.memref_slice %arg2[%dma_start3A_141, %dma_start3A_142] : memref<10240x128xf32, #tpu.memory_space<hbm>> -> memref<10240x128xf32, #tpu.memory_space<hbm>>
    tpu.enqueue_indirect_dma source(%dma_start3A_143 : memref<10240x128xf32, #tpu.memory_space<hbm>>) target(%dma_start3A_137 : memref<80x128xf32, #tpu.memory_space<vmem>>) offsets(%dma_start3A_140 : memref<80xi32, #tpu.memory_space<vmem>>) semaphore(%arg8 : memref<!tpu.dma_semaphore, #tpu.memory_space<semaphore_mem>>) {add = true}
    %dma_start3A_144 = arith.constant 2 : i32
    %dma_start3A_145 = arith.constant 1 : i32
    %dma_start3A_146 = arith.constant 80 : i32
    %dma_start3A_147 = arith.constant 0 : i32
    %dma_start3A_148 = tpu.memref_slice %arg6[%dma_start3A_146, %dma_start3A_147] : memref<320x128xf32, #tpu.memory_space<vmem>> -> memref<80x128xf32, #tpu.memory_space<vmem>>
    %dma_start3A_149 = arith.constant 0 : i32
    %dma_start3A_150 = tpu.memref_slice %arg5[%dma_start3A_144, %dma_start3A_145, %dma_start3A_149] : memref<5x4x80xi32, #tpu.memory_space<vmem>> -> memref<1x1x80xi32, #tpu.memory_space<vmem>>
    %dma_start3A_151 = tpu.memref_squeeze %dma_start3A_150 : memref<1x1x80xi32, #tpu.memory_space<vmem>> -> memref<80xi32, #tpu.memory_space<vmem>>
    %dma_start3A_152 = arith.constant 0 : i32
    %dma_start3A_153 = arith.constant 0 : i32
    %dma_start3A_154 = tpu.memref_slice %arg2[%dma_start3A_152, %dma_start3A_153] : memref<10240x128xf32, #tpu.memory_space<hbm>> -> memref<10240x128xf32, #tpu.memory_space<hbm>>
    tpu.enqueue_indirect_dma source(%dma_start3A_154 : memref<10240x128xf32, #tpu.memory_space<hbm>>) target(%dma_start3A_148 : memref<80x128xf32, #tpu.memory_space<vmem>>) offsets(%dma_start3A_151 : memref<80xi32, #tpu.memory_space<vmem>>) semaphore(%arg8 : memref<!tpu.dma_semaphore, #tpu.memory_space<semaphore_mem>>) {add = true}
    %dma_start3A_155 = arith.constant 2 : i32
    %dma_start3A_156 = arith.constant 2 : i32
    %dma_start3A_157 = arith.constant 160 : i32
    %dma_start3A_158 = arith.constant 0 : i32
    %dma_start3A_159 = tpu.memref_slice %arg6[%dma_start3A_157, %dma_start3A_158] : memref<320x128xf32, #tpu.memory_space<vmem>> -> memref<80x128xf32, #tpu.memory_space<vmem>>
    %dma_start3A_160 = arith.constant 0 : i32
    %dma_start3A_161 = tpu.memref_slice %arg5[%dma_start3A_155, %dma_start3A_156, %dma_start3A_160] : memref<5x4x80xi32, #tpu.memory_space<vmem>> -> memref<1x1x80xi32, #tpu.memory_space<vmem>>
    %dma_start3A_162 = tpu.memref_squeeze %dma_start3A_161 : memref<1x1x80xi32, #tpu.memory_space<vmem>> -> memref<80xi32, #tpu.memory_space<vmem>>
    %dma_start3A_163 = arith.constant 0 : i32
    %dma_start3A_164 = arith.constant 0 : i32
    %dma_start3A_165 = tpu.memref_slice %arg2[%dma_start3A_163, %dma_start3A_164] : memref<10240x128xf32, #tpu.memory_space<hbm>> -> memref<10240x128xf32, #tpu.memory_space<hbm>>
    tpu.enqueue_indirect_dma source(%dma_start3A_165 : memref<10240x128xf32, #tpu.memory_space<hbm>>) target(%dma_start3A_159 : memref<80x128xf32, #tpu.memory_space<vmem>>) offsets(%dma_start3A_162 : memref<80xi32, #tpu.memory_space<vmem>>) semaphore(%arg8 : memref<!tpu.dma_semaphore, #tpu.memory_space<semaphore_mem>>) {add = true}
    %dma_start3A_166 = arith.constant 2 : i32
    %dma_start3A_167 = arith.constant 3 : i32
    %dma_start3A_168 = arith.constant 240 : i32
    %dma_start3A_169 = arith.constant 0 : i32
    %dma_start3A_170 = tpu.memref_slice %arg6[%dma_start3A_168, %dma_start3A_169] : memref<320x128xf32, #tpu.memory_space<vmem>> -> memref<80x128xf32, #tpu.memory_space<vmem>>
    %dma_start3A_171 = arith.constant 0 : i32
    %dma_start3A_172 = tpu.memref_slice %arg5[%dma_start3A_166, %dma_start3A_167, %dma_start3A_171] : memref<5x4x80xi32, #tpu.memory_space<vmem>> -> memref<1x1x80xi32, #tpu.memory_space<vmem>>
    %dma_start3A_173 = tpu.memref_squeeze %dma_start3A_172 : memref<1x1x80xi32, #tpu.memory_space<vmem>> -> memref<80xi32, #tpu.memory_space<vmem>>
    %dma_start3A_174 = arith.constant 0 : i32
    %dma_start3A_175 = arith.constant 0 : i32
    %dma_start3A_176 = tpu.memref_slice %arg2[%dma_start3A_174, %dma_start3A_175] : memref<10240x128xf32, #tpu.memory_space<hbm>> -> memref<10240x128xf32, #tpu.memory_space<hbm>>
    tpu.enqueue_indirect_dma source(%dma_start3A_176 : memref<10240x128xf32, #tpu.memory_space<hbm>>) target(%dma_start3A_170 : memref<80x128xf32, #tpu.memory_space<vmem>>) offsets(%dma_start3A_173 : memref<80xi32, #tpu.memory_space<vmem>>) semaphore(%arg8 : memref<!tpu.dma_semaphore, #tpu.memory_space<semaphore_mem>>) {add = true}
    %dma_start3A_177 = arith.constant 3 : i32
    %dma_start3A_178 = arith.constant 0 : i32
    %dma_start3A_179 = arith.constant 0 : i32
    %dma_start3A_180 = arith.constant 0 : i32
    %dma_start3A_181 = tpu.memref_slice %arg6[%dma_start3A_179, %dma_start3A_180] : memref<320x128xf32, #tpu.memory_space<vmem>> -> memref<80x128xf32, #tpu.memory_space<vmem>>
    %dma_start3A_182 = arith.constant 0 : i32
    %dma_start3A_183 = tpu.memref_slice %arg5[%dma_start3A_177, %dma_start3A_178, %dma_start3A_182] : memref<5x4x80xi32, #tpu.memory_space<vmem>> -> memref<1x1x80xi32, #tpu.memory_space<vmem>>
    %dma_start3A_184 = tpu.memref_squeeze %dma_start3A_183 : memref<1x1x80xi32, #tpu.memory_space<vmem>> -> memref<80xi32, #tpu.memory_space<vmem>>
    %dma_start3A_185 = arith.constant 0 : i32
    %dma_start3A_186 = arith.constant 0 : i32
    %dma_start3A_187 = tpu.memref_slice %arg2[%dma_start3A_185, %dma_start3A_186] : memref<10240x128xf32, #tpu.memory_space<hbm>> -> memref<10240x128xf32, #tpu.memory_space<hbm>>
    tpu.enqueue_indirect_dma source(%dma_start3A_187 : memref<10240x128xf32, #tpu.memory_space<hbm>>) target(%dma_start3A_181 : memref<80x128xf32, #tpu.memory_space<vmem>>) offsets(%dma_start3A_184 : memref<80xi32, #tpu.memory_space<vmem>>) semaphore(%arg8 : memref<!tpu.dma_semaphore, #tpu.memory_space<semaphore_mem>>) {add = true}
    %dma_start3A_188 = arith.constant 3 : i32
    %dma_start3A_189 = arith.constant 1 : i32
    %dma_start3A_190 = arith.constant 80 : i32
    %dma_start3A_191 = arith.constant 0 : i32
    %dma_start3A_192 = tpu.memref_slice %arg6[%dma_start3A_190, %dma_start3A_191] : memref<320x128xf32, #tpu.memory_space<vmem>> -> memref<80x128xf32, #tpu.memory_space<vmem>>
    %dma_start3A_193 = arith.constant 0 : i32
    %dma_start3A_194 = tpu.memref_slice %arg5[%dma_start3A_188, %dma_start3A_189, %dma_start3A_193] : memref<5x4x80xi32, #tpu.memory_space<vmem>> -> memref<1x1x80xi32, #tpu.memory_space<vmem>>
    %dma_start3A_195 = tpu.memref_squeeze %dma_start3A_194 : memref<1x1x80xi32, #tpu.memory_space<vmem>> -> memref<80xi32, #tpu.memory_space<vmem>>
    %dma_start3A_196 = arith.constant 0 : i32
    %dma_start3A_197 = arith.constant 0 : i32
    %dma_start3A_198 = tpu.memref_slice %arg2[%dma_start3A_196, %dma_start3A_197] : memref<10240x128xf32, #tpu.memory_space<hbm>> -> memref<10240x128xf32, #tpu.memory_space<hbm>>
    tpu.enqueue_indirect_dma source(%dma_start3A_198 : memref<10240x128xf32, #tpu.memory_space<hbm>>) target(%dma_start3A_192 : memref<80x128xf32, #tpu.memory_space<vmem>>) offsets(%dma_start3A_195 : memref<80xi32, #tpu.memory_space<vmem>>) semaphore(%arg8 : memref<!tpu.dma_semaphore, #tpu.memory_space<semaphore_mem>>) {add = true}
    %dma_start3A_199 = arith.constant 3 : i32
    %dma_start3A_200 = arith.constant 2 : i32
    %dma_start3A_201 = arith.constant 160 : i32
    %dma_start3A_202 = arith.constant 0 : i32
    %dma_start3A_203 = tpu.memref_slice %arg6[%dma_start3A_201, %dma_start3A_202] : memref<320x128xf32, #tpu.memory_space<vmem>> -> memref<80x128xf32, #tpu.memory_space<vmem>>
    %dma_start3A_204 = arith.constant 0 : i32
    %dma_start3A_205 = tpu.memref_slice %arg5[%dma_start3A_199, %dma_start3A_200, %dma_start3A_204] : memref<5x4x80xi32, #tpu.memory_space<vmem>> -> memref<1x1x80xi32, #tpu.memory_space<vmem>>
    %dma_start3A_206 = tpu.memref_squeeze %dma_start3A_205 : memref<1x1x80xi32, #tpu.memory_space<vmem>> -> memref<80xi32, #tpu.memory_space<vmem>>
    %dma_start3A_207 = arith.constant 0 : i32
    %dma_start3A_208 = arith.constant 0 : i32
    %dma_start3A_209 = tpu.memref_slice %arg2[%dma_start3A_207, %dma_start3A_208] : memref<10240x128xf32, #tpu.memory_space<hbm>> -> memref<10240x128xf32, #tpu.memory_space<hbm>>
    tpu.enqueue_indirect_dma source(%dma_start3A_209 : memref<10240x128xf32, #tpu.memory_space<hbm>>) target(%dma_start3A_203 : memref<80x128xf32, #tpu.memory_space<vmem>>) offsets(%dma_start3A_206 : memref<80xi32, #tpu.memory_space<vmem>>) semaphore(%arg8 : memref<!tpu.dma_semaphore, #tpu.memory_space<semaphore_mem>>) {add = true}
    %dma_start3A_210 = arith.constant 3 : i32
    %dma_start3A_211 = arith.constant 3 : i32
    %dma_start3A_212 = arith.constant 240 : i32
    %dma_start3A_213 = arith.constant 0 : i32
    %dma_start3A_214 = tpu.memref_slice %arg6[%dma_start3A_212, %dma_start3A_213] : memref<320x128xf32, #tpu.memory_space<vmem>> -> memref<80x128xf32, #tpu.memory_space<vmem>>
    %dma_start3A_215 = arith.constant 0 : i32
    %dma_start3A_216 = tpu.memref_slice %arg5[%dma_start3A_210, %dma_start3A_211, %dma_start3A_215] : memref<5x4x80xi32, #tpu.memory_space<vmem>> -> memref<1x1x80xi32, #tpu.memory_space<vmem>>
    %dma_start3A_217 = tpu.memref_squeeze %dma_start3A_216 : memref<1x1x80xi32, #tpu.memory_space<vmem>> -> memref<80xi32, #tpu.memory_space<vmem>>
    %dma_start3A_218 = arith.constant 0 : i32
    %dma_start3A_219 = arith.constant 0 : i32
    %dma_start3A_220 = tpu.memref_slice %arg2[%dma_start3A_218, %dma_start3A_219] : memref<10240x128xf32, #tpu.memory_space<hbm>> -> memref<10240x128xf32, #tpu.memory_space<hbm>>
    tpu.enqueue_indirect_dma source(%dma_start3A_220 : memref<10240x128xf32, #tpu.memory_space<hbm>>) target(%dma_start3A_214 : memref<80x128xf32, #tpu.memory_space<vmem>>) offsets(%dma_start3A_217 : memref<80xi32, #tpu.memory_space<vmem>>) semaphore(%arg8 : memref<!tpu.dma_semaphore, #tpu.memory_space<semaphore_mem>>) {add = true}
    %dma_start3A_221 = arith.constant 4 : i32
    %dma_start3A_222 = arith.constant 0 : i32
    %dma_start3A_223 = arith.constant 0 : i32
    %dma_start3A_224 = arith.constant 0 : i32
    %dma_start3A_225 = tpu.memref_slice %arg6[%dma_start3A_223, %dma_start3A_224] : memref<320x128xf32, #tpu.memory_space<vmem>> -> memref<80x128xf32, #tpu.memory_space<vmem>>
    %dma_start3A_226 = arith.constant 0 : i32
    %dma_start3A_227 = tpu.memref_slice %arg5[%dma_start3A_221, %dma_start3A_222, %dma_start3A_226] : memref<5x4x80xi32, #tpu.memory_space<vmem>> -> memref<1x1x80xi32, #tpu.memory_space<vmem>>
    %dma_start3A_228 = tpu.memref_squeeze %dma_start3A_227 : memref<1x1x80xi32, #tpu.memory_space<vmem>> -> memref<80xi32, #tpu.memory_space<vmem>>
    %dma_start3A_229 = arith.constant 0 : i32
    %dma_start3A_230 = arith.constant 0 : i32
    %dma_start3A_231 = tpu.memref_slice %arg2[%dma_start3A_229, %dma_start3A_230] : memref<10240x128xf32, #tpu.memory_space<hbm>> -> memref<10240x128xf32, #tpu.memory_space<hbm>>
    tpu.enqueue_indirect_dma source(%dma_start3A_231 : memref<10240x128xf32, #tpu.memory_space<hbm>>) target(%dma_start3A_225 : memref<80x128xf32, #tpu.memory_space<vmem>>) offsets(%dma_start3A_228 : memref<80xi32, #tpu.memory_space<vmem>>) semaphore(%arg8 : memref<!tpu.dma_semaphore, #tpu.memory_space<semaphore_mem>>) {add = true}
    %dma_start3A_232 = arith.constant 4 : i32
    %dma_start3A_233 = arith.constant 1 : i32
    %dma_start3A_234 = arith.constant 80 : i32
    %dma_start3A_235 = arith.constant 0 : i32
    %dma_start3A_236 = tpu.memref_slice %arg6[%dma_start3A_234, %dma_start3A_235] : memref<320x128xf32, #tpu.memory_space<vmem>> -> memref<80x128xf32, #tpu.memory_space<vmem>>
    %dma_start3A_237 = arith.constant 0 : i32
    %dma_start3A_238 = tpu.memref_slice %arg5[%dma_start3A_232, %dma_start3A_233, %dma_start3A_237] : memref<5x4x80xi32, #tpu.memory_space<vmem>> -> memref<1x1x80xi32, #tpu.memory_space<vmem>>
    %dma_start3A_239 = tpu.memref_squeeze %dma_start3A_238 : memref<1x1x80xi32, #tpu.memory_space<vmem>> -> memref<80xi32, #tpu.memory_space<vmem>>
    %dma_start3A_240 = arith.constant 0 : i32
    %dma_start3A_241 = arith.constant 0 : i32
    %dma_start3A_242 = tpu.memref_slice %arg2[%dma_start3A_240, %dma_start3A_241] : memref<10240x128xf32, #tpu.memory_space<hbm>> -> memref<10240x128xf32, #tpu.memory_space<hbm>>
    tpu.enqueue_indirect_dma source(%dma_start3A_242 : memref<10240x128xf32, #tpu.memory_space<hbm>>) target(%dma_start3A_236 : memref<80x128xf32, #tpu.memory_space<vmem>>) offsets(%dma_start3A_239 : memref<80xi32, #tpu.memory_space<vmem>>) semaphore(%arg8 : memref<!tpu.dma_semaphore, #tpu.memory_space<semaphore_mem>>) {add = true}
    %dma_start3A_243 = arith.constant 4 : i32
    %dma_start3A_244 = arith.constant 2 : i32
    %dma_start3A_245 = arith.constant 160 : i32
    %dma_start3A_246 = arith.constant 0 : i32
    %dma_start3A_247 = tpu.memref_slice %arg6[%dma_start3A_245, %dma_start3A_246] : memref<320x128xf32, #tpu.memory_space<vmem>> -> memref<80x128xf32, #tpu.memory_space<vmem>>
    %dma_start3A_248 = arith.constant 0 : i32
    %dma_start3A_249 = tpu.memref_slice %arg5[%dma_start3A_243, %dma_start3A_244, %dma_start3A_248] : memref<5x4x80xi32, #tpu.memory_space<vmem>> -> memref<1x1x80xi32, #tpu.memory_space<vmem>>
    %dma_start3A_250 = tpu.memref_squeeze %dma_start3A_249 : memref<1x1x80xi32, #tpu.memory_space<vmem>> -> memref<80xi32, #tpu.memory_space<vmem>>
    %dma_start3A_251 = arith.constant 0 : i32
    %dma_start3A_252 = arith.constant 0 : i32
    %dma_start3A_253 = tpu.memref_slice %arg2[%dma_start3A_251, %dma_start3A_252] : memref<10240x128xf32, #tpu.memory_space<hbm>> -> memref<10240x128xf32, #tpu.memory_space<hbm>>
    tpu.enqueue_indirect_dma source(%dma_start3A_253 : memref<10240x128xf32, #tpu.memory_space<hbm>>) target(%dma_start3A_247 : memref<80x128xf32, #tpu.memory_space<vmem>>) offsets(%dma_start3A_250 : memref<80xi32, #tpu.memory_space<vmem>>) semaphore(%arg8 : memref<!tpu.dma_semaphore, #tpu.memory_space<semaphore_mem>>) {add = true}
    %dma_start3A_254 = arith.constant 4 : i32
    %dma_start3A_255 = arith.constant 3 : i32
    %dma_start3A_256 = arith.constant 240 : i32
    %dma_start3A_257 = arith.constant 0 : i32
    %dma_start3A_258 = tpu.memref_slice %arg6[%dma_start3A_256, %dma_start3A_257] : memref<320x128xf32, #tpu.memory_space<vmem>> -> memref<80x128xf32, #tpu.memory_space<vmem>>
    %dma_start3A_259 = arith.constant 0 : i32
    %dma_start3A_260 = tpu.memref_slice %arg5[%dma_start3A_254, %dma_start3A_255, %dma_start3A_259] : memref<5x4x80xi32, #tpu.memory_space<vmem>> -> memref<1x1x80xi32, #tpu.memory_space<vmem>>
    %dma_start3A_261 = tpu.memref_squeeze %dma_start3A_260 : memref<1x1x80xi32, #tpu.memory_space<vmem>> -> memref<80xi32, #tpu.memory_space<vmem>>
    %dma_start3A_262 = arith.constant 0 : i32
    %dma_start3A_263 = arith.constant 0 : i32
    %dma_start3A_264 = tpu.memref_slice %arg2[%dma_start3A_262, %dma_start3A_263] : memref<10240x128xf32, #tpu.memory_space<hbm>> -> memref<10240x128xf32, #tpu.memory_space<hbm>>
    tpu.enqueue_indirect_dma source(%dma_start3A_264 : memref<10240x128xf32, #tpu.memory_space<hbm>>) target(%dma_start3A_258 : memref<80x128xf32, #tpu.memory_space<vmem>>) offsets(%dma_start3A_261 : memref<80xi32, #tpu.memory_space<vmem>>) semaphore(%arg8 : memref<!tpu.dma_semaphore, #tpu.memory_space<semaphore_mem>>) {add = true}
    %dma_wait3A_265 = arith.constant 1 : i32
    %dma_wait3A_266 = arith.constant 0 : i32
    %dma_wait3A_267 = arith.constant 0 : i32
    %dma_wait3A_268 = arith.constant 0 : i32
    %dma_wait3A_269 = tpu.memref_slice %arg6[%dma_wait3A_267, %dma_wait3A_268] : memref<320x128xf32, #tpu.memory_space<vmem>> -> memref<80x128xf32, #tpu.memory_space<vmem>>
    %dma_wait3A_270 = arith.constant 0 : i32
    %dma_wait3A_271 = tpu.memref_slice %arg5[%dma_wait3A_265, %dma_wait3A_266, %dma_wait3A_270] : memref<5x4x80xi32, #tpu.memory_space<vmem>> -> memref<1x1x80xi32, #tpu.memory_space<vmem>>
    %dma_wait3A_272 = tpu.memref_squeeze %dma_wait3A_271 : memref<1x1x80xi32, #tpu.memory_space<vmem>> -> memref<80xi32, #tpu.memory_space<vmem>>
    %dma_wait3A_273 = arith.constant 0 : i32
    %dma_wait3A_274 = arith.constant 0 : i32
    %dma_wait3A_275 = tpu.memref_slice %arg2[%dma_wait3A_273, %dma_wait3A_274] : memref<10240x128xf32, #tpu.memory_space<hbm>> -> memref<10240x128xf32, #tpu.memory_space<hbm>>
    tpu.wait_indirect_dma semaphore(%arg8 : memref<!tpu.dma_semaphore, #tpu.memory_space<semaphore_mem>>) src(%dma_wait3A_275 : memref<10240x128xf32, #tpu.memory_space<hbm>>) dst(%dma_wait3A_269 : memref<80x128xf32, #tpu.memory_space<vmem>>)
    %dma_wait3A_276 = arith.constant 1 : i32
    %dma_wait3A_277 = arith.constant 1 : i32
    %dma_wait3A_278 = arith.constant 80 : i32
    %dma_wait3A_279 = arith.constant 0 : i32
    %dma_wait3A_280 = tpu.memref_slice %arg6[%dma_wait3A_278, %dma_wait3A_279] : memref<320x128xf32, #tpu.memory_space<vmem>> -> memref<80x128xf32, #tpu.memory_space<vmem>>
    %dma_wait3A_281 = arith.constant 0 : i32
    %dma_wait3A_282 = tpu.memref_slice %arg5[%dma_wait3A_276, %dma_wait3A_277, %dma_wait3A_281] : memref<5x4x80xi32, #tpu.memory_space<vmem>> -> memref<1x1x80xi32, #tpu.memory_space<vmem>>
    %dma_wait3A_283 = tpu.memref_squeeze %dma_wait3A_282 : memref<1x1x80xi32, #tpu.memory_space<vmem>> -> memref<80xi32, #tpu.memory_space<vmem>>
    %dma_wait3A_284 = arith.constant 0 : i32
    %dma_wait3A_285 = arith.constant 0 : i32
    %dma_wait3A_286 = tpu.memref_slice %arg2[%dma_wait3A_284, %dma_wait3A_285] : memref<10240x128xf32, #tpu.memory_space<hbm>> -> memref<10240x128xf32, #tpu.memory_space<hbm>>
    tpu.wait_indirect_dma semaphore(%arg8 : memref<!tpu.dma_semaphore, #tpu.memory_space<semaphore_mem>>) src(%dma_wait3A_286 : memref<10240x128xf32, #tpu.memory_space<hbm>>) dst(%dma_wait3A_280 : memref<80x128xf32, #tpu.memory_space<vmem>>)
    %dma_wait3A_287 = arith.constant 1 : i32
    %dma_wait3A_288 = arith.constant 2 : i32
    %dma_wait3A_289 = arith.constant 160 : i32
    %dma_wait3A_290 = arith.constant 0 : i32
    %dma_wait3A_291 = tpu.memref_slice %arg6[%dma_wait3A_289, %dma_wait3A_290] : memref<320x128xf32, #tpu.memory_space<vmem>> -> memref<80x128xf32, #tpu.memory_space<vmem>>
    %dma_wait3A_292 = arith.constant 0 : i32
    %dma_wait3A_293 = tpu.memref_slice %arg5[%dma_wait3A_287, %dma_wait3A_288, %dma_wait3A_292] : memref<5x4x80xi32, #tpu.memory_space<vmem>> -> memref<1x1x80xi32, #tpu.memory_space<vmem>>
    %dma_wait3A_294 = tpu.memref_squeeze %dma_wait3A_293 : memref<1x1x80xi32, #tpu.memory_space<vmem>> -> memref<80xi32, #tpu.memory_space<vmem>>
    %dma_wait3A_295 = arith.constant 0 : i32
    %dma_wait3A_296 = arith.constant 0 : i32
    %dma_wait3A_297 = tpu.memref_slice %arg2[%dma_wait3A_295, %dma_wait3A_296] : memref<10240x128xf32, #tpu.memory_space<hbm>> -> memref<10240x128xf32, #tpu.memory_space<hbm>>
    tpu.wait_indirect_dma semaphore(%arg8 : memref<!tpu.dma_semaphore, #tpu.memory_space<semaphore_mem>>) src(%dma_wait3A_297 : memref<10240x128xf32, #tpu.memory_space<hbm>>) dst(%dma_wait3A_291 : memref<80x128xf32, #tpu.memory_space<vmem>>)
    %dma_wait3A_298 = arith.constant 1 : i32
    %dma_wait3A_299 = arith.constant 3 : i32
    %dma_wait3A_300 = arith.constant 240 : i32
    %dma_wait3A_301 = arith.constant 0 : i32
    %dma_wait3A_302 = tpu.memref_slice %arg6[%dma_wait3A_300, %dma_wait3A_301] : memref<320x128xf32, #tpu.memory_space<vmem>> -> memref<80x128xf32, #tpu.memory_space<vmem>>
    %dma_wait3A_303 = arith.constant 0 : i32
    %dma_wait3A_304 = tpu.memref_slice %arg5[%dma_wait3A_298, %dma_wait3A_299, %dma_wait3A_303] : memref<5x4x80xi32, #tpu.memory_space<vmem>> -> memref<1x1x80xi32, #tpu.memory_space<vmem>>
    %dma_wait3A_305 = tpu.memref_squeeze %dma_wait3A_304 : memref<1x1x80xi32, #tpu.memory_space<vmem>> -> memref<80xi32, #tpu.memory_space<vmem>>
    %dma_wait3A_306 = arith.constant 0 : i32
    %dma_wait3A_307 = arith.constant 0 : i32
    %dma_wait3A_308 = tpu.memref_slice %arg2[%dma_wait3A_306, %dma_wait3A_307] : memref<10240x128xf32, #tpu.memory_space<hbm>> -> memref<10240x128xf32, #tpu.memory_space<hbm>>
    tpu.wait_indirect_dma semaphore(%arg8 : memref<!tpu.dma_semaphore, #tpu.memory_space<semaphore_mem>>) src(%dma_wait3A_308 : memref<10240x128xf32, #tpu.memory_space<hbm>>) dst(%dma_wait3A_302 : memref<80x128xf32, #tpu.memory_space<vmem>>)
    %dma_wait3A_309 = arith.constant 2 : i32
    %dma_wait3A_310 = arith.constant 0 : i32
    %dma_wait3A_311 = arith.constant 0 : i32
    %dma_wait3A_312 = arith.constant 0 : i32
    %dma_wait3A_313 = tpu.memref_slice %arg6[%dma_wait3A_311, %dma_wait3A_312] : memref<320x128xf32, #tpu.memory_space<vmem>> -> memref<80x128xf32, #tpu.memory_space<vmem>>
    %dma_wait3A_314 = arith.constant 0 : i32
    %dma_wait3A_315 = tpu.memref_slice %arg5[%dma_wait3A_309, %dma_wait3A_310, %dma_wait3A_314] : memref<5x4x80xi32, #tpu.memory_space<vmem>> -> memref<1x1x80xi32, #tpu.memory_space<vmem>>
    %dma_wait3A_316 = tpu.memref_squeeze %dma_wait3A_315 : memref<1x1x80xi32, #tpu.memory_space<vmem>> -> memref<80xi32, #tpu.memory_space<vmem>>
    %dma_wait3A_317 = arith.constant 0 : i32
    %dma_wait3A_318 = arith.constant 0 : i32
    %dma_wait3A_319 = tpu.memref_slice %arg2[%dma_wait3A_317, %dma_wait3A_318] : memref<10240x128xf32, #tpu.memory_space<hbm>> -> memref<10240x128xf32, #tpu.memory_space<hbm>>
    tpu.wait_indirect_dma semaphore(%arg8 : memref<!tpu.dma_semaphore, #tpu.memory_space<semaphore_mem>>) src(%dma_wait3A_319 : memref<10240x128xf32, #tpu.memory_space<hbm>>) dst(%dma_wait3A_313 : memref<80x128xf32, #tpu.memory_space<vmem>>)
    %dma_wait3A_320 = arith.constant 2 : i32
    %dma_wait3A_321 = arith.constant 1 : i32
    %dma_wait3A_322 = arith.constant 80 : i32
    %dma_wait3A_323 = arith.constant 0 : i32
    %dma_wait3A_324 = tpu.memref_slice %arg6[%dma_wait3A_322, %dma_wait3A_323] : memref<320x128xf32, #tpu.memory_space<vmem>> -> memref<80x128xf32, #tpu.memory_space<vmem>>
    %dma_wait3A_325 = arith.constant 0 : i32
    %dma_wait3A_326 = tpu.memref_slice %arg5[%dma_wait3A_320, %dma_wait3A_321, %dma_wait3A_325] : memref<5x4x80xi32, #tpu.memory_space<vmem>> -> memref<1x1x80xi32, #tpu.memory_space<vmem>>
    %dma_wait3A_327 = tpu.memref_squeeze %dma_wait3A_326 : memref<1x1x80xi32, #tpu.memory_space<vmem>> -> memref<80xi32, #tpu.memory_space<vmem>>
    %dma_wait3A_328 = arith.constant 0 : i32
    %dma_wait3A_329 = arith.constant 0 : i32
    %dma_wait3A_330 = tpu.memref_slice %arg2[%dma_wait3A_328, %dma_wait3A_329] : memref<10240x128xf32, #tpu.memory_space<hbm>> -> memref<10240x128xf32, #tpu.memory_space<hbm>>
    tpu.wait_indirect_dma semaphore(%arg8 : memref<!tpu.dma_semaphore, #tpu.memory_space<semaphore_mem>>) src(%dma_wait3A_330 : memref<10240x128xf32, #tpu.memory_space<hbm>>) dst(%dma_wait3A_324 : memref<80x128xf32, #tpu.memory_space<vmem>>)
    %dma_wait3A_331 = arith.constant 2 : i32
    %dma_wait3A_332 = arith.constant 2 : i32
    %dma_wait3A_333 = arith.constant 160 : i32
    %dma_wait3A_334 = arith.constant 0 : i32
    %dma_wait3A_335 = tpu.memref_slice %arg6[%dma_wait3A_333, %dma_wait3A_334] : memref<320x128xf32, #tpu.memory_space<vmem>> -> memref<80x128xf32, #tpu.memory_space<vmem>>
    %dma_wait3A_336 = arith.constant 0 : i32
    %dma_wait3A_337 = tpu.memref_slice %arg5[%dma_wait3A_331, %dma_wait3A_332, %dma_wait3A_336] : memref<5x4x80xi32, #tpu.memory_space<vmem>> -> memref<1x1x80xi32, #tpu.memory_space<vmem>>
    %dma_wait3A_338 = tpu.memref_squeeze %dma_wait3A_337 : memref<1x1x80xi32, #tpu.memory_space<vmem>> -> memref<80xi32, #tpu.memory_space<vmem>>
    %dma_wait3A_339 = arith.constant 0 : i32
    %dma_wait3A_340 = arith.constant 0 : i32
    %dma_wait3A_341 = tpu.memref_slice %arg2[%dma_wait3A_339, %dma_wait3A_340] : memref<10240x128xf32, #tpu.memory_space<hbm>> -> memref<10240x128xf32, #tpu.memory_space<hbm>>
    tpu.wait_indirect_dma semaphore(%arg8 : memref<!tpu.dma_semaphore, #tpu.memory_space<semaphore_mem>>) src(%dma_wait3A_341 : memref<10240x128xf32, #tpu.memory_space<hbm>>) dst(%dma_wait3A_335 : memref<80x128xf32, #tpu.memory_space<vmem>>)
    %dma_wait3A_342 = arith.constant 2 : i32
    %dma_wait3A_343 = arith.constant 3 : i32
    %dma_wait3A_344 = arith.constant 240 : i32
    %dma_wait3A_345 = arith.constant 0 : i32
    %dma_wait3A_346 = tpu.memref_slice %arg6[%dma_wait3A_344, %dma_wait3A_345] : memref<320x128xf32, #tpu.memory_space<vmem>> -> memref<80x128xf32, #tpu.memory_space<vmem>>
    %dma_wait3A_347 = arith.constant 0 : i32
    %dma_wait3A_348 = tpu.memref_slice %arg5[%dma_wait3A_342, %dma_wait3A_343, %dma_wait3A_347] : memref<5x4x80xi32, #tpu.memory_space<vmem>> -> memref<1x1x80xi32, #tpu.memory_space<vmem>>
    %dma_wait3A_349 = tpu.memref_squeeze %dma_wait3A_348 : memref<1x1x80xi32, #tpu.memory_space<vmem>> -> memref<80xi32, #tpu.memory_space<vmem>>
    %dma_wait3A_350 = arith.constant 0 : i32
    %dma_wait3A_351 = arith.constant 0 : i32
    %dma_wait3A_352 = tpu.memref_slice %arg2[%dma_wait3A_350, %dma_wait3A_351] : memref<10240x128xf32, #tpu.memory_space<hbm>> -> memref<10240x128xf32, #tpu.memory_space<hbm>>
    tpu.wait_indirect_dma semaphore(%arg8 : memref<!tpu.dma_semaphore, #tpu.memory_space<semaphore_mem>>) src(%dma_wait3A_352 : memref<10240x128xf32, #tpu.memory_space<hbm>>) dst(%dma_wait3A_346 : memref<80x128xf32, #tpu.memory_space<vmem>>)
    %dma_wait3A_353 = arith.constant 3 : i32
    %dma_wait3A_354 = arith.constant 0 : i32
    %dma_wait3A_355 = arith.constant 0 : i32
    %dma_wait3A_356 = arith.constant 0 : i32
    %dma_wait3A_357 = tpu.memref_slice %arg6[%dma_wait3A_355, %dma_wait3A_356] : memref<320x128xf32, #tpu.memory_space<vmem>> -> memref<80x128xf32, #tpu.memory_space<vmem>>
    %dma_wait3A_358 = arith.constant 0 : i32
    %dma_wait3A_359 = tpu.memref_slice %arg5[%dma_wait3A_353, %dma_wait3A_354, %dma_wait3A_358] : memref<5x4x80xi32, #tpu.memory_space<vmem>> -> memref<1x1x80xi32, #tpu.memory_space<vmem>>
    %dma_wait3A_360 = tpu.memref_squeeze %dma_wait3A_359 : memref<1x1x80xi32, #tpu.memory_space<vmem>> -> memref<80xi32, #tpu.memory_space<vmem>>
    %dma_wait3A_361 = arith.constant 0 : i32
    %dma_wait3A_362 = arith.constant 0 : i32
    %dma_wait3A_363 = tpu.memref_slice %arg2[%dma_wait3A_361, %dma_wait3A_362] : memref<10240x128xf32, #tpu.memory_space<hbm>> -> memref<10240x128xf32, #tpu.memory_space<hbm>>
    tpu.wait_indirect_dma semaphore(%arg8 : memref<!tpu.dma_semaphore, #tpu.memory_space<semaphore_mem>>) src(%dma_wait3A_363 : memref<10240x128xf32, #tpu.memory_space<hbm>>) dst(%dma_wait3A_357 : memref<80x128xf32, #tpu.memory_space<vmem>>)
    %dma_wait3A_364 = arith.constant 3 : i32
    %dma_wait3A_365 = arith.constant 1 : i32
    %dma_wait3A_366 = arith.constant 80 : i32
    %dma_wait3A_367 = arith.constant 0 : i32
    %dma_wait3A_368 = tpu.memref_slice %arg6[%dma_wait3A_366, %dma_wait3A_367] : memref<320x128xf32, #tpu.memory_space<vmem>> -> memref<80x128xf32, #tpu.memory_space<vmem>>
    %dma_wait3A_369 = arith.constant 0 : i32
    %dma_wait3A_370 = tpu.memref_slice %arg5[%dma_wait3A_364, %dma_wait3A_365, %dma_wait3A_369] : memref<5x4x80xi32, #tpu.memory_space<vmem>> -> memref<1x1x80xi32, #tpu.memory_space<vmem>>
    %dma_wait3A_371 = tpu.memref_squeeze %dma_wait3A_370 : memref<1x1x80xi32, #tpu.memory_space<vmem>> -> memref<80xi32, #tpu.memory_space<vmem>>
    %dma_wait3A_372 = arith.constant 0 : i32
    %dma_wait3A_373 = arith.constant 0 : i32
    %dma_wait3A_374 = tpu.memref_slice %arg2[%dma_wait3A_372, %dma_wait3A_373] : memref<10240x128xf32, #tpu.memory_space<hbm>> -> memref<10240x128xf32, #tpu.memory_space<hbm>>
    tpu.wait_indirect_dma semaphore(%arg8 : memref<!tpu.dma_semaphore, #tpu.memory_space<semaphore_mem>>) src(%dma_wait3A_374 : memref<10240x128xf32, #tpu.memory_space<hbm>>) dst(%dma_wait3A_368 : memref<80x128xf32, #tpu.memory_space<vmem>>)
    %dma_wait3A_375 = arith.constant 3 : i32
    %dma_wait3A_376 = arith.constant 2 : i32
    %dma_wait3A_377 = arith.constant 160 : i32
    %dma_wait3A_378 = arith.constant 0 : i32
    %dma_wait3A_379 = tpu.memref_slice %arg6[%dma_wait3A_377, %dma_wait3A_378] : memref<320x128xf32, #tpu.memory_space<vmem>> -> memref<80x128xf32, #tpu.memory_space<vmem>>
    %dma_wait3A_380 = arith.constant 0 : i32
    %dma_wait3A_381 = tpu.memref_slice %arg5[%dma_wait3A_375, %dma_wait3A_376, %dma_wait3A_380] : memref<5x4x80xi32, #tpu.memory_space<vmem>> -> memref<1x1x80xi32, #tpu.memory_space<vmem>>
    %dma_wait3A_382 = tpu.memref_squeeze %dma_wait3A_381 : memref<1x1x80xi32, #tpu.memory_space<vmem>> -> memref<80xi32, #tpu.memory_space<vmem>>
    %dma_wait3A_383 = arith.constant 0 : i32
    %dma_wait3A_384 = arith.constant 0 : i32
    %dma_wait3A_385 = tpu.memref_slice %arg2[%dma_wait3A_383, %dma_wait3A_384] : memref<10240x128xf32, #tpu.memory_space<hbm>> -> memref<10240x128xf32, #tpu.memory_space<hbm>>
    tpu.wait_indirect_dma semaphore(%arg8 : memref<!tpu.dma_semaphore, #tpu.memory_space<semaphore_mem>>) src(%dma_wait3A_385 : memref<10240x128xf32, #tpu.memory_space<hbm>>) dst(%dma_wait3A_379 : memref<80x128xf32, #tpu.memory_space<vmem>>)
    %dma_wait3A_386 = arith.constant 3 : i32
    %dma_wait3A_387 = arith.constant 3 : i32
    %dma_wait3A_388 = arith.constant 240 : i32
    %dma_wait3A_389 = arith.constant 0 : i32
    %dma_wait3A_390 = tpu.memref_slice %arg6[%dma_wait3A_388, %dma_wait3A_389] : memref<320x128xf32, #tpu.memory_space<vmem>> -> memref<80x128xf32, #tpu.memory_space<vmem>>
    %dma_wait3A_391 = arith.constant 0 : i32
    %dma_wait3A_392 = tpu.memref_slice %arg5[%dma_wait3A_386, %dma_wait3A_387, %dma_wait3A_391] : memref<5x4x80xi32, #tpu.memory_space<vmem>> -> memref<1x1x80xi32, #tpu.memory_space<vmem>>
    %dma_wait3A_393 = tpu.memref_squeeze %dma_wait3A_392 : memref<1x1x80xi32, #tpu.memory_space<vmem>> -> memref<80xi32, #tpu.memory_space<vmem>>
    %dma_wait3A_394 = arith.constant 0 : i32
    %dma_wait3A_395 = arith.constant 0 : i32
    %dma_wait3A_396 = tpu.memref_slice %arg2[%dma_wait3A_394, %dma_wait3A_395] : memref<10240x128xf32, #tpu.memory_space<hbm>> -> memref<10240x128xf32, #tpu.memory_space<hbm>>
    tpu.wait_indirect_dma semaphore(%arg8 : memref<!tpu.dma_semaphore, #tpu.memory_space<semaphore_mem>>) src(%dma_wait3A_396 : memref<10240x128xf32, #tpu.memory_space<hbm>>) dst(%dma_wait3A_390 : memref<80x128xf32, #tpu.memory_space<vmem>>)
    %dma_wait3A_397 = arith.constant 4 : i32
    %dma_wait3A_398 = arith.constant 0 : i32
    %dma_wait3A_399 = arith.constant 0 : i32
    %dma_wait3A_400 = arith.constant 0 : i32
    %dma_wait3A_401 = tpu.memref_slice %arg6[%dma_wait3A_399, %dma_wait3A_400] : memref<320x128xf32, #tpu.memory_space<vmem>> -> memref<80x128xf32, #tpu.memory_space<vmem>>
    %dma_wait3A_402 = arith.constant 0 : i32
    %dma_wait3A_403 = tpu.memref_slice %arg5[%dma_wait3A_397, %dma_wait3A_398, %dma_wait3A_402] : memref<5x4x80xi32, #tpu.memory_space<vmem>> -> memref<1x1x80xi32, #tpu.memory_space<vmem>>
    %dma_wait3A_404 = tpu.memref_squeeze %dma_wait3A_403 : memref<1x1x80xi32, #tpu.memory_space<vmem>> -> memref<80xi32, #tpu.memory_space<vmem>>
    %dma_wait3A_405 = arith.constant 0 : i32
    %dma_wait3A_406 = arith.constant 0 : i32
    %dma_wait3A_407 = tpu.memref_slice %arg2[%dma_wait3A_405, %dma_wait3A_406] : memref<10240x128xf32, #tpu.memory_space<hbm>> -> memref<10240x128xf32, #tpu.memory_space<hbm>>
    tpu.wait_indirect_dma semaphore(%arg8 : memref<!tpu.dma_semaphore, #tpu.memory_space<semaphore_mem>>) src(%dma_wait3A_407 : memref<10240x128xf32, #tpu.memory_space<hbm>>) dst(%dma_wait3A_401 : memref<80x128xf32, #tpu.memory_space<vmem>>)
    %dma_wait3A_408 = arith.constant 4 : i32
    %dma_wait3A_409 = arith.constant 1 : i32
    %dma_wait3A_410 = arith.constant 80 : i32
    %dma_wait3A_411 = arith.constant 0 : i32
    %dma_wait3A_412 = tpu.memref_slice %arg6[%dma_wait3A_410, %dma_wait3A_411] : memref<320x128xf32, #tpu.memory_space<vmem>> -> memref<80x128xf32, #tpu.memory_space<vmem>>
    %dma_wait3A_413 = arith.constant 0 : i32
    %dma_wait3A_414 = tpu.memref_slice %arg5[%dma_wait3A_408, %dma_wait3A_409, %dma_wait3A_413] : memref<5x4x80xi32, #tpu.memory_space<vmem>> -> memref<1x1x80xi32, #tpu.memory_space<vmem>>
    %dma_wait3A_415 = tpu.memref_squeeze %dma_wait3A_414 : memref<1x1x80xi32, #tpu.memory_space<vmem>> -> memref<80xi32, #tpu.memory_space<vmem>>
    %dma_wait3A_416 = arith.constant 0 : i32
    %dma_wait3A_417 = arith.constant 0 : i32
    %dma_wait3A_418 = tpu.memref_slice %arg2[%dma_wait3A_416, %dma_wait3A_417] : memref<10240x128xf32, #tpu.memory_space<hbm>> -> memref<10240x128xf32, #tpu.memory_space<hbm>>
    tpu.wait_indirect_dma semaphore(%arg8 : memref<!tpu.dma_semaphore, #tpu.memory_space<semaphore_mem>>) src(%dma_wait3A_418 : memref<10240x128xf32, #tpu.memory_space<hbm>>) dst(%dma_wait3A_412 : memref<80x128xf32, #tpu.memory_space<vmem>>)
    %dma_wait3A_419 = arith.constant 4 : i32
    %dma_wait3A_420 = arith.constant 2 : i32
    %dma_wait3A_421 = arith.constant 160 : i32
    %dma_wait3A_422 = arith.constant 0 : i32
    %dma_wait3A_423 = tpu.memref_slice %arg6[%dma_wait3A_421, %dma_wait3A_422] : memref<320x128xf32, #tpu.memory_space<vmem>> -> memref<80x128xf32, #tpu.memory_space<vmem>>
    %dma_wait3A_424 = arith.constant 0 : i32
    %dma_wait3A_425 = tpu.memref_slice %arg5[%dma_wait3A_419, %dma_wait3A_420, %dma_wait3A_424] : memref<5x4x80xi32, #tpu.memory_space<vmem>> -> memref<1x1x80xi32, #tpu.memory_space<vmem>>
    %dma_wait3A_426 = tpu.memref_squeeze %dma_wait3A_425 : memref<1x1x80xi32, #tpu.memory_space<vmem>> -> memref<80xi32, #tpu.memory_space<vmem>>
    %dma_wait3A_427 = arith.constant 0 : i32
    %dma_wait3A_428 = arith.constant 0 : i32
    %dma_wait3A_429 = tpu.memref_slice %arg2[%dma_wait3A_427, %dma_wait3A_428] : memref<10240x128xf32, #tpu.memory_space<hbm>> -> memref<10240x128xf32, #tpu.memory_space<hbm>>
    tpu.wait_indirect_dma semaphore(%arg8 : memref<!tpu.dma_semaphore, #tpu.memory_space<semaphore_mem>>) src(%dma_wait3A_429 : memref<10240x128xf32, #tpu.memory_space<hbm>>) dst(%dma_wait3A_423 : memref<80x128xf32, #tpu.memory_space<vmem>>)
    %dma_wait3A_430 = arith.constant 4 : i32
    %dma_wait3A_431 = arith.constant 3 : i32
    %dma_wait3A_432 = arith.constant 240 : i32
    %dma_wait3A_433 = arith.constant 0 : i32
    %dma_wait3A_434 = tpu.memref_slice %arg6[%dma_wait3A_432, %dma_wait3A_433] : memref<320x128xf32, #tpu.memory_space<vmem>> -> memref<80x128xf32, #tpu.memory_space<vmem>>
    %dma_wait3A_435 = arith.constant 0 : i32
    %dma_wait3A_436 = tpu.memref_slice %arg5[%dma_wait3A_430, %dma_wait3A_431, %dma_wait3A_435] : memref<5x4x80xi32, #tpu.memory_space<vmem>> -> memref<1x1x80xi32, #tpu.memory_space<vmem>>
    %dma_wait3A_437 = tpu.memref_squeeze %dma_wait3A_436 : memref<1x1x80xi32, #tpu.memory_space<vmem>> -> memref<80xi32, #tpu.memory_space<vmem>>
    %dma_wait3A_438 = arith.constant 0 : i32
    %dma_wait3A_439 = arith.constant 0 : i32
    %dma_wait3A_440 = tpu.memref_slice %arg2[%dma_wait3A_438, %dma_wait3A_439] : memref<10240x128xf32, #tpu.memory_space<hbm>> -> memref<10240x128xf32, #tpu.memory_space<hbm>>
    tpu.wait_indirect_dma semaphore(%arg8 : memref<!tpu.dma_semaphore, #tpu.memory_space<semaphore_mem>>) src(%dma_wait3A_440 : memref<10240x128xf32, #tpu.memory_space<hbm>>) dst(%dma_wait3A_434 : memref<80x128xf32, #tpu.memory_space<vmem>>)
    "tpu.region"() ({
      %run_scoped3A = tpu.sem_alloc : memref<!tpu.dma_semaphore, #tpu.memory_space<semaphore_mem>>
      %dma_start3A_441 = arith.constant 0 : i32
      %dma_start3A_442 = tpu.memref_slice %arg4[%mul3A_2, %dma_start3A_441] : memref<10240x128xf32, #tpu.memory_space<hbm>> -> memref<320x128xf32, #tpu.memory_space<hbm>>
      %dma_start3A_443 = arith.constant 0 : i32
      %dma_start3A_444 = tpu.memref_slice %arg4[%mul3A_2, %dma_start3A_443] : memref<10240x128xf32, #tpu.memory_space<hbm>> -> memref<320x128xf32, #tpu.memory_space<hbm>>
      tpu.enqueue_dma source(%arg6 : memref<320x128xf32, #tpu.memory_space<vmem>>) target(%dma_start3A_444 : memref<320x128xf32, #tpu.memory_space<hbm>>) target_semaphore(%run_scoped3A : memref<!tpu.dma_semaphore, #tpu.memory_space<semaphore_mem>>)
      %dma_wait3A_445 = arith.constant 0 : i32
      %dma_wait3A_446 = tpu.memref_slice %arg4[%mul3A_2, %dma_wait3A_445] : memref<10240x128xf32, #tpu.memory_space<hbm>> -> memref<320x128xf32, #tpu.memory_space<hbm>>
      %dma_wait3A_447 = arith.constant 0 : i32
      %dma_wait3A_448 = tpu.memref_slice %arg4[%mul3A_2, %dma_wait3A_447] : memref<10240x128xf32, #tpu.memory_space<hbm>> -> memref<320x128xf32, #tpu.memory_space<hbm>>
      tpu.wait_dma2 semaphore(%run_scoped3A : memref<!tpu.dma_semaphore, #tpu.memory_space<semaphore_mem>>) src(%arg6 : memref<320x128xf32, #tpu.memory_space<vmem>>) dst(%dma_wait3A_448 : memref<320x128xf32, #tpu.memory_space<hbm>>)
      tpu.yield
    }) : () -> ()
    return
  }
}

#map = affine_map<(d0, d1) -> (0, 0)>
#map1 = affine_map<(d0, d1) -> (0, 0, 0, 0)>
module attributes {stable_mosaic.version = 14 : i64} {
  func.func @_agg_kernel(%arg0: i32, %arg1: i32, %arg2: memref<10240x128xf32, #tpu.memory_space<hbm>>, %arg3: memref<5x32x4x80xi32, #tpu.memory_space<hbm>>, %arg4: memref<10240x128xf32, #tpu.memory_space<hbm>>, %arg5: memref<5x4x80xi32, #tpu.memory_space<vmem>>, %arg6: memref<320x128xf32, #tpu.memory_space<vmem>>, %arg7: memref<!tpu.dma_semaphore, #tpu.memory_space<semaphore_mem>>, %arg8: memref<!tpu.dma_semaphore, #tpu.memory_space<semaphore_mem>>) attributes {dimension_semantics = [#tpu.dimension_semantics<core_parallel>, #tpu.dimension_semantics<subcore_parallel>], iteration_bounds = array<i64: 2, 16>, scalar_prefetch = 0 : i64, scratch_operands = 4 : i64, tpu.core_type = #tpu.core_type<sc_vector_subcore>, window_params = [{transform_indices = #map}, {transform_indices = #map1}, {transform_indices = #map}]} {
    %mul3A = arith.constant 2 : i32
    %mul3A_0 = arith.muli %arg1, %mul3A : i32
    %add3A = arith.addi %mul3A_0, %arg0 : i32
    %mul3A_1 = arith.constant 320 : i32
    %mul3A_2 = arith.muli %add3A, %mul3A_1 : i32
    "tpu.region"() ({
      %run_scoped3A = tpu.sem_alloc : memref<!tpu.dma_semaphore, #tpu.memory_space<semaphore_mem>>
      %dma_start3A_441 = arith.constant 0 : i32
      %dma_start3A_442 = arith.constant 0 : i32
      %dma_start3A_443 = arith.constant 0 : i32
      %dma_start3A_444 = tpu.memref_slice %arg3[%dma_start3A_441, %add3A, %dma_start3A_442, %dma_start3A_443] : memref<5x32x4x80xi32, #tpu.memory_space<hbm>> -> memref<5x1x4x80xi32, #tpu.memory_space<hbm>>
      %dma_start3A_445 = tpu.memref_squeeze %dma_start3A_444 : memref<5x1x4x80xi32, #tpu.memory_space<hbm>> -> memref<5x4x80xi32, #tpu.memory_space<hbm>>
      %dma_start3A_446 = arith.constant 0 : i32
      %dma_start3A_447 = arith.constant 0 : i32
      %dma_start3A_448 = arith.constant 0 : i32
      %dma_start3A_449 = tpu.memref_slice %arg3[%dma_start3A_446, %add3A, %dma_start3A_447, %dma_start3A_448] : memref<5x32x4x80xi32, #tpu.memory_space<hbm>> -> memref<5x1x4x80xi32, #tpu.memory_space<hbm>>
      %dma_start3A_450 = tpu.memref_squeeze %dma_start3A_449 : memref<5x1x4x80xi32, #tpu.memory_space<hbm>> -> memref<5x4x80xi32, #tpu.memory_space<hbm>>
      tpu.enqueue_dma source(%dma_start3A_450 : memref<5x4x80xi32, #tpu.memory_space<hbm>>) target(%arg5 : memref<5x4x80xi32, #tpu.memory_space<vmem>>) target_semaphore(%run_scoped3A : memref<!tpu.dma_semaphore, #tpu.memory_space<semaphore_mem>>)
      %dma_wait3A_451 = arith.constant 0 : i32
      %dma_wait3A_452 = arith.constant 0 : i32
      %dma_wait3A_453 = arith.constant 0 : i32
      %dma_wait3A_454 = tpu.memref_slice %arg3[%dma_wait3A_451, %add3A, %dma_wait3A_452, %dma_wait3A_453] : memref<5x32x4x80xi32, #tpu.memory_space<hbm>> -> memref<5x1x4x80xi32, #tpu.memory_space<hbm>>
      %dma_wait3A_455 = tpu.memref_squeeze %dma_wait3A_454 : memref<5x1x4x80xi32, #tpu.memory_space<hbm>> -> memref<5x4x80xi32, #tpu.memory_space<hbm>>
      %dma_wait3A_456 = arith.constant 0 : i32
      %dma_wait3A_457 = arith.constant 0 : i32
      %dma_wait3A_458 = arith.constant 0 : i32
      %dma_wait3A_459 = tpu.memref_slice %arg3[%dma_wait3A_456, %add3A, %dma_wait3A_457, %dma_wait3A_458] : memref<5x32x4x80xi32, #tpu.memory_space<hbm>> -> memref<5x1x4x80xi32, #tpu.memory_space<hbm>>
      %dma_wait3A_460 = tpu.memref_squeeze %dma_wait3A_459 : memref<5x1x4x80xi32, #tpu.memory_space<hbm>> -> memref<5x4x80xi32, #tpu.memory_space<hbm>>
      tpu.wait_dma2 semaphore(%run_scoped3A : memref<!tpu.dma_semaphore, #tpu.memory_space<semaphore_mem>>) src(%dma_wait3A_460 : memref<5x4x80xi32, #tpu.memory_space<hbm>>) dst(%arg5 : memref<5x4x80xi32, #tpu.memory_space<vmem>>)
      tpu.yield
    }) : () -> ()
    %dma_start3A = arith.constant 0 : i32
    %dma_start3A_3 = arith.constant 0 : i32
    %dma_start3A_4 = arith.constant 0 : i32
    %dma_start3A_5 = arith.constant 0 : i32
    %dma_start3A_6 = tpu.memref_slice %arg6[%dma_start3A_4, %dma_start3A_5] : memref<320x128xf32, #tpu.memory_space<vmem>> -> memref<80x128xf32, #tpu.memory_space<vmem>>
    %dma_start3A_7 = arith.constant 0 : i32
    %dma_start3A_8 = tpu.memref_slice %arg5[%dma_start3A, %dma_start3A_3, %dma_start3A_7] : memref<5x4x80xi32, #tpu.memory_space<vmem>> -> memref<1x1x80xi32, #tpu.memory_space<vmem>>
    %dma_start3A_9 = tpu.memref_squeeze %dma_start3A_8 : memref<1x1x80xi32, #tpu.memory_space<vmem>> -> memref<80xi32, #tpu.memory_space<vmem>>
    %dma_start3A_10 = arith.constant 0 : i32
    %dma_start3A_11 = arith.constant 0 : i32
    %dma_start3A_12 = tpu.memref_slice %arg2[%dma_start3A_10, %dma_start3A_11] : memref<10240x128xf32, #tpu.memory_space<hbm>> -> memref<10240x128xf32, #tpu.memory_space<hbm>>
    tpu.enqueue_indirect_dma source(%dma_start3A_12 : memref<10240x128xf32, #tpu.memory_space<hbm>>) target(%dma_start3A_6 : memref<80x128xf32, #tpu.memory_space<vmem>>) offsets(%dma_start3A_9 : memref<80xi32, #tpu.memory_space<vmem>>) semaphore(%arg7 : memref<!tpu.dma_semaphore, #tpu.memory_space<semaphore_mem>>)
    %dma_start3A_13 = arith.constant 0 : i32
    %dma_start3A_14 = arith.constant 1 : i32
    %dma_start3A_15 = arith.constant 80 : i32
    %dma_start3A_16 = arith.constant 0 : i32
    %dma_start3A_17 = tpu.memref_slice %arg6[%dma_start3A_15, %dma_start3A_16] : memref<320x128xf32, #tpu.memory_space<vmem>> -> memref<80x128xf32, #tpu.memory_space<vmem>>
    %dma_start3A_18 = arith.constant 0 : i32
    %dma_start3A_19 = tpu.memref_slice %arg5[%dma_start3A_13, %dma_start3A_14, %dma_start3A_18] : memref<5x4x80xi32, #tpu.memory_space<vmem>> -> memref<1x1x80xi32, #tpu.memory_space<vmem>>
    %dma_start3A_20 = tpu.memref_squeeze %dma_start3A_19 : memref<1x1x80xi32, #tpu.memory_space<vmem>> -> memref<80xi32, #tpu.memory_space<vmem>>
    %dma_start3A_21 = arith.constant 0 : i32
    %dma_start3A_22 = arith.constant 0 : i32
    %dma_start3A_23 = tpu.memref_slice %arg2[%dma_start3A_21, %dma_start3A_22] : memref<10240x128xf32, #tpu.memory_space<hbm>> -> memref<10240x128xf32, #tpu.memory_space<hbm>>
    tpu.enqueue_indirect_dma source(%dma_start3A_23 : memref<10240x128xf32, #tpu.memory_space<hbm>>) target(%dma_start3A_17 : memref<80x128xf32, #tpu.memory_space<vmem>>) offsets(%dma_start3A_20 : memref<80xi32, #tpu.memory_space<vmem>>) semaphore(%arg7 : memref<!tpu.dma_semaphore, #tpu.memory_space<semaphore_mem>>)
    %dma_start3A_24 = arith.constant 0 : i32
    %dma_start3A_25 = arith.constant 2 : i32
    %dma_start3A_26 = arith.constant 160 : i32
    %dma_start3A_27 = arith.constant 0 : i32
    %dma_start3A_28 = tpu.memref_slice %arg6[%dma_start3A_26, %dma_start3A_27] : memref<320x128xf32, #tpu.memory_space<vmem>> -> memref<80x128xf32, #tpu.memory_space<vmem>>
    %dma_start3A_29 = arith.constant 0 : i32
    %dma_start3A_30 = tpu.memref_slice %arg5[%dma_start3A_24, %dma_start3A_25, %dma_start3A_29] : memref<5x4x80xi32, #tpu.memory_space<vmem>> -> memref<1x1x80xi32, #tpu.memory_space<vmem>>
    %dma_start3A_31 = tpu.memref_squeeze %dma_start3A_30 : memref<1x1x80xi32, #tpu.memory_space<vmem>> -> memref<80xi32, #tpu.memory_space<vmem>>
    %dma_start3A_32 = arith.constant 0 : i32
    %dma_start3A_33 = arith.constant 0 : i32
    %dma_start3A_34 = tpu.memref_slice %arg2[%dma_start3A_32, %dma_start3A_33] : memref<10240x128xf32, #tpu.memory_space<hbm>> -> memref<10240x128xf32, #tpu.memory_space<hbm>>
    tpu.enqueue_indirect_dma source(%dma_start3A_34 : memref<10240x128xf32, #tpu.memory_space<hbm>>) target(%dma_start3A_28 : memref<80x128xf32, #tpu.memory_space<vmem>>) offsets(%dma_start3A_31 : memref<80xi32, #tpu.memory_space<vmem>>) semaphore(%arg7 : memref<!tpu.dma_semaphore, #tpu.memory_space<semaphore_mem>>)
    %dma_start3A_35 = arith.constant 0 : i32
    %dma_start3A_36 = arith.constant 3 : i32
    %dma_start3A_37 = arith.constant 240 : i32
    %dma_start3A_38 = arith.constant 0 : i32
    %dma_start3A_39 = tpu.memref_slice %arg6[%dma_start3A_37, %dma_start3A_38] : memref<320x128xf32, #tpu.memory_space<vmem>> -> memref<80x128xf32, #tpu.memory_space<vmem>>
    %dma_start3A_40 = arith.constant 0 : i32
    %dma_start3A_41 = tpu.memref_slice %arg5[%dma_start3A_35, %dma_start3A_36, %dma_start3A_40] : memref<5x4x80xi32, #tpu.memory_space<vmem>> -> memref<1x1x80xi32, #tpu.memory_space<vmem>>
    %dma_start3A_42 = tpu.memref_squeeze %dma_start3A_41 : memref<1x1x80xi32, #tpu.memory_space<vmem>> -> memref<80xi32, #tpu.memory_space<vmem>>
    %dma_start3A_43 = arith.constant 0 : i32
    %dma_start3A_44 = arith.constant 0 : i32
    %dma_start3A_45 = tpu.memref_slice %arg2[%dma_start3A_43, %dma_start3A_44] : memref<10240x128xf32, #tpu.memory_space<hbm>> -> memref<10240x128xf32, #tpu.memory_space<hbm>>
    tpu.enqueue_indirect_dma source(%dma_start3A_45 : memref<10240x128xf32, #tpu.memory_space<hbm>>) target(%dma_start3A_39 : memref<80x128xf32, #tpu.memory_space<vmem>>) offsets(%dma_start3A_42 : memref<80xi32, #tpu.memory_space<vmem>>) semaphore(%arg7 : memref<!tpu.dma_semaphore, #tpu.memory_space<semaphore_mem>>)
    %dma_wait3A = arith.constant 0 : i32
    %dma_wait3A_46 = arith.constant 0 : i32
    %dma_wait3A_47 = arith.constant 0 : i32
    %dma_wait3A_48 = arith.constant 0 : i32
    %dma_wait3A_49 = tpu.memref_slice %arg6[%dma_wait3A_47, %dma_wait3A_48] : memref<320x128xf32, #tpu.memory_space<vmem>> -> memref<80x128xf32, #tpu.memory_space<vmem>>
    %dma_wait3A_50 = arith.constant 0 : i32
    %dma_wait3A_51 = tpu.memref_slice %arg5[%dma_wait3A, %dma_wait3A_46, %dma_wait3A_50] : memref<5x4x80xi32, #tpu.memory_space<vmem>> -> memref<1x1x80xi32, #tpu.memory_space<vmem>>
    %dma_wait3A_52 = tpu.memref_squeeze %dma_wait3A_51 : memref<1x1x80xi32, #tpu.memory_space<vmem>> -> memref<80xi32, #tpu.memory_space<vmem>>
    %dma_wait3A_53 = arith.constant 0 : i32
    %dma_wait3A_54 = arith.constant 0 : i32
    %dma_wait3A_55 = tpu.memref_slice %arg2[%dma_wait3A_53, %dma_wait3A_54] : memref<10240x128xf32, #tpu.memory_space<hbm>> -> memref<10240x128xf32, #tpu.memory_space<hbm>>
    tpu.wait_indirect_dma semaphore(%arg7 : memref<!tpu.dma_semaphore, #tpu.memory_space<semaphore_mem>>) src(%dma_wait3A_55 : memref<10240x128xf32, #tpu.memory_space<hbm>>) dst(%dma_wait3A_49 : memref<80x128xf32, #tpu.memory_space<vmem>>)
    %dma_wait3A_56 = arith.constant 0 : i32
    %dma_wait3A_57 = arith.constant 1 : i32
    %dma_wait3A_58 = arith.constant 80 : i32
    %dma_wait3A_59 = arith.constant 0 : i32
    %dma_wait3A_60 = tpu.memref_slice %arg6[%dma_wait3A_58, %dma_wait3A_59] : memref<320x128xf32, #tpu.memory_space<vmem>> -> memref<80x128xf32, #tpu.memory_space<vmem>>
    %dma_wait3A_61 = arith.constant 0 : i32
    %dma_wait3A_62 = tpu.memref_slice %arg5[%dma_wait3A_56, %dma_wait3A_57, %dma_wait3A_61] : memref<5x4x80xi32, #tpu.memory_space<vmem>> -> memref<1x1x80xi32, #tpu.memory_space<vmem>>
    %dma_wait3A_63 = tpu.memref_squeeze %dma_wait3A_62 : memref<1x1x80xi32, #tpu.memory_space<vmem>> -> memref<80xi32, #tpu.memory_space<vmem>>
    %dma_wait3A_64 = arith.constant 0 : i32
    %dma_wait3A_65 = arith.constant 0 : i32
    %dma_wait3A_66 = tpu.memref_slice %arg2[%dma_wait3A_64, %dma_wait3A_65] : memref<10240x128xf32, #tpu.memory_space<hbm>> -> memref<10240x128xf32, #tpu.memory_space<hbm>>
    tpu.wait_indirect_dma semaphore(%arg7 : memref<!tpu.dma_semaphore, #tpu.memory_space<semaphore_mem>>) src(%dma_wait3A_66 : memref<10240x128xf32, #tpu.memory_space<hbm>>) dst(%dma_wait3A_60 : memref<80x128xf32, #tpu.memory_space<vmem>>)
    %dma_wait3A_67 = arith.constant 0 : i32
    %dma_wait3A_68 = arith.constant 2 : i32
    %dma_wait3A_69 = arith.constant 160 : i32
    %dma_wait3A_70 = arith.constant 0 : i32
    %dma_wait3A_71 = tpu.memref_slice %arg6[%dma_wait3A_69, %dma_wait3A_70] : memref<320x128xf32, #tpu.memory_space<vmem>> -> memref<80x128xf32, #tpu.memory_space<vmem>>
    %dma_wait3A_72 = arith.constant 0 : i32
    %dma_wait3A_73 = tpu.memref_slice %arg5[%dma_wait3A_67, %dma_wait3A_68, %dma_wait3A_72] : memref<5x4x80xi32, #tpu.memory_space<vmem>> -> memref<1x1x80xi32, #tpu.memory_space<vmem>>
    %dma_wait3A_74 = tpu.memref_squeeze %dma_wait3A_73 : memref<1x1x80xi32, #tpu.memory_space<vmem>> -> memref<80xi32, #tpu.memory_space<vmem>>
    %dma_wait3A_75 = arith.constant 0 : i32
    %dma_wait3A_76 = arith.constant 0 : i32
    %dma_wait3A_77 = tpu.memref_slice %arg2[%dma_wait3A_75, %dma_wait3A_76] : memref<10240x128xf32, #tpu.memory_space<hbm>> -> memref<10240x128xf32, #tpu.memory_space<hbm>>
    tpu.wait_indirect_dma semaphore(%arg7 : memref<!tpu.dma_semaphore, #tpu.memory_space<semaphore_mem>>) src(%dma_wait3A_77 : memref<10240x128xf32, #tpu.memory_space<hbm>>) dst(%dma_wait3A_71 : memref<80x128xf32, #tpu.memory_space<vmem>>)
    %dma_wait3A_78 = arith.constant 0 : i32
    %dma_wait3A_79 = arith.constant 3 : i32
    %dma_wait3A_80 = arith.constant 240 : i32
    %dma_wait3A_81 = arith.constant 0 : i32
    %dma_wait3A_82 = tpu.memref_slice %arg6[%dma_wait3A_80, %dma_wait3A_81] : memref<320x128xf32, #tpu.memory_space<vmem>> -> memref<80x128xf32, #tpu.memory_space<vmem>>
    %dma_wait3A_83 = arith.constant 0 : i32
    %dma_wait3A_84 = tpu.memref_slice %arg5[%dma_wait3A_78, %dma_wait3A_79, %dma_wait3A_83] : memref<5x4x80xi32, #tpu.memory_space<vmem>> -> memref<1x1x80xi32, #tpu.memory_space<vmem>>
    %dma_wait3A_85 = tpu.memref_squeeze %dma_wait3A_84 : memref<1x1x80xi32, #tpu.memory_space<vmem>> -> memref<80xi32, #tpu.memory_space<vmem>>
    %dma_wait3A_86 = arith.constant 0 : i32
    %dma_wait3A_87 = arith.constant 0 : i32
    %dma_wait3A_88 = tpu.memref_slice %arg2[%dma_wait3A_86, %dma_wait3A_87] : memref<10240x128xf32, #tpu.memory_space<hbm>> -> memref<10240x128xf32, #tpu.memory_space<hbm>>
    tpu.wait_indirect_dma semaphore(%arg7 : memref<!tpu.dma_semaphore, #tpu.memory_space<semaphore_mem>>) src(%dma_wait3A_88 : memref<10240x128xf32, #tpu.memory_space<hbm>>) dst(%dma_wait3A_82 : memref<80x128xf32, #tpu.memory_space<vmem>>)
    %dma_start3A_89 = arith.constant 1 : i32
    %dma_start3A_90 = arith.constant 0 : i32
    %dma_start3A_91 = arith.constant 0 : i32
    %dma_start3A_92 = arith.constant 0 : i32
    %dma_start3A_93 = tpu.memref_slice %arg6[%dma_start3A_91, %dma_start3A_92] : memref<320x128xf32, #tpu.memory_space<vmem>> -> memref<80x128xf32, #tpu.memory_space<vmem>>
    %dma_start3A_94 = arith.constant 0 : i32
    %dma_start3A_95 = tpu.memref_slice %arg5[%dma_start3A_89, %dma_start3A_90, %dma_start3A_94] : memref<5x4x80xi32, #tpu.memory_space<vmem>> -> memref<1x1x80xi32, #tpu.memory_space<vmem>>
    %dma_start3A_96 = tpu.memref_squeeze %dma_start3A_95 : memref<1x1x80xi32, #tpu.memory_space<vmem>> -> memref<80xi32, #tpu.memory_space<vmem>>
    %dma_start3A_97 = arith.constant 0 : i32
    %dma_start3A_98 = arith.constant 0 : i32
    %dma_start3A_99 = tpu.memref_slice %arg2[%dma_start3A_97, %dma_start3A_98] : memref<10240x128xf32, #tpu.memory_space<hbm>> -> memref<10240x128xf32, #tpu.memory_space<hbm>>
    tpu.enqueue_indirect_dma source(%dma_start3A_99 : memref<10240x128xf32, #tpu.memory_space<hbm>>) target(%dma_start3A_93 : memref<80x128xf32, #tpu.memory_space<vmem>>) offsets(%dma_start3A_96 : memref<80xi32, #tpu.memory_space<vmem>>) semaphore(%arg8 : memref<!tpu.dma_semaphore, #tpu.memory_space<semaphore_mem>>) {add = true}
    %dma_start3A_100 = arith.constant 1 : i32
    %dma_start3A_101 = arith.constant 1 : i32
    %dma_start3A_102 = arith.constant 80 : i32
    %dma_start3A_103 = arith.constant 0 : i32
    %dma_start3A_104 = tpu.memref_slice %arg6[%dma_start3A_102, %dma_start3A_103] : memref<320x128xf32, #tpu.memory_space<vmem>> -> memref<80x128xf32, #tpu.memory_space<vmem>>
    %dma_start3A_105 = arith.constant 0 : i32
    %dma_start3A_106 = tpu.memref_slice %arg5[%dma_start3A_100, %dma_start3A_101, %dma_start3A_105] : memref<5x4x80xi32, #tpu.memory_space<vmem>> -> memref<1x1x80xi32, #tpu.memory_space<vmem>>
    %dma_start3A_107 = tpu.memref_squeeze %dma_start3A_106 : memref<1x1x80xi32, #tpu.memory_space<vmem>> -> memref<80xi32, #tpu.memory_space<vmem>>
    %dma_start3A_108 = arith.constant 0 : i32
    %dma_start3A_109 = arith.constant 0 : i32
    %dma_start3A_110 = tpu.memref_slice %arg2[%dma_start3A_108, %dma_start3A_109] : memref<10240x128xf32, #tpu.memory_space<hbm>> -> memref<10240x128xf32, #tpu.memory_space<hbm>>
    tpu.enqueue_indirect_dma source(%dma_start3A_110 : memref<10240x128xf32, #tpu.memory_space<hbm>>) target(%dma_start3A_104 : memref<80x128xf32, #tpu.memory_space<vmem>>) offsets(%dma_start3A_107 : memref<80xi32, #tpu.memory_space<vmem>>) semaphore(%arg8 : memref<!tpu.dma_semaphore, #tpu.memory_space<semaphore_mem>>) {add = true}
    %dma_start3A_111 = arith.constant 1 : i32
    %dma_start3A_112 = arith.constant 2 : i32
    %dma_start3A_113 = arith.constant 160 : i32
    %dma_start3A_114 = arith.constant 0 : i32
    %dma_start3A_115 = tpu.memref_slice %arg6[%dma_start3A_113, %dma_start3A_114] : memref<320x128xf32, #tpu.memory_space<vmem>> -> memref<80x128xf32, #tpu.memory_space<vmem>>
    %dma_start3A_116 = arith.constant 0 : i32
    %dma_start3A_117 = tpu.memref_slice %arg5[%dma_start3A_111, %dma_start3A_112, %dma_start3A_116] : memref<5x4x80xi32, #tpu.memory_space<vmem>> -> memref<1x1x80xi32, #tpu.memory_space<vmem>>
    %dma_start3A_118 = tpu.memref_squeeze %dma_start3A_117 : memref<1x1x80xi32, #tpu.memory_space<vmem>> -> memref<80xi32, #tpu.memory_space<vmem>>
    %dma_start3A_119 = arith.constant 0 : i32
    %dma_start3A_120 = arith.constant 0 : i32
    %dma_start3A_121 = tpu.memref_slice %arg2[%dma_start3A_119, %dma_start3A_120] : memref<10240x128xf32, #tpu.memory_space<hbm>> -> memref<10240x128xf32, #tpu.memory_space<hbm>>
    tpu.enqueue_indirect_dma source(%dma_start3A_121 : memref<10240x128xf32, #tpu.memory_space<hbm>>) target(%dma_start3A_115 : memref<80x128xf32, #tpu.memory_space<vmem>>) offsets(%dma_start3A_118 : memref<80xi32, #tpu.memory_space<vmem>>) semaphore(%arg8 : memref<!tpu.dma_semaphore, #tpu.memory_space<semaphore_mem>>) {add = true}
    %dma_start3A_122 = arith.constant 1 : i32
    %dma_start3A_123 = arith.constant 3 : i32
    %dma_start3A_124 = arith.constant 240 : i32
    %dma_start3A_125 = arith.constant 0 : i32
    %dma_start3A_126 = tpu.memref_slice %arg6[%dma_start3A_124, %dma_start3A_125] : memref<320x128xf32, #tpu.memory_space<vmem>> -> memref<80x128xf32, #tpu.memory_space<vmem>>
    %dma_start3A_127 = arith.constant 0 : i32
    %dma_start3A_128 = tpu.memref_slice %arg5[%dma_start3A_122, %dma_start3A_123, %dma_start3A_127] : memref<5x4x80xi32, #tpu.memory_space<vmem>> -> memref<1x1x80xi32, #tpu.memory_space<vmem>>
    %dma_start3A_129 = tpu.memref_squeeze %dma_start3A_128 : memref<1x1x80xi32, #tpu.memory_space<vmem>> -> memref<80xi32, #tpu.memory_space<vmem>>
    %dma_start3A_130 = arith.constant 0 : i32
    %dma_start3A_131 = arith.constant 0 : i32
    %dma_start3A_132 = tpu.memref_slice %arg2[%dma_start3A_130, %dma_start3A_131] : memref<10240x128xf32, #tpu.memory_space<hbm>> -> memref<10240x128xf32, #tpu.memory_space<hbm>>
    tpu.enqueue_indirect_dma source(%dma_start3A_132 : memref<10240x128xf32, #tpu.memory_space<hbm>>) target(%dma_start3A_126 : memref<80x128xf32, #tpu.memory_space<vmem>>) offsets(%dma_start3A_129 : memref<80xi32, #tpu.memory_space<vmem>>) semaphore(%arg8 : memref<!tpu.dma_semaphore, #tpu.memory_space<semaphore_mem>>) {add = true}
    %dma_start3A_133 = arith.constant 2 : i32
    %dma_start3A_134 = arith.constant 0 : i32
    %dma_start3A_135 = arith.constant 0 : i32
    %dma_start3A_136 = arith.constant 0 : i32
    %dma_start3A_137 = tpu.memref_slice %arg6[%dma_start3A_135, %dma_start3A_136] : memref<320x128xf32, #tpu.memory_space<vmem>> -> memref<80x128xf32, #tpu.memory_space<vmem>>
    %dma_start3A_138 = arith.constant 0 : i32
    %dma_start3A_139 = tpu.memref_slice %arg5[%dma_start3A_133, %dma_start3A_134, %dma_start3A_138] : memref<5x4x80xi32, #tpu.memory_space<vmem>> -> memref<1x1x80xi32, #tpu.memory_space<vmem>>
    %dma_start3A_140 = tpu.memref_squeeze %dma_start3A_139 : memref<1x1x80xi32, #tpu.memory_space<vmem>> -> memref<80xi32, #tpu.memory_space<vmem>>
    %dma_start3A_141 = arith.constant 0 : i32
    %dma_start3A_142 = arith.constant 0 : i32
    %dma_start3A_143 = tpu.memref_slice %arg2[%dma_start3A_141, %dma_start3A_142] : memref<10240x128xf32, #tpu.memory_space<hbm>> -> memref<10240x128xf32, #tpu.memory_space<hbm>>
    tpu.enqueue_indirect_dma source(%dma_start3A_143 : memref<10240x128xf32, #tpu.memory_space<hbm>>) target(%dma_start3A_137 : memref<80x128xf32, #tpu.memory_space<vmem>>) offsets(%dma_start3A_140 : memref<80xi32, #tpu.memory_space<vmem>>) semaphore(%arg8 : memref<!tpu.dma_semaphore, #tpu.memory_space<semaphore_mem>>) {add = true}
    %dma_start3A_144 = arith.constant 2 : i32
    %dma_start3A_145 = arith.constant 1 : i32
    %dma_start3A_146 = arith.constant 80 : i32
    %dma_start3A_147 = arith.constant 0 : i32
    %dma_start3A_148 = tpu.memref_slice %arg6[%dma_start3A_146, %dma_start3A_147] : memref<320x128xf32, #tpu.memory_space<vmem>> -> memref<80x128xf32, #tpu.memory_space<vmem>>
    %dma_start3A_149 = arith.constant 0 : i32
    %dma_start3A_150 = tpu.memref_slice %arg5[%dma_start3A_144, %dma_start3A_145, %dma_start3A_149] : memref<5x4x80xi32, #tpu.memory_space<vmem>> -> memref<1x1x80xi32, #tpu.memory_space<vmem>>
    %dma_start3A_151 = tpu.memref_squeeze %dma_start3A_150 : memref<1x1x80xi32, #tpu.memory_space<vmem>> -> memref<80xi32, #tpu.memory_space<vmem>>
    %dma_start3A_152 = arith.constant 0 : i32
    %dma_start3A_153 = arith.constant 0 : i32
    %dma_start3A_154 = tpu.memref_slice %arg2[%dma_start3A_152, %dma_start3A_153] : memref<10240x128xf32, #tpu.memory_space<hbm>> -> memref<10240x128xf32, #tpu.memory_space<hbm>>
    tpu.enqueue_indirect_dma source(%dma_start3A_154 : memref<10240x128xf32, #tpu.memory_space<hbm>>) target(%dma_start3A_148 : memref<80x128xf32, #tpu.memory_space<vmem>>) offsets(%dma_start3A_151 : memref<80xi32, #tpu.memory_space<vmem>>) semaphore(%arg8 : memref<!tpu.dma_semaphore, #tpu.memory_space<semaphore_mem>>) {add = true}
    %dma_start3A_155 = arith.constant 2 : i32
    %dma_start3A_156 = arith.constant 2 : i32
    %dma_start3A_157 = arith.constant 160 : i32
    %dma_start3A_158 = arith.constant 0 : i32
    %dma_start3A_159 = tpu.memref_slice %arg6[%dma_start3A_157, %dma_start3A_158] : memref<320x128xf32, #tpu.memory_space<vmem>> -> memref<80x128xf32, #tpu.memory_space<vmem>>
    %dma_start3A_160 = arith.constant 0 : i32
    %dma_start3A_161 = tpu.memref_slice %arg5[%dma_start3A_155, %dma_start3A_156, %dma_start3A_160] : memref<5x4x80xi32, #tpu.memory_space<vmem>> -> memref<1x1x80xi32, #tpu.memory_space<vmem>>
    %dma_start3A_162 = tpu.memref_squeeze %dma_start3A_161 : memref<1x1x80xi32, #tpu.memory_space<vmem>> -> memref<80xi32, #tpu.memory_space<vmem>>
    %dma_start3A_163 = arith.constant 0 : i32
    %dma_start3A_164 = arith.constant 0 : i32
    %dma_start3A_165 = tpu.memref_slice %arg2[%dma_start3A_163, %dma_start3A_164] : memref<10240x128xf32, #tpu.memory_space<hbm>> -> memref<10240x128xf32, #tpu.memory_space<hbm>>
    tpu.enqueue_indirect_dma source(%dma_start3A_165 : memref<10240x128xf32, #tpu.memory_space<hbm>>) target(%dma_start3A_159 : memref<80x128xf32, #tpu.memory_space<vmem>>) offsets(%dma_start3A_162 : memref<80xi32, #tpu.memory_space<vmem>>) semaphore(%arg8 : memref<!tpu.dma_semaphore, #tpu.memory_space<semaphore_mem>>) {add = true}
    %dma_start3A_166 = arith.constant 2 : i32
    %dma_start3A_167 = arith.constant 3 : i32
    %dma_start3A_168 = arith.constant 240 : i32
    %dma_start3A_169 = arith.constant 0 : i32
    %dma_start3A_170 = tpu.memref_slice %arg6[%dma_start3A_168, %dma_start3A_169] : memref<320x128xf32, #tpu.memory_space<vmem>> -> memref<80x128xf32, #tpu.memory_space<vmem>>
    %dma_start3A_171 = arith.constant 0 : i32
    %dma_start3A_172 = tpu.memref_slice %arg5[%dma_start3A_166, %dma_start3A_167, %dma_start3A_171] : memref<5x4x80xi32, #tpu.memory_space<vmem>> -> memref<1x1x80xi32, #tpu.memory_space<vmem>>
    %dma_start3A_173 = tpu.memref_squeeze %dma_start3A_172 : memref<1x1x80xi32, #tpu.memory_space<vmem>> -> memref<80xi32, #tpu.memory_space<vmem>>
    %dma_start3A_174 = arith.constant 0 : i32
    %dma_start3A_175 = arith.constant 0 : i32
    %dma_start3A_176 = tpu.memref_slice %arg2[%dma_start3A_174, %dma_start3A_175] : memref<10240x128xf32, #tpu.memory_space<hbm>> -> memref<10240x128xf32, #tpu.memory_space<hbm>>
    tpu.enqueue_indirect_dma source(%dma_start3A_176 : memref<10240x128xf32, #tpu.memory_space<hbm>>) target(%dma_start3A_170 : memref<80x128xf32, #tpu.memory_space<vmem>>) offsets(%dma_start3A_173 : memref<80xi32, #tpu.memory_space<vmem>>) semaphore(%arg8 : memref<!tpu.dma_semaphore, #tpu.memory_space<semaphore_mem>>) {add = true}
    %dma_start3A_177 = arith.constant 3 : i32
    %dma_start3A_178 = arith.constant 0 : i32
    %dma_start3A_179 = arith.constant 0 : i32
    %dma_start3A_180 = arith.constant 0 : i32
    %dma_start3A_181 = tpu.memref_slice %arg6[%dma_start3A_179, %dma_start3A_180] : memref<320x128xf32, #tpu.memory_space<vmem>> -> memref<80x128xf32, #tpu.memory_space<vmem>>
    %dma_start3A_182 = arith.constant 0 : i32
    %dma_start3A_183 = tpu.memref_slice %arg5[%dma_start3A_177, %dma_start3A_178, %dma_start3A_182] : memref<5x4x80xi32, #tpu.memory_space<vmem>> -> memref<1x1x80xi32, #tpu.memory_space<vmem>>
    %dma_start3A_184 = tpu.memref_squeeze %dma_start3A_183 : memref<1x1x80xi32, #tpu.memory_space<vmem>> -> memref<80xi32, #tpu.memory_space<vmem>>
    %dma_start3A_185 = arith.constant 0 : i32
    %dma_start3A_186 = arith.constant 0 : i32
    %dma_start3A_187 = tpu.memref_slice %arg2[%dma_start3A_185, %dma_start3A_186] : memref<10240x128xf32, #tpu.memory_space<hbm>> -> memref<10240x128xf32, #tpu.memory_space<hbm>>
    tpu.enqueue_indirect_dma source(%dma_start3A_187 : memref<10240x128xf32, #tpu.memory_space<hbm>>) target(%dma_start3A_181 : memref<80x128xf32, #tpu.memory_space<vmem>>) offsets(%dma_start3A_184 : memref<80xi32, #tpu.memory_space<vmem>>) semaphore(%arg8 : memref<!tpu.dma_semaphore, #tpu.memory_space<semaphore_mem>>) {add = true}
    %dma_start3A_188 = arith.constant 3 : i32
    %dma_start3A_189 = arith.constant 1 : i32
    %dma_start3A_190 = arith.constant 80 : i32
    %dma_start3A_191 = arith.constant 0 : i32
    %dma_start3A_192 = tpu.memref_slice %arg6[%dma_start3A_190, %dma_start3A_191] : memref<320x128xf32, #tpu.memory_space<vmem>> -> memref<80x128xf32, #tpu.memory_space<vmem>>
    %dma_start3A_193 = arith.constant 0 : i32
    %dma_start3A_194 = tpu.memref_slice %arg5[%dma_start3A_188, %dma_start3A_189, %dma_start3A_193] : memref<5x4x80xi32, #tpu.memory_space<vmem>> -> memref<1x1x80xi32, #tpu.memory_space<vmem>>
    %dma_start3A_195 = tpu.memref_squeeze %dma_start3A_194 : memref<1x1x80xi32, #tpu.memory_space<vmem>> -> memref<80xi32, #tpu.memory_space<vmem>>
    %dma_start3A_196 = arith.constant 0 : i32
    %dma_start3A_197 = arith.constant 0 : i32
    %dma_start3A_198 = tpu.memref_slice %arg2[%dma_start3A_196, %dma_start3A_197] : memref<10240x128xf32, #tpu.memory_space<hbm>> -> memref<10240x128xf32, #tpu.memory_space<hbm>>
    tpu.enqueue_indirect_dma source(%dma_start3A_198 : memref<10240x128xf32, #tpu.memory_space<hbm>>) target(%dma_start3A_192 : memref<80x128xf32, #tpu.memory_space<vmem>>) offsets(%dma_start3A_195 : memref<80xi32, #tpu.memory_space<vmem>>) semaphore(%arg8 : memref<!tpu.dma_semaphore, #tpu.memory_space<semaphore_mem>>) {add = true}
    %dma_start3A_199 = arith.constant 3 : i32
    %dma_start3A_200 = arith.constant 2 : i32
    %dma_start3A_201 = arith.constant 160 : i32
    %dma_start3A_202 = arith.constant 0 : i32
    %dma_start3A_203 = tpu.memref_slice %arg6[%dma_start3A_201, %dma_start3A_202] : memref<320x128xf32, #tpu.memory_space<vmem>> -> memref<80x128xf32, #tpu.memory_space<vmem>>
    %dma_start3A_204 = arith.constant 0 : i32
    %dma_start3A_205 = tpu.memref_slice %arg5[%dma_start3A_199, %dma_start3A_200, %dma_start3A_204] : memref<5x4x80xi32, #tpu.memory_space<vmem>> -> memref<1x1x80xi32, #tpu.memory_space<vmem>>
    %dma_start3A_206 = tpu.memref_squeeze %dma_start3A_205 : memref<1x1x80xi32, #tpu.memory_space<vmem>> -> memref<80xi32, #tpu.memory_space<vmem>>
    %dma_start3A_207 = arith.constant 0 : i32
    %dma_start3A_208 = arith.constant 0 : i32
    %dma_start3A_209 = tpu.memref_slice %arg2[%dma_start3A_207, %dma_start3A_208] : memref<10240x128xf32, #tpu.memory_space<hbm>> -> memref<10240x128xf32, #tpu.memory_space<hbm>>
    tpu.enqueue_indirect_dma source(%dma_start3A_209 : memref<10240x128xf32, #tpu.memory_space<hbm>>) target(%dma_start3A_203 : memref<80x128xf32, #tpu.memory_space<vmem>>) offsets(%dma_start3A_206 : memref<80xi32, #tpu.memory_space<vmem>>) semaphore(%arg8 : memref<!tpu.dma_semaphore, #tpu.memory_space<semaphore_mem>>) {add = true}
    %dma_start3A_210 = arith.constant 3 : i32
    %dma_start3A_211 = arith.constant 3 : i32
    %dma_start3A_212 = arith.constant 240 : i32
    %dma_start3A_213 = arith.constant 0 : i32
    %dma_start3A_214 = tpu.memref_slice %arg6[%dma_start3A_212, %dma_start3A_213] : memref<320x128xf32, #tpu.memory_space<vmem>> -> memref<80x128xf32, #tpu.memory_space<vmem>>
    %dma_start3A_215 = arith.constant 0 : i32
    %dma_start3A_216 = tpu.memref_slice %arg5[%dma_start3A_210, %dma_start3A_211, %dma_start3A_215] : memref<5x4x80xi32, #tpu.memory_space<vmem>> -> memref<1x1x80xi32, #tpu.memory_space<vmem>>
    %dma_start3A_217 = tpu.memref_squeeze %dma_start3A_216 : memref<1x1x80xi32, #tpu.memory_space<vmem>> -> memref<80xi32, #tpu.memory_space<vmem>>
    %dma_start3A_218 = arith.constant 0 : i32
    %dma_start3A_219 = arith.constant 0 : i32
    %dma_start3A_220 = tpu.memref_slice %arg2[%dma_start3A_218, %dma_start3A_219] : memref<10240x128xf32, #tpu.memory_space<hbm>> -> memref<10240x128xf32, #tpu.memory_space<hbm>>
    tpu.enqueue_indirect_dma source(%dma_start3A_220 : memref<10240x128xf32, #tpu.memory_space<hbm>>) target(%dma_start3A_214 : memref<80x128xf32, #tpu.memory_space<vmem>>) offsets(%dma_start3A_217 : memref<80xi32, #tpu.memory_space<vmem>>) semaphore(%arg8 : memref<!tpu.dma_semaphore, #tpu.memory_space<semaphore_mem>>) {add = true}
    %dma_start3A_221 = arith.constant 4 : i32
    %dma_start3A_222 = arith.constant 0 : i32
    %dma_start3A_223 = arith.constant 0 : i32
    %dma_start3A_224 = arith.constant 0 : i32
    %dma_start3A_225 = tpu.memref_slice %arg6[%dma_start3A_223, %dma_start3A_224] : memref<320x128xf32, #tpu.memory_space<vmem>> -> memref<80x128xf32, #tpu.memory_space<vmem>>
    %dma_start3A_226 = arith.constant 0 : i32
    %dma_start3A_227 = tpu.memref_slice %arg5[%dma_start3A_221, %dma_start3A_222, %dma_start3A_226] : memref<5x4x80xi32, #tpu.memory_space<vmem>> -> memref<1x1x80xi32, #tpu.memory_space<vmem>>
    %dma_start3A_228 = tpu.memref_squeeze %dma_start3A_227 : memref<1x1x80xi32, #tpu.memory_space<vmem>> -> memref<80xi32, #tpu.memory_space<vmem>>
    %dma_start3A_229 = arith.constant 0 : i32
    %dma_start3A_230 = arith.constant 0 : i32
    %dma_start3A_231 = tpu.memref_slice %arg2[%dma_start3A_229, %dma_start3A_230] : memref<10240x128xf32, #tpu.memory_space<hbm>> -> memref<10240x128xf32, #tpu.memory_space<hbm>>
    tpu.enqueue_indirect_dma source(%dma_start3A_231 : memref<10240x128xf32, #tpu.memory_space<hbm>>) target(%dma_start3A_225 : memref<80x128xf32, #tpu.memory_space<vmem>>) offsets(%dma_start3A_228 : memref<80xi32, #tpu.memory_space<vmem>>) semaphore(%arg8 : memref<!tpu.dma_semaphore, #tpu.memory_space<semaphore_mem>>) {add = true}
    %dma_start3A_232 = arith.constant 4 : i32
    %dma_start3A_233 = arith.constant 1 : i32
    %dma_start3A_234 = arith.constant 80 : i32
    %dma_start3A_235 = arith.constant 0 : i32
    %dma_start3A_236 = tpu.memref_slice %arg6[%dma_start3A_234, %dma_start3A_235] : memref<320x128xf32, #tpu.memory_space<vmem>> -> memref<80x128xf32, #tpu.memory_space<vmem>>
    %dma_start3A_237 = arith.constant 0 : i32
    %dma_start3A_238 = tpu.memref_slice %arg5[%dma_start3A_232, %dma_start3A_233, %dma_start3A_237] : memref<5x4x80xi32, #tpu.memory_space<vmem>> -> memref<1x1x80xi32, #tpu.memory_space<vmem>>
    %dma_start3A_239 = tpu.memref_squeeze %dma_start3A_238 : memref<1x1x80xi32, #tpu.memory_space<vmem>> -> memref<80xi32, #tpu.memory_space<vmem>>
    %dma_start3A_240 = arith.constant 0 : i32
    %dma_start3A_241 = arith.constant 0 : i32
    %dma_start3A_242 = tpu.memref_slice %arg2[%dma_start3A_240, %dma_start3A_241] : memref<10240x128xf32, #tpu.memory_space<hbm>> -> memref<10240x128xf32, #tpu.memory_space<hbm>>
    tpu.enqueue_indirect_dma source(%dma_start3A_242 : memref<10240x128xf32, #tpu.memory_space<hbm>>) target(%dma_start3A_236 : memref<80x128xf32, #tpu.memory_space<vmem>>) offsets(%dma_start3A_239 : memref<80xi32, #tpu.memory_space<vmem>>) semaphore(%arg8 : memref<!tpu.dma_semaphore, #tpu.memory_space<semaphore_mem>>) {add = true}
    %dma_start3A_243 = arith.constant 4 : i32
    %dma_start3A_244 = arith.constant 2 : i32
    %dma_start3A_245 = arith.constant 160 : i32
    %dma_start3A_246 = arith.constant 0 : i32
    %dma_start3A_247 = tpu.memref_slice %arg6[%dma_start3A_245, %dma_start3A_246] : memref<320x128xf32, #tpu.memory_space<vmem>> -> memref<80x128xf32, #tpu.memory_space<vmem>>
    %dma_start3A_248 = arith.constant 0 : i32
    %dma_start3A_249 = tpu.memref_slice %arg5[%dma_start3A_243, %dma_start3A_244, %dma_start3A_248] : memref<5x4x80xi32, #tpu.memory_space<vmem>> -> memref<1x1x80xi32, #tpu.memory_space<vmem>>
    %dma_start3A_250 = tpu.memref_squeeze %dma_start3A_249 : memref<1x1x80xi32, #tpu.memory_space<vmem>> -> memref<80xi32, #tpu.memory_space<vmem>>
    %dma_start3A_251 = arith.constant 0 : i32
    %dma_start3A_252 = arith.constant 0 : i32
    %dma_start3A_253 = tpu.memref_slice %arg2[%dma_start3A_251, %dma_start3A_252] : memref<10240x128xf32, #tpu.memory_space<hbm>> -> memref<10240x128xf32, #tpu.memory_space<hbm>>
    tpu.enqueue_indirect_dma source(%dma_start3A_253 : memref<10240x128xf32, #tpu.memory_space<hbm>>) target(%dma_start3A_247 : memref<80x128xf32, #tpu.memory_space<vmem>>) offsets(%dma_start3A_250 : memref<80xi32, #tpu.memory_space<vmem>>) semaphore(%arg8 : memref<!tpu.dma_semaphore, #tpu.memory_space<semaphore_mem>>) {add = true}
    %dma_start3A_254 = arith.constant 4 : i32
    %dma_start3A_255 = arith.constant 3 : i32
    %dma_start3A_256 = arith.constant 240 : i32
    %dma_start3A_257 = arith.constant 0 : i32
    %dma_start3A_258 = tpu.memref_slice %arg6[%dma_start3A_256, %dma_start3A_257] : memref<320x128xf32, #tpu.memory_space<vmem>> -> memref<80x128xf32, #tpu.memory_space<vmem>>
    %dma_start3A_259 = arith.constant 0 : i32
    %dma_start3A_260 = tpu.memref_slice %arg5[%dma_start3A_254, %dma_start3A_255, %dma_start3A_259] : memref<5x4x80xi32, #tpu.memory_space<vmem>> -> memref<1x1x80xi32, #tpu.memory_space<vmem>>
    %dma_start3A_261 = tpu.memref_squeeze %dma_start3A_260 : memref<1x1x80xi32, #tpu.memory_space<vmem>> -> memref<80xi32, #tpu.memory_space<vmem>>
    %dma_start3A_262 = arith.constant 0 : i32
    %dma_start3A_263 = arith.constant 0 : i32
    %dma_start3A_264 = tpu.memref_slice %arg2[%dma_start3A_262, %dma_start3A_263] : memref<10240x128xf32, #tpu.memory_space<hbm>> -> memref<10240x128xf32, #tpu.memory_space<hbm>>
    tpu.enqueue_indirect_dma source(%dma_start3A_264 : memref<10240x128xf32, #tpu.memory_space<hbm>>) target(%dma_start3A_258 : memref<80x128xf32, #tpu.memory_space<vmem>>) offsets(%dma_start3A_261 : memref<80xi32, #tpu.memory_space<vmem>>) semaphore(%arg8 : memref<!tpu.dma_semaphore, #tpu.memory_space<semaphore_mem>>) {add = true}
    %dma_wait3A_265 = arith.constant 1 : i32
    %dma_wait3A_266 = arith.constant 0 : i32
    %dma_wait3A_267 = arith.constant 0 : i32
    %dma_wait3A_268 = arith.constant 0 : i32
    %dma_wait3A_269 = tpu.memref_slice %arg6[%dma_wait3A_267, %dma_wait3A_268] : memref<320x128xf32, #tpu.memory_space<vmem>> -> memref<80x128xf32, #tpu.memory_space<vmem>>
    %dma_wait3A_270 = arith.constant 0 : i32
    %dma_wait3A_271 = tpu.memref_slice %arg5[%dma_wait3A_265, %dma_wait3A_266, %dma_wait3A_270] : memref<5x4x80xi32, #tpu.memory_space<vmem>> -> memref<1x1x80xi32, #tpu.memory_space<vmem>>
    %dma_wait3A_272 = tpu.memref_squeeze %dma_wait3A_271 : memref<1x1x80xi32, #tpu.memory_space<vmem>> -> memref<80xi32, #tpu.memory_space<vmem>>
    %dma_wait3A_273 = arith.constant 0 : i32
    %dma_wait3A_274 = arith.constant 0 : i32
    %dma_wait3A_275 = tpu.memref_slice %arg2[%dma_wait3A_273, %dma_wait3A_274] : memref<10240x128xf32, #tpu.memory_space<hbm>> -> memref<10240x128xf32, #tpu.memory_space<hbm>>
    tpu.wait_indirect_dma semaphore(%arg8 : memref<!tpu.dma_semaphore, #tpu.memory_space<semaphore_mem>>) src(%dma_wait3A_275 : memref<10240x128xf32, #tpu.memory_space<hbm>>) dst(%dma_wait3A_269 : memref<80x128xf32, #tpu.memory_space<vmem>>)
    %dma_wait3A_276 = arith.constant 1 : i32
    %dma_wait3A_277 = arith.constant 1 : i32
    %dma_wait3A_278 = arith.constant 80 : i32
    %dma_wait3A_279 = arith.constant 0 : i32
    %dma_wait3A_280 = tpu.memref_slice %arg6[%dma_wait3A_278, %dma_wait3A_279] : memref<320x128xf32, #tpu.memory_space<vmem>> -> memref<80x128xf32, #tpu.memory_space<vmem>>
    %dma_wait3A_281 = arith.constant 0 : i32
    %dma_wait3A_282 = tpu.memref_slice %arg5[%dma_wait3A_276, %dma_wait3A_277, %dma_wait3A_281] : memref<5x4x80xi32, #tpu.memory_space<vmem>> -> memref<1x1x80xi32, #tpu.memory_space<vmem>>
    %dma_wait3A_283 = tpu.memref_squeeze %dma_wait3A_282 : memref<1x1x80xi32, #tpu.memory_space<vmem>> -> memref<80xi32, #tpu.memory_space<vmem>>
    %dma_wait3A_284 = arith.constant 0 : i32
    %dma_wait3A_285 = arith.constant 0 : i32
    %dma_wait3A_286 = tpu.memref_slice %arg2[%dma_wait3A_284, %dma_wait3A_285] : memref<10240x128xf32, #tpu.memory_space<hbm>> -> memref<10240x128xf32, #tpu.memory_space<hbm>>
    tpu.wait_indirect_dma semaphore(%arg8 : memref<!tpu.dma_semaphore, #tpu.memory_space<semaphore_mem>>) src(%dma_wait3A_286 : memref<10240x128xf32, #tpu.memory_space<hbm>>) dst(%dma_wait3A_280 : memref<80x128xf32, #tpu.memory_space<vmem>>)
    %dma_wait3A_287 = arith.constant 1 : i32
    %dma_wait3A_288 = arith.constant 2 : i32
    %dma_wait3A_289 = arith.constant 160 : i32
    %dma_wait3A_290 = arith.constant 0 : i32
    %dma_wait3A_291 = tpu.memref_slice %arg6[%dma_wait3A_289, %dma_wait3A_290] : memref<320x128xf32, #tpu.memory_space<vmem>> -> memref<80x128xf32, #tpu.memory_space<vmem>>
    %dma_wait3A_292 = arith.constant 0 : i32
    %dma_wait3A_293 = tpu.memref_slice %arg5[%dma_wait3A_287, %dma_wait3A_288, %dma_wait3A_292] : memref<5x4x80xi32, #tpu.memory_space<vmem>> -> memref<1x1x80xi32, #tpu.memory_space<vmem>>
    %dma_wait3A_294 = tpu.memref_squeeze %dma_wait3A_293 : memref<1x1x80xi32, #tpu.memory_space<vmem>> -> memref<80xi32, #tpu.memory_space<vmem>>
    %dma_wait3A_295 = arith.constant 0 : i32
    %dma_wait3A_296 = arith.constant 0 : i32
    %dma_wait3A_297 = tpu.memref_slice %arg2[%dma_wait3A_295, %dma_wait3A_296] : memref<10240x128xf32, #tpu.memory_space<hbm>> -> memref<10240x128xf32, #tpu.memory_space<hbm>>
    tpu.wait_indirect_dma semaphore(%arg8 : memref<!tpu.dma_semaphore, #tpu.memory_space<semaphore_mem>>) src(%dma_wait3A_297 : memref<10240x128xf32, #tpu.memory_space<hbm>>) dst(%dma_wait3A_291 : memref<80x128xf32, #tpu.memory_space<vmem>>)
    %dma_wait3A_298 = arith.constant 1 : i32
    %dma_wait3A_299 = arith.constant 3 : i32
    %dma_wait3A_300 = arith.constant 240 : i32
    %dma_wait3A_301 = arith.constant 0 : i32
    %dma_wait3A_302 = tpu.memref_slice %arg6[%dma_wait3A_300, %dma_wait3A_301] : memref<320x128xf32, #tpu.memory_space<vmem>> -> memref<80x128xf32, #tpu.memory_space<vmem>>
    %dma_wait3A_303 = arith.constant 0 : i32
    %dma_wait3A_304 = tpu.memref_slice %arg5[%dma_wait3A_298, %dma_wait3A_299, %dma_wait3A_303] : memref<5x4x80xi32, #tpu.memory_space<vmem>> -> memref<1x1x80xi32, #tpu.memory_space<vmem>>
    %dma_wait3A_305 = tpu.memref_squeeze %dma_wait3A_304 : memref<1x1x80xi32, #tpu.memory_space<vmem>> -> memref<80xi32, #tpu.memory_space<vmem>>
    %dma_wait3A_306 = arith.constant 0 : i32
    %dma_wait3A_307 = arith.constant 0 : i32
    %dma_wait3A_308 = tpu.memref_slice %arg2[%dma_wait3A_306, %dma_wait3A_307] : memref<10240x128xf32, #tpu.memory_space<hbm>> -> memref<10240x128xf32, #tpu.memory_space<hbm>>
    tpu.wait_indirect_dma semaphore(%arg8 : memref<!tpu.dma_semaphore, #tpu.memory_space<semaphore_mem>>) src(%dma_wait3A_308 : memref<10240x128xf32, #tpu.memory_space<hbm>>) dst(%dma_wait3A_302 : memref<80x128xf32, #tpu.memory_space<vmem>>)
    %dma_wait3A_309 = arith.constant 2 : i32
    %dma_wait3A_310 = arith.constant 0 : i32
    %dma_wait3A_311 = arith.constant 0 : i32
    %dma_wait3A_312 = arith.constant 0 : i32
    %dma_wait3A_313 = tpu.memref_slice %arg6[%dma_wait3A_311, %dma_wait3A_312] : memref<320x128xf32, #tpu.memory_space<vmem>> -> memref<80x128xf32, #tpu.memory_space<vmem>>
    %dma_wait3A_314 = arith.constant 0 : i32
    %dma_wait3A_315 = tpu.memref_slice %arg5[%dma_wait3A_309, %dma_wait3A_310, %dma_wait3A_314] : memref<5x4x80xi32, #tpu.memory_space<vmem>> -> memref<1x1x80xi32, #tpu.memory_space<vmem>>
    %dma_wait3A_316 = tpu.memref_squeeze %dma_wait3A_315 : memref<1x1x80xi32, #tpu.memory_space<vmem>> -> memref<80xi32, #tpu.memory_space<vmem>>
    %dma_wait3A_317 = arith.constant 0 : i32
    %dma_wait3A_318 = arith.constant 0 : i32
    %dma_wait3A_319 = tpu.memref_slice %arg2[%dma_wait3A_317, %dma_wait3A_318] : memref<10240x128xf32, #tpu.memory_space<hbm>> -> memref<10240x128xf32, #tpu.memory_space<hbm>>
    tpu.wait_indirect_dma semaphore(%arg8 : memref<!tpu.dma_semaphore, #tpu.memory_space<semaphore_mem>>) src(%dma_wait3A_319 : memref<10240x128xf32, #tpu.memory_space<hbm>>) dst(%dma_wait3A_313 : memref<80x128xf32, #tpu.memory_space<vmem>>)
    %dma_wait3A_320 = arith.constant 2 : i32
    %dma_wait3A_321 = arith.constant 1 : i32
    %dma_wait3A_322 = arith.constant 80 : i32
    %dma_wait3A_323 = arith.constant 0 : i32
    %dma_wait3A_324 = tpu.memref_slice %arg6[%dma_wait3A_322, %dma_wait3A_323] : memref<320x128xf32, #tpu.memory_space<vmem>> -> memref<80x128xf32, #tpu.memory_space<vmem>>
    %dma_wait3A_325 = arith.constant 0 : i32
    %dma_wait3A_326 = tpu.memref_slice %arg5[%dma_wait3A_320, %dma_wait3A_321, %dma_wait3A_325] : memref<5x4x80xi32, #tpu.memory_space<vmem>> -> memref<1x1x80xi32, #tpu.memory_space<vmem>>
    %dma_wait3A_327 = tpu.memref_squeeze %dma_wait3A_326 : memref<1x1x80xi32, #tpu.memory_space<vmem>> -> memref<80xi32, #tpu.memory_space<vmem>>
    %dma_wait3A_328 = arith.constant 0 : i32
    %dma_wait3A_329 = arith.constant 0 : i32
    %dma_wait3A_330 = tpu.memref_slice %arg2[%dma_wait3A_328, %dma_wait3A_329] : memref<10240x128xf32, #tpu.memory_space<hbm>> -> memref<10240x128xf32, #tpu.memory_space<hbm>>
    tpu.wait_indirect_dma semaphore(%arg8 : memref<!tpu.dma_semaphore, #tpu.memory_space<semaphore_mem>>) src(%dma_wait3A_330 : memref<10240x128xf32, #tpu.memory_space<hbm>>) dst(%dma_wait3A_324 : memref<80x128xf32, #tpu.memory_space<vmem>>)
    %dma_wait3A_331 = arith.constant 2 : i32
    %dma_wait3A_332 = arith.constant 2 : i32
    %dma_wait3A_333 = arith.constant 160 : i32
    %dma_wait3A_334 = arith.constant 0 : i32
    %dma_wait3A_335 = tpu.memref_slice %arg6[%dma_wait3A_333, %dma_wait3A_334] : memref<320x128xf32, #tpu.memory_space<vmem>> -> memref<80x128xf32, #tpu.memory_space<vmem>>
    %dma_wait3A_336 = arith.constant 0 : i32
    %dma_wait3A_337 = tpu.memref_slice %arg5[%dma_wait3A_331, %dma_wait3A_332, %dma_wait3A_336] : memref<5x4x80xi32, #tpu.memory_space<vmem>> -> memref<1x1x80xi32, #tpu.memory_space<vmem>>
    %dma_wait3A_338 = tpu.memref_squeeze %dma_wait3A_337 : memref<1x1x80xi32, #tpu.memory_space<vmem>> -> memref<80xi32, #tpu.memory_space<vmem>>
    %dma_wait3A_339 = arith.constant 0 : i32
    %dma_wait3A_340 = arith.constant 0 : i32
    %dma_wait3A_341 = tpu.memref_slice %arg2[%dma_wait3A_339, %dma_wait3A_340] : memref<10240x128xf32, #tpu.memory_space<hbm>> -> memref<10240x128xf32, #tpu.memory_space<hbm>>
    tpu.wait_indirect_dma semaphore(%arg8 : memref<!tpu.dma_semaphore, #tpu.memory_space<semaphore_mem>>) src(%dma_wait3A_341 : memref<10240x128xf32, #tpu.memory_space<hbm>>) dst(%dma_wait3A_335 : memref<80x128xf32, #tpu.memory_space<vmem>>)
    %dma_wait3A_342 = arith.constant 2 : i32
    %dma_wait3A_343 = arith.constant 3 : i32
    %dma_wait3A_344 = arith.constant 240 : i32
    %dma_wait3A_345 = arith.constant 0 : i32
    %dma_wait3A_346 = tpu.memref_slice %arg6[%dma_wait3A_344, %dma_wait3A_345] : memref<320x128xf32, #tpu.memory_space<vmem>> -> memref<80x128xf32, #tpu.memory_space<vmem>>
    %dma_wait3A_347 = arith.constant 0 : i32
    %dma_wait3A_348 = tpu.memref_slice %arg5[%dma_wait3A_342, %dma_wait3A_343, %dma_wait3A_347] : memref<5x4x80xi32, #tpu.memory_space<vmem>> -> memref<1x1x80xi32, #tpu.memory_space<vmem>>
    %dma_wait3A_349 = tpu.memref_squeeze %dma_wait3A_348 : memref<1x1x80xi32, #tpu.memory_space<vmem>> -> memref<80xi32, #tpu.memory_space<vmem>>
    %dma_wait3A_350 = arith.constant 0 : i32
    %dma_wait3A_351 = arith.constant 0 : i32
    %dma_wait3A_352 = tpu.memref_slice %arg2[%dma_wait3A_350, %dma_wait3A_351] : memref<10240x128xf32, #tpu.memory_space<hbm>> -> memref<10240x128xf32, #tpu.memory_space<hbm>>
    tpu.wait_indirect_dma semaphore(%arg8 : memref<!tpu.dma_semaphore, #tpu.memory_space<semaphore_mem>>) src(%dma_wait3A_352 : memref<10240x128xf32, #tpu.memory_space<hbm>>) dst(%dma_wait3A_346 : memref<80x128xf32, #tpu.memory_space<vmem>>)
    %dma_wait3A_353 = arith.constant 3 : i32
    %dma_wait3A_354 = arith.constant 0 : i32
    %dma_wait3A_355 = arith.constant 0 : i32
    %dma_wait3A_356 = arith.constant 0 : i32
    %dma_wait3A_357 = tpu.memref_slice %arg6[%dma_wait3A_355, %dma_wait3A_356] : memref<320x128xf32, #tpu.memory_space<vmem>> -> memref<80x128xf32, #tpu.memory_space<vmem>>
    %dma_wait3A_358 = arith.constant 0 : i32
    %dma_wait3A_359 = tpu.memref_slice %arg5[%dma_wait3A_353, %dma_wait3A_354, %dma_wait3A_358] : memref<5x4x80xi32, #tpu.memory_space<vmem>> -> memref<1x1x80xi32, #tpu.memory_space<vmem>>
    %dma_wait3A_360 = tpu.memref_squeeze %dma_wait3A_359 : memref<1x1x80xi32, #tpu.memory_space<vmem>> -> memref<80xi32, #tpu.memory_space<vmem>>
    %dma_wait3A_361 = arith.constant 0 : i32
    %dma_wait3A_362 = arith.constant 0 : i32
    %dma_wait3A_363 = tpu.memref_slice %arg2[%dma_wait3A_361, %dma_wait3A_362] : memref<10240x128xf32, #tpu.memory_space<hbm>> -> memref<10240x128xf32, #tpu.memory_space<hbm>>
    tpu.wait_indirect_dma semaphore(%arg8 : memref<!tpu.dma_semaphore, #tpu.memory_space<semaphore_mem>>) src(%dma_wait3A_363 : memref<10240x128xf32, #tpu.memory_space<hbm>>) dst(%dma_wait3A_357 : memref<80x128xf32, #tpu.memory_space<vmem>>)
    %dma_wait3A_364 = arith.constant 3 : i32
    %dma_wait3A_365 = arith.constant 1 : i32
    %dma_wait3A_366 = arith.constant 80 : i32
    %dma_wait3A_367 = arith.constant 0 : i32
    %dma_wait3A_368 = tpu.memref_slice %arg6[%dma_wait3A_366, %dma_wait3A_367] : memref<320x128xf32, #tpu.memory_space<vmem>> -> memref<80x128xf32, #tpu.memory_space<vmem>>
    %dma_wait3A_369 = arith.constant 0 : i32
    %dma_wait3A_370 = tpu.memref_slice %arg5[%dma_wait3A_364, %dma_wait3A_365, %dma_wait3A_369] : memref<5x4x80xi32, #tpu.memory_space<vmem>> -> memref<1x1x80xi32, #tpu.memory_space<vmem>>
    %dma_wait3A_371 = tpu.memref_squeeze %dma_wait3A_370 : memref<1x1x80xi32, #tpu.memory_space<vmem>> -> memref<80xi32, #tpu.memory_space<vmem>>
    %dma_wait3A_372 = arith.constant 0 : i32
    %dma_wait3A_373 = arith.constant 0 : i32
    %dma_wait3A_374 = tpu.memref_slice %arg2[%dma_wait3A_372, %dma_wait3A_373] : memref<10240x128xf32, #tpu.memory_space<hbm>> -> memref<10240x128xf32, #tpu.memory_space<hbm>>
    tpu.wait_indirect_dma semaphore(%arg8 : memref<!tpu.dma_semaphore, #tpu.memory_space<semaphore_mem>>) src(%dma_wait3A_374 : memref<10240x128xf32, #tpu.memory_space<hbm>>) dst(%dma_wait3A_368 : memref<80x128xf32, #tpu.memory_space<vmem>>)
    %dma_wait3A_375 = arith.constant 3 : i32
    %dma_wait3A_376 = arith.constant 2 : i32
    %dma_wait3A_377 = arith.constant 160 : i32
    %dma_wait3A_378 = arith.constant 0 : i32
    %dma_wait3A_379 = tpu.memref_slice %arg6[%dma_wait3A_377, %dma_wait3A_378] : memref<320x128xf32, #tpu.memory_space<vmem>> -> memref<80x128xf32, #tpu.memory_space<vmem>>
    %dma_wait3A_380 = arith.constant 0 : i32
    %dma_wait3A_381 = tpu.memref_slice %arg5[%dma_wait3A_375, %dma_wait3A_376, %dma_wait3A_380] : memref<5x4x80xi32, #tpu.memory_space<vmem>> -> memref<1x1x80xi32, #tpu.memory_space<vmem>>
    %dma_wait3A_382 = tpu.memref_squeeze %dma_wait3A_381 : memref<1x1x80xi32, #tpu.memory_space<vmem>> -> memref<80xi32, #tpu.memory_space<vmem>>
    %dma_wait3A_383 = arith.constant 0 : i32
    %dma_wait3A_384 = arith.constant 0 : i32
    %dma_wait3A_385 = tpu.memref_slice %arg2[%dma_wait3A_383, %dma_wait3A_384] : memref<10240x128xf32, #tpu.memory_space<hbm>> -> memref<10240x128xf32, #tpu.memory_space<hbm>>
    tpu.wait_indirect_dma semaphore(%arg8 : memref<!tpu.dma_semaphore, #tpu.memory_space<semaphore_mem>>) src(%dma_wait3A_385 : memref<10240x128xf32, #tpu.memory_space<hbm>>) dst(%dma_wait3A_379 : memref<80x128xf32, #tpu.memory_space<vmem>>)
    %dma_wait3A_386 = arith.constant 3 : i32
    %dma_wait3A_387 = arith.constant 3 : i32
    %dma_wait3A_388 = arith.constant 240 : i32
    %dma_wait3A_389 = arith.constant 0 : i32
    %dma_wait3A_390 = tpu.memref_slice %arg6[%dma_wait3A_388, %dma_wait3A_389] : memref<320x128xf32, #tpu.memory_space<vmem>> -> memref<80x128xf32, #tpu.memory_space<vmem>>
    %dma_wait3A_391 = arith.constant 0 : i32
    %dma_wait3A_392 = tpu.memref_slice %arg5[%dma_wait3A_386, %dma_wait3A_387, %dma_wait3A_391] : memref<5x4x80xi32, #tpu.memory_space<vmem>> -> memref<1x1x80xi32, #tpu.memory_space<vmem>>
    %dma_wait3A_393 = tpu.memref_squeeze %dma_wait3A_392 : memref<1x1x80xi32, #tpu.memory_space<vmem>> -> memref<80xi32, #tpu.memory_space<vmem>>
    %dma_wait3A_394 = arith.constant 0 : i32
    %dma_wait3A_395 = arith.constant 0 : i32
    %dma_wait3A_396 = tpu.memref_slice %arg2[%dma_wait3A_394, %dma_wait3A_395] : memref<10240x128xf32, #tpu.memory_space<hbm>> -> memref<10240x128xf32, #tpu.memory_space<hbm>>
    tpu.wait_indirect_dma semaphore(%arg8 : memref<!tpu.dma_semaphore, #tpu.memory_space<semaphore_mem>>) src(%dma_wait3A_396 : memref<10240x128xf32, #tpu.memory_space<hbm>>) dst(%dma_wait3A_390 : memref<80x128xf32, #tpu.memory_space<vmem>>)
    %dma_wait3A_397 = arith.constant 4 : i32
    %dma_wait3A_398 = arith.constant 0 : i32
    %dma_wait3A_399 = arith.constant 0 : i32
    %dma_wait3A_400 = arith.constant 0 : i32
    %dma_wait3A_401 = tpu.memref_slice %arg6[%dma_wait3A_399, %dma_wait3A_400] : memref<320x128xf32, #tpu.memory_space<vmem>> -> memref<80x128xf32, #tpu.memory_space<vmem>>
    %dma_wait3A_402 = arith.constant 0 : i32
    %dma_wait3A_403 = tpu.memref_slice %arg5[%dma_wait3A_397, %dma_wait3A_398, %dma_wait3A_402] : memref<5x4x80xi32, #tpu.memory_space<vmem>> -> memref<1x1x80xi32, #tpu.memory_space<vmem>>
    %dma_wait3A_404 = tpu.memref_squeeze %dma_wait3A_403 : memref<1x1x80xi32, #tpu.memory_space<vmem>> -> memref<80xi32, #tpu.memory_space<vmem>>
    %dma_wait3A_405 = arith.constant 0 : i32
    %dma_wait3A_406 = arith.constant 0 : i32
    %dma_wait3A_407 = tpu.memref_slice %arg2[%dma_wait3A_405, %dma_wait3A_406] : memref<10240x128xf32, #tpu.memory_space<hbm>> -> memref<10240x128xf32, #tpu.memory_space<hbm>>
    tpu.wait_indirect_dma semaphore(%arg8 : memref<!tpu.dma_semaphore, #tpu.memory_space<semaphore_mem>>) src(%dma_wait3A_407 : memref<10240x128xf32, #tpu.memory_space<hbm>>) dst(%dma_wait3A_401 : memref<80x128xf32, #tpu.memory_space<vmem>>)
    %dma_wait3A_408 = arith.constant 4 : i32
    %dma_wait3A_409 = arith.constant 1 : i32
    %dma_wait3A_410 = arith.constant 80 : i32
    %dma_wait3A_411 = arith.constant 0 : i32
    %dma_wait3A_412 = tpu.memref_slice %arg6[%dma_wait3A_410, %dma_wait3A_411] : memref<320x128xf32, #tpu.memory_space<vmem>> -> memref<80x128xf32, #tpu.memory_space<vmem>>
    %dma_wait3A_413 = arith.constant 0 : i32
    %dma_wait3A_414 = tpu.memref_slice %arg5[%dma_wait3A_408, %dma_wait3A_409, %dma_wait3A_413] : memref<5x4x80xi32, #tpu.memory_space<vmem>> -> memref<1x1x80xi32, #tpu.memory_space<vmem>>
    %dma_wait3A_415 = tpu.memref_squeeze %dma_wait3A_414 : memref<1x1x80xi32, #tpu.memory_space<vmem>> -> memref<80xi32, #tpu.memory_space<vmem>>
    %dma_wait3A_416 = arith.constant 0 : i32
    %dma_wait3A_417 = arith.constant 0 : i32
    %dma_wait3A_418 = tpu.memref_slice %arg2[%dma_wait3A_416, %dma_wait3A_417] : memref<10240x128xf32, #tpu.memory_space<hbm>> -> memref<10240x128xf32, #tpu.memory_space<hbm>>
    tpu.wait_indirect_dma semaphore(%arg8 : memref<!tpu.dma_semaphore, #tpu.memory_space<semaphore_mem>>) src(%dma_wait3A_418 : memref<10240x128xf32, #tpu.memory_space<hbm>>) dst(%dma_wait3A_412 : memref<80x128xf32, #tpu.memory_space<vmem>>)
    %dma_wait3A_419 = arith.constant 4 : i32
    %dma_wait3A_420 = arith.constant 2 : i32
    %dma_wait3A_421 = arith.constant 160 : i32
    %dma_wait3A_422 = arith.constant 0 : i32
    %dma_wait3A_423 = tpu.memref_slice %arg6[%dma_wait3A_421, %dma_wait3A_422] : memref<320x128xf32, #tpu.memory_space<vmem>> -> memref<80x128xf32, #tpu.memory_space<vmem>>
    %dma_wait3A_424 = arith.constant 0 : i32
    %dma_wait3A_425 = tpu.memref_slice %arg5[%dma_wait3A_419, %dma_wait3A_420, %dma_wait3A_424] : memref<5x4x80xi32, #tpu.memory_space<vmem>> -> memref<1x1x80xi32, #tpu.memory_space<vmem>>
    %dma_wait3A_426 = tpu.memref_squeeze %dma_wait3A_425 : memref<1x1x80xi32, #tpu.memory_space<vmem>> -> memref<80xi32, #tpu.memory_space<vmem>>
    %dma_wait3A_427 = arith.constant 0 : i32
    %dma_wait3A_428 = arith.constant 0 : i32
    %dma_wait3A_429 = tpu.memref_slice %arg2[%dma_wait3A_427, %dma_wait3A_428] : memref<10240x128xf32, #tpu.memory_space<hbm>> -> memref<10240x128xf32, #tpu.memory_space<hbm>>
    tpu.wait_indirect_dma semaphore(%arg8 : memref<!tpu.dma_semaphore, #tpu.memory_space<semaphore_mem>>) src(%dma_wait3A_429 : memref<10240x128xf32, #tpu.memory_space<hbm>>) dst(%dma_wait3A_423 : memref<80x128xf32, #tpu.memory_space<vmem>>)
    %dma_wait3A_430 = arith.constant 4 : i32
    %dma_wait3A_431 = arith.constant 3 : i32
    %dma_wait3A_432 = arith.constant 240 : i32
    %dma_wait3A_433 = arith.constant 0 : i32
    %dma_wait3A_434 = tpu.memref_slice %arg6[%dma_wait3A_432, %dma_wait3A_433] : memref<320x128xf32, #tpu.memory_space<vmem>> -> memref<80x128xf32, #tpu.memory_space<vmem>>
    %dma_wait3A_435 = arith.constant 0 : i32
    %dma_wait3A_436 = tpu.memref_slice %arg5[%dma_wait3A_430, %dma_wait3A_431, %dma_wait3A_435] : memref<5x4x80xi32, #tpu.memory_space<vmem>> -> memref<1x1x80xi32, #tpu.memory_space<vmem>>
    %dma_wait3A_437 = tpu.memref_squeeze %dma_wait3A_436 : memref<1x1x80xi32, #tpu.memory_space<vmem>> -> memref<80xi32, #tpu.memory_space<vmem>>
    %dma_wait3A_438 = arith.constant 0 : i32
    %dma_wait3A_439 = arith.constant 0 : i32
    %dma_wait3A_440 = tpu.memref_slice %arg2[%dma_wait3A_438, %dma_wait3A_439] : memref<10240x128xf32, #tpu.memory_space<hbm>> -> memref<10240x128xf32, #tpu.memory_space<hbm>>
    tpu.wait_indirect_dma semaphore(%arg8 : memref<!tpu.dma_semaphore, #tpu.memory_space<semaphore_mem>>) src(%dma_wait3A_440 : memref<10240x128xf32, #tpu.memory_space<hbm>>) dst(%dma_wait3A_434 : memref<80x128xf32, #tpu.memory_space<vmem>>)
    "tpu.region"() ({
      %run_scoped3A = tpu.sem_alloc : memref<!tpu.dma_semaphore, #tpu.memory_space<semaphore_mem>>
      %dma_start3A_441 = arith.constant 0 : i32
      %dma_start3A_442 = tpu.memref_slice %arg4[%mul3A_2, %dma_start3A_441] : memref<10240x128xf32, #tpu.memory_space<hbm>> -> memref<320x128xf32, #tpu.memory_space<hbm>>
      %dma_start3A_443 = arith.constant 0 : i32
      %dma_start3A_444 = tpu.memref_slice %arg4[%mul3A_2, %dma_start3A_443] : memref<10240x128xf32, #tpu.memory_space<hbm>> -> memref<320x128xf32, #tpu.memory_space<hbm>>
      tpu.enqueue_dma source(%arg6 : memref<320x128xf32, #tpu.memory_space<vmem>>) target(%dma_start3A_444 : memref<320x128xf32, #tpu.memory_space<hbm>>) target_semaphore(%run_scoped3A : memref<!tpu.dma_semaphore, #tpu.memory_space<semaphore_mem>>)
      %dma_wait3A_445 = arith.constant 0 : i32
      %dma_wait3A_446 = tpu.memref_slice %arg4[%mul3A_2, %dma_wait3A_445] : memref<10240x128xf32, #tpu.memory_space<hbm>> -> memref<320x128xf32, #tpu.memory_space<hbm>>
      %dma_wait3A_447 = arith.constant 0 : i32
      %dma_wait3A_448 = tpu.memref_slice %arg4[%mul3A_2, %dma_wait3A_447] : memref<10240x128xf32, #tpu.memory_space<hbm>> -> memref<320x128xf32, #tpu.memory_space<hbm>>
      tpu.wait_dma2 semaphore(%run_scoped3A : memref<!tpu.dma_semaphore, #tpu.memory_space<semaphore_mem>>) src(%arg6 : memref<320x128xf32, #tpu.memory_space<vmem>>) dst(%dma_wait3A_448 : memref<320x128xf32, #tpu.memory_space<hbm>>)
      tpu.yield
    }) : () -> ()
    return
  }
}

module attributes {stable_mosaic.version = 14 : i64} {
  func.func @_prep_body(%arg0: memref<104x128xf32, #tpu.memory_space<vmem>>, %arg1: memref<128x128xf32, #tpu.memory_space<vmem>>, %arg2: memref<104x128xf32, #tpu.memory_space<vmem>>) attributes {dimension_semantics = [], scalar_prefetch = 0 : i64, scratch_operands = 0 : i64, tpu.core_type = #tpu.core_type<tc>} {
    %get3A = arith.constant 0 : index
    %get3A_0 = arith.constant 0 : index
    %get3A_1 = vector.load %arg0[%get3A, %get3A_0] : memref<104x128xf32, #tpu.memory_space<vmem>>, vector<104x128xf32>
    %get3A_2 = arith.constant 0 : index
    %get3A_3 = arith.constant 0 : index
    %get3A_4 = vector.load %arg1[%get3A_2, %get3A_3] : memref<128x128xf32, #tpu.memory_space<vmem>>, vector<128x128xf32>
    %dot_general3A = arith.constant dense<0.000000e+00> : vector<104x128xf32>
    %dot_general3A_5 = tpu.matmul %get3A_1, %get3A_4, %dot_general3A {dimension_numbers = #tpu.dot_dimension_numbers<[1], [0], [0], [1], [0, 0, 1, 1], [], []>, transpose_lhs_hint = false} : vector<104x128xf32>, vector<128x128xf32>, vector<104x128xf32> -> vector<104x128xf32>
    %swap3A = arith.constant 0 : index
    %swap3A_6 = arith.constant 0 : index
    %swap3A_7 = vector.load %arg2[%swap3A, %swap3A_6] : memref<104x128xf32, #tpu.memory_space<vmem>>, vector<104x128xf32>
    tpu.vector_store %arg2[%swap3A, %swap3A_6], %dot_general3A_5 {strides = array<i32>} : memref<104x128xf32, #tpu.memory_space<vmem>>, vector<104x128xf32>,
    return
  }
}

module attributes {stable_mosaic.version = 14 : i64} {
  func.func @_knn_body(%arg0: i32, %arg1: memref<80xi32, #tpu.memory_space<smem>>, %arg2: memref<80xi32, #tpu.memory_space<smem>>, %arg3: memref<128x8xf32, #tpu.memory_space<vmem>>, %arg4: memref<1x128x1xi32, #tpu.memory_space<vmem>>, %arg5: memref<8x10240xf32, #tpu.memory_space<vmem>>, %arg6: memref<8x10240xi32, #tpu.memory_space<vmem>>, %arg7: memref<128x8xi32, #tpu.memory_space<vmem>>) attributes {dimension_semantics = [#tpu.dimension_semantics<arbitrary>], iteration_bounds = array<i64: 80>, scalar_prefetch = 2 : i64, scratch_operands = 0 : i64, tpu.core_type = #tpu.core_type<tc>, window_params = [{transform_indices = @transform_0, window_bounds = array<i64: 128, 8>}, {transform_indices = @transform_1, window_bounds = array<i64: 1, 128, 1>}, {pipeline_mode = #tpu.pipeline_mode<synchronous>, transform_indices = @transform_2, window_bounds = array<i64: 8, 10240>}, {pipeline_mode = #tpu.pipeline_mode<synchronous>, transform_indices = @transform_3, window_bounds = array<i64: 8, 10240>}, {transform_indices = @transform_4, window_bounds = array<i64: 128, 8>}]} {
    %get3A = arith.index_cast %arg0 : i32 to index
    %get3A_0 = memref.load %arg1[%get3A] : memref<80xi32, #tpu.memory_space<smem>>
    %multiple_of3A = tpu.assume_multiple %get3A_0, 128 : i32
    %get3A_1 = arith.index_cast %arg0 : i32 to index
    %get3A_2 = memref.load %arg2[%get3A_1] : memref<80xi32, #tpu.memory_space<smem>>
    %get3A_3 = arith.constant 0 : index
    %get3A_4 = arith.constant 0 : index
    %get3A_5 = vector.load %arg3[%get3A_3, %get3A_4] : memref<128x8xf32, #tpu.memory_space<vmem>>, vector<128x8xf32>
    %get3A_6 = arith.constant 0 : index
    %get3A_7 = arith.constant 0 : index
    %get3A_8 = arith.constant 0 : index
    %get3A_9 = vector.load %arg4[%get3A_6, %get3A_7, %get3A_8] : memref<1x128x1xi32, #tpu.memory_space<vmem>>, vector<1x128x1xi32>
    %get3A_10 = vector.shape_cast %get3A_9 : vector<1x128x1xi32> to vector<128x1xi32>
    %mul3A = arith.mulf %get3A_5, %get3A_5 : vector<128x8xf32>
    %reduce_sum3A = arith.constant dense<0.000000e+00> : vector<128xf32>
    %reduce_sum3A_11 = vector.multi_reduction <add>, %mul3A, %reduce_sum3A [1] : vector<128x8xf32> to vector<128xf32>
    %broadcast_in_dim3A = vector.shape_cast %reduce_sum3A_11 : vector<128xf32> to vector<128x1xf32>
    %iota3A = tpu.iota {dimensions = array<i32: 0>} : vector<128x1xi32>
    %mul3A_12 = arith.constant 128 : i32
    %mul3A_13 = arith.muli %arg0, %mul3A_12 : i32
    %add3A = vector.broadcast %mul3A_13 : i32 to vector<128x1xi32>
    %add3A_14 = arith.addi %iota3A, %add3A : vector<128x1xi32>
    %broadcast_in_dim3A_15 = arith.constant 0x7F800000 : f32
    %broadcast_in_dim3A_16 = vector.broadcast %broadcast_in_dim3A_15 : f32 to vector<128x8xf32>
    %iota3A_17 = tpu.iota {dimensions = array<i32: 1>} : vector<128x8xi32>
    %convert_element_type3A = arith.sitofp %iota3A_17 : vector<128x8xi32> to vector<128x8xf32>
    %iota3A_18 = tpu.iota {dimensions = array<i32: 1>} : vector<128x264xi32>
    %convert_element_type3A_19 = arith.sitofp %iota3A_18 : vector<128x264xi32> to vector<128x264xf32>
    %while3A = arith.constant 0 : i32
    %while3A_20 = arith.subi %get3A_2, %while3A : i32
    %while3A_21 = arith.addi %while3A, %while3A_20 : i32
    %while3A_22 = arith.constant 1 : i32
    %while3A_23 = arith.divsi %while3A_20, %while3A_22 : i32
    %while3A_24 = arith.muli %while3A_23, %while3A_22 : i32
    %while3A_25 = arith.addi %while3A, %while3A_24 : i32
    %while3A_26 = arith.constant 1 : i32
    %while3A_27:2 = scf.for %while3A_33 = %while3A to %while3A_25 step %while3A_26 iter_args(%while3A_34 = %broadcast_in_dim3A_16, %while3A_35 = %convert_element_type3A) -> (vector<128x8xf32>, vector<128x8xf32>)  : i32 {
      %mul3A_36 = arith.constant 256 : i32
      %mul3A_37 = arith.muli %while3A_33, %mul3A_36 : i32
      %add3A_38 = arith.addi %multiple_of3A, %mul3A_37 : i32
      %multiple_of3A_39 = tpu.assume_multiple %add3A_38, 128 : i32
      %get3A_40 = arith.constant 0 : index
      %get3A_41 = arith.index_cast %multiple_of3A_39 : i32 to index
      %get3A_42 = vector.load %arg5[%get3A_40, %get3A_41] : memref<8x10240xf32, #tpu.memory_space<vmem>>, vector<8x256xf32>
      %get3A_43 = arith.constant 0 : index
      %get3A_44 = arith.index_cast %multiple_of3A_39 : i32 to index
      %get3A_45 = vector.load %arg6[%get3A_43, %get3A_44] : memref<8x10240xi32, #tpu.memory_space<vmem>>, vector<1x256xi32>
      %mul3A_46 = arith.mulf %get3A_42, %get3A_42 : vector<8x256xf32>
      %reduce_sum3A_47 = arith.constant dense<0.000000e+00> : vector<256xf32>
      %reduce_sum3A_48 = vector.multi_reduction <add>, %mul3A_46, %reduce_sum3A_47 [0] : vector<8x256xf32> to vector<256xf32>
      %broadcast_in_dim3A_49 = vector.shape_cast %reduce_sum3A_48 : vector<256xf32> to vector<1x256xf32>
      %dot_general3A = arith.constant dense<0.000000e+00> : vector<128x256xf32>
      %dot_general3A_50 = tpu.matmul %get3A_5, %get3A_42, %dot_general3A {dimension_numbers = #tpu.dot_dimension_numbers<[1], [0], [0], [1], [0, 0, 1, 1], [], []>, transpose_lhs_hint = false} : vector<128x8xf32>, vector<8x256xf32>, vector<128x256xf32> -> vector<128x256xf32>
      %add3A_51 = vector.broadcast %broadcast_in_dim3A : vector<128x1xf32> to vector<128x256xf32>
      %add3A_52 = vector.broadcast %broadcast_in_dim3A_49 : vector<1x256xf32> to vector<128x256xf32>
      %add3A_53 = arith.addf %add3A_51, %add3A_52 : vector<128x256xf32>
      %mul3A_54 = arith.constant 2.000000e+00 : f32
      %mul3A_55 = vector.broadcast %mul3A_54 : f32 to vector<128x256xf32>
      %mul3A_56 = arith.mulf %mul3A_55, %dot_general3A_50 : vector<128x256xf32>
      %sub3A = arith.subf %add3A_53, %mul3A_56 : vector<128x256xf32>
      %iota3A_57 = tpu.iota {dimensions = array<i32: 1>} : vector<128x256xi32>
      %add3A_58 = vector.broadcast %multiple_of3A_39 : i32 to vector<128x256xi32>
      %add3A_59 = arith.addi %iota3A_57, %add3A_58 : vector<128x256xi32>
      %eq3A = vector.broadcast %get3A_45 : vector<1x256xi32> to vector<128x256xi32>
      %eq3A_60 = vector.broadcast %get3A_10 : vector<128x1xi32> to vector<128x256xi32>
      %eq3A_61 = arith.cmpi eq, %eq3A, %eq3A_60 : vector<128x256xi32>
      %ne3A = vector.broadcast %add3A_14 : vector<128x1xi32> to vector<128x256xi32>
      %ne3A_62 = arith.cmpi ne, %add3A_59, %ne3A : vector<128x256xi32>
      %and3A = arith.andi %eq3A_61, %ne3A_62 : vector<128x256xi1>
      %jit3A = arith.constant 0x7F800000 : f32
      %broadcast_in_dim3A_63 = vector.broadcast %jit3A : f32 to vector<128x256xf32>
      %select_n3A = arith.select %and3A, %sub3A, %broadcast_in_dim3A_63 : vector<128x256xi1>, vector<128x256xf32>
      %sub3A_64 = arith.constant 8 : i32
      %sub3A_65 = arith.subi %multiple_of3A_39, %sub3A_64 : i32
      %convert_element_type3A_66 = arith.sitofp %sub3A_65 : i32 to f32
      %concatenate3A = tpu.concatenate %while3A_34, %select_n3A in 1 : vector<128x8xf32>, vector<128x256xf32> -> vector<128x264xf32>
      %reduce_min3A = arith.constant dense<0x7F800000> : vector<128xf32>
      %reduce_min3A_67 = vector.multi_reduction <minimumf>, %concatenate3A, %reduce_min3A [1] : vector<128x264xf32> to vector<128xf32>
      %broadcast_in_dim3A_68 = vector.shape_cast %reduce_min3A_67 : vector<128xf32> to vector<128x1xf32>
      %eq3A_69 = vector.broadcast %broadcast_in_dim3A_68 : vector<128x1xf32> to vector<128x264xf32>
      %eq3A_70 = arith.cmpf oeq, %concatenate3A, %eq3A_69 : vector<128x264xf32>
      %jit3A_71 = arith.constant 1.000000e+09 : f32
      %broadcast_in_dim3A_72 = vector.broadcast %jit3A_71 : f32 to vector<128x264xf32>
      %select_n3A_73 = arith.select %eq3A_70, %convert_element_type3A_19, %broadcast_in_dim3A_72 : vector<128x264xi1>, vector<128x264xf32>
      %reduce_min3A_74 = arith.constant dense<0x7F800000> : vector<128xf32>
      %reduce_min3A_75 = vector.multi_reduction <minimumf>, %select_n3A_73, %reduce_min3A_74 [1] : vector<128x264xf32> to vector<128xf32>
      %broadcast_in_dim3A_76 = vector.shape_cast %reduce_min3A_75 : vector<128xf32> to vector<128x1xf32>
      %eq3A_77 = vector.broadcast %broadcast_in_dim3A_76 : vector<128x1xf32> to vector<128x8xf32>
      %eq3A_78 = arith.cmpf oeq, %convert_element_type3A, %eq3A_77 : vector<128x8xf32>
      %jit3A_79 = arith.constant 0.000000e+00 : f32
      %broadcast_in_dim3A_80 = vector.broadcast %jit3A_79 : f32 to vector<128x8xf32>
      %select_n3A_81 = arith.select %eq3A_78, %while3A_35, %broadcast_in_dim3A_80 : vector<128x8xi1>, vector<128x8xf32>
      %reduce_sum3A_82 = arith.constant dense<0.000000e+00> : vector<128xf32>
      %reduce_sum3A_83 = vector.multi_reduction <add>, %select_n3A_81, %reduce_sum3A_82 [1] : vector<128x8xf32> to vector<128xf32>
      %broadcast_in_dim3A_84 = vector.shape_cast %reduce_sum3A_83 : vector<128xf32> to vector<128x1xf32>
      %lt3A = arith.constant 8.000000e+00 : f32
      %lt3A_85 = vector.broadcast %lt3A : f32 to vector<128x1xf32>
      %lt3A_86 = arith.cmpf olt, %broadcast_in_dim3A_76, %lt3A_85 : vector<128x1xf32>
      %add3A_87 = vector.broadcast %convert_element_type3A_66 : f32 to vector<128x1xf32>
      %add3A_88 = arith.addf %broadcast_in_dim3A_76, %add3A_87 : vector<128x1xf32>
      %select_n3A_89 = arith.select %lt3A_86, %broadcast_in_dim3A_84, %add3A_88 : vector<128x1xi1>, vector<128x1xf32>
      %eq3A_90 = vector.broadcast %broadcast_in_dim3A_76 : vector<128x1xf32> to vector<128x264xf32>
      %eq3A_91 = arith.cmpf oeq, %convert_element_type3A_19, %eq3A_90 : vector<128x264xf32>
      %jit3A_92 = arith.constant 0x7F800000 : f32
      %broadcast_in_dim3A_93 = vector.broadcast %jit3A_92 : f32 to vector<128x264xf32>
      %select_n3A_94 = arith.select %eq3A_91, %broadcast_in_dim3A_93, %concatenate3A : vector<128x264xi1>, vector<128x264xf32>
      %reduce_min3A_95 = arith.constant dense<0x7F800000> : vector<128xf32>
      %reduce_min3A_96 = vector.multi_reduction <minimumf>, %select_n3A_94, %reduce_min3A_95 [1] : vector<128x264xf32> to vector<128xf32>
      %broadcast_in_dim3A_97 = vector.shape_cast %reduce_min3A_96 : vector<128xf32> to vector<128x1xf32>
      %eq3A_98 = vector.broadcast %broadcast_in_dim3A_97 : vector<128x1xf32> to vector<128x264xf32>
      %eq3A_99 = arith.cmpf oeq, %select_n3A_94, %eq3A_98 : vector<128x264xf32>
      %jit3A_100 = arith.constant 1.000000e+09 : f32
      %broadcast_in_dim3A_101 = vector.broadcast %jit3A_100 : f32 to vector<128x264xf32>
      %select_n3A_102 = arith.select %eq3A_99, %convert_element_type3A_19, %broadcast_in_dim3A_101 : vector<128x264xi1>, vector<128x264xf32>
      %reduce_min3A_103 = arith.constant dense<0x7F800000> : vector<128xf32>
      %reduce_min3A_104 = vector.multi_reduction <minimumf>, %select_n3A_102, %reduce_min3A_103 [1] : vector<128x264xf32> to vector<128xf32>
      %broadcast_in_dim3A_105 = vector.shape_cast %reduce_min3A_104 : vector<128xf32> to vector<128x1xf32>
      %eq3A_106 = vector.broadcast %broadcast_in_dim3A_105 : vector<128x1xf32> to vector<128x8xf32>
      %eq3A_107 = arith.cmpf oeq, %convert_element_type3A, %eq3A_106 : vector<128x8xf32>
      %jit3A_108 = arith.constant 0.000000e+00 : f32
      %broadcast_in_dim3A_109 = vector.broadcast %jit3A_108 : f32 to vector<128x8xf32>
      %select_n3A_110 = arith.select %eq3A_107, %while3A_35, %broadcast_in_dim3A_109 : vector<128x8xi1>, vector<128x8xf32>
      %reduce_sum3A_111 = arith.constant dense<0.000000e+00> : vector<128xf32>
      %reduce_sum3A_112 = vector.multi_reduction <add>, %select_n3A_110, %reduce_sum3A_111 [1] : vector<128x8xf32> to vector<128xf32>
      %broadcast_in_dim3A_113 = vector.shape_cast %reduce_sum3A_112 : vector<128xf32> to vector<128x1xf32>
      %lt3A_114 = arith.constant 8.000000e+00 : f32
      %lt3A_115 = vector.broadcast %lt3A_114 : f32 to vector<128x1xf32>
      %lt3A_116 = arith.cmpf olt, %broadcast_in_dim3A_105, %lt3A_115 : vector<128x1xf32>
      %add3A_117 = vector.broadcast %convert_element_type3A_66 : f32 to vector<128x1xf32>
      %add3A_118 = arith.addf %broadcast_in_dim3A_105, %add3A_117 : vector<128x1xf32>
      %select_n3A_119 = arith.select %lt3A_116, %broadcast_in_dim3A_113, %add3A_118 : vector<128x1xi1>, vector<128x1xf32>
      %eq3A_120 = vector.broadcast %broadcast_in_dim3A_105 : vector<128x1xf32> to vector<128x264xf32>
      %eq3A_121 = arith.cmpf oeq, %convert_element_type3A_19, %eq3A_120 : vector<128x264xf32>
      %jit3A_122 = arith.constant 0x7F800000 : f32
      %broadcast_in_dim3A_123 = vector.broadcast %jit3A_122 : f32 to vector<128x264xf32>
      %select_n3A_124 = arith.select %eq3A_121, %broadcast_in_dim3A_123, %select_n3A_94 : vector<128x264xi1>, vector<128x264xf32>
      %reduce_min3A_125 = arith.constant dense<0x7F800000> : vector<128xf32>
      %reduce_min3A_126 = vector.multi_reduction <minimumf>, %select_n3A_124, %reduce_min3A_125 [1] : vector<128x264xf32> to vector<128xf32>
      %broadcast_in_dim3A_127 = vector.shape_cast %reduce_min3A_126 : vector<128xf32> to vector<128x1xf32>
      %eq3A_128 = vector.broadcast %broadcast_in_dim3A_127 : vector<128x1xf32> to vector<128x264xf32>
      %eq3A_129 = arith.cmpf oeq, %select_n3A_124, %eq3A_128 : vector<128x264xf32>
      %jit3A_130 = arith.constant 1.000000e+09 : f32
      %broadcast_in_dim3A_131 = vector.broadcast %jit3A_130 : f32 to vector<128x264xf32>
      %select_n3A_132 = arith.select %eq3A_129, %convert_element_type3A_19, %broadcast_in_dim3A_131 : vector<128x264xi1>, vector<128x264xf32>
      %reduce_min3A_133 = arith.constant dense<0x7F800000> : vector<128xf32>
      %reduce_min3A_134 = vector.multi_reduction <minimumf>, %select_n3A_132, %reduce_min3A_133 [1] : vector<128x264xf32> to vector<128xf32>
      %broadcast_in_dim3A_135 = vector.shape_cast %reduce_min3A_134 : vector<128xf32> to vector<128x1xf32>
      %eq3A_136 = vector.broadcast %broadcast_in_dim3A_135 : vector<128x1xf32> to vector<128x8xf32>
      %eq3A_137 = arith.cmpf oeq, %convert_element_type3A, %eq3A_136 : vector<128x8xf32>
      %jit3A_138 = arith.constant 0.000000e+00 : f32
      %broadcast_in_dim3A_139 = vector.broadcast %jit3A_138 : f32 to vector<128x8xf32>
      %select_n3A_140 = arith.select %eq3A_137, %while3A_35, %broadcast_in_dim3A_139 : vector<128x8xi1>, vector<128x8xf32>
      %reduce_sum3A_141 = arith.constant dense<0.000000e+00> : vector<128xf32>
      %reduce_sum3A_142 = vector.multi_reduction <add>, %select_n3A_140, %reduce_sum3A_141 [1] : vector<128x8xf32> to vector<128xf32>
      %broadcast_in_dim3A_143 = vector.shape_cast %reduce_sum3A_142 : vector<128xf32> to vector<128x1xf32>
      %lt3A_144 = arith.constant 8.000000e+00 : f32
      %lt3A_145 = vector.broadcast %lt3A_144 : f32 to vector<128x1xf32>
      %lt3A_146 = arith.cmpf olt, %broadcast_in_dim3A_135, %lt3A_145 : vector<128x1xf32>
      %add3A_147 = vector.broadcast %convert_element_type3A_66 : f32 to vector<128x1xf32>
      %add3A_148 = arith.addf %broadcast_in_dim3A_135, %add3A_147 : vector<128x1xf32>
      %select_n3A_149 = arith.select %lt3A_146, %broadcast_in_dim3A_143, %add3A_148 : vector<128x1xi1>, vector<128x1xf32>
      %eq3A_150 = vector.broadcast %broadcast_in_dim3A_135 : vector<128x1xf32> to vector<128x264xf32>
      %eq3A_151 = arith.cmpf oeq, %convert_element_type3A_19, %eq3A_150 : vector<128x264xf32>
      %jit3A_152 = arith.constant 0x7F800000 : f32
      %broadcast_in_dim3A_153 = vector.broadcast %jit3A_152 : f32 to vector<128x264xf32>
      %select_n3A_154 = arith.select %eq3A_151, %broadcast_in_dim3A_153, %select_n3A_124 : vector<128x264xi1>, vector<128x264xf32>
      %reduce_min3A_155 = arith.constant dense<0x7F800000> : vector<128xf32>
      %reduce_min3A_156 = vector.multi_reduction <minimumf>, %select_n3A_154, %reduce_min3A_155 [1] : vector<128x264xf32> to vector<128xf32>
      %broadcast_in_dim3A_157 = vector.shape_cast %reduce_min3A_156 : vector<128xf32> to vector<128x1xf32>
      %eq3A_158 = vector.broadcast %broadcast_in_dim3A_157 : vector<128x1xf32> to vector<128x264xf32>
      %eq3A_159 = arith.cmpf oeq, %select_n3A_154, %eq3A_158 : vector<128x264xf32>
      %jit3A_160 = arith.constant 1.000000e+09 : f32
      %broadcast_in_dim3A_161 = vector.broadcast %jit3A_160 : f32 to vector<128x264xf32>
      %select_n3A_162 = arith.select %eq3A_159, %convert_element_type3A_19, %broadcast_in_dim3A_161 : vector<128x264xi1>, vector<128x264xf32>
      %reduce_min3A_163 = arith.constant dense<0x7F800000> : vector<128xf32>
      %reduce_min3A_164 = vector.multi_reduction <minimumf>, %select_n3A_162, %reduce_min3A_163 [1] : vector<128x264xf32> to vector<128xf32>
      %broadcast_in_dim3A_165 = vector.shape_cast %reduce_min3A_164 : vector<128xf32> to vector<128x1xf32>
      %eq3A_166 = vector.broadcast %broadcast_in_dim3A_165 : vector<128x1xf32> to vector<128x8xf32>
      %eq3A_167 = arith.cmpf oeq, %convert_element_type3A, %eq3A_166 : vector<128x8xf32>
      %jit3A_168 = arith.constant 0.000000e+00 : f32
      %broadcast_in_dim3A_169 = vector.broadcast %jit3A_168 : f32 to vector<128x8xf32>
      %select_n3A_170 = arith.select %eq3A_167, %while3A_35, %broadcast_in_dim3A_169 : vector<128x8xi1>, vector<128x8xf32>
      %reduce_sum3A_171 = arith.constant dense<0.000000e+00> : vector<128xf32>
      %reduce_sum3A_172 = vector.multi_reduction <add>, %select_n3A_170, %reduce_sum3A_171 [1] : vector<128x8xf32> to vector<128xf32>
      %broadcast_in_dim3A_173 = vector.shape_cast %reduce_sum3A_172 : vector<128xf32> to vector<128x1xf32>
      %lt3A_174 = arith.constant 8.000000e+00 : f32
      %lt3A_175 = vector.broadcast %lt3A_174 : f32 to vector<128x1xf32>
      %lt3A_176 = arith.cmpf olt, %broadcast_in_dim3A_165, %lt3A_175 : vector<128x1xf32>
      %add3A_177 = vector.broadcast %convert_element_type3A_66 : f32 to vector<128x1xf32>
      %add3A_178 = arith.addf %broadcast_in_dim3A_165, %add3A_177 : vector<128x1xf32>
      %select_n3A_179 = arith.select %lt3A_176, %broadcast_in_dim3A_173, %add3A_178 : vector<128x1xi1>, vector<128x1xf32>
      %eq3A_180 = vector.broadcast %broadcast_in_dim3A_165 : vector<128x1xf32> to vector<128x264xf32>
      %eq3A_181 = arith.cmpf oeq, %convert_element_type3A_19, %eq3A_180 : vector<128x264xf32>
      %jit3A_182 = arith.constant 0x7F800000 : f32
      %broadcast_in_dim3A_183 = vector.broadcast %jit3A_182 : f32 to vector<128x264xf32>
      %select_n3A_184 = arith.select %eq3A_181, %broadcast_in_dim3A_183, %select_n3A_154 : vector<128x264xi1>, vector<128x264xf32>
      %reduce_min3A_185 = arith.constant dense<0x7F800000> : vector<128xf32>
      %reduce_min3A_186 = vector.multi_reduction <minimumf>, %select_n3A_184, %reduce_min3A_185 [1] : vector<128x264xf32> to vector<128xf32>
      %broadcast_in_dim3A_187 = vector.shape_cast %reduce_min3A_186 : vector<128xf32> to vector<128x1xf32>
      %eq3A_188 = vector.broadcast %broadcast_in_dim3A_187 : vector<128x1xf32> to vector<128x264xf32>
      %eq3A_189 = arith.cmpf oeq, %select_n3A_184, %eq3A_188 : vector<128x264xf32>
      %jit3A_190 = arith.constant 1.000000e+09 : f32
      %broadcast_in_dim3A_191 = vector.broadcast %jit3A_190 : f32 to vector<128x264xf32>
      %select_n3A_192 = arith.select %eq3A_189, %convert_element_type3A_19, %broadcast_in_dim3A_191 : vector<128x264xi1>, vector<128x264xf32>
      %reduce_min3A_193 = arith.constant dense<0x7F800000> : vector<128xf32>
      %reduce_min3A_194 = vector.multi_reduction <minimumf>, %select_n3A_192, %reduce_min3A_193 [1] : vector<128x264xf32> to vector<128xf32>
      %broadcast_in_dim3A_195 = vector.shape_cast %reduce_min3A_194 : vector<128xf32> to vector<128x1xf32>
      %eq3A_196 = vector.broadcast %broadcast_in_dim3A_195 : vector<128x1xf32> to vector<128x8xf32>
      %eq3A_197 = arith.cmpf oeq, %convert_element_type3A, %eq3A_196 : vector<128x8xf32>
      %jit3A_198 = arith.constant 0.000000e+00 : f32
      %broadcast_in_dim3A_199 = vector.broadcast %jit3A_198 : f32 to vector<128x8xf32>
      %select_n3A_200 = arith.select %eq3A_197, %while3A_35, %broadcast_in_dim3A_199 : vector<128x8xi1>, vector<128x8xf32>
      %reduce_sum3A_201 = arith.constant dense<0.000000e+00> : vector<128xf32>
      %reduce_sum3A_202 = vector.multi_reduction <add>, %select_n3A_200, %reduce_sum3A_201 [1] : vector<128x8xf32> to vector<128xf32>
      %broadcast_in_dim3A_203 = vector.shape_cast %reduce_sum3A_202 : vector<128xf32> to vector<128x1xf32>
      %lt3A_204 = arith.constant 8.000000e+00 : f32
      %lt3A_205 = vector.broadcast %lt3A_204 : f32 to vector<128x1xf32>
      %lt3A_206 = arith.cmpf olt, %broadcast_in_dim3A_195, %lt3A_205 : vector<128x1xf32>
      %add3A_207 = vector.broadcast %convert_element_type3A_66 : f32 to vector<128x1xf32>
      %add3A_208 = arith.addf %broadcast_in_dim3A_195, %add3A_207 : vector<128x1xf32>
      %select_n3A_209 = arith.select %lt3A_206, %broadcast_in_dim3A_203, %add3A_208 : vector<128x1xi1>, vector<128x1xf32>
      %eq3A_210 = vector.broadcast %broadcast_in_dim3A_195 : vector<128x1xf32> to vector<128x264xf32>
      %eq3A_211 = arith.cmpf oeq, %convert_element_type3A_19, %eq3A_210 : vector<128x264xf32>
      %jit3A_212 = arith.constant 0x7F800000 : f32
      %broadcast_in_dim3A_213 = vector.broadcast %jit3A_212 : f32 to vector<128x264xf32>
      %select_n3A_214 = arith.select %eq3A_211, %broadcast_in_dim3A_213, %select_n3A_184 : vector<128x264xi1>, vector<128x264xf32>
      %broadcast_in_dim3A_215 = arith.constant 0x7F800000 : f32
      %broadcast_in_dim3A_216 = vector.broadcast %broadcast_in_dim3A_215 : f32 to vector<128x3xf32>
      %iota3A_217 = tpu.iota {dimensions = array<i32: 1>} : vector<128x3xi32>
      %convert_element_type3A_218 = arith.sitofp %iota3A_217 : vector<128x3xi32> to vector<128x3xf32>
      %add3A_219 = arith.constant 5.000000e+00 : f32
      %add3A_220 = vector.broadcast %add3A_219 : f32 to vector<128x3xf32>
      %add3A_221 = arith.addf %convert_element_type3A_218, %add3A_220 : vector<128x3xf32>
      %concatenate3A_222 = tpu.concatenate %broadcast_in_dim3A_68, %broadcast_in_dim3A_97, %broadcast_in_dim3A_127, %broadcast_in_dim3A_157, %broadcast_in_dim3A_187, %broadcast_in_dim3A_216 in 1 : vector<128x1xf32>, vector<128x1xf32>, vector<128x1xf32>, vector<128x1xf32>, vector<128x1xf32>, vector<128x3xf32> -> vector<128x8xf32>
      %concatenate3A_223 = tpu.concatenate %select_n3A_89, %select_n3A_119, %select_n3A_149, %select_n3A_179, %select_n3A_209, %add3A_221 in 1 : vector<128x1xf32>, vector<128x1xf32>, vector<128x1xf32>, vector<128x1xf32>, vector<128x1xf32>, vector<128x3xf32> -> vector<128x8xf32>
      scf.yield %concatenate3A_222, %concatenate3A_223 : vector<128x8xf32>, vector<128x8xf32>
    }
    %while3A_28 = arith.constant 1 : i32
    %while3A_29:2 = scf.for %while3A_33 = %while3A_25 to %while3A_21 step %while3A_28 iter_args(%while3A_34 = %while3A_27#0, %while3A_35 = %while3A_27#1) -> (vector<128x8xf32>, vector<128x8xf32>)  : i32 {
      %mul3A_36 = arith.constant 256 : i32
      %mul3A_37 = arith.muli %while3A_33, %mul3A_36 : i32
      %add3A_38 = arith.addi %multiple_of3A, %mul3A_37 : i32
      %multiple_of3A_39 = tpu.assume_multiple %add3A_38, 128 : i32
      %get3A_40 = arith.constant 0 : index
      %get3A_41 = arith.index_cast %multiple_of3A_39 : i32 to index
      %get3A_42 = vector.load %arg5[%get3A_40, %get3A_41] : memref<8x10240xf32, #tpu.memory_space<vmem>>, vector<8x256xf32>
      %get3A_43 = arith.constant 0 : index
      %get3A_44 = arith.index_cast %multiple_of3A_39 : i32 to index
      %get3A_45 = vector.load %arg6[%get3A_43, %get3A_44] : memref<8x10240xi32, #tpu.memory_space<vmem>>, vector<1x256xi32>
      %mul3A_46 = arith.mulf %get3A_42, %get3A_42 : vector<8x256xf32>
      %reduce_sum3A_47 = arith.constant dense<0.000000e+00> : vector<256xf32>
      %reduce_sum3A_48 = vector.multi_reduction <add>, %mul3A_46, %reduce_sum3A_47 [0] : vector<8x256xf32> to vector<256xf32>
      %broadcast_in_dim3A_49 = vector.shape_cast %reduce_sum3A_48 : vector<256xf32> to vector<1x256xf32>
      %dot_general3A = arith.constant dense<0.000000e+00> : vector<128x256xf32>
      %dot_general3A_50 = tpu.matmul %get3A_5, %get3A_42, %dot_general3A {dimension_numbers = #tpu.dot_dimension_numbers<[1], [0], [0], [1], [0, 0, 1, 1], [], []>, transpose_lhs_hint = false} : vector<128x8xf32>, vector<8x256xf32>, vector<128x256xf32> -> vector<128x256xf32>
      %add3A_51 = vector.broadcast %broadcast_in_dim3A : vector<128x1xf32> to vector<128x256xf32>
      %add3A_52 = vector.broadcast %broadcast_in_dim3A_49 : vector<1x256xf32> to vector<128x256xf32>
      %add3A_53 = arith.addf %add3A_51, %add3A_52 : vector<128x256xf32>
      %mul3A_54 = arith.constant 2.000000e+00 : f32
      %mul3A_55 = vector.broadcast %mul3A_54 : f32 to vector<128x256xf32>
      %mul3A_56 = arith.mulf %mul3A_55, %dot_general3A_50 : vector<128x256xf32>
      %sub3A = arith.subf %add3A_53, %mul3A_56 : vector<128x256xf32>
      %iota3A_57 = tpu.iota {dimensions = array<i32: 1>} : vector<128x256xi32>
      %add3A_58 = vector.broadcast %multiple_of3A_39 : i32 to vector<128x256xi32>
      %add3A_59 = arith.addi %iota3A_57, %add3A_58 : vector<128x256xi32>
      %eq3A = vector.broadcast %get3A_45 : vector<1x256xi32> to vector<128x256xi32>
      %eq3A_60 = vector.broadcast %get3A_10 : vector<128x1xi32> to vector<128x256xi32>
      %eq3A_61 = arith.cmpi eq, %eq3A, %eq3A_60 : vector<128x256xi32>
      %ne3A = vector.broadcast %add3A_14 : vector<128x1xi32> to vector<128x256xi32>
      %ne3A_62 = arith.cmpi ne, %add3A_59, %ne3A : vector<128x256xi32>
      %and3A = arith.andi %eq3A_61, %ne3A_62 : vector<128x256xi1>
      %jit3A = arith.constant 0x7F800000 : f32
      %broadcast_in_dim3A_63 = vector.broadcast %jit3A : f32 to vector<128x256xf32>
      %select_n3A = arith.select %and3A, %sub3A, %broadcast_in_dim3A_63 : vector<128x256xi1>, vector<128x256xf32>
      %sub3A_64 = arith.constant 8 : i32
      %sub3A_65 = arith.subi %multiple_of3A_39, %sub3A_64 : i32
      %convert_element_type3A_66 = arith.sitofp %sub3A_65 : i32 to f32
      %concatenate3A = tpu.concatenate %while3A_34, %select_n3A in 1 : vector<128x8xf32>, vector<128x256xf32> -> vector<128x264xf32>
      %reduce_min3A = arith.constant dense<0x7F800000> : vector<128xf32>
      %reduce_min3A_67 = vector.multi_reduction <minimumf>, %concatenate3A, %reduce_min3A [1] : vector<128x264xf32> to vector<128xf32>
      %broadcast_in_dim3A_68 = vector.shape_cast %reduce_min3A_67 : vector<128xf32> to vector<128x1xf32>
      %eq3A_69 = vector.broadcast %broadcast_in_dim3A_68 : vector<128x1xf32> to vector<128x264xf32>
      %eq3A_70 = arith.cmpf oeq, %concatenate3A, %eq3A_69 : vector<128x264xf32>
      %jit3A_71 = arith.constant 1.000000e+09 : f32
      %broadcast_in_dim3A_72 = vector.broadcast %jit3A_71 : f32 to vector<128x264xf32>
      %select_n3A_73 = arith.select %eq3A_70, %convert_element_type3A_19, %broadcast_in_dim3A_72 : vector<128x264xi1>, vector<128x264xf32>
      %reduce_min3A_74 = arith.constant dense<0x7F800000> : vector<128xf32>
      %reduce_min3A_75 = vector.multi_reduction <minimumf>, %select_n3A_73, %reduce_min3A_74 [1] : vector<128x264xf32> to vector<128xf32>
      %broadcast_in_dim3A_76 = vector.shape_cast %reduce_min3A_75 : vector<128xf32> to vector<128x1xf32>
      %eq3A_77 = vector.broadcast %broadcast_in_dim3A_76 : vector<128x1xf32> to vector<128x8xf32>
      %eq3A_78 = arith.cmpf oeq, %convert_element_type3A, %eq3A_77 : vector<128x8xf32>
      %jit3A_79 = arith.constant 0.000000e+00 : f32
      %broadcast_in_dim3A_80 = vector.broadcast %jit3A_79 : f32 to vector<128x8xf32>
      %select_n3A_81 = arith.select %eq3A_78, %while3A_35, %broadcast_in_dim3A_80 : vector<128x8xi1>, vector<128x8xf32>
      %reduce_sum3A_82 = arith.constant dense<0.000000e+00> : vector<128xf32>
      %reduce_sum3A_83 = vector.multi_reduction <add>, %select_n3A_81, %reduce_sum3A_82 [1] : vector<128x8xf32> to vector<128xf32>
      %broadcast_in_dim3A_84 = vector.shape_cast %reduce_sum3A_83 : vector<128xf32> to vector<128x1xf32>
      %lt3A = arith.constant 8.000000e+00 : f32
      %lt3A_85 = vector.broadcast %lt3A : f32 to vector<128x1xf32>
      %lt3A_86 = arith.cmpf olt, %broadcast_in_dim3A_76, %lt3A_85 : vector<128x1xf32>
      %add3A_87 = vector.broadcast %convert_element_type3A_66 : f32 to vector<128x1xf32>
      %add3A_88 = arith.addf %broadcast_in_dim3A_76, %add3A_87 : vector<128x1xf32>
      %select_n3A_89 = arith.select %lt3A_86, %broadcast_in_dim3A_84, %add3A_88 : vector<128x1xi1>, vector<128x1xf32>
      %eq3A_90 = vector.broadcast %broadcast_in_dim3A_76 : vector<128x1xf32> to vector<128x264xf32>
      %eq3A_91 = arith.cmpf oeq, %convert_element_type3A_19, %eq3A_90 : vector<128x264xf32>
      %jit3A_92 = arith.constant 0x7F800000 : f32
      %broadcast_in_dim3A_93 = vector.broadcast %jit3A_92 : f32 to vector<128x264xf32>
      %select_n3A_94 = arith.select %eq3A_91, %broadcast_in_dim3A_93, %concatenate3A : vector<128x264xi1>, vector<128x264xf32>
      %reduce_min3A_95 = arith.constant dense<0x7F800000> : vector<128xf32>
      %reduce_min3A_96 = vector.multi_reduction <minimumf>, %select_n3A_94, %reduce_min3A_95 [1] : vector<128x264xf32> to vector<128xf32>
      %broadcast_in_dim3A_97 = vector.shape_cast %reduce_min3A_96 : vector<128xf32> to vector<128x1xf32>
      %eq3A_98 = vector.broadcast %broadcast_in_dim3A_97 : vector<128x1xf32> to vector<128x264xf32>
      %eq3A_99 = arith.cmpf oeq, %select_n3A_94, %eq3A_98 : vector<128x264xf32>
      %jit3A_100 = arith.constant 1.000000e+09 : f32
      %broadcast_in_dim3A_101 = vector.broadcast %jit3A_100 : f32 to vector<128x264xf32>
      %select_n3A_102 = arith.select %eq3A_99, %convert_element_type3A_19, %broadcast_in_dim3A_101 : vector<128x264xi1>, vector<128x264xf32>
      %reduce_min3A_103 = arith.constant dense<0x7F800000> : vector<128xf32>
      %reduce_min3A_104 = vector.multi_reduction <minimumf>, %select_n3A_102, %reduce_min3A_103 [1] : vector<128x264xf32> to vector<128xf32>
      %broadcast_in_dim3A_105 = vector.shape_cast %reduce_min3A_104 : vector<128xf32> to vector<128x1xf32>
      %eq3A_106 = vector.broadcast %broadcast_in_dim3A_105 : vector<128x1xf32> to vector<128x8xf32>
      %eq3A_107 = arith.cmpf oeq, %convert_element_type3A, %eq3A_106 : vector<128x8xf32>
      %jit3A_108 = arith.constant 0.000000e+00 : f32
      %broadcast_in_dim3A_109 = vector.broadcast %jit3A_108 : f32 to vector<128x8xf32>
      %select_n3A_110 = arith.select %eq3A_107, %while3A_35, %broadcast_in_dim3A_109 : vector<128x8xi1>, vector<128x8xf32>
      %reduce_sum3A_111 = arith.constant dense<0.000000e+00> : vector<128xf32>
      %reduce_sum3A_112 = vector.multi_reduction <add>, %select_n3A_110, %reduce_sum3A_111 [1] : vector<128x8xf32> to vector<128xf32>
      %broadcast_in_dim3A_113 = vector.shape_cast %reduce_sum3A_112 : vector<128xf32> to vector<128x1xf32>
      %lt3A_114 = arith.constant 8.000000e+00 : f32
      %lt3A_115 = vector.broadcast %lt3A_114 : f32 to vector<128x1xf32>
      %lt3A_116 = arith.cmpf olt, %broadcast_in_dim3A_105, %lt3A_115 : vector<128x1xf32>
      %add3A_117 = vector.broadcast %convert_element_type3A_66 : f32 to vector<128x1xf32>
      %add3A_118 = arith.addf %broadcast_in_dim3A_105, %add3A_117 : vector<128x1xf32>
      %select_n3A_119 = arith.select %lt3A_116, %broadcast_in_dim3A_113, %add3A_118 : vector<128x1xi1>, vector<128x1xf32>
      %eq3A_120 = vector.broadcast %broadcast_in_dim3A_105 : vector<128x1xf32> to vector<128x264xf32>
      %eq3A_121 = arith.cmpf oeq, %convert_element_type3A_19, %eq3A_120 : vector<128x264xf32>
      %jit3A_122 = arith.constant 0x7F800000 : f32
      %broadcast_in_dim3A_123 = vector.broadcast %jit3A_122 : f32 to vector<128x264xf32>
      %select_n3A_124 = arith.select %eq3A_121, %broadcast_in_dim3A_123, %select_n3A_94 : vector<128x264xi1>, vector<128x264xf32>
      %reduce_min3A_125 = arith.constant dense<0x7F800000> : vector<128xf32>
      %reduce_min3A_126 = vector.multi_reduction <minimumf>, %select_n3A_124, %reduce_min3A_125 [1] : vector<128x264xf32> to vector<128xf32>
      %broadcast_in_dim3A_127 = vector.shape_cast %reduce_min3A_126 : vector<128xf32> to vector<128x1xf32>
      %eq3A_128 = vector.broadcast %broadcast_in_dim3A_127 : vector<128x1xf32> to vector<128x264xf32>
      %eq3A_129 = arith.cmpf oeq, %select_n3A_124, %eq3A_128 : vector<128x264xf32>
      %jit3A_130 = arith.constant 1.000000e+09 : f32
      %broadcast_in_dim3A_131 = vector.broadcast %jit3A_130 : f32 to vector<128x264xf32>
      %select_n3A_132 = arith.select %eq3A_129, %convert_element_type3A_19, %broadcast_in_dim3A_131 : vector<128x264xi1>, vector<128x264xf32>
      %reduce_min3A_133 = arith.constant dense<0x7F800000> : vector<128xf32>
      %reduce_min3A_134 = vector.multi_reduction <minimumf>, %select_n3A_132, %reduce_min3A_133 [1] : vector<128x264xf32> to vector<128xf32>
      %broadcast_in_dim3A_135 = vector.shape_cast %reduce_min3A_134 : vector<128xf32> to vector<128x1xf32>
      %eq3A_136 = vector.broadcast %broadcast_in_dim3A_135 : vector<128x1xf32> to vector<128x8xf32>
      %eq3A_137 = arith.cmpf oeq, %convert_element_type3A, %eq3A_136 : vector<128x8xf32>
      %jit3A_138 = arith.constant 0.000000e+00 : f32
      %broadcast_in_dim3A_139 = vector.broadcast %jit3A_138 : f32 to vector<128x8xf32>
      %select_n3A_140 = arith.select %eq3A_137, %while3A_35, %broadcast_in_dim3A_139 : vector<128x8xi1>, vector<128x8xf32>
      %reduce_sum3A_141 = arith.constant dense<0.000000e+00> : vector<128xf32>
      %reduce_sum3A_142 = vector.multi_reduction <add>, %select_n3A_140, %reduce_sum3A_141 [1] : vector<128x8xf32> to vector<128xf32>
      %broadcast_in_dim3A_143 = vector.shape_cast %reduce_sum3A_142 : vector<128xf32> to vector<128x1xf32>
      %lt3A_144 = arith.constant 8.000000e+00 : f32
      %lt3A_145 = vector.broadcast %lt3A_144 : f32 to vector<128x1xf32>
      %lt3A_146 = arith.cmpf olt, %broadcast_in_dim3A_135, %lt3A_145 : vector<128x1xf32>
      %add3A_147 = vector.broadcast %convert_element_type3A_66 : f32 to vector<128x1xf32>
      %add3A_148 = arith.addf %broadcast_in_dim3A_135, %add3A_147 : vector<128x1xf32>
      %select_n3A_149 = arith.select %lt3A_146, %broadcast_in_dim3A_143, %add3A_148 : vector<128x1xi1>, vector<128x1xf32>
      %eq3A_150 = vector.broadcast %broadcast_in_dim3A_135 : vector<128x1xf32> to vector<128x264xf32>
      %eq3A_151 = arith.cmpf oeq, %convert_element_type3A_19, %eq3A_150 : vector<128x264xf32>
      %jit3A_152 = arith.constant 0x7F800000 : f32
      %broadcast_in_dim3A_153 = vector.broadcast %jit3A_152 : f32 to vector<128x264xf32>
      %select_n3A_154 = arith.select %eq3A_151, %broadcast_in_dim3A_153, %select_n3A_124 : vector<128x264xi1>, vector<128x264xf32>
      %reduce_min3A_155 = arith.constant dense<0x7F800000> : vector<128xf32>
      %reduce_min3A_156 = vector.multi_reduction <minimumf>, %select_n3A_154, %reduce_min3A_155 [1] : vector<128x264xf32> to vector<128xf32>
      %broadcast_in_dim3A_157 = vector.shape_cast %reduce_min3A_156 : vector<128xf32> to vector<128x1xf32>
      %eq3A_158 = vector.broadcast %broadcast_in_dim3A_157 : vector<128x1xf32> to vector<128x264xf32>
      %eq3A_159 = arith.cmpf oeq, %select_n3A_154, %eq3A_158 : vector<128x264xf32>
      %jit3A_160 = arith.constant 1.000000e+09 : f32
      %broadcast_in_dim3A_161 = vector.broadcast %jit3A_160 : f32 to vector<128x264xf32>
      %select_n3A_162 = arith.select %eq3A_159, %convert_element_type3A_19, %broadcast_in_dim3A_161 : vector<128x264xi1>, vector<128x264xf32>
      %reduce_min3A_163 = arith.constant dense<0x7F800000> : vector<128xf32>
      %reduce_min3A_164 = vector.multi_reduction <minimumf>, %select_n3A_162, %reduce_min3A_163 [1] : vector<128x264xf32> to vector<128xf32>
      %broadcast_in_dim3A_165 = vector.shape_cast %reduce_min3A_164 : vector<128xf32> to vector<128x1xf32>
      %eq3A_166 = vector.broadcast %broadcast_in_dim3A_165 : vector<128x1xf32> to vector<128x8xf32>
      %eq3A_167 = arith.cmpf oeq, %convert_element_type3A, %eq3A_166 : vector<128x8xf32>
      %jit3A_168 = arith.constant 0.000000e+00 : f32
      %broadcast_in_dim3A_169 = vector.broadcast %jit3A_168 : f32 to vector<128x8xf32>
      %select_n3A_170 = arith.select %eq3A_167, %while3A_35, %broadcast_in_dim3A_169 : vector<128x8xi1>, vector<128x8xf32>
      %reduce_sum3A_171 = arith.constant dense<0.000000e+00> : vector<128xf32>
      %reduce_sum3A_172 = vector.multi_reduction <add>, %select_n3A_170, %reduce_sum3A_171 [1] : vector<128x8xf32> to vector<128xf32>
      %broadcast_in_dim3A_173 = vector.shape_cast %reduce_sum3A_172 : vector<128xf32> to vector<128x1xf32>
      %lt3A_174 = arith.constant 8.000000e+00 : f32
      %lt3A_175 = vector.broadcast %lt3A_174 : f32 to vector<128x1xf32>
      %lt3A_176 = arith.cmpf olt, %broadcast_in_dim3A_165, %lt3A_175 : vector<128x1xf32>
      %add3A_177 = vector.broadcast %convert_element_type3A_66 : f32 to vector<128x1xf32>
      %add3A_178 = arith.addf %broadcast_in_dim3A_165, %add3A_177 : vector<128x1xf32>
      %select_n3A_179 = arith.select %lt3A_176, %broadcast_in_dim3A_173, %add3A_178 : vector<128x1xi1>, vector<128x1xf32>
      %eq3A_180 = vector.broadcast %broadcast_in_dim3A_165 : vector<128x1xf32> to vector<128x264xf32>
      %eq3A_181 = arith.cmpf oeq, %convert_element_type3A_19, %eq3A_180 : vector<128x264xf32>
      %jit3A_182 = arith.constant 0x7F800000 : f32
      %broadcast_in_dim3A_183 = vector.broadcast %jit3A_182 : f32 to vector<128x264xf32>
      %select_n3A_184 = arith.select %eq3A_181, %broadcast_in_dim3A_183, %select_n3A_154 : vector<128x264xi1>, vector<128x264xf32>
      %reduce_min3A_185 = arith.constant dense<0x7F800000> : vector<128xf32>
      %reduce_min3A_186 = vector.multi_reduction <minimumf>, %select_n3A_184, %reduce_min3A_185 [1] : vector<128x264xf32> to vector<128xf32>
      %broadcast_in_dim3A_187 = vector.shape_cast %reduce_min3A_186 : vector<128xf32> to vector<128x1xf32>
      %eq3A_188 = vector.broadcast %broadcast_in_dim3A_187 : vector<128x1xf32> to vector<128x264xf32>
      %eq3A_189 = arith.cmpf oeq, %select_n3A_184, %eq3A_188 : vector<128x264xf32>
      %jit3A_190 = arith.constant 1.000000e+09 : f32
      %broadcast_in_dim3A_191 = vector.broadcast %jit3A_190 : f32 to vector<128x264xf32>
      %select_n3A_192 = arith.select %eq3A_189, %convert_element_type3A_19, %broadcast_in_dim3A_191 : vector<128x264xi1>, vector<128x264xf32>
      %reduce_min3A_193 = arith.constant dense<0x7F800000> : vector<128xf32>
      %reduce_min3A_194 = vector.multi_reduction <minimumf>, %select_n3A_192, %reduce_min3A_193 [1] : vector<128x264xf32> to vector<128xf32>
      %broadcast_in_dim3A_195 = vector.shape_cast %reduce_min3A_194 : vector<128xf32> to vector<128x1xf32>
      %eq3A_196 = vector.broadcast %broadcast_in_dim3A_195 : vector<128x1xf32> to vector<128x8xf32>
      %eq3A_197 = arith.cmpf oeq, %convert_element_type3A, %eq3A_196 : vector<128x8xf32>
      %jit3A_198 = arith.constant 0.000000e+00 : f32
      %broadcast_in_dim3A_199 = vector.broadcast %jit3A_198 : f32 to vector<128x8xf32>
      %select_n3A_200 = arith.select %eq3A_197, %while3A_35, %broadcast_in_dim3A_199 : vector<128x8xi1>, vector<128x8xf32>
      %reduce_sum3A_201 = arith.constant dense<0.000000e+00> : vector<128xf32>
      %reduce_sum3A_202 = vector.multi_reduction <add>, %select_n3A_200, %reduce_sum3A_201 [1] : vector<128x8xf32> to vector<128xf32>
      %broadcast_in_dim3A_203 = vector.shape_cast %reduce_sum3A_202 : vector<128xf32> to vector<128x1xf32>
      %lt3A_204 = arith.constant 8.000000e+00 : f32
      %lt3A_205 = vector.broadcast %lt3A_204 : f32 to vector<128x1xf32>
      %lt3A_206 = arith.cmpf olt, %broadcast_in_dim3A_195, %lt3A_205 : vector<128x1xf32>
      %add3A_207 = vector.broadcast %convert_element_type3A_66 : f32 to vector<128x1xf32>
      %add3A_208 = arith.addf %broadcast_in_dim3A_195, %add3A_207 : vector<128x1xf32>
      %select_n3A_209 = arith.select %lt3A_206, %broadcast_in_dim3A_203, %add3A_208 : vector<128x1xi1>, vector<128x1xf32>
      %eq3A_210 = vector.broadcast %broadcast_in_dim3A_195 : vector<128x1xf32> to vector<128x264xf32>
      %eq3A_211 = arith.cmpf oeq, %convert_element_type3A_19, %eq3A_210 : vector<128x264xf32>
      %jit3A_212 = arith.constant 0x7F800000 : f32
      %broadcast_in_dim3A_213 = vector.broadcast %jit3A_212 : f32 to vector<128x264xf32>
      %select_n3A_214 = arith.select %eq3A_211, %broadcast_in_dim3A_213, %select_n3A_184 : vector<128x264xi1>, vector<128x264xf32>
      %broadcast_in_dim3A_215 = arith.constant 0x7F800000 : f32
      %broadcast_in_dim3A_216 = vector.broadcast %broadcast_in_dim3A_215 : f32 to vector<128x3xf32>
      %iota3A_217 = tpu.iota {dimensions = array<i32: 1>} : vector<128x3xi32>
      %convert_element_type3A_218 = arith.sitofp %iota3A_217 : vector<128x3xi32> to vector<128x3xf32>
      %add3A_219 = arith.constant 5.000000e+00 : f32
      %add3A_220 = vector.broadcast %add3A_219 : f32 to vector<128x3xf32>
      %add3A_221 = arith.addf %convert_element_type3A_218, %add3A_220 : vector<128x3xf32>
      %concatenate3A_222 = tpu.concatenate %broadcast_in_dim3A_68, %broadcast_in_dim3A_97, %broadcast_in_dim3A_127, %broadcast_in_dim3A_157, %broadcast_in_dim3A_187, %broadcast_in_dim3A_216 in 1 : vector<128x1xf32>, vector<128x1xf32>, vector<128x1xf32>, vector<128x1xf32>, vector<128x1xf32>, vector<128x3xf32> -> vector<128x8xf32>
      %concatenate3A_223 = tpu.concatenate %select_n3A_89, %select_n3A_119, %select_n3A_149, %select_n3A_179, %select_n3A_209, %add3A_221 in 1 : vector<128x1xf32>, vector<128x1xf32>, vector<128x1xf32>, vector<128x1xf32>, vector<128x1xf32>, vector<128x3xf32> -> vector<128x8xf32>
      scf.yield %concatenate3A_222, %concatenate3A_223 : vector<128x8xf32>, vector<128x8xf32>
    }
    %convert_element_type3A_30 = arith.fptosi %while3A_29#1 : vector<128x8xf32> to vector<128x8xi32>
    %swap3A = arith.constant 0 : index
    %swap3A_31 = arith.constant 0 : index
    %swap3A_32 = vector.load %arg7[%swap3A, %swap3A_31] : memref<128x8xi32, #tpu.memory_space<vmem>>, vector<128x8xi32>
    tpu.vector_store %arg7[%swap3A, %swap3A_31], %convert_element_type3A_30 {strides = array<i32>} : memref<128x8xi32, #tpu.memory_space<vmem>>, vector<128x8xi32>,
    return
  }
  func.func @transform_0(%arg0: i32, %arg1: memref<80xi32, #tpu.memory_space<smem>>, %arg2: memref<80xi32, #tpu.memory_space<smem>>) -> (i32, i32) {
    %c0_i32 = arith.constant 0 : i32
    %c0_i32_0 = arith.constant 0 : i32
    return %arg0, %c0_i32 : i32, i32
  }
  func.func @transform_1(%arg0: i32, %arg1: memref<80xi32, #tpu.memory_space<smem>>, %arg2: memref<80xi32, #tpu.memory_space<smem>>) -> (i32, i32, i32) {
    %c0_i32 = arith.constant 0 : i32
    %c0_i32_0 = arith.constant 0 : i32
    %c0_i32_1 = arith.constant 0 : i32
    return %arg0, %c0_i32, %c0_i32_0 : i32, i32, i32
  }
  func.func @transform_2(%arg0: i32, %arg1: memref<80xi32, #tpu.memory_space<smem>>, %arg2: memref<80xi32, #tpu.memory_space<smem>>) -> (i32, i32) {
    %c0_i32 = arith.constant 0 : i32
    %c0_i32_0 = arith.constant 0 : i32
    %c0_i32_1 = arith.constant 0 : i32
    return %c0_i32, %c0_i32_0 : i32, i32
  }
  func.func @transform_3(%arg0: i32, %arg1: memref<80xi32, #tpu.memory_space<smem>>, %arg2: memref<80xi32, #tpu.memory_space<smem>>) -> (i32, i32) {
    %c0_i32 = arith.constant 0 : i32
    %c0_i32_0 = arith.constant 0 : i32
    %c0_i32_1 = arith.constant 0 : i32
    return %c0_i32, %c0_i32_0 : i32, i32
  }
  func.func @transform_4(%arg0: i32, %arg1: memref<80xi32, #tpu.memory_space<smem>>, %arg2: memref<80xi32, #tpu.memory_space<smem>>) -> (i32, i32) {
    %c0_i32 = arith.constant 0 : i32
    %c0_i32_0 = arith.constant 0 : i32
    return %arg0, %c0_i32 : i32, i32
  }
}

module attributes {stable_mosaic.version = 14 : i64} {
  func.func @_fused_body(%arg0: i32, %arg1: memref<128x128xf32, #tpu.memory_space<vmem>>, %arg2: memref<128x128xf32, #tpu.memory_space<vmem>>, %arg3: memref<1x128xf32, #tpu.memory_space<vmem>>, %arg4: memref<128x128xf32, #tpu.memory_space<vmem>>, %arg5: memref<128x128xf32, #tpu.memory_space<vmem>>) attributes {dimension_semantics = [#tpu.dimension_semantics<arbitrary>], iteration_bounds = array<i64: 80>, scalar_prefetch = 0 : i64, scratch_operands = 0 : i64, tpu.core_type = #tpu.core_type<tc>, window_params = [{transform_indices = @transform_0, window_bounds = array<i64: 128, 128>}, {transform_indices = @transform_1, window_bounds = array<i64: 128, 128>}, {pipeline_mode = #tpu.pipeline_mode<synchronous>, transform_indices = @transform_2, window_bounds = array<i64: 1, 128>}, {pipeline_mode = #tpu.pipeline_mode<synchronous>, transform_indices = @transform_3, window_bounds = array<i64: 128, 128>}, {transform_indices = @transform_4, window_bounds = array<i64: 128, 128>}]} {
    %get3A = arith.constant 0 : index
    %get3A_0 = arith.constant 0 : index
    %get3A_1 = vector.load %arg1[%get3A, %get3A_0] : memref<128x128xf32, #tpu.memory_space<vmem>>, vector<128x128xf32>
    %get3A_2 = arith.constant 0 : index
    %get3A_3 = arith.constant 0 : index
    %get3A_4 = vector.load %arg2[%get3A_2, %get3A_3] : memref<128x128xf32, #tpu.memory_space<vmem>>, vector<128x128xf32>
    %add3A = arith.addf %get3A_1, %get3A_4 : vector<128x128xf32>
    %mul3A = arith.constant 0.166666672 : f32
    %mul3A_5 = vector.broadcast %mul3A : f32 to vector<128x128xf32>
    %mul3A_6 = arith.mulf %add3A, %mul3A_5 : vector<128x128xf32>
    %get3A_7 = arith.constant 0 : index
    %get3A_8 = arith.constant 0 : index
    %get3A_9 = vector.load %arg3[%get3A_7, %get3A_8] : memref<1x128xf32, #tpu.memory_space<vmem>>, vector<1x128xf32>
    %add3A_10 = vector.broadcast %get3A_9 : vector<1x128xf32> to vector<128x128xf32>
    %add3A_11 = arith.addf %mul3A_6, %add3A_10 : vector<128x128xf32>
    %max3A = arith.constant 0.000000e+00 : f32
    %max3A_12 = vector.broadcast %max3A : f32 to vector<128x128xf32>
    %max3A_13 = arith.maximumf %add3A_11, %max3A_12 : vector<128x128xf32>
    %get3A_14 = arith.constant 0 : index
    %get3A_15 = arith.constant 0 : index
    %get3A_16 = vector.load %arg4[%get3A_14, %get3A_15] : memref<128x128xf32, #tpu.memory_space<vmem>>, vector<128x128xf32>
    %dot_general3A = arith.constant dense<0.000000e+00> : vector<128x128xf32>
    %dot_general3A_17 = tpu.matmul %max3A_13, %get3A_16, %dot_general3A {dimension_numbers = #tpu.dot_dimension_numbers<[1], [0], [0], [1], [0, 0, 1, 1], [], []>, transpose_lhs_hint = false} : vector<128x128xf32>, vector<128x128xf32>, vector<128x128xf32> -> vector<128x128xf32>
    %swap3A = arith.constant 0 : index
    %swap3A_18 = arith.constant 0 : index
    %swap3A_19 = vector.load %arg5[%swap3A, %swap3A_18] : memref<128x128xf32, #tpu.memory_space<vmem>>, vector<128x128xf32>
    tpu.vector_store %arg5[%swap3A, %swap3A_18], %dot_general3A_17 {strides = array<i32>} : memref<128x128xf32, #tpu.memory_space<vmem>>, vector<128x128xf32>,
    return
  }
  func.func @transform_0(%arg0: i32) -> (i32, i32) {
    %c0_i32 = arith.constant 0 : i32
    %c0_i32_0 = arith.constant 0 : i32
    return %arg0, %c0_i32 : i32, i32
  }
  func.func @transform_1(%arg0: i32) -> (i32, i32) {
    %c0_i32 = arith.constant 0 : i32
    %c0_i32_0 = arith.constant 0 : i32
    return %arg0, %c0_i32 : i32, i32
  }
  func.func @transform_2(%arg0: i32) -> (i32, i32) {
    %c0_i32 = arith.constant 0 : i32
    %c0_i32_0 = arith.constant 0 : i32
    %c0_i32_1 = arith.constant 0 : i32
    return %c0_i32, %c0_i32_0 : i32, i32
  }
  func.func @transform_3(%arg0: i32) -> (i32, i32) {
    %c0_i32 = arith.constant 0 : i32
    %c0_i32_0 = arith.constant 0 : i32
    %c0_i32_1 = arith.constant 0 : i32
    return %c0_i32, %c0_i32_0 : i32, i32
  }
  func.func @transform_4(%arg0: i32) -> (i32, i32) {
    %c0_i32 = arith.constant 0 : i32
    %c0_i32_0 = arith.constant 0 : i32
    return %arg0, %c0_i32 : i32, i32
  }
}

module attributes {stable_mosaic.version = 14 : i64} {
  func.func @_final_body(%arg0: i32, %arg1: memref<128x128xf32, #tpu.memory_space<vmem>>, %arg2: memref<128x128xf32, #tpu.memory_space<vmem>>, %arg3: memref<1x128xf32, #tpu.memory_space<vmem>>, %arg4: memref<1x128x1xi32, #tpu.memory_space<vmem>>, %arg5: memref<64x1xf32, #tpu.memory_space<vmem>>, %arg6: memref<128x64xf32, #tpu.memory_space<vmem>>, %arg7: memref<1x64xf32, #tpu.memory_space<vmem>>, %arg8: memref<64x32xf32, #tpu.memory_space<vmem>>, %arg9: memref<1x32xf32, #tpu.memory_space<vmem>>, %arg10: memref<32x128xf32, #tpu.memory_space<vmem>>, %arg11: memref<1x128xf32, #tpu.memory_space<vmem>>, %arg12: memref<64x128xf32, #tpu.memory_space<vmem>>, %arg13: memref<64x128xf32, #tpu.memory_space<vmem>>) attributes {dimension_semantics = [#tpu.dimension_semantics<arbitrary>], iteration_bounds = array<i64: 80>, scalar_prefetch = 0 : i64, scratch_operands = 1 : i64, tpu.core_type = #tpu.core_type<tc>, window_params = [{transform_indices = @transform_0, window_bounds = array<i64: 128, 128>}, {transform_indices = @transform_1, window_bounds = array<i64: 128, 128>}, {pipeline_mode = #tpu.pipeline_mode<synchronous>, transform_indices = @transform_2, window_bounds = array<i64: 1, 128>}, {transform_indices = @transform_3, window_bounds = array<i64: 1, 128, 1>}, {pipeline_mode = #tpu.pipeline_mode<synchronous>, transform_indices = @transform_4, window_bounds = array<i64: 64, 1>}, {pipeline_mode = #tpu.pipeline_mode<synchronous>, transform_indices = @transform_5, window_bounds = array<i64: 128, 64>}, {pipeline_mode = #tpu.pipeline_mode<synchronous>, transform_indices = @transform_6, window_bounds = array<i64: 1, 64>}, {pipeline_mode = #tpu.pipeline_mode<synchronous>, transform_indices = @transform_7, window_bounds = array<i64: 64, 32>}, {pipeline_mode = #tpu.pipeline_mode<synchronous>, transform_indices = @transform_8, window_bounds = array<i64: 1, 32>}, {pipeline_mode = #tpu.pipeline_mode<synchronous>, transform_indices = @transform_9, window_bounds = array<i64: 32, 128>}, {pipeline_mode = #tpu.pipeline_mode<synchronous>, transform_indices = @transform_10, window_bounds = array<i64: 1, 128>}, {pipeline_mode = #tpu.pipeline_mode<synchronous>, transform_indices = @transform_11, window_bounds = array<i64: 64, 128>}]} {
    %get3A = arith.constant 0 : index
    %get3A_0 = arith.constant 0 : index
    %get3A_1 = vector.load %arg1[%get3A, %get3A_0] : memref<128x128xf32, #tpu.memory_space<vmem>>, vector<128x128xf32>
    %get3A_2 = arith.constant 0 : index
    %get3A_3 = arith.constant 0 : index
    %get3A_4 = vector.load %arg2[%get3A_2, %get3A_3] : memref<128x128xf32, #tpu.memory_space<vmem>>, vector<128x128xf32>
    %add3A = arith.addf %get3A_1, %get3A_4 : vector<128x128xf32>
    %mul3A = arith.constant 0.166666672 : f32
    %mul3A_5 = vector.broadcast %mul3A : f32 to vector<128x128xf32>
    %mul3A_6 = arith.mulf %add3A, %mul3A_5 : vector<128x128xf32>
    %get3A_7 = arith.constant 0 : index
    %get3A_8 = arith.constant 0 : index
    %get3A_9 = vector.load %arg3[%get3A_7, %get3A_8] : memref<1x128xf32, #tpu.memory_space<vmem>>, vector<1x128xf32>
    %add3A_10 = vector.broadcast %get3A_9 : vector<1x128xf32> to vector<128x128xf32>
    %add3A_11 = arith.addf %mul3A_6, %add3A_10 : vector<128x128xf32>
    %max3A = arith.constant 0.000000e+00 : f32
    %max3A_12 = vector.broadcast %max3A : f32 to vector<128x128xf32>
    %max3A_13 = arith.maximumf %add3A_11, %max3A_12 : vector<128x128xf32>
    %get3A_14 = arith.constant 0 : index
    %get3A_15 = arith.constant 0 : index
    %get3A_16 = arith.constant 0 : index
    %get3A_17 = vector.load %arg4[%get3A_14, %get3A_15, %get3A_16] : memref<1x128x1xi32, #tpu.memory_space<vmem>>, vector<1x128x1xi32>
    %get3A_18 = vector.shape_cast %get3A_17 : vector<1x128x1xi32> to vector<128x1xi32>
    %iota3A = tpu.iota {dimensions = array<i32: 1>} : vector<128x64xi32>
    %eq3A = vector.broadcast %get3A_18 : vector<128x1xi32> to vector<128x64xi32>
    %eq3A_19 = arith.cmpi eq, %eq3A, %iota3A : vector<128x64xi32>
    %convert_element_type3A = arith.extui %eq3A_19 : vector<128x64xi1> to vector<128x64xi32>
    %convert_element_type3A_20 = arith.sitofp %convert_element_type3A : vector<128x64xi32> to vector<128x64xf32>
    %dot_general3A = arith.constant dense<0.000000e+00> : vector<64x128xf32>
    %dot_general3A_21 = tpu.matmul %convert_element_type3A_20, %max3A_13, %dot_general3A {dimension_numbers = #tpu.dot_dimension_numbers<[0], [0], [1], [1], [0, 1, 1, 1], [], []>, transpose_lhs_hint = false} : vector<128x64xf32>, vector<128x128xf32>, vector<64x128xf32> -> vector<64x128xf32>
    %eq3A_22 = arith.constant 0 : i32
    %eq3A_23 = arith.cmpi eq, %arg0, %eq3A_22 : i32
    %convert_element_type3A_24 = arith.extui %eq3A_23 : i1 to i32
    %cond3A = arith.constant 0 : i32
    %cond3A_25 = arith.cmpi ne, %convert_element_type3A_24, %cond3A : i32
    scf.if %cond3A_25 {
      %broadcast_in_dim3A = arith.constant 0.000000e+00 : f32
      %broadcast_in_dim3A_37 = vector.broadcast %broadcast_in_dim3A : f32 to vector<64x128xf32>
      %swap3A_38 = arith.constant 0 : index
      %swap3A_39 = arith.constant 0 : index
      %swap3A_40 = vector.load %arg13[%swap3A_38, %swap3A_39] : memref<64x128xf32, #tpu.memory_space<vmem>>, vector<64x128xf32>
      tpu.vector_store %arg13[%swap3A_38, %swap3A_39], %broadcast_in_dim3A_37 {strides = array<i32>} : memref<64x128xf32, #tpu.memory_space<vmem>>, vector<64x128xf32>,
    } else {
    }
    %get3A_26 = arith.constant 0 : index
    %get3A_27 = arith.constant 0 : index
    %get3A_28 = vector.load %arg13[%get3A_26, %get3A_27] : memref<64x128xf32, #tpu.memory_space<vmem>>, vector<64x128xf32>
    %add3A_29 = arith.addf %get3A_28, %dot_general3A_21 : vector<64x128xf32>
    %swap3A = arith.constant 0 : index
    %swap3A_30 = arith.constant 0 : index
    %swap3A_31 = vector.load %arg13[%swap3A, %swap3A_30] : memref<64x128xf32, #tpu.memory_space<vmem>>, vector<64x128xf32>
    tpu.vector_store %arg13[%swap3A, %swap3A_30], %add3A_29 {strides = array<i32>} : memref<64x128xf32, #tpu.memory_space<vmem>>, vector<64x128xf32>,
    %eq3A_32 = arith.constant 79 : i32
    %eq3A_33 = arith.cmpi eq, %arg0, %eq3A_32 : i32
    %convert_element_type3A_34 = arith.extui %eq3A_33 : i1 to i32
    %cond3A_35 = arith.constant 0 : i32
    %cond3A_36 = arith.cmpi ne, %convert_element_type3A_34, %cond3A_35 : i32
    scf.if %cond3A_36 {
      %get3A_37 = arith.constant 0 : index
      %get3A_38 = arith.constant 0 : index
      %get3A_39 = vector.load %arg13[%get3A_37, %get3A_38] : memref<64x128xf32, #tpu.memory_space<vmem>>, vector<64x128xf32>
      %get3A_40 = arith.constant 0 : index
      %get3A_41 = arith.constant 0 : index
      %get3A_42 = vector.load %arg5[%get3A_40, %get3A_41] : memref<64x1xf32, #tpu.memory_space<vmem>>, vector<64x1xf32>
      %mul3A_43 = vector.broadcast %get3A_42 : vector<64x1xf32> to vector<64x128xf32>
      %mul3A_44 = arith.mulf %get3A_39, %mul3A_43 : vector<64x128xf32>
      %get3A_45 = arith.constant 0 : index
      %get3A_46 = arith.constant 0 : index
      %get3A_47 = vector.load %arg6[%get3A_45, %get3A_46] : memref<128x64xf32, #tpu.memory_space<vmem>>, vector<128x64xf32>
      %dot_general3A_48 = arith.constant dense<0.000000e+00> : vector<64x64xf32>
      %dot_general3A_49 = tpu.matmul %mul3A_44, %get3A_47, %dot_general3A_48 {dimension_numbers = #tpu.dot_dimension_numbers<[1], [0], [0], [1], [0, 0, 1, 1], [], []>, transpose_lhs_hint = false} : vector<64x128xf32>, vector<128x64xf32>, vector<64x64xf32> -> vector<64x64xf32>
      %get3A_50 = arith.constant 0 : index
      %get3A_51 = arith.constant 0 : index
      %get3A_52 = vector.load %arg7[%get3A_50, %get3A_51] : memref<1x64xf32, #tpu.memory_space<vmem>>, vector<1x64xf32>
      %add3A_53 = vector.broadcast %get3A_52 : vector<1x64xf32> to vector<64x64xf32>
      %add3A_54 = arith.addf %dot_general3A_49, %add3A_53 : vector<64x64xf32>
      %max3A_55 = arith.constant 0.000000e+00 : f32
      %max3A_56 = vector.broadcast %max3A_55 : f32 to vector<64x64xf32>
      %max3A_57 = arith.maximumf %add3A_54, %max3A_56 : vector<64x64xf32>
      %get3A_58 = arith.constant 0 : index
      %get3A_59 = arith.constant 0 : index
      %get3A_60 = vector.load %arg8[%get3A_58, %get3A_59] : memref<64x32xf32, #tpu.memory_space<vmem>>, vector<64x32xf32>
      %dot_general3A_61 = arith.constant dense<0.000000e+00> : vector<64x32xf32>
      %dot_general3A_62 = tpu.matmul %max3A_57, %get3A_60, %dot_general3A_61 {dimension_numbers = #tpu.dot_dimension_numbers<[1], [0], [0], [1], [0, 0, 1, 1], [], []>, transpose_lhs_hint = false} : vector<64x64xf32>, vector<64x32xf32>, vector<64x32xf32> -> vector<64x32xf32>
      %get3A_63 = arith.constant 0 : index
      %get3A_64 = arith.constant 0 : index
      %get3A_65 = vector.load %arg9[%get3A_63, %get3A_64] : memref<1x32xf32, #tpu.memory_space<vmem>>, vector<1x32xf32>
      %add3A_66 = vector.broadcast %get3A_65 : vector<1x32xf32> to vector<64x32xf32>
      %add3A_67 = arith.addf %dot_general3A_62, %add3A_66 : vector<64x32xf32>
      %max3A_68 = arith.constant 0.000000e+00 : f32
      %max3A_69 = vector.broadcast %max3A_68 : f32 to vector<64x32xf32>
      %max3A_70 = arith.maximumf %add3A_67, %max3A_69 : vector<64x32xf32>
      %get3A_71 = arith.constant 0 : index
      %get3A_72 = arith.constant 0 : index
      %get3A_73 = vector.load %arg10[%get3A_71, %get3A_72] : memref<32x128xf32, #tpu.memory_space<vmem>>, vector<32x128xf32>
      %dot_general3A_74 = arith.constant dense<0.000000e+00> : vector<64x128xf32>
      %dot_general3A_75 = tpu.matmul %max3A_70, %get3A_73, %dot_general3A_74 {dimension_numbers = #tpu.dot_dimension_numbers<[1], [0], [0], [1], [0, 0, 1, 1], [], []>, transpose_lhs_hint = false} : vector<64x32xf32>, vector<32x128xf32>, vector<64x128xf32> -> vector<64x128xf32>
      %get3A_76 = arith.constant 0 : index
      %get3A_77 = arith.constant 0 : index
      %get3A_78 = vector.load %arg11[%get3A_76, %get3A_77] : memref<1x128xf32, #tpu.memory_space<vmem>>, vector<1x128xf32>
      %add3A_79 = vector.broadcast %get3A_78 : vector<1x128xf32> to vector<64x128xf32>
      %add3A_80 = arith.addf %dot_general3A_75, %add3A_79 : vector<64x128xf32>
      %swap3A_81 = arith.constant 0 : index
      %swap3A_82 = arith.constant 0 : index
      %swap3A_83 = vector.load %arg12[%swap3A_81, %swap3A_82] : memref<64x128xf32, #tpu.memory_space<vmem>>, vector<64x128xf32>
      tpu.vector_store %arg12[%swap3A_81, %swap3A_82], %add3A_80 {strides = array<i32>} : memref<64x128xf32, #tpu.memory_space<vmem>>, vector<64x128xf32>,
    } else {
    }
    return
  }
  func.func @transform_0(%arg0: i32) -> (i32, i32) {
    %c0_i32 = arith.constant 0 : i32
    %c0_i32_0 = arith.constant 0 : i32
    return %arg0, %c0_i32 : i32, i32
  }
  func.func @transform_1(%arg0: i32) -> (i32, i32) {
    %c0_i32 = arith.constant 0 : i32
    %c0_i32_0 = arith.constant 0 : i32
    return %arg0, %c0_i32 : i32, i32
  }
  func.func @transform_2(%arg0: i32) -> (i32, i32) {
    %c0_i32 = arith.constant 0 : i32
    %c0_i32_0 = arith.constant 0 : i32
    %c0_i32_1 = arith.constant 0 : i32
    return %c0_i32, %c0_i32_0 : i32, i32
  }
  func.func @transform_3(%arg0: i32) -> (i32, i32, i32) {
    %c0_i32 = arith.constant 0 : i32
    %c0_i32_0 = arith.constant 0 : i32
    %c0_i32_1 = arith.constant 0 : i32
    return %arg0, %c0_i32, %c0_i32_0 : i32, i32, i32
  }
  func.func @transform_4(%arg0: i32) -> (i32, i32) {
    %c0_i32 = arith.constant 0 : i32
    %c0_i32_0 = arith.constant 0 : i32
    %c0_i32_1 = arith.constant 0 : i32
    return %c0_i32, %c0_i32_0 : i32, i32
  }
  func.func @transform_5(%arg0: i32) -> (i32, i32) {
    %c0_i32 = arith.constant 0 : i32
    %c0_i32_0 = arith.constant 0 : i32
    %c0_i32_1 = arith.constant 0 : i32
    return %c0_i32, %c0_i32_0 : i32, i32
  }
  func.func @transform_6(%arg0: i32) -> (i32, i32) {
    %c0_i32 = arith.constant 0 : i32
    %c0_i32_0 = arith.constant 0 : i32
    %c0_i32_1 = arith.constant 0 : i32
    return %c0_i32, %c0_i32_0 : i32, i32
  }
  func.func @transform_7(%arg0: i32) -> (i32, i32) {
    %c0_i32 = arith.constant 0 : i32
    %c0_i32_0 = arith.constant 0 : i32
    %c0_i32_1 = arith.constant 0 : i32
    return %c0_i32, %c0_i32_0 : i32, i32
  }
  func.func @transform_8(%arg0: i32) -> (i32, i32) {
    %c0_i32 = arith.constant 0 : i32
    %c0_i32_0 = arith.constant 0 : i32
    %c0_i32_1 = arith.constant 0 : i32
    return %c0_i32, %c0_i32_0 : i32, i32
  }
  func.func @transform_9(%arg0: i32) -> (i32, i32) {
    %c0_i32 = arith.constant 0 : i32
    %c0_i32_0 = arith.constant 0 : i32
    %c0_i32_1 = arith.constant 0 : i32
    return %c0_i32, %c0_i32_0 : i32, i32
  }
  func.func @transform_10(%arg0: i32) -> (i32, i32) {
    %c0_i32 = arith.constant 0 : i32
    %c0_i32_0 = arith.constant 0 : i32
    %c0_i32_1 = arith.constant 0 : i32
    return %c0_i32, %c0_i32_0 : i32, i32
  }
  func.func @transform_11(%arg0: i32) -> (i32, i32) {
    %c0_i32 = arith.constant 0 : i32
    %c0_i32_0 = arith.constant 0 : i32
    %c0_i32_1 = arith.constant 0 : i32
    return %c0_i32, %c0_i32_0 : i32, i32
  }
}

</mosaic_0001>

<sc_bundles>
// kernel: kernel.11.cloned.1.call-start
scs
__scs_entry_jumppad:
0x0: {  	(pc) =	sbr.rel $0x88, $3  }
0x1: {  	(tag) =	ssettag $0x0;
	lr =	simm.s32 $0x1  }
0x2: {  	[smem:$0x3F91] =	sst lr;
	_ =	strace $0xD0000000  }
0x3: {  	_ = 	snop  }
0x4: {  	_ = 	snop  }
0x5: {  	_ = 	snop  }
0x6: {  	_ = 	snop  }
0x7: {  	_ = 	snop  }
__scs_overlays_trampoline_lowered:
0x8: {  	[smem:$0x3FA0] =	sst s0  }
0x9: {  	[smem:$0x3FA1] =	sst s1  }
0xa: {  	[smem:$0x3FA2] =	sst s2  }
0xb: {  	[smem:$0x3FA3] =	sst s3  }
0xc: {  	[smem:$0x3FA4] =	sst s4  }
0xd: {  	[smem:$0x3FA5] =	sst s5  }
0xe: {  	[smem:$0x3FA6] =	sst s6  }
0xf: {  	[smem:$0x3FA7] =	sst s7  }
0x10: {  	[smem:$0x3FA8] =	sst s8  }
0x11: {  	[smem:$0x3FA9] =	sst s9;
	s0 =	simm.s32 @!p0 $0x0  }
0x12: {  	s1 =	sld [smem:$0x3F8F];
	s0 =	simm.s32 @p0 $0x1  }
0x13: {  	[smem:$0x3FAA] =	sst s0;
	s0 =	simm.s32 @!p1 $0x0  }
0x14: {  	s2 =	sld [smem:$0x3F8E];
	s0 =	simm.s32 @p1 $0x1  }
0x15: {  	[smem:$0x3FAB] =	sst s0;
	s0 =	simm.s32 @!p2 $0x0  }
0x16: {  	s3 =	sld [smem:$0x3FDB];
	s0 =	simm.s32 @p2 $0x1  }
0x17: {  	s4 =	simm.s32 $0x1BF5;
	[smem:$0x3FAD] =	sst s0  }
0x18: {  	s0 =	sld [smem:$0x3F90];
	_ =	swait.ge [sflag:s4], $0x0  }
0x19: {  	s7 =	sld [smem:$0x3F91]  }
0x1a: {  	s8 =	sadd.s32 $0xFFFFE003, lr  }
0x1b: {  	s9 =	sadd.s32 $0xFFFFFEF7, lr;
	s5 =	simm.s32 $0xFFFFFFFF;
	p2 =	slt.u32 s8, $0xFFFFF086  }
0x1c: {  	p1 =	slt.u32 s9, $0xF7A;
	s5 =	simm.s32 @!p2 $0x0  }
0x1d: {  	s5 =	simm.s32 @p1 $0x1;
	p0 =	seq.s32 s7, s2  }
0x1e: {  	s7 =	smul.u32 @!p0 $0xF7A, s2;
	p2 =	seq.s32 @!p0 s5, $0x0  }
0x1f: {  	s9 =	smul.u32 $0xF7A, s1;
	s8 =	simm.s32 @!p0 $0x1BF5;
	p2 =	por !p2, p0  }
0x20: {  	[sflag:s8] =	ssyncset.s32 @!p0 $0xFFFFF086;
	s6 =	sadd.s32 @!p0 s3, s7;
	s7 =	simm.s32 @!p0 $0x108  }
0x21: {  	s3 =	sadd.s32 s3, s9;
	s6 =	sadd.s32 @!p0 $0x88, s6;
	s7 =	simm.s32 @p2 $0x1082  }
0x22: {  	[simem:s7], [sflag:s8] =	dma.local @!p0 [hbm:s6], $0xF7A  }
0x23: {  	s9 =	sor.u32 $0xD0000000, s2;
	s6 =	simm.s32 $0x108;
	_ =	swait.ge @!p0 [sflag:s8], $0x0  }
0x24: {  	s3 =	sadd.s32 $0x88, s3;
	s6 =	simm.s32 @!p1 $0x1082;
	[sflag:s4] =	ssyncset.s32 $0xFFFFF086  }
0x25: {  	[simem:s6], [sflag:s4] =	dma.local [hbm:s3], $0xF7A  }
0x26: {  	[smem:$0x3F91] =	sst s1;
	(tag) =	ssettag s2;
	_ =	strace s9  }
0x27: {  	s1 =	sld [smem:$0x3FA1]  }
0x28: {  	s2 =	sld [smem:$0x3FA2]  }
0x29: {  	s4 =	sld [smem:$0x3FA4]  }
0x2a: {  	p0 =	seq.s32 s5, $0x0;
	s5 =	sld [smem:$0x3FA5]  }
0x2b: {  	s6 =	sld [smem:$0x3FA6]  }
0x2c: {  	s7 =	sld [smem:$0x3FA7]  }
0x2d: {  	s3 =	simm.s32 $0x108;
	s8 =	sld [smem:$0x3FA8]  }
0x2e: {  	s3 =	simm.s32 @!p0 $0x1082;
	s9 =	sld [smem:$0x3FA9]  }
0x2f: {  	lr =	sadd.s32 s0, s3;
	s0 =	sld [smem:$0x3FA0]  }
0x30: {  	s3 =	sld [smem:$0x3FA3]  }
0x31: {  	[smem:$0x3FAC] =	sst s10  }
0x32: {  	s10 =	sld [smem:$0x3FAA];
	_ =	sdelay $0x3  }
0x33: {  	p0 =	seq.s32 s10, $0x1;
	s10 =	sld [smem:$0x3FAC];
	_ =	sdelay $0x3  }
0x34: {  	[smem:$0x3FAC] =	sst s10  }
0x35: {  	s10 =	sld [smem:$0x3FAB];
	_ =	sdelay $0x3  }
0x36: {  	p1 =	seq.s32 s10, $0x1;
	s10 =	sld [smem:$0x3FAC];
	_ =	sdelay $0x3  }
0x37: {  	[smem:$0x3FAC] =	sst s10  }
0x38: {  	s10 =	sld [smem:$0x3FAD]  }
0x39: {  	_ = 	snop;
	(pc) =	sbr.ind lr, $3  }
0x3a: {  	_ = 	snop  }
0x3b: {  	_ = 	snop  }
0x3c: {  	p2 =	seq.s32 s10, $0x1;
	s10 =	sld [smem:$0x3FAC]  }
0x3d: {  	_ =	shalt  }
0x3e: {  	_ =	shalt  }
0x3f: {  	_ =	shalt  }
0x40: {  	_ =	shalt  }
0x41: {  	_ =	shalt  }
0x42: {  	_ =	shalt  }
0x43: {  	_ =	shalt  }
0x44: {  	_ =	shalt  }
0x45: {  	_ =	shalt  }
0x46: {  	_ =	shalt  }
0x47: {  	_ =	shalt  }
0x48: {  	_ =	shalt  }
0x49: {  	_ =	shalt  }
0x4a: {  	_ =	shalt  }
0x4b: {  	_ =	shalt  }
0x4c: {  	_ =	shalt  }
0x4d: {  	_ =	shalt  }
0x4e: {  	_ =	shalt  }
0x4f: {  	_ =	shalt  }
0x50: {  	_ =	shalt  }
0x51: {  	_ =	shalt  }
0x52: {  	_ =	shalt  }
0x53: {  	_ =	shalt  }
0x54: {  	_ =	shalt  }
0x55: {  	_ =	shalt  }
0x56: {  	_ =	shalt  }
0x57: {  	_ =	shalt  }
0x58: {  	_ =	shalt  }
0x59: {  	_ =	shalt  }
0x5a: {  	_ =	shalt  }
0x5b: {  	_ =	shalt  }
0x5c: {  	_ =	shalt  }
0x5d: {  	_ =	shalt  }
0x5e: {  	_ =	shalt  }
0x5f: {  	_ =	shalt  }
0x60: {  	_ =	shalt  }
0x61: {  	_ =	shalt  }
0x62: {  	_ =	shalt  }
0x63: {  	_ =	shalt  }
0x64: {  	_ =	shalt  }
0x65: {  	_ =	shalt  }
0x66: {  	_ =	shalt  }
0x67: {  	_ =	shalt  }
0x68: {  	_ =	shalt  }
0x69: {  	_ =	shalt  }
0x6a: {  	_ =	shalt  }
0x6b: {  	_ =	shalt  }
0x6c: {  	_ =	shalt  }
0x6d: {  	_ =	shalt  }
0x6e: {  	_ =	shalt  }
0x6f: {  	_ =	shalt  }
0x70: {  	_ =	shalt  }
0x71: {  	_ =	shalt  }
0x72: {  	_ =	shalt  }
0x73: {  	_ =	shalt  }
0x74: {  	_ =	shalt  }
0x75: {  	_ =	shalt  }
0x76: {  	_ =	shalt  }
0x77: {  	_ =	shalt  }
0x78: {  	_ =	shalt  }
0x79: {  	_ =	shalt  }
0x7a: {  	_ =	shalt  }
0x7b: {  	_ =	shalt  }
0x7c: {  	_ =	shalt  }
0x7d: {  	_ =	shalt  }
0x7e: {  	_ =	shalt  }
0x7f: {  	_ =	shalt  }
0x80: {  	_ =	shalt  }
0x81: {  	_ =	shalt  }
0x82: {  	_ =	shalt  }
0x83: {  	_ =	shalt  }
0x84: {  	_ =	shalt  }
0x85: {  	_ =	shalt  }
0x86: {  	_ =	shalt  }
0x87: {  	_ =	shalt  }
.Lfunc_end0:
.L_simem_size_0:
called_computation_lowered:
.L_overlay_start_0:
0x88: {  	s2 =	sld [smem:$0x3FD9]  }
0x89: {  	s3 =	sld [smem:$0x3FFE];
	_ =	sdelay $0x1  }
0x8a: {  	s1 =	srdreg.scid  }
0x8b: {  	s0 =	sand.u32 $0x1, s1  }
0x8c: {  	s16 =	sshll.u32 s0, $0xA;
	s2 =	sadd.s32 s3, s2  }
0x8d: {  	s2 =	sadd.s32 s2, s16  }
0x8e: {  	[smem:$0x3FB8] =	sst s2  }
0x8f: {  	_ = 	snop  }
0x90: {  	(tm) =	ssettm $0x1  }
0x91: {  	s17 =	sld [smem:$0x3FFB];
	_ =	sdelay $0x3  }
0x92: {  	_ =	strace s17  }
0x93: {  	s2 =	sld [smem:$0x3FFC];
	_ =	sdelay $0x3  }
0x94: {  	_ =	strace s2  }
0x95: {  	s2 =	sld [smem:$0x3FFD];
	_ =	sdelay $0x3  }
0x96: {  	_ =	strace s2  }
0x97: {  	_ =	strace $0x8FFFFFFF  }
0x98: {  	s18 =	sld [smem:$0x3FDB];
	_ =	sdelay $0x1  }
0x99: {  	s19 =	simm.s32 $_scs_section_size  }
0x9a: {  	s4 =	simm.s32 $_size__tile_overlayer_lowered;
	s5 =	simm.s32 $_tile_overlayer_lowered  }
0x9b: {  	s22 =	simm.s32 $0x1BFF;
	s21 =	sshll.u32 s5, $0x1;
	s2 =	sadd.s32 s19, s18  }
0x9c: {  	s6 =	simm.s32 $0x0;
	s20 =	sshll.u32 s4, $0x1;
	s4 =	sadd.s32 s21, s2  }
0x9d: {  	[timem:s6], [sflag:s22] =	dma.local [hbm:s4], s20  }
0x9e: {  	_ =	swait.ge [sflag:s22], s20  }
0x9f: {  	s3 =	ssub.s32 $0x0, s20;
	[sflag:s22] =	ssyncset.done $0x0  }
0xa0: {  	[sflag:s22] =	ssyncadd.s32 s3;
	_ =	sdelay $0x1  }
0xa1: {  	s23 =	simm.s32 $0x1B8B  }
0xa2: {  	_ =	swait.ge [sflag:s23], $0x1  }
0xa3: {  	[sflag:s23] =	ssyncset.done $0x0  }
0xa4: {  	s25 =	simm.s32 $0x1B8E;
	s24 =	sld [smem:$0x3FFE];
	[sflag:s23] =	ssyncadd.s32 $0xFFFFFFFF  }
0xa5: {  	s26 =	simm.s32 $execute0_lowered;
	[smem:$0x3FD2] =	sst s25  }
0xa6: {  	s4 =	sshll.u32 s26, $0x1;
	_ =	strace $0x80000046;
	[dreg:$0x1] =	wrdreg $0xFFFFFFFF  }
0xa7: {  	s28 =	simm.s32 $_size_execute0_lowered;
	s2 =	sadd.s32 s2, s4;
	[dreg:$0x0] =	wrdreg $0x0  }
0xa8: {  	s4 =	sshll.u32 s28, $0x1;
	[dreg:$0x2] =	wrdreg s2  }
0xa9: {  	[dreg:$0x3] =	wrdreg s4  }
0xaa: {  	[dreg:$0x4] =	wrdreg $0xC0  }
0xab: {  	_ =	task [dreg:s6], $0x5FFFF  }
0xac: {  	[dreg:$0x1] =	wrdreg $0xFFFFFFFF  }
0xad: {  	[dreg:$0x0] =	wrdreg $0x60  }
0xae: {  	[dreg:$0x2] =	wrdreg s24  }
0xaf: {  	[dreg:$0x3] =	wrdreg $0x9  }
0xb0: {  	_ =	task.clear_ibuf [dreg:s6], $0x4FFFF;
	_ =	strace $0x90000046  }
0xb1: {  	s29 =	simm.s32 $0x9;
	_ =	strace $0x80000048  }
0xb2: {  	_ =	swait.ge [sflag:s29], $0x1  }
0xb3: {  	[sflag:s29] =	ssyncadd.s32 $0xFFFFFFFF  }
0xb4: {  	_ =	strace $0x90000048  }
0xb5: {  	_ =	sfence  }
0xb6: {  	s30 =	sld [smem:$0x0];
	_ =	sdelay $0x2  }
0xb7: {  	s31 =	sshll.u32 s1, $0xD;
	s1 =	sshrl.u32 s1, $0x2  }
0xb8: {  	s3 =	sand.u32 $0x4000, s31;
	s1 =	sadd.s32 s1, s30  }
0xb9: {  	s0 =	sor.u32 s3, s0;
	s1 =	sshll.u32 s1, $0x11  }
0xba: {  	s0 =	sor.u32 s1, s0  }
0xbb: {  	s0 =	sadd.s32 $0x8F2B, s0  }
0xbc: {  	[sflag:s0] =	ssyncadd.remote.s32 $0x1  }
0xbd: {  	_ =	sfence.sel $0xFFFF  }
0xbe: {  	[dreg:$0x0] =	wrdreg $0xFFFFFFFF;
	(pc) =	sbr.abs _section_cstart, $3  }
0xbf: {  	[dreg:$0x1] =	wrdreg $0xFFFFFFFF  }
0xc0: {  	_ =	task.clear_ibuf [dreg:s6], $0x2FFFF;
	_ =	strace $0x9FFFFFFF  }
0xc1: {  	(tm) =	ssettm $0x7FFFFFFF  }
tec
execute0_lowered:
.L_overlay_start_1:
0x0: {  	(tag) =	ssettag $0x1  }
0x1: {  	s1 =	srdreg.scid;
	s0 =	stileid.u32  }
0x2: {  	s13 =	sand.u32 $0x1, s1;
	s30 =	sshll.u32 s0, $0x1  }
0x3: {  	s15 =	rddreg [dreg:$0x0];
	s14 =	sor.u32 s13, s30  }
0x4: {  	s2 =	simm.s32 $0x0;
	s1 =	rddreg [dreg:$0x1];
	s3 =	sshll.u32 s14, $0x6  }
0x5: {  	[smem:$0x7FF] =	sst s2;
	s3 =	sadd.s32 s3, s15  }
0x6: {  	_ =	strace $0x80000047;
	s4 =	sadd.s32 $0x4000, s3;
	s3 =	simm.s32 $0x2  }
0x7: {  	[tilespmem:s2], [sflag:$0x2] =	stream.linear.gather [hbm4b:s4+s2], $0x200, $0x38;
	[tilespmem:$0xA200] =	vst v63  }
0x8: {  	_ =	swait.ge [sflag:s3], $0x200  }
0x9: {  	s6 =	simm.s32 $0x50;
	s7 =	simm.s32 $0x200;
	[sflag:s3] =	ssyncset.done $0x0  }
0xa: {  	s8 =	simm.s32 $0x1;
	s5 =	sadd.s32 $0x4800, s15;
	[sflag:s3] =	ssyncadd.s32 $0xFFFFFE00  }
0xb: {  	[tilespmem:s7], [sflag:$0x1] =	stream.indirect.gather [hbm4b:s5+s6], $0x80, s2, s6, $0xb8;
	[tilespmem:$0xA200] =	vst v63  }
0xc: {  	_ =	swait.ge [sflag:s8], $0x2800  }
0xd: {  	[sflag:s8] =	ssyncset.done $0x0  }
0xe: {  	s9 =	simm.s32 $0x80;
	s10 =	simm.s32 $0x2A00;
	[sflag:s8] =	ssyncadd.s32 $0xFFFFD800  }
0xf: {  	[tilespmem:s10], [sflag:$0x1] =	stream.indirect.gather [hbm4b:s5+s6], $0x80, s9, s6, $0xb8;
	[tilespmem:$0xA200] =	vst v63  }
0x10: {  	_ =	swait.ge [sflag:s8], $0x2800  }
0x11: {  	s11 =	simm.s32 $0x100;
	s12 =	simm.s32 $0x5200;
	[sflag:s8] =	ssyncset.done $0x0  }
0x12: {  	s17 =	ssub.s32 $0x2, s13;
	s13 =	simm.s32 $0x180;
	[sflag:s8] =	ssyncadd.s32 $0xFFFFD800  }
0x13: {  	[tilespmem:s12], [sflag:$0x1] =	stream.indirect.gather [hbm4b:s5+s6], $0x80, s11, s6, $0xb8;
	[tilespmem:$0xA200] =	vst v63  }
0x14: {  	s16 =	smul.u32 $0x1400, s14;
	s18 =	sshrl.u32 s17, $0x1;
	_ =	swait.ge [sflag:s8], $0x2800  }
0x15: {  	s14 =	simm.s32 $0x7A00;
	s31 =	ssub.s32 s17, s18;
	[sflag:s8] =	ssyncset.done $0x0  }
0x16: {  	s15 =	sadd.s32 s16, s15;
	s16 =	smax.u32 s31, $0x1;
	[sflag:s8] =	ssyncadd.s32 $0xFFFFD800  }
0x17: {  	[tilespmem:s14], [sflag:$0x1] =	stream.indirect.gather [hbm4b:s5+s6], $0x80, s13, s6, $0xb8;
	[tilespmem:$0xA200] =	vst v63  }
0x18: {  	p0 =	sne.s32 s16, $0x1;
	_ =	swait.ge [sflag:s8], $0x2800  }
.Ltmp0:
0x19: {  	[sflag:s8] =	ssyncset.done $0x0;
	(pc) =	sbr.rel @!p0 .LBB2_2-.Ltmp0, $4  }
0x1a: {  	s15 =	sadd.s32 $0x5000, s15;
	[sflag:s8] =	ssyncadd.s32 $0xFFFFD800  }
0x1b: {  	[hbm4b:s15+s2] =	stream.linear.scatter [tilespmem:s7], [sflag:$0x2], $0xA000, $0x38;
	[tilespmem:$0xA200] =	vst v63  }
0x1c: {  	_ =	swait.ge [sflag:s3], $0xA000  }
0x1d: {  	s16 =	sadd.s32 $0xFFFFFFFF, s16;
	[sflag:s3] =	ssyncset.done $0x0  }
.LBB2_1:
0x1e: {  	p0 =	sne.s32 s16, $0x1;
	s16 =	sadd.s32 $0xFFFFFFFF, s16;
	[sflag:s3] =	ssyncadd.s32 $0xFFFF6000  }
0x1f: {  	[tilespmem:s2], [sflag:$0x2] =	stream.linear.gather [hbm4b:s4+s2], $0x200, $0x38;
	[tilespmem:$0xA200] =	vst v63  }
0x20: {  	_ =	swait.ge [sflag:s3], $0x200  }
0x21: {  	[sflag:s3] =	ssyncset.done $0x0  }
0x22: {  	[sflag:s3] =	ssyncadd.s32 $0xFFFFFE00  }
0x23: {  	[tilespmem:s7], [sflag:$0x1] =	stream.indirect.gather [hbm4b:s5+s6], $0x80, s2, s6, $0xb8;
	[tilespmem:$0xA200] =	vst v63  }
0x24: {  	_ =	swait.ge [sflag:s8], $0x2800  }
0x25: {  	[sflag:s8] =	ssyncset.done $0x0  }
0x26: {  	[sflag:s8] =	ssyncadd.s32 $0xFFFFD800  }
0x27: {  	[tilespmem:s10], [sflag:$0x1] =	stream.indirect.gather [hbm4b:s5+s6], $0x80, s9, s6, $0xb8;
	[tilespmem:$0xA200] =	vst v63  }
0x28: {  	_ =	swait.ge [sflag:s8], $0x2800  }
0x29: {  	[sflag:s8] =	ssyncset.done $0x0  }
0x2a: {  	[sflag:s8] =	ssyncadd.s32 $0xFFFFD800  }
0x2b: {  	[tilespmem:s12], [sflag:$0x1] =	stream.indirect.gather [hbm4b:s5+s6], $0x80, s11, s6, $0xb8;
	[tilespmem:$0xA200] =	vst v63  }
0x2c: {  	_ =	swait.ge [sflag:s8], $0x2800  }
0x2d: {  	[sflag:s8] =	ssyncset.done $0x0  }
0x2e: {  	[sflag:s8] =	ssyncadd.s32 $0xFFFFD800  }
0x2f: {  	[tilespmem:s14], [sflag:$0x1] =	stream.indirect.gather [hbm4b:s5+s6], $0x80, s13, s6, $0xb8;
	[tilespmem:$0xA200] =	vst v63  }
0x30: {  	_ =	swait.ge [sflag:s8], $0x2800  }
.Ltmp1:
0x31: {  	[sflag:s8] =	ssyncset.done $0x0;
	(pc) =	sbr.rel @p0 .LBB2_1-.Ltmp1, $4  }
0x32: {  	[sflag:s8] =	ssyncadd.s32 $0xFFFFD800  }
0x33: {  	[hbm4b:s15+s2] =	stream.linear.scatter [tilespmem:s7], [sflag:$0x2], $0xA000, $0x38;
	[tilespmem:$0xA200] =	vst v63  }
0x34: {  	_ =	swait.ge [sflag:s3], $0xA000  }
0x35: {  	[sflag:s3] =	ssyncset.done $0x0  }
.LBB2_2:
0x36: {  	[sflag:s3] =	ssyncadd.s32 $0xFFFF6000  }
0x37: {  	_ =	sfence.sel $0x180000  }
0x38: {  	[bflag:$0x0] =	sbarrier.arrive $0xFFFF  }
0x39: {  	p0 =	sne.s32 s0, $0x0;
	_ =	strace $0x90000047  }
0x3a: {  	s0 =	sadd.s32 @!p0 $0x100000, s1;
	[bflag:$0x2] =	sbarrier.arrive $0xFFFF  }
0x3b: {  	[sflag:s0] =	ssyncadd.tile.s32 @!p0 $0x1;
	_ =	shalt  }
.Lfunc_end2:
_tile_overlayer_lowered:
.L_overlay_start_2:
0x3c: {  	(tag) =	ssettag $0x2  }
0x3d: {  	s0 =	rddreg [dreg:$0x0];
	s2 =	stileid.u32  }
0x3e: {  	s1 =	rddreg [dreg:$0x1];
	p0 =	sne.s32 s2, $0x0  }
0x3f: {  	s3 =	rddreg [dreg:$0x2];
	[bflag:$0x3] =	sbarrier.arrive $0xFFFF;
	s2 =	simm.s32 @!p0 $0x1C02  }
0x40: {  	[timem:s3], [sflag:s2] =	dma.local @!p0 [hbm:s0], s1  }
0x41: {  	s0 =	simm.s32 @!p0 $0x2  }
0x42: {  	_ =	swait.ge @!p0 [sflag:s0], s1  }
0x43: {  	s1 =	ssub.s32 @!p0 $0x0, s1;
	[sflag:s0] =	ssyncset.done @!p0 $0x0  }
0x44: {  	[sflag:s0] =	ssyncadd.s32 @!p0 s1  }
0x45: {  	[bflag:$0x3] =	sbarrier.arrive $0xFFFF  }
0x46: {  	_ =	shalt  }

// kernel: kernel.14.cloned.1.call-start
scs
__scs_entry_jumppad:
0x0: {  	(pc) =	sbr.rel $0x88, $3  }
0x1: {  	(tag) =	ssettag $0x0;
	lr =	simm.s32 $0x1  }
0x2: {  	[smem:$0x3F91] =	sst lr;
	_ =	strace $0xD0000000  }
0x3: {  	_ = 	snop  }
0x4: {  	_ = 	snop  }
0x5: {  	_ = 	snop  }
0x6: {  	_ = 	snop  }
0x7: {  	_ = 	snop  }
__scs_overlays_trampoline_lowered:
0x8: {  	[smem:$0x3FA0] =	sst s0  }
0x9: {  	[smem:$0x3FA1] =	sst s1  }
0xa: {  	[smem:$0x3FA2] =	sst s2  }
0xb: {  	[smem:$0x3FA3] =	sst s3  }
0xc: {  	[smem:$0x3FA4] =	sst s4  }
0xd: {  	[smem:$0x3FA5] =	sst s5  }
0xe: {  	[smem:$0x3FA6] =	sst s6  }
0xf: {  	[smem:$0x3FA7] =	sst s7  }
0x10: {  	[smem:$0x3FA8] =	sst s8  }
0x11: {  	[smem:$0x3FA9] =	sst s9;
	s0 =	simm.s32 @!p0 $0x0  }
0x12: {  	s1 =	sld [smem:$0x3F8F];
	s0 =	simm.s32 @p0 $0x1  }
0x13: {  	[smem:$0x3FAA] =	sst s0;
	s0 =	simm.s32 @!p1 $0x0  }
0x14: {  	s2 =	sld [smem:$0x3F8E];
	s0 =	simm.s32 @p1 $0x1  }
0x15: {  	[smem:$0x3FAB] =	sst s0;
	s0 =	simm.s32 @!p2 $0x0  }
0x16: {  	s3 =	sld [smem:$0x3FDB];
	s0 =	simm.s32 @p2 $0x1  }
0x17: {  	s4 =	simm.s32 $0x1BF5;
	[smem:$0x3FAD] =	sst s0  }
0x18: {  	s0 =	sld [smem:$0x3F90];
	_ =	swait.ge [sflag:s4], $0x0  }
0x19: {  	s7 =	sld [smem:$0x3F91]  }
0x1a: {  	s8 =	sadd.s32 $0xFFFFE003, lr  }
0x1b: {  	s9 =	sadd.s32 $0xFFFFFEF7, lr;
	s5 =	simm.s32 $0xFFFFFFFF;
	p2 =	slt.u32 s8, $0xFFFFF086  }
0x1c: {  	p1 =	slt.u32 s9, $0xF7A;
	s5 =	simm.s32 @!p2 $0x0  }
0x1d: {  	s5 =	simm.s32 @p1 $0x1;
	p0 =	seq.s32 s7, s2  }
0x1e: {  	s7 =	smul.u32 @!p0 $0xF7A, s2;
	p2 =	seq.s32 @!p0 s5, $0x0  }
0x1f: {  	s9 =	smul.u32 $0xF7A, s1;
	s8 =	simm.s32 @!p0 $0x1BF5;
	p2 =	por !p2, p0  }
0x20: {  	[sflag:s8] =	ssyncset.s32 @!p0 $0xFFFFF086;
	s6 =	sadd.s32 @!p0 s3, s7;
	s7 =	simm.s32 @!p0 $0x108  }
0x21: {  	s3 =	sadd.s32 s3, s9;
	s6 =	sadd.s32 @!p0 $0x88, s6;
	s7 =	simm.s32 @p2 $0x1082  }
0x22: {  	[simem:s7], [sflag:s8] =	dma.local @!p0 [hbm:s6], $0xF7A  }
0x23: {  	s9 =	sor.u32 $0xD0000000, s2;
	s6 =	simm.s32 $0x108;
	_ =	swait.ge @!p0 [sflag:s8], $0x0  }
0x24: {  	s3 =	sadd.s32 $0x88, s3;
	s6 =	simm.s32 @!p1 $0x1082;
	[sflag:s4] =	ssyncset.s32 $0xFFFFF086  }
0x25: {  	[simem:s6], [sflag:s4] =	dma.local [hbm:s3], $0xF7A  }
0x26: {  	[smem:$0x3F91] =	sst s1;
	(tag) =	ssettag s2;
	_ =	strace s9  }
0x27: {  	s1 =	sld [smem:$0x3FA1]  }
0x28: {  	s2 =	sld [smem:$0x3FA2]  }
0x29: {  	s4 =	sld [smem:$0x3FA4]  }
0x2a: {  	p0 =	seq.s32 s5, $0x0;
	s5 =	sld [smem:$0x3FA5]  }
0x2b: {  	s6 =	sld [smem:$0x3FA6]  }
0x2c: {  	s7 =	sld [smem:$0x3FA7]  }
0x2d: {  	s3 =	simm.s32 $0x108;
	s8 =	sld [smem:$0x3FA8]  }
0x2e: {  	s3 =	simm.s32 @!p0 $0x1082;
	s9 =	sld [smem:$0x3FA9]  }
0x2f: {  	lr =	sadd.s32 s0, s3;
	s0 =	sld [smem:$0x3FA0]  }
0x30: {  	s3 =	sld [smem:$0x3FA3]  }
0x31: {  	[smem:$0x3FAC] =	sst s10  }
0x32: {  	s10 =	sld [smem:$0x3FAA];
	_ =	sdelay $0x3  }
0x33: {  	p0 =	seq.s32 s10, $0x1;
	s10 =	sld [smem:$0x3FAC];
	_ =	sdelay $0x3  }
0x34: {  	[smem:$0x3FAC] =	sst s10  }
0x35: {  	s10 =	sld [smem:$0x3FAB];
	_ =	sdelay $0x3  }
0x36: {  	p1 =	seq.s32 s10, $0x1;
	s10 =	sld [smem:$0x3FAC];
	_ =	sdelay $0x3  }
0x37: {  	[smem:$0x3FAC] =	sst s10  }
0x38: {  	s10 =	sld [smem:$0x3FAD]  }
0x39: {  	_ = 	snop;
	(pc) =	sbr.ind lr, $3  }
0x3a: {  	_ = 	snop  }
0x3b: {  	_ = 	snop  }
0x3c: {  	p2 =	seq.s32 s10, $0x1;
	s10 =	sld [smem:$0x3FAC]  }
0x3d: {  	_ =	shalt  }
0x3e: {  	_ =	shalt  }
0x3f: {  	_ =	shalt  }
0x40: {  	_ =	shalt  }
0x41: {  	_ =	shalt  }
0x42: {  	_ =	shalt  }
0x43: {  	_ =	shalt  }
0x44: {  	_ =	shalt  }
0x45: {  	_ =	shalt  }
0x46: {  	_ =	shalt  }
0x47: {  	_ =	shalt  }
0x48: {  	_ =	shalt  }
0x49: {  	_ =	shalt  }
0x4a: {  	_ =	shalt  }
0x4b: {  	_ =	shalt  }
0x4c: {  	_ =	shalt  }
0x4d: {  	_ =	shalt  }
0x4e: {  	_ =	shalt  }
0x4f: {  	_ =	shalt  }
0x50: {  	_ =	shalt  }
0x51: {  	_ =	shalt  }
0x52: {  	_ =	shalt  }
0x53: {  	_ =	shalt  }
0x54: {  	_ =	shalt  }
0x55: {  	_ =	shalt  }
0x56: {  	_ =	shalt  }
0x57: {  	_ =	shalt  }
0x58: {  	_ =	shalt  }
0x59: {  	_ =	shalt  }
0x5a: {  	_ =	shalt  }
0x5b: {  	_ =	shalt  }
0x5c: {  	_ =	shalt  }
0x5d: {  	_ =	shalt  }
0x5e: {  	_ =	shalt  }
0x5f: {  	_ =	shalt  }
0x60: {  	_ =	shalt  }
0x61: {  	_ =	shalt  }
0x62: {  	_ =	shalt  }
0x63: {  	_ =	shalt  }
0x64: {  	_ =	shalt  }
0x65: {  	_ =	shalt  }
0x66: {  	_ =	shalt  }
0x67: {  	_ =	shalt  }
0x68: {  	_ =	shalt  }
0x69: {  	_ =	shalt  }
0x6a: {  	_ =	shalt  }
0x6b: {  	_ =	shalt  }
0x6c: {  	_ =	shalt  }
0x6d: {  	_ =	shalt  }
0x6e: {  	_ =	shalt  }
0x6f: {  	_ =	shalt  }
0x70: {  	_ =	shalt  }
0x71: {  	_ =	shalt  }
0x72: {  	_ =	shalt  }
0x73: {  	_ =	shalt  }
0x74: {  	_ =	shalt  }
0x75: {  	_ =	shalt  }
0x76: {  	_ =	shalt  }
0x77: {  	_ =	shalt  }
0x78: {  	_ =	shalt  }
0x79: {  	_ =	shalt  }
0x7a: {  	_ =	shalt  }
0x7b: {  	_ =	shalt  }
0x7c: {  	_ =	shalt  }
0x7d: {  	_ =	shalt  }
0x7e: {  	_ =	shalt  }
0x7f: {  	_ =	shalt  }
0x80: {  	_ =	shalt  }
0x81: {  	_ =	shalt  }
0x82: {  	_ =	shalt  }
0x83: {  	_ =	shalt  }
0x84: {  	_ =	shalt  }
0x85: {  	_ =	shalt  }
0x86: {  	_ =	shalt  }
0x87: {  	_ =	shalt  }
.Lfunc_end0:
.L_simem_size_0:
called_computation.1_lowered:
.L_overlay_start_0:
0x88: {  	s2 =	sld [smem:$0x3FD9]  }
0x89: {  	s3 =	sld [smem:$0x3FFE];
	_ =	sdelay $0x1  }
0x8a: {  	s1 =	srdreg.scid  }
0x8b: {  	s0 =	sand.u32 $0x1, s1  }
0x8c: {  	s16 =	sshll.u32 s0, $0xA;
	s2 =	sadd.s32 s3, s2  }
0x8d: {  	s2 =	sadd.s32 s2, s16  }
0x8e: {  	[smem:$0x3FB8] =	sst s2  }
0x8f: {  	_ = 	snop  }
0x90: {  	(tm) =	ssettm $0x1  }
0x91: {  	s17 =	sld [smem:$0x3FFB];
	_ =	sdelay $0x3  }
0x92: {  	_ =	strace s17  }
0x93: {  	s2 =	sld [smem:$0x3FFC];
	_ =	sdelay $0x3  }
0x94: {  	_ =	strace s2  }
0x95: {  	s2 =	sld [smem:$0x3FFD];
	_ =	sdelay $0x3  }
0x96: {  	_ =	strace s2  }
0x97: {  	_ =	strace $0x8FFFFFFF  }
0x98: {  	s18 =	sld [smem:$0x3FDB];
	_ =	sdelay $0x1  }
0x99: {  	s19 =	simm.s32 $_scs_section_size  }
0x9a: {  	s4 =	simm.s32 $_size__tile_overlayer_lowered;
	s5 =	simm.s32 $_tile_overlayer_lowered  }
0x9b: {  	s22 =	simm.s32 $0x1BFF;
	s21 =	sshll.u32 s5, $0x1;
	s2 =	sadd.s32 s19, s18  }
0x9c: {  	s6 =	simm.s32 $0x0;
	s20 =	sshll.u32 s4, $0x1;
	s4 =	sadd.s32 s21, s2  }
0x9d: {  	[timem:s6], [sflag:s22] =	dma.local [hbm:s4], s20  }
0x9e: {  	_ =	swait.ge [sflag:s22], s20  }
0x9f: {  	s3 =	ssub.s32 $0x0, s20;
	[sflag:s22] =	ssyncset.done $0x0  }
0xa0: {  	[sflag:s22] =	ssyncadd.s32 s3;
	_ =	sdelay $0x1  }
0xa1: {  	s23 =	simm.s32 $0x1B8B  }
0xa2: {  	_ =	swait.ge [sflag:s23], $0x1  }
0xa3: {  	[sflag:s23] =	ssyncset.done $0x0  }
0xa4: {  	s25 =	simm.s32 $0x1B8E;
	s24 =	sld [smem:$0x3FFE];
	[sflag:s23] =	ssyncadd.s32 $0xFFFFFFFF  }
0xa5: {  	s26 =	simm.s32 $execute0_lowered;
	[smem:$0x3FD2] =	sst s25  }
0xa6: {  	s4 =	sshll.u32 s26, $0x1;
	_ =	strace $0x80000049;
	[dreg:$0x1] =	wrdreg $0xFFFFFFFF  }
0xa7: {  	s28 =	simm.s32 $_size_execute0_lowered;
	s2 =	sadd.s32 s2, s4;
	[dreg:$0x0] =	wrdreg $0x0  }
0xa8: {  	s4 =	sshll.u32 s28, $0x1;
	[dreg:$0x2] =	wrdreg s2  }
0xa9: {  	[dreg:$0x3] =	wrdreg s4  }
0xaa: {  	[dreg:$0x4] =	wrdreg $0xC0  }
0xab: {  	_ =	task [dreg:s6], $0x5FFFF  }
0xac: {  	[dreg:$0x1] =	wrdreg $0xFFFFFFFF  }
0xad: {  	[dreg:$0x0] =	wrdreg $0x60  }
0xae: {  	[dreg:$0x2] =	wrdreg s24  }
0xaf: {  	[dreg:$0x3] =	wrdreg $0x9  }
0xb0: {  	_ =	task.clear_ibuf [dreg:s6], $0x4FFFF;
	_ =	strace $0x90000049  }
0xb1: {  	s29 =	simm.s32 $0x9;
	_ =	strace $0x8000004B  }
0xb2: {  	_ =	swait.ge [sflag:s29], $0x1  }
0xb3: {  	[sflag:s29] =	ssyncadd.s32 $0xFFFFFFFF  }
0xb4: {  	_ =	strace $0x9000004B  }
0xb5: {  	_ =	sfence  }
0xb6: {  	s30 =	sld [smem:$0x0];
	_ =	sdelay $0x2  }
0xb7: {  	s31 =	sshll.u32 s1, $0xD;
	s1 =	sshrl.u32 s1, $0x2  }
0xb8: {  	s3 =	sand.u32 $0x4000, s31;
	s1 =	sadd.s32 s1, s30  }
0xb9: {  	s0 =	sor.u32 s3, s0;
	s1 =	sshll.u32 s1, $0x11  }
0xba: {  	s0 =	sor.u32 s1, s0  }
0xbb: {  	s0 =	sadd.s32 $0x8F2B, s0  }
0xbc: {  	[sflag:s0] =	ssyncadd.remote.s32 $0x1  }
0xbd: {  	_ =	sfence.sel $0xFFFF  }
0xbe: {  	[dreg:$0x0] =	wrdreg $0xFFFFFFFF;
	(pc) =	sbr.abs _section_cstart, $3  }
0xbf: {  	[dreg:$0x1] =	wrdreg $0xFFFFFFFF  }
0xc0: {  	_ =	task.clear_ibuf [dreg:s6], $0x2FFFF;
	_ =	strace $0x9FFFFFFF  }
0xc1: {  	(tm) =	ssettm $0x7FFFFFFF  }
tec
execute0_lowered:
.L_overlay_start_1:
0x0: {  	(tag) =	ssettag $0x1  }
0x1: {  	s0 =	srdreg.scid  }
0x2: {  	s2 =	stileid.u32;
	s1 =	rddreg [dreg:$0x0];
	s26 =	simm.s32 $0x4000  }
0x3: {  	s11 =	simm.s32 $0x200;
	s7 =	simm.s32 $0x50;
	s30 =	simm.s32 $0x80  }
0x4: {  	s8 =	simm.s32 $0x3200;
	s31 =	simm.s32 $0x100;
	s9 =	simm.s32 $0x5A00  }
0x5: {  	s13 =	simm.s32 $0x180;
	s10 =	simm.s32 $0x8200;
	s22 =	simm.s32 $0x1  }
0x6: {  	s14 =	simm.s32 $0x300;
	s15 =	simm.s32 $0x380;
	s16 =	simm.s32 $0x400  }
0x7: {  	s17 =	simm.s32 $0x480;
	s18 =	simm.s32 $0x500;
	s19 =	simm.s32 $0x580  }
0x8: {  	s20 =	simm.s32 $0x600;
	s21 =	simm.s32 $0x680;
	s23 =	simm.s32 $0x700  }
0x9: {  	p0 =	por $0x0, $0x0;
	s0 =	sand.u32 $0x1, s0;
	s3 =	sshll.u32 s2, $0x1  }
0xa: {  	s28 =	simm.s32 $0x900;
	s3 =	sor.u32 s0, s3;
	s0 =	ssub.s32 $0x2, s0  }
0xb: {  	s29 =	simm.s32 $0x980;
	s5 =	simm.s32 $0x2;
	s25 =	sshrl.u32 s0, $0x1  }
0xc: {  	s2 =	simm.s32 $0x0;
	s6 =	sadd.s32 $0x5000, s1;
	s0 =	ssub.s32 s0, s25  }
0xd: {  	[smem:$0x7FF] =	sst s2;
	s4 =	sshll.u32 s3, $0x6;
	s0 =	smax.u32 s0, $0x1  }
0xe: {  	s3 =	smul.u32 $0x1400, s3;
	_ =	strace $0x8000004A;
	p1 =	sne.s32 s0, $0x1  }
.Ltmp0:
0xf: {  	[dreg:$0x4] =	wrdreg s26;
	s4 =	sadd.s32 s4, s1;
	(pc) =	sbr.rel @!p1 .LBB2_1-.Ltmp0, $4  }
0x10: {  	s26 =	simm.s32 $0x880;
	s1 =	sadd.s32 s3, s1;
	s24 =	sadd.s32 $0x2D000, s4  }
0x11: {  	s25 =	simm.s32 $0x800;
	[dreg:$0x2] =	wrdreg s24;
	s1 =	sadd.s32 $0x2F800, s1  }
0x12: {  	s3 =	simm.s32 $0x3;
	s4 =	simm.s32 $0xA00;
	[dreg:$0x3] =	wrdreg s1  }
0x13: {  	s12 =	sadd.s32 $0xFFFFFFFF, s0;
	s24 =	simm.s32 $0x780;
	s0 =	rddreg [dreg:$0x2]  }
0x14: {  	s1 =	rddreg [dreg:$0x4]  }
0x15: {  	[tilespmem:s2], [sflag:$0x3] =	stream.strided.gather [hbm4b:s0+s11], $0xA00, s1, s11, $0x38;
	[tilespmem:$0xAA00] =	vst v63  }
0x16: {  	_ =	swait.ge [sflag:s3], $0xA00  }
0x17: {  	[sflag:s3] =	ssyncset.done $0x0  }
0x18: {  	[sflag:s3] =	ssyncadd.s32 $0xFFFFF600  }
0x19: {  	[tilespmem:s4], [sflag:$0x1] =	stream.indirect.gather [hbm4b:s6+s7], $0x80, s2, s7, $0xb8;
	[tilespmem:$0xAA00] =	vst v63  }
0x1a: {  	_ = 	snop  }
0x1b: {  	[tilespmem:s8], [sflag:$0x1] =	stream.indirect.gather [hbm4b:s6+s7], $0x80, s30, s7, $0xb8;
	[tilespmem:$0xAA00] =	vst v63  }
0x1c: {  	_ = 	snop  }
0x1d: {  	[tilespmem:s9], [sflag:$0x1] =	stream.indirect.gather [hbm4b:s6+s7], $0x80, s31, s7, $0xb8;
	[tilespmem:$0xAA00] =	vst v63  }
0x1e: {  	_ = 	snop  }
0x1f: {  	[tilespmem:s10], [sflag:$0x1] =	stream.indirect.gather [hbm4b:s6+s7], $0x80, s13, s7, $0xb8;
	[tilespmem:$0xAA00] =	vst v63  }
0x20: {  	_ =	swait.ge [sflag:s22], $0x2800  }
0x21: {  	[sflag:s22] =	ssyncset.done $0x0  }
0x22: {  	[sflag:s22] =	ssyncadd.s32 $0xFFFFD800  }
0x23: {  	_ =	swait.ge [sflag:s22], $0x2800  }
0x24: {  	[sflag:s22] =	ssyncset.done $0x0  }
0x25: {  	[sflag:s22] =	ssyncadd.s32 $0xFFFFD800  }
0x26: {  	_ =	swait.ge [sflag:s22], $0x2800  }
0x27: {  	[sflag:s22] =	ssyncset.done $0x0  }
0x28: {  	[sflag:s22] =	ssyncadd.s32 $0xFFFFD800  }
0x29: {  	_ =	swait.ge [sflag:s22], $0x2800  }
0x2a: {  	[sflag:s22] =	ssyncset.done $0x0  }
0x2b: {  	[sflag:s22] =	ssyncadd.s32 $0xFFFFD800  }
0x2c: {  	[tilespmem:s4], [sflag:$0x2] =	stream.indirect.gather.add.f32 [hbm:s6], $0x80, s11, s7, $0xb8;
	[tilespmem:$0xAA00] =	vst v63  }
0x2d: {  	s1 =	simm.s32 $0x280  }
0x2e: {  	[tilespmem:s8], [sflag:$0x2] =	stream.indirect.gather.add.f32 [hbm:s6], $0x80, s1, s7, $0xb8;
	[tilespmem:$0xAA00] =	vst v63  }
0x2f: {  	_ = 	snop  }
0x30: {  	[tilespmem:s9], [sflag:$0x2] =	stream.indirect.gather.add.f32 [hbm:s6], $0x80, s14, s7, $0xb8;
	[tilespmem:$0xAA00] =	vst v63  }
0x31: {  	_ = 	snop  }
0x32: {  	[tilespmem:s10], [sflag:$0x2] =	stream.indirect.gather.add.f32 [hbm:s6], $0x80, s15, s7, $0xb8;
	[tilespmem:$0xAA00] =	vst v63  }
0x33: {  	_ = 	snop  }
0x34: {  	[tilespmem:s4], [sflag:$0x2] =	stream.indirect.gather.add.f32 [hbm:s6], $0x80, s16, s7, $0xb8;
	[tilespmem:$0xAA00] =	vst v63  }
0x35: {  	_ = 	snop  }
0x36: {  	[tilespmem:s8], [sflag:$0x2] =	stream.indirect.gather.add.f32 [hbm:s6], $0x80, s17, s7, $0xb8;
	[tilespmem:$0xAA00] =	vst v63  }
0x37: {  	_ = 	snop  }
0x38: {  	[tilespmem:s9], [sflag:$0x2] =	stream.indirect.gather.add.f32 [hbm:s6], $0x80, s18, s7, $0xb8;
	[tilespmem:$0xAA00] =	vst v63  }
0x39: {  	_ = 	snop  }
0x3a: {  	[tilespmem:s10], [sflag:$0x2] =	stream.indirect.gather.add.f32 [hbm:s6], $0x80, s19, s7, $0xb8;
	[tilespmem:$0xAA00] =	vst v63  }
0x3b: {  	_ = 	snop  }
0x3c: {  	[tilespmem:s4], [sflag:$0x2] =	stream.indirect.gather.add.f32 [hbm:s6], $0x80, s20, s7, $0xb8;
	[tilespmem:$0xAA00] =	vst v63  }
0x3d: {  	_ = 	snop  }
0x3e: {  	[tilespmem:s8], [sflag:$0x2] =	stream.indirect.gather.add.f32 [hbm:s6], $0x80, s21, s7, $0xb8;
	[tilespmem:$0xAA00] =	vst v63  }
0x3f: {  	_ = 	snop  }
0x40: {  	[tilespmem:s9], [sflag:$0x2] =	stream.indirect.gather.add.f32 [hbm:s6], $0x80, s23, s7, $0xb8;
	[tilespmem:$0xAA00] =	vst v63  }
0x41: {  	_ = 	snop  }
0x42: {  	[tilespmem:s10], [sflag:$0x2] =	stream.indirect.gather.add.f32 [hbm:s6], $0x80, s24, s7, $0xb8;
	[tilespmem:$0xAA00] =	vst v63  }
0x43: {  	_ = 	snop  }
0x44: {  	[tilespmem:s4], [sflag:$0x2] =	stream.indirect.gather.add.f32 [hbm:s6], $0x80, s25, s7, $0xb8;
	[tilespmem:$0xAA00] =	vst v63  }
0x45: {  	_ = 	snop  }
0x46: {  	[tilespmem:s8], [sflag:$0x2] =	stream.indirect.gather.add.f32 [hbm:s6], $0x80, s26, s7, $0xb8;
	[tilespmem:$0xAA00] =	vst v63  }
0x47: {  	_ = 	snop  }
0x48: {  	[tilespmem:s9], [sflag:$0x2] =	stream.indirect.gather.add.f32 [hbm:s6], $0x80, s28, s7, $0xb8;
	[tilespmem:$0xAA00] =	vst v63  }
0x49: {  	_ = 	snop  }
0x4a: {  	[tilespmem:s10], [sflag:$0x2] =	stream.indirect.gather.add.f32 [hbm:s6], $0x80, s29, s7, $0xb8;
	[tilespmem:$0xAA00] =	vst v63  }
0x4b: {  	_ =	swait.ge [sflag:s5], $0x2800  }
0x4c: {  	[sflag:s5] =	ssyncset.done $0x0  }
0x4d: {  	[sflag:s5] =	ssyncadd.s32 $0xFFFFD800  }
0x4e: {  	_ =	swait.ge [sflag:s5], $0x2800  }
0x4f: {  	[sflag:s5] =	ssyncset.done $0x0  }
0x50: {  	[sflag:s5] =	ssyncadd.s32 $0xFFFFD800  }
0x51: {  	_ =	swait.ge [sflag:s5], $0x2800  }
0x52: {  	[sflag:s5] =	ssyncset.done $0x0  }
0x53: {  	[sflag:s5] =	ssyncadd.s32 $0xFFFFD800  }
0x54: {  	_ =	swait.ge [sflag:s5], $0x2800  }
0x55: {  	[sflag:s5] =	ssyncset.done $0x0  }
0x56: {  	[sflag:s5] =	ssyncadd.s32 $0xFFFFD800  }
0x57: {  	_ =	swait.ge [sflag:s5], $0x2800  }
0x58: {  	[sflag:s5] =	ssyncset.done $0x0  }
0x59: {  	[sflag:s5] =	ssyncadd.s32 $0xFFFFD800  }
0x5a: {  	_ =	swait.ge [sflag:s5], $0x2800  }
0x5b: {  	[sflag:s5] =	ssyncset.done $0x0  }
0x5c: {  	[sflag:s5] =	ssyncadd.s32 $0xFFFFD800  }
0x5d: {  	_ =	swait.ge [sflag:s5], $0x2800  }
0x5e: {  	[sflag:s5] =	ssyncset.done $0x0  }
0x5f: {  	[sflag:s5] =	ssyncadd.s32 $0xFFFFD800  }
0x60: {  	_ =	swait.ge [sflag:s5], $0x2800  }
0x61: {  	[sflag:s5] =	ssyncset.done $0x0  }
0x62: {  	[sflag:s5] =	ssyncadd.s32 $0xFFFFD800  }
0x63: {  	_ =	swait.ge [sflag:s5], $0x2800  }
0x64: {  	[sflag:s5] =	ssyncset.done $0x0  }
0x65: {  	[sflag:s5] =	ssyncadd.s32 $0xFFFFD800  }
0x66: {  	_ =	swait.ge [sflag:s5], $0x2800  }
0x67: {  	[sflag:s5] =	ssyncset.done $0x0  }
0x68: {  	[sflag:s5] =	ssyncadd.s32 $0xFFFFD800  }
0x69: {  	_ =	swait.ge [sflag:s5], $0x2800  }
0x6a: {  	[sflag:s5] =	ssyncset.done $0x0  }
0x6b: {  	[sflag:s5] =	ssyncadd.s32 $0xFFFFD800  }
0x6c: {  	_ =	swait.ge [sflag:s5], $0x2800  }
0x6d: {  	[sflag:s5] =	ssyncset.done $0x0  }
0x6e: {  	[sflag:s5] =	ssyncadd.s32 $0xFFFFD800  }
0x6f: {  	_ =	swait.ge [sflag:s5], $0x2800  }
0x70: {  	[sflag:s5] =	ssyncset.done $0x0  }
0x71: {  	[sflag:s5] =	ssyncadd.s32 $0xFFFFD800  }
0x72: {  	_ =	swait.ge [sflag:s5], $0x2800  }
0x73: {  	[sflag:s5] =	ssyncset.done $0x0  }
0x74: {  	[sflag:s5] =	ssyncadd.s32 $0xFFFFD800  }
0x75: {  	_ =	swait.ge [sflag:s5], $0x2800  }
0x76: {  	[sflag:s5] =	ssyncset.done $0x0  }
0x77: {  	[sflag:s5] =	ssyncadd.s32 $0xFFFFD800  }
0x78: {  	p1 =	sne.s32 s12, $0x1;
	_ =	swait.ge [sflag:s5], $0x2800  }
.Ltmp1:
0x79: {  	[sflag:s5] =	ssyncset.done $0x0;
	(pc) =	sbr.rel @!p1 .LBB2_3-.Ltmp1, $4  }
0x7a: {  	s1 =	rddreg [dreg:$0x3];
	[sflag:s5] =	ssyncadd.s32 $0xFFFFD800  }
0x7b: {  	[hbm4b:s1+s2] =	stream.linear.scatter [tilespmem:s4], [sflag:$0x3], $0xA000, $0x38;
	[tilespmem:$0xAA00] =	vst v63  }
0x7c: {  	p0 =	por $0x1, $0x1;
	_ =	swait.ge [sflag:s3], $0xA000  }
0x7d: {  	s1 =	sadd.s32 $0xFFFFFFFF, s12;
	s0 =	rddreg [dreg:$0x2];
	[sflag:s3] =	ssyncset.done $0x0  }
.LBB2_4:
0x7e: {  	s12 =	rddreg [dreg:$0x4];
	[sflag:s3] =	ssyncadd.s32 $0xFFFF6000  }
0x7f: {  	[tilespmem:s2], [sflag:$0x3] =	stream.strided.gather [hbm4b:s0+s11], $0xA00, s12, s11, $0x38;
	[tilespmem:$0xAA00] =	vst v63  }
0x80: {  	_ =	swait.ge [sflag:s3], $0xA00  }
0x81: {  	[sflag:s3] =	ssyncset.done $0x0  }
0x82: {  	[sflag:s3] =	ssyncadd.s32 $0xFFFFF600  }
0x83: {  	[tilespmem:s4], [sflag:$0x1] =	stream.indirect.gather [hbm4b:s6+s7], $0x80, s2, s7, $0xb8;
	[tilespmem:$0xAA00] =	vst v63  }
0x84: {  	_ = 	snop  }
0x85: {  	[tilespmem:s8], [sflag:$0x1] =	stream.indirect.gather [hbm4b:s6+s7], $0x80, s30, s7, $0xb8;
	[tilespmem:$0xAA00] =	vst v63  }
0x86: {  	_ = 	snop  }
0x87: {  	[tilespmem:s9], [sflag:$0x1] =	stream.indirect.gather [hbm4b:s6+s7], $0x80, s31, s7, $0xb8;
	[tilespmem:$0xAA00] =	vst v63  }
0x88: {  	_ = 	snop  }
0x89: {  	[tilespmem:s10], [sflag:$0x1] =	stream.indirect.gather [hbm4b:s6+s7], $0x80, s13, s7, $0xb8;
	[tilespmem:$0xAA00] =	vst v63  }
0x8a: {  	_ =	swait.ge [sflag:s22], $0x2800  }
0x8b: {  	[sflag:s22] =	ssyncset.done $0x0  }
0x8c: {  	[sflag:s22] =	ssyncadd.s32 $0xFFFFD800  }
0x8d: {  	_ =	swait.ge [sflag:s22], $0x2800  }
0x8e: {  	[sflag:s22] =	ssyncset.done $0x0  }
0x8f: {  	[sflag:s22] =	ssyncadd.s32 $0xFFFFD800  }
0x90: {  	_ =	swait.ge [sflag:s22], $0x2800  }
0x91: {  	[sflag:s22] =	ssyncset.done $0x0  }
0x92: {  	[sflag:s22] =	ssyncadd.s32 $0xFFFFD800  }
0x93: {  	_ =	swait.ge [sflag:s22], $0x2800  }
0x94: {  	[sflag:s22] =	ssyncset.done $0x0  }
0x95: {  	[sflag:s22] =	ssyncadd.s32 $0xFFFFD800  }
0x96: {  	[tilespmem:s4], [sflag:$0x2] =	stream.indirect.gather.add.f32 [hbm:s6], $0x80, s11, s7, $0xb8;
	[tilespmem:$0xAA00] =	vst v63  }
0x97: {  	s12 =	simm.s32 $0x280  }
0x98: {  	[tilespmem:s8], [sflag:$0x2] =	stream.indirect.gather.add.f32 [hbm:s6], $0x80, s12, s7, $0xb8;
	[tilespmem:$0xAA00] =	vst v63  }
0x99: {  	_ = 	snop  }
0x9a: {  	[tilespmem:s9], [sflag:$0x2] =	stream.indirect.gather.add.f32 [hbm:s6], $0x80, s14, s7, $0xb8;
	[tilespmem:$0xAA00] =	vst v63  }
0x9b: {  	_ = 	snop  }
0x9c: {  	[tilespmem:s10], [sflag:$0x2] =	stream.indirect.gather.add.f32 [hbm:s6], $0x80, s15, s7, $0xb8;
	[tilespmem:$0xAA00] =	vst v63  }
0x9d: {  	_ = 	snop  }
0x9e: {  	[tilespmem:s4], [sflag:$0x2] =	stream.indirect.gather.add.f32 [hbm:s6], $0x80, s16, s7, $0xb8;
	[tilespmem:$0xAA00] =	vst v63  }
0x9f: {  	_ = 	snop  }
0xa0: {  	[tilespmem:s8], [sflag:$0x2] =	stream.indirect.gather.add.f32 [hbm:s6], $0x80, s17, s7, $0xb8;
	[tilespmem:$0xAA00] =	vst v63  }
0xa1: {  	_ = 	snop  }
0xa2: {  	[tilespmem:s9], [sflag:$0x2] =	stream.indirect.gather.add.f32 [hbm:s6], $0x80, s18, s7, $0xb8;
	[tilespmem:$0xAA00] =	vst v63  }
0xa3: {  	_ = 	snop  }
0xa4: {  	[tilespmem:s10], [sflag:$0x2] =	stream.indirect.gather.add.f32 [hbm:s6], $0x80, s19, s7, $0xb8;
	[tilespmem:$0xAA00] =	vst v63  }
0xa5: {  	_ = 	snop  }
0xa6: {  	[tilespmem:s4], [sflag:$0x2] =	stream.indirect.gather.add.f32 [hbm:s6], $0x80, s20, s7, $0xb8;
	[tilespmem:$0xAA00] =	vst v63  }
0xa7: {  	_ = 	snop  }
0xa8: {  	[tilespmem:s8], [sflag:$0x2] =	stream.indirect.gather.add.f32 [hbm:s6], $0x80, s21, s7, $0xb8;
	[tilespmem:$0xAA00] =	vst v63  }
0xa9: {  	_ = 	snop  }
0xaa: {  	[tilespmem:s9], [sflag:$0x2] =	stream.indirect.gather.add.f32 [hbm:s6], $0x80, s23, s7, $0xb8;
	[tilespmem:$0xAA00] =	vst v63  }
0xab: {  	_ = 	snop  }
0xac: {  	[tilespmem:s10], [sflag:$0x2] =	stream.indirect.gather.add.f32 [hbm:s6], $0x80, s24, s7, $0xb8;
	[tilespmem:$0xAA00] =	vst v63  }
0xad: {  	_ = 	snop  }
0xae: {  	[tilespmem:s4], [sflag:$0x2] =	stream.indirect.gather.add.f32 [hbm:s6], $0x80, s25, s7, $0xb8;
	[tilespmem:$0xAA00] =	vst v63  }
0xaf: {  	_ = 	snop  }
0xb0: {  	[tilespmem:s8], [sflag:$0x2] =	stream.indirect.gather.add.f32 [hbm:s6], $0x80, s26, s7, $0xb8;
	[tilespmem:$0xAA00] =	vst v63  }
0xb1: {  	_ = 	snop  }
0xb2: {  	[tilespmem:s9], [sflag:$0x2] =	stream.indirect.gather.add.f32 [hbm:s6], $0x80, s28, s7, $0xb8;
	[tilespmem:$0xAA00] =	vst v63  }
0xb3: {  	_ = 	snop  }
0xb4: {  	[tilespmem:s10], [sflag:$0x2] =	stream.indirect.gather.add.f32 [hbm:s6], $0x80, s29, s7, $0xb8;
	[tilespmem:$0xAA00] =	vst v63  }
0xb5: {  	_ =	swait.ge [sflag:s5], $0x2800  }
0xb6: {  	[sflag:s5] =	ssyncset.done $0x0  }
0xb7: {  	[sflag:s5] =	ssyncadd.s32 $0xFFFFD800  }
0xb8: {  	_ =	swait.ge [sflag:s5], $0x2800  }
0xb9: {  	[sflag:s5] =	ssyncset.done $0x0  }
0xba: {  	[sflag:s5] =	ssyncadd.s32 $0xFFFFD800  }
0xbb: {  	_ =	swait.ge [sflag:s5], $0x2800  }
0xbc: {  	[sflag:s5] =	ssyncset.done $0x0  }
0xbd: {  	[sflag:s5] =	ssyncadd.s32 $0xFFFFD800  }
0xbe: {  	_ =	swait.ge [sflag:s5], $0x2800  }
0xbf: {  	[sflag:s5] =	ssyncset.done $0x0  }
0xc0: {  	[sflag:s5] =	ssyncadd.s32 $0xFFFFD800  }
0xc1: {  	_ =	swait.ge [sflag:s5], $0x2800  }
0xc2: {  	[sflag:s5] =	ssyncset.done $0x0  }
0xc3: {  	[sflag:s5] =	ssyncadd.s32 $0xFFFFD800  }
0xc4: {  	_ =	swait.ge [sflag:s5], $0x2800  }
0xc5: {  	[sflag:s5] =	ssyncset.done $0x0  }
0xc6: {  	[sflag:s5] =	ssyncadd.s32 $0xFFFFD800  }
0xc7: {  	_ =	swait.ge [sflag:s5], $0x2800  }
0xc8: {  	[sflag:s5] =	ssyncset.done $0x0  }
0xc9: {  	[sflag:s5] =	ssyncadd.s32 $0xFFFFD800  }
0xca: {  	_ =	swait.ge [sflag:s5], $0x2800  }
0xcb: {  	[sflag:s5] =	ssyncset.done $0x0  }
0xcc: {  	[sflag:s5] =	ssyncadd.s32 $0xFFFFD800  }
0xcd: {  	_ =	swait.ge [sflag:s5], $0x2800  }
0xce: {  	[sflag:s5] =	ssyncset.done $0x0  }
0xcf: {  	[sflag:s5] =	ssyncadd.s32 $0xFFFFD800  }
0xd0: {  	_ =	swait.ge [sflag:s5], $0x2800  }
0xd1: {  	[sflag:s5] =	ssyncset.done $0x0  }
0xd2: {  	[sflag:s5] =	ssyncadd.s32 $0xFFFFD800  }
0xd3: {  	_ =	swait.ge [sflag:s5], $0x2800  }
0xd4: {  	[sflag:s5] =	ssyncset.done $0x0  }
0xd5: {  	[sflag:s5] =	ssyncadd.s32 $0xFFFFD800  }
0xd6: {  	_ =	swait.ge [sflag:s5], $0x2800  }
0xd7: {  	[sflag:s5] =	ssyncset.done $0x0  }
0xd8: {  	[sflag:s5] =	ssyncadd.s32 $0xFFFFD800  }
0xd9: {  	_ =	swait.ge [sflag:s5], $0x2800  }
0xda: {  	[sflag:s5] =	ssyncset.done $0x0  }
0xdb: {  	[sflag:s5] =	ssyncadd.s32 $0xFFFFD800  }
0xdc: {  	_ =	swait.ge [sflag:s5], $0x2800  }
0xdd: {  	[sflag:s5] =	ssyncset.done $0x0  }
0xde: {  	[sflag:s5] =	ssyncadd.s32 $0xFFFFD800  }
0xdf: {  	_ =	swait.ge [sflag:s5], $0x2800  }
0xe0: {  	[sflag:s5] =	ssyncset.done $0x0  }
0xe1: {  	[sflag:s5] =	ssyncadd.s32 $0xFFFFD800  }
0xe2: {  	p1 =	sne.s32 s1, $0x1;
	_ =	swait.ge [sflag:s5], $0x2800  }
.Ltmp2:
0xe3: {  	[sflag:s5] =	ssyncset.done $0x0;
	(pc) =	sbr.rel @p1 .LBB2_4-.Ltmp2, $4  }
0xe4: {  	s12 =	rddreg [dreg:$0x3];
	[sflag:s5] =	ssyncadd.s32 $0xFFFFD800  }
0xe5: {  	[hbm4b:s12+s2] =	stream.linear.scatter [tilespmem:s4], [sflag:$0x3], $0xA000, $0x38;
	[tilespmem:$0xAA00] =	vst v63  }
0xe6: {  	_ =	swait.ge [sflag:s3], $0xA000  }
0xe7: {  	s1 =	sadd.s32 $0xFFFFFFFF, s1;
	s0 =	rddreg [dreg:$0x2];
	[sflag:s3] =	ssyncset.done $0x0  }
0xe8: {  	s12 =	simm.s32 $0x180;
	s31 =	simm.s32 $0x100;
	s30 =	simm.s32 $0x80  }
0xe9: {  	s29 =	simm.s32 $0x980;
	s28 =	simm.s32 $0x900;
	s26 =	simm.s32 $0x880  }
0xea: {  	s25 =	simm.s32 $0x800;
	s24 =	simm.s32 $0x780;
	s23 =	simm.s32 $0x700  }
0xeb: {  	s21 =	simm.s32 $0x680;
	s20 =	simm.s32 $0x600;
	s19 =	simm.s32 $0x580  }
0xec: {  	s18 =	simm.s32 $0x500;
	s17 =	simm.s32 $0x480;
	s16 =	simm.s32 $0x400  }
0xed: {  	s15 =	simm.s32 $0x380;
	s14 =	simm.s32 $0x300;
	s13 =	simm.s32 $0x280  }
.LBB2_6:
0xee: {  	s1 =	rddreg [dreg:$0x4];
	[sflag:s3] =	ssyncadd.s32 @p0 $0xFFFF6000  }
0xef: {  	[tilespmem:s2], [sflag:$0x3] =	stream.strided.gather [hbm4b:s0+s11], $0xA00, s1, s11, $0x38;
	[tilespmem:$0xAA00] =	vst v63  }
0xf0: {  	_ =	swait.ge [sflag:s3], $0xA00  }
0xf1: {  	[sflag:s3] =	ssyncset.done $0x0  }
0xf2: {  	[sflag:s3] =	ssyncadd.s32 $0xFFFFF600  }
0xf3: {  	[tilespmem:s4], [sflag:$0x1] =	stream.indirect.gather [hbm4b:s6+s7], $0x80, s2, s7, $0xb8;
	[tilespmem:$0xAA00] =	vst v63  }
0xf4: {  	_ = 	snop  }
0xf5: {  	[tilespmem:s8], [sflag:$0x1] =	stream.indirect.gather [hbm4b:s6+s7], $0x80, s30, s7, $0xb8;
	[tilespmem:$0xAA00] =	vst v63  }
0xf6: {  	_ = 	snop  }
0xf7: {  	[tilespmem:s9], [sflag:$0x1] =	stream.indirect.gather [hbm4b:s6+s7], $0x80, s31, s7, $0xb8;
	[tilespmem:$0xAA00] =	vst v63  }
0xf8: {  	_ = 	snop  }
0xf9: {  	[tilespmem:s10], [sflag:$0x1] =	stream.indirect.gather [hbm4b:s6+s7], $0x80, s12, s7, $0xb8;
	[tilespmem:$0xAA00] =	vst v63  }
0xfa: {  	_ =	swait.ge [sflag:s22], $0x2800  }
0xfb: {  	[sflag:s22] =	ssyncset.done $0x0  }
0xfc: {  	[sflag:s22] =	ssyncadd.s32 $0xFFFFD800  }
0xfd: {  	_ =	swait.ge [sflag:s22], $0x2800  }
0xfe: {  	[sflag:s22] =	ssyncset.done $0x0  }
0xff: {  	[sflag:s22] =	ssyncadd.s32 $0xFFFFD800  }
0x100: {  	_ =	swait.ge [sflag:s22], $0x2800  }
0x101: {  	[sflag:s22] =	ssyncset.done $0x0  }
0x102: {  	[sflag:s22] =	ssyncadd.s32 $0xFFFFD800  }
0x103: {  	_ =	swait.ge [sflag:s22], $0x2800  }
0x104: {  	[sflag:s22] =	ssyncset.done $0x0  }
0x105: {  	[sflag:s22] =	ssyncadd.s32 $0xFFFFD800  }
0x106: {  	[tilespmem:s4], [sflag:$0x2] =	stream.indirect.gather.add.f32 [hbm:s6], $0x80, s11, s7, $0xb8;
	[tilespmem:$0xAA00] =	vst v63  }
0x107: {  	_ = 	snop  }
0x108: {  	[tilespmem:s8], [sflag:$0x2] =	stream.indirect.gather.add.f32 [hbm:s6], $0x80, s13, s7, $0xb8;
	[tilespmem:$0xAA00] =	vst v63  }
0x109: {  	_ = 	snop  }
0x10a: {  	[tilespmem:s9], [sflag:$0x2] =	stream.indirect.gather.add.f32 [hbm:s6], $0x80, s14, s7, $0xb8;
	[tilespmem:$0xAA00] =	vst v63  }
0x10b: {  	_ = 	snop  }
0x10c: {  	[tilespmem:s10], [sflag:$0x2] =	stream.indirect.gather.add.f32 [hbm:s6], $0x80, s15, s7, $0xb8;
	[tilespmem:$0xAA00] =	vst v63  }
0x10d: {  	_ = 	snop  }
0x10e: {  	[tilespmem:s4], [sflag:$0x2] =	stream.indirect.gather.add.f32 [hbm:s6], $0x80, s16, s7, $0xb8;
	[tilespmem:$0xAA00] =	vst v63  }
0x10f: {  	_ = 	snop  }
0x110: {  	[tilespmem:s8], [sflag:$0x2] =	stream.indirect.gather.add.f32 [hbm:s6], $0x80, s17, s7, $0xb8;
	[tilespmem:$0xAA00] =	vst v63  }
0x111: {  	_ = 	snop  }
0x112: {  	[tilespmem:s9], [sflag:$0x2] =	stream.indirect.gather.add.f32 [hbm:s6], $0x80, s18, s7, $0xb8;
	[tilespmem:$0xAA00] =	vst v63  }
0x113: {  	_ = 	snop  }
0x114: {  	[tilespmem:s10], [sflag:$0x2] =	stream.indirect.gather.add.f32 [hbm:s6], $0x80, s19, s7, $0xb8;
	[tilespmem:$0xAA00] =	vst v63  }
0x115: {  	_ = 	snop  }
0x116: {  	[tilespmem:s4], [sflag:$0x2] =	stream.indirect.gather.add.f32 [hbm:s6], $0x80, s20, s7, $0xb8;
	[tilespmem:$0xAA00] =	vst v63  }
0x117: {  	_ = 	snop  }
0x118: {  	[tilespmem:s8], [sflag:$0x2] =	stream.indirect.gather.add.f32 [hbm:s6], $0x80, s21, s7, $0xb8;
	[tilespmem:$0xAA00] =	vst v63  }
0x119: {  	_ = 	snop  }
0x11a: {  	[tilespmem:s9], [sflag:$0x2] =	stream.indirect.gather.add.f32 [hbm:s6], $0x80, s23, s7, $0xb8;
	[tilespmem:$0xAA00] =	vst v63  }
0x11b: {  	_ = 	snop  }
0x11c: {  	[tilespmem:s10], [sflag:$0x2] =	stream.indirect.gather.add.f32 [hbm:s6], $0x80, s24, s7, $0xb8;
	[tilespmem:$0xAA00] =	vst v63  }
0x11d: {  	_ = 	snop  }
0x11e: {  	[tilespmem:s4], [sflag:$0x2] =	stream.indirect.gather.add.f32 [hbm:s6], $0x80, s25, s7, $0xb8;
	[tilespmem:$0xAA00] =	vst v63  }
0x11f: {  	_ = 	snop  }
0x120: {  	[tilespmem:s8], [sflag:$0x2] =	stream.indirect.gather.add.f32 [hbm:s6], $0x80, s26, s7, $0xb8;
	[tilespmem:$0xAA00] =	vst v63  }
0x121: {  	_ = 	snop  }
0x122: {  	[tilespmem:s9], [sflag:$0x2] =	stream.indirect.gather.add.f32 [hbm:s6], $0x80, s28, s7, $0xb8;
	[tilespmem:$0xAA00] =	vst v63  }
0x123: {  	_ = 	snop  }
0x124: {  	[tilespmem:s10], [sflag:$0x2] =	stream.indirect.gather.add.f32 [hbm:s6], $0x80, s29, s7, $0xb8;
	[tilespmem:$0xAA00] =	vst v63  }
0x125: {  	_ =	swait.ge [sflag:s5], $0x2800  }
0x126: {  	[sflag:s5] =	ssyncset.done $0x0  }
0x127: {  	[sflag:s5] =	ssyncadd.s32 $0xFFFFD800  }
0x128: {  	_ =	swait.ge [sflag:s5], $0x2800  }
0x129: {  	[sflag:s5] =	ssyncset.done $0x0  }
0x12a: {  	[sflag:s5] =	ssyncadd.s32 $0xFFFFD800  }
0x12b: {  	_ =	swait.ge [sflag:s5], $0x2800  }
0x12c: {  	[sflag:s5] =	ssyncset.done $0x0  }
0x12d: {  	[sflag:s5] =	ssyncadd.s32 $0xFFFFD800  }
0x12e: {  	_ =	swait.ge [sflag:s5], $0x2800  }
0x12f: {  	[sflag:s5] =	ssyncset.done $0x0  }
0x130: {  	[sflag:s5] =	ssyncadd.s32 $0xFFFFD800  }
0x131: {  	_ =	swait.ge [sflag:s5], $0x2800  }
0x132: {  	[sflag:s5] =	ssyncset.done $0x0  }
0x133: {  	[sflag:s5] =	ssyncadd.s32 $0xFFFFD800  }
0x134: {  	_ =	swait.ge [sflag:s5], $0x2800  }
0x135: {  	[sflag:s5] =	ssyncset.done $0x0  }
0x136: {  	[sflag:s5] =	ssyncadd.s32 $0xFFFFD800  }
0x137: {  	_ =	swait.ge [sflag:s5], $0x2800  }
0x138: {  	[sflag:s5] =	ssyncset.done $0x0  }
0x139: {  	[sflag:s5] =	ssyncadd.s32 $0xFFFFD800  }
0x13a: {  	_ =	swait.ge [sflag:s5], $0x2800  }
0x13b: {  	[sflag:s5] =	ssyncset.done $0x0  }
0x13c: {  	[sflag:s5] =	ssyncadd.s32 $0xFFFFD800  }
0x13d: {  	_ =	swait.ge [sflag:s5], $0x2800  }
0x13e: {  	[sflag:s5] =	ssyncset.done $0x0  }
0x13f: {  	[sflag:s5] =	ssyncadd.s32 $0xFFFFD800  }
0x140: {  	_ =	swait.ge [sflag:s5], $0x2800  }
0x141: {  	[sflag:s5] =	ssyncset.done $0x0  }
0x142: {  	[sflag:s5] =	ssyncadd.s32 $0xFFFFD800  }
0x143: {  	_ =	swait.ge [sflag:s5], $0x2800  }
0x144: {  	[sflag:s5] =	ssyncset.done $0x0  }
0x145: {  	[sflag:s5] =	ssyncadd.s32 $0xFFFFD800  }
0x146: {  	_ =	swait.ge [sflag:s5], $0x2800  }
0x147: {  	[sflag:s5] =	ssyncset.done $0x0  }
0x148: {  	[sflag:s5] =	ssyncadd.s32 $0xFFFFD800  }
0x149: {  	_ =	swait.ge [sflag:s5], $0x2800  }
0x14a: {  	[sflag:s5] =	ssyncset.done $0x0  }
0x14b: {  	[sflag:s5] =	ssyncadd.s32 $0xFFFFD800  }
0x14c: {  	_ =	swait.ge [sflag:s5], $0x2800  }
0x14d: {  	[sflag:s5] =	ssyncset.done $0x0  }
0x14e: {  	[sflag:s5] =	ssyncadd.s32 $0xFFFFD800  }
0x14f: {  	_ =	swait.ge [sflag:s5], $0x2800  }
0x150: {  	[sflag:s5] =	ssyncset.done $0x0  }
0x151: {  	[sflag:s5] =	ssyncadd.s32 $0xFFFFD800  }
0x152: {  	_ =	swait.ge [sflag:s5], $0x2800  }
0x153: {  	[sflag:s5] =	ssyncset.done $0x0  }
0x154: {  	s30 =	rddreg [dreg:$0x3];
	[sflag:s5] =	ssyncadd.s32 $0xFFFFD800  }
0x155: {  	[hbm4b:s30+s2] =	stream.linear.scatter [tilespmem:s4], [sflag:$0x3], $0xA000, $0x38;
	[tilespmem:$0xAA00] =	vst v63  }
0x156: {  	_ =	swait.ge [sflag:s3], $0xA000  }
0x157: {  	[sflag:s3] =	ssyncset.done $0x0  }
0x158: {  	[sflag:s3] =	ssyncadd.s32 $0xFFFF6000  }
0x159: {  	_ =	sfence.sel $0x180000  }
0x15a: {  	[bflag:$0x0] =	sbarrier.arrive $0xFFFF  }
0x15b: {  	_ =	strace $0x9000004A  }
0x15c: {  	s31 =	stileid.u32;
	[bflag:$0x2] =	sbarrier.arrive $0xFFFF  }
0x15d: {  	p0 =	sne.s32 s31, $0x0;
	s0 =	rddreg [dreg:$0x1]  }
0x15e: {  	s0 =	sadd.s32 @!p0 $0x100000, s0  }
0x15f: {  	[sflag:s0] =	ssyncadd.tile.s32 @!p0 $0x1;
	_ =	shalt  }
.LBB2_1:
0x160: {  	s12 =	simm.s32 $0x180  }
0x161: {  	s31 =	simm.s32 $0x100;
	s30 =	simm.s32 $0x80;
	s29 =	simm.s32 $0x980  }
.Ltmp3:
0x162: {  	s28 =	simm.s32 $0x900;
	s26 =	simm.s32 $0x880;
	(pc) =	sbr.rel .LBB2_6-.Ltmp3, $4  }
0x163: {  	s25 =	simm.s32 $0x800;
	s24 =	simm.s32 $0x780;
	s23 =	simm.s32 $0x700  }
0x164: {  	s21 =	simm.s32 $0x680;
	s20 =	simm.s32 $0x600;
	s19 =	simm.s32 $0x580  }
0x165: {  	s18 =	simm.s32 $0x500;
	s17 =	simm.s32 $0x480;
	s16 =	simm.s32 $0x400  }
0x166: {  	s15 =	simm.s32 $0x380;
	s14 =	simm.s32 $0x300;
	s13 =	simm.s32 $0x280  }
.LBB2_3:
0x167: {  	s12 =	simm.s32 $0x180  }
0x168: {  	s31 =	simm.s32 $0x100;
	s30 =	simm.s32 $0x80;
	s29 =	simm.s32 $0x980  }
.Ltmp4:
0x169: {  	s28 =	simm.s32 $0x900;
	s26 =	simm.s32 $0x880;
	(pc) =	sbr.rel .LBB2_6-.Ltmp4, $4  }
0x16a: {  	s25 =	simm.s32 $0x800;
	s24 =	simm.s32 $0x780;
	s23 =	simm.s32 $0x700  }
0x16b: {  	s21 =	simm.s32 $0x680;
	s20 =	simm.s32 $0x600;
	s19 =	simm.s32 $0x580  }
0x16c: {  	s18 =	simm.s32 $0x500;
	s17 =	simm.s32 $0x480;
	s16 =	simm.s32 $0x400  }
0x16d: {  	s15 =	simm.s32 $0x380;
	s14 =	simm.s32 $0x300;
	s13 =	simm.s32 $0x280  }
.Lfunc_end2:
_tile_overlayer_lowered:
.L_overlay_start_2:
0x16e: {  	(tag) =	ssettag $0x2  }
0x16f: {  	s0 =	rddreg [dreg:$0x0];
	s2 =	stileid.u32  }
0x170: {  	s1 =	rddreg [dreg:$0x1];
	p0 =	sne.s32 s2, $0x0  }
0x171: {  	s3 =	rddreg [dreg:$0x2];
	[bflag:$0x3] =	sbarrier.arrive $0xFFFF;
	s2 =	simm.s32 @!p0 $0x1C03  }
0x172: {  	[timem:s3], [sflag:s2] =	dma.local @!p0 [hbm:s0], s1  }
0x173: {  	s0 =	simm.s32 @!p0 $0x3  }
0x174: {  	_ =	swait.ge @!p0 [sflag:s0], s1  }
0x175: {  	s1 =	ssub.s32 @!p0 $0x0, s1;
	[sflag:s0] =	ssyncset.done @!p0 $0x0  }
0x176: {  	[sflag:s0] =	ssyncadd.s32 @!p0 s1  }
0x177: {  	[bflag:$0x3] =	sbarrier.arrive $0xFFFF  }
0x178: {  	_ =	shalt  }

// kernel: kernel.17.cloned.1.call-start
scs
__scs_entry_jumppad:
0x0: {  	(pc) =	sbr.rel $0x88, $3  }
0x1: {  	(tag) =	ssettag $0x0;
	lr =	simm.s32 $0x1  }
0x2: {  	[smem:$0x3F91] =	sst lr;
	_ =	strace $0xD0000000  }
0x3: {  	_ = 	snop  }
0x4: {  	_ = 	snop  }
0x5: {  	_ = 	snop  }
0x6: {  	_ = 	snop  }
0x7: {  	_ = 	snop  }
__scs_overlays_trampoline_lowered:
0x8: {  	[smem:$0x3FA0] =	sst s0  }
0x9: {  	[smem:$0x3FA1] =	sst s1  }
0xa: {  	[smem:$0x3FA2] =	sst s2  }
0xb: {  	[smem:$0x3FA3] =	sst s3  }
0xc: {  	[smem:$0x3FA4] =	sst s4  }
0xd: {  	[smem:$0x3FA5] =	sst s5  }
0xe: {  	[smem:$0x3FA6] =	sst s6  }
0xf: {  	[smem:$0x3FA7] =	sst s7  }
0x10: {  	[smem:$0x3FA8] =	sst s8  }
0x11: {  	[smem:$0x3FA9] =	sst s9;
	s0 =	simm.s32 @!p0 $0x0  }
0x12: {  	s1 =	sld [smem:$0x3F8F];
	s0 =	simm.s32 @p0 $0x1  }
0x13: {  	[smem:$0x3FAA] =	sst s0;
	s0 =	simm.s32 @!p1 $0x0  }
0x14: {  	s2 =	sld [smem:$0x3F8E];
	s0 =	simm.s32 @p1 $0x1  }
0x15: {  	[smem:$0x3FAB] =	sst s0;
	s0 =	simm.s32 @!p2 $0x0  }
0x16: {  	s3 =	sld [smem:$0x3FDB];
	s0 =	simm.s32 @p2 $0x1  }
0x17: {  	s4 =	simm.s32 $0x1BF5;
	[smem:$0x3FAD] =	sst s0  }
0x18: {  	s0 =	sld [smem:$0x3F90];
	_ =	swait.ge [sflag:s4], $0x0  }
0x19: {  	s7 =	sld [smem:$0x3F91]  }
0x1a: {  	s8 =	sadd.s32 $0xFFFFE003, lr  }
0x1b: {  	s9 =	sadd.s32 $0xFFFFFEF7, lr;
	s5 =	simm.s32 $0xFFFFFFFF;
	p2 =	slt.u32 s8, $0xFFFFF086  }
0x1c: {  	p1 =	slt.u32 s9, $0xF7A;
	s5 =	simm.s32 @!p2 $0x0  }
0x1d: {  	s5 =	simm.s32 @p1 $0x1;
	p0 =	seq.s32 s7, s2  }
0x1e: {  	s7 =	smul.u32 @!p0 $0xF7A, s2;
	p2 =	seq.s32 @!p0 s5, $0x0  }
0x1f: {  	s9 =	smul.u32 $0xF7A, s1;
	s8 =	simm.s32 @!p0 $0x1BF5;
	p2 =	por !p2, p0  }
0x20: {  	[sflag:s8] =	ssyncset.s32 @!p0 $0xFFFFF086;
	s6 =	sadd.s32 @!p0 s3, s7;
	s7 =	simm.s32 @!p0 $0x108  }
0x21: {  	s3 =	sadd.s32 s3, s9;
	s6 =	sadd.s32 @!p0 $0x88, s6;
	s7 =	simm.s32 @p2 $0x1082  }
0x22: {  	[simem:s7], [sflag:s8] =	dma.local @!p0 [hbm:s6], $0xF7A  }
0x23: {  	s9 =	sor.u32 $0xD0000000, s2;
	s6 =	simm.s32 $0x108;
	_ =	swait.ge @!p0 [sflag:s8], $0x0  }
0x24: {  	s3 =	sadd.s32 $0x88, s3;
	s6 =	simm.s32 @!p1 $0x1082;
	[sflag:s4] =	ssyncset.s32 $0xFFFFF086  }
0x25: {  	[simem:s6], [sflag:s4] =	dma.local [hbm:s3], $0xF7A  }
0x26: {  	[smem:$0x3F91] =	sst s1;
	(tag) =	ssettag s2;
	_ =	strace s9  }
0x27: {  	s1 =	sld [smem:$0x3FA1]  }
0x28: {  	s2 =	sld [smem:$0x3FA2]  }
0x29: {  	s4 =	sld [smem:$0x3FA4]  }
0x2a: {  	p0 =	seq.s32 s5, $0x0;
	s5 =	sld [smem:$0x3FA5]  }
0x2b: {  	s6 =	sld [smem:$0x3FA6]  }
0x2c: {  	s7 =	sld [smem:$0x3FA7]  }
0x2d: {  	s3 =	simm.s32 $0x108;
	s8 =	sld [smem:$0x3FA8]  }
0x2e: {  	s3 =	simm.s32 @!p0 $0x1082;
	s9 =	sld [smem:$0x3FA9]  }
0x2f: {  	lr =	sadd.s32 s0, s3;
	s0 =	sld [smem:$0x3FA0]  }
0x30: {  	s3 =	sld [smem:$0x3FA3]  }
0x31: {  	[smem:$0x3FAC] =	sst s10  }
0x32: {  	s10 =	sld [smem:$0x3FAA];
	_ =	sdelay $0x3  }
0x33: {  	p0 =	seq.s32 s10, $0x1;
	s10 =	sld [smem:$0x3FAC];
	_ =	sdelay $0x3  }
0x34: {  	[smem:$0x3FAC] =	sst s10  }
0x35: {  	s10 =	sld [smem:$0x3FAB];
	_ =	sdelay $0x3  }
0x36: {  	p1 =	seq.s32 s10, $0x1;
	s10 =	sld [smem:$0x3FAC];
	_ =	sdelay $0x3  }
0x37: {  	[smem:$0x3FAC] =	sst s10  }
0x38: {  	s10 =	sld [smem:$0x3FAD]  }
0x39: {  	_ = 	snop;
	(pc) =	sbr.ind lr, $3  }
0x3a: {  	_ = 	snop  }
0x3b: {  	_ = 	snop  }
0x3c: {  	p2 =	seq.s32 s10, $0x1;
	s10 =	sld [smem:$0x3FAC]  }
0x3d: {  	_ =	shalt  }
0x3e: {  	_ =	shalt  }
0x3f: {  	_ =	shalt  }
0x40: {  	_ =	shalt  }
0x41: {  	_ =	shalt  }
0x42: {  	_ =	shalt  }
0x43: {  	_ =	shalt  }
0x44: {  	_ =	shalt  }
0x45: {  	_ =	shalt  }
0x46: {  	_ =	shalt  }
0x47: {  	_ =	shalt  }
0x48: {  	_ =	shalt  }
0x49: {  	_ =	shalt  }
0x4a: {  	_ =	shalt  }
0x4b: {  	_ =	shalt  }
0x4c: {  	_ =	shalt  }
0x4d: {  	_ =	shalt  }
0x4e: {  	_ =	shalt  }
0x4f: {  	_ =	shalt  }
0x50: {  	_ =	shalt  }
0x51: {  	_ =	shalt  }
0x52: {  	_ =	shalt  }
0x53: {  	_ =	shalt  }
0x54: {  	_ =	shalt  }
0x55: {  	_ =	shalt  }
0x56: {  	_ =	shalt  }
0x57: {  	_ =	shalt  }
0x58: {  	_ =	shalt  }
0x59: {  	_ =	shalt  }
0x5a: {  	_ =	shalt  }
0x5b: {  	_ =	shalt  }
0x5c: {  	_ =	shalt  }
0x5d: {  	_ =	shalt  }
0x5e: {  	_ =	shalt  }
0x5f: {  	_ =	shalt  }
0x60: {  	_ =	shalt  }
0x61: {  	_ =	shalt  }
0x62: {  	_ =	shalt  }
0x63: {  	_ =	shalt  }
0x64: {  	_ =	shalt  }
0x65: {  	_ =	shalt  }
0x66: {  	_ =	shalt  }
0x67: {  	_ =	shalt  }
0x68: {  	_ =	shalt  }
0x69: {  	_ =	shalt  }
0x6a: {  	_ =	shalt  }
0x6b: {  	_ =	shalt  }
0x6c: {  	_ =	shalt  }
0x6d: {  	_ =	shalt  }
0x6e: {  	_ =	shalt  }
0x6f: {  	_ =	shalt  }
0x70: {  	_ =	shalt  }
0x71: {  	_ =	shalt  }
0x72: {  	_ =	shalt  }
0x73: {  	_ =	shalt  }
0x74: {  	_ =	shalt  }
0x75: {  	_ =	shalt  }
0x76: {  	_ =	shalt  }
0x77: {  	_ =	shalt  }
0x78: {  	_ =	shalt  }
0x79: {  	_ =	shalt  }
0x7a: {  	_ =	shalt  }
0x7b: {  	_ =	shalt  }
0x7c: {  	_ =	shalt  }
0x7d: {  	_ =	shalt  }
0x7e: {  	_ =	shalt  }
0x7f: {  	_ =	shalt  }
0x80: {  	_ =	shalt  }
0x81: {  	_ =	shalt  }
0x82: {  	_ =	shalt  }
0x83: {  	_ =	shalt  }
0x84: {  	_ =	shalt  }
0x85: {  	_ =	shalt  }
0x86: {  	_ =	shalt  }
0x87: {  	_ =	shalt  }
.Lfunc_end0:
.L_simem_size_0:
called_computation.2_lowered:
.L_overlay_start_0:
0x88: {  	s2 =	sld [smem:$0x3FD9]  }
0x89: {  	s3 =	sld [smem:$0x3FFE];
	_ =	sdelay $0x1  }
0x8a: {  	s1 =	srdreg.scid  }
0x8b: {  	s0 =	sand.u32 $0x1, s1  }
0x8c: {  	s16 =	sshll.u32 s0, $0xA;
	s2 =	sadd.s32 s3, s2  }
0x8d: {  	s2 =	sadd.s32 s2, s16  }
0x8e: {  	[smem:$0x3FB8] =	sst s2  }
0x8f: {  	_ = 	snop  }
0x90: {  	(tm) =	ssettm $0x1  }
0x91: {  	s17 =	sld [smem:$0x3FFB];
	_ =	sdelay $0x3  }
0x92: {  	_ =	strace s17  }
0x93: {  	s2 =	sld [smem:$0x3FFC];
	_ =	sdelay $0x3  }
0x94: {  	_ =	strace s2  }
0x95: {  	s2 =	sld [smem:$0x3FFD];
	_ =	sdelay $0x3  }
0x96: {  	_ =	strace s2  }
0x97: {  	_ =	strace $0x8FFFFFFF  }
0x98: {  	s18 =	sld [smem:$0x3FDB];
	_ =	sdelay $0x1  }
0x99: {  	s19 =	simm.s32 $_scs_section_size  }
0x9a: {  	s4 =	simm.s32 $_size__tile_overlayer_lowered;
	s5 =	simm.s32 $_tile_overlayer_lowered  }
0x9b: {  	s22 =	simm.s32 $0x1BFF;
	s21 =	sshll.u32 s5, $0x1;
	s2 =	sadd.s32 s19, s18  }
0x9c: {  	s6 =	simm.s32 $0x0;
	s20 =	sshll.u32 s4, $0x1;
	s4 =	sadd.s32 s21, s2  }
0x9d: {  	[timem:s6], [sflag:s22] =	dma.local [hbm:s4], s20  }
0x9e: {  	_ =	swait.ge [sflag:s22], s20  }
0x9f: {  	s3 =	ssub.s32 $0x0, s20;
	[sflag:s22] =	ssyncset.done $0x0  }
0xa0: {  	[sflag:s22] =	ssyncadd.s32 s3;
	_ =	sdelay $0x1  }
0xa1: {  	s23 =	simm.s32 $0x1B8B  }
0xa2: {  	_ =	swait.ge [sflag:s23], $0x1  }
0xa3: {  	[sflag:s23] =	ssyncset.done $0x0  }
0xa4: {  	s25 =	simm.s32 $0x1B8E;
	s24 =	sld [smem:$0x3FFE];
	[sflag:s23] =	ssyncadd.s32 $0xFFFFFFFF  }
0xa5: {  	s26 =	simm.s32 $execute0_lowered;
	[smem:$0x3FD2] =	sst s25  }
0xa6: {  	s4 =	sshll.u32 s26, $0x1;
	_ =	strace $0x8000004C;
	[dreg:$0x1] =	wrdreg $0xFFFFFFFF  }
0xa7: {  	s28 =	simm.s32 $_size_execute0_lowered;
	s2 =	sadd.s32 s2, s4;
	[dreg:$0x0] =	wrdreg $0x0  }
0xa8: {  	s4 =	sshll.u32 s28, $0x1;
	[dreg:$0x2] =	wrdreg s2  }
0xa9: {  	[dreg:$0x3] =	wrdreg s4  }
0xaa: {  	[dreg:$0x4] =	wrdreg $0xC0  }
0xab: {  	_ =	task [dreg:s6], $0x5FFFF  }
0xac: {  	[dreg:$0x1] =	wrdreg $0xFFFFFFFF  }
0xad: {  	[dreg:$0x0] =	wrdreg $0x60  }
0xae: {  	[dreg:$0x2] =	wrdreg s24  }
0xaf: {  	[dreg:$0x3] =	wrdreg $0x9  }
0xb0: {  	_ =	task.clear_ibuf [dreg:s6], $0x4FFFF;
	_ =	strace $0x9000004C  }
0xb1: {  	s29 =	simm.s32 $0x9;
	_ =	strace $0x8000004E  }
0xb2: {  	_ =	swait.ge [sflag:s29], $0x1  }
0xb3: {  	[sflag:s29] =	ssyncadd.s32 $0xFFFFFFFF  }
0xb4: {  	_ =	strace $0x9000004E  }
0xb5: {  	_ =	sfence  }
0xb6: {  	s30 =	sld [smem:$0x0];
	_ =	sdelay $0x2  }
0xb7: {  	s31 =	sshll.u32 s1, $0xD;
	s1 =	sshrl.u32 s1, $0x2  }
0xb8: {  	s3 =	sand.u32 $0x4000, s31;
	s1 =	sadd.s32 s1, s30  }
0xb9: {  	s0 =	sor.u32 s3, s0;
	s1 =	sshll.u32 s1, $0x11  }
0xba: {  	s0 =	sor.u32 s1, s0  }
0xbb: {  	s0 =	sadd.s32 $0x8F2B, s0  }
0xbc: {  	[sflag:s0] =	ssyncadd.remote.s32 $0x1  }
0xbd: {  	_ =	sfence.sel $0xFFFF  }
0xbe: {  	[dreg:$0x0] =	wrdreg $0xFFFFFFFF;
	(pc) =	sbr.abs _section_cstart, $3  }
0xbf: {  	[dreg:$0x1] =	wrdreg $0xFFFFFFFF  }
0xc0: {  	_ =	task.clear_ibuf [dreg:s6], $0x2FFFF;
	_ =	strace $0x9FFFFFFF  }
0xc1: {  	(tm) =	ssettm $0x7FFFFFFF  }
tec
execute0_lowered:
.L_overlay_start_1:
0x0: {  	(tag) =	ssettag $0x1  }
0x1: {  	s0 =	srdreg.scid  }
0x2: {  	s2 =	stileid.u32;
	s1 =	rddreg [dreg:$0x0];
	s26 =	simm.s32 $0x4000  }
0x3: {  	s11 =	simm.s32 $0x200;
	s7 =	simm.s32 $0x50;
	s30 =	simm.s32 $0x80  }
0x4: {  	s8 =	simm.s32 $0x3200;
	s31 =	simm.s32 $0x100;
	s9 =	simm.s32 $0x5A00  }
0x5: {  	s13 =	simm.s32 $0x180;
	s10 =	simm.s32 $0x8200;
	s22 =	simm.s32 $0x1  }
0x6: {  	s14 =	simm.s32 $0x300;
	s15 =	simm.s32 $0x380;
	s16 =	simm.s32 $0x400  }
0x7: {  	s17 =	simm.s32 $0x480;
	s18 =	simm.s32 $0x500;
	s19 =	simm.s32 $0x580  }
0x8: {  	s20 =	simm.s32 $0x600;
	s21 =	simm.s32 $0x680;
	s23 =	simm.s32 $0x700  }
0x9: {  	p0 =	por $0x0, $0x0;
	s0 =	sand.u32 $0x1, s0;
	s3 =	sshll.u32 s2, $0x1  }
0xa: {  	s28 =	simm.s32 $0x900;
	s3 =	sor.u32 s0, s3;
	s0 =	ssub.s32 $0x2, s0  }
0xb: {  	s29 =	simm.s32 $0x980;
	s5 =	simm.s32 $0x2;
	s25 =	sshrl.u32 s0, $0x1  }
0xc: {  	s2 =	simm.s32 $0x0;
	s6 =	sadd.s32 $0x4000, s1;
	s0 =	ssub.s32 s0, s25  }
0xd: {  	[smem:$0x7FF] =	sst s2;
	s4 =	sshll.u32 s3, $0x6;
	s0 =	smax.u32 s0, $0x1  }
0xe: {  	s3 =	smul.u32 $0x1400, s3;
	_ =	strace $0x8000004D;
	p1 =	sne.s32 s0, $0x1  }
.Ltmp0:
0xf: {  	[dreg:$0x4] =	wrdreg s26;
	s4 =	sadd.s32 s4, s1;
	(pc) =	sbr.rel @!p1 .LBB2_1-.Ltmp0, $4  }
0x10: {  	s26 =	simm.s32 $0x880;
	s1 =	sadd.s32 s3, s1;
	s24 =	sadd.s32 $0x2D000, s4  }
0x11: {  	s25 =	simm.s32 $0x800;
	[dreg:$0x2] =	wrdreg s24;
	s1 =	sadd.s32 $0x2F800, s1  }
0x12: {  	s3 =	simm.s32 $0x3;
	s4 =	simm.s32 $0xA00;
	[dreg:$0x3] =	wrdreg s1  }
0x13: {  	s12 =	sadd.s32 $0xFFFFFFFF, s0;
	s24 =	simm.s32 $0x780;
	s0 =	rddreg [dreg:$0x2]  }
0x14: {  	s1 =	rddreg [dreg:$0x4]  }
0x15: {  	[tilespmem:s2], [sflag:$0x3] =	stream.strided.gather [hbm4b:s0+s11], $0xA00, s1, s11, $0x38;
	[tilespmem:$0xAA00] =	vst v63  }
0x16: {  	_ =	swait.ge [sflag:s3], $0xA00  }
0x17: {  	[sflag:s3] =	ssyncset.done $0x0  }
0x18: {  	[sflag:s3] =	ssyncadd.s32 $0xFFFFF600  }
0x19: {  	[tilespmem:s4], [sflag:$0x1] =	stream.indirect.gather [hbm4b:s6+s7], $0x80, s2, s7, $0xb8;
	[tilespmem:$0xAA00] =	vst v63  }
0x1a: {  	_ = 	snop  }
0x1b: {  	[tilespmem:s8], [sflag:$0x1] =	stream.indirect.gather [hbm4b:s6+s7], $0x80, s30, s7, $0xb8;
	[tilespmem:$0xAA00] =	vst v63  }
0x1c: {  	_ = 	snop  }
0x1d: {  	[tilespmem:s9], [sflag:$0x1] =	stream.indirect.gather [hbm4b:s6+s7], $0x80, s31, s7, $0xb8;
	[tilespmem:$0xAA00] =	vst v63  }
0x1e: {  	_ = 	snop  }
0x1f: {  	[tilespmem:s10], [sflag:$0x1] =	stream.indirect.gather [hbm4b:s6+s7], $0x80, s13, s7, $0xb8;
	[tilespmem:$0xAA00] =	vst v63  }
0x20: {  	_ =	swait.ge [sflag:s22], $0x2800  }
0x21: {  	[sflag:s22] =	ssyncset.done $0x0  }
0x22: {  	[sflag:s22] =	ssyncadd.s32 $0xFFFFD800  }
0x23: {  	_ =	swait.ge [sflag:s22], $0x2800  }
0x24: {  	[sflag:s22] =	ssyncset.done $0x0  }
0x25: {  	[sflag:s22] =	ssyncadd.s32 $0xFFFFD800  }
0x26: {  	_ =	swait.ge [sflag:s22], $0x2800  }
0x27: {  	[sflag:s22] =	ssyncset.done $0x0  }
0x28: {  	[sflag:s22] =	ssyncadd.s32 $0xFFFFD800  }
0x29: {  	_ =	swait.ge [sflag:s22], $0x2800  }
0x2a: {  	[sflag:s22] =	ssyncset.done $0x0  }
0x2b: {  	[sflag:s22] =	ssyncadd.s32 $0xFFFFD800  }
0x2c: {  	[tilespmem:s4], [sflag:$0x2] =	stream.indirect.gather.add.f32 [hbm:s6], $0x80, s11, s7, $0xb8;
	[tilespmem:$0xAA00] =	vst v63  }
0x2d: {  	s1 =	simm.s32 $0x280  }
0x2e: {  	[tilespmem:s8], [sflag:$0x2] =	stream.indirect.gather.add.f32 [hbm:s6], $0x80, s1, s7, $0xb8;
	[tilespmem:$0xAA00] =	vst v63  }
0x2f: {  	_ = 	snop  }
0x30: {  	[tilespmem:s9], [sflag:$0x2] =	stream.indirect.gather.add.f32 [hbm:s6], $0x80, s14, s7, $0xb8;
	[tilespmem:$0xAA00] =	vst v63  }
0x31: {  	_ = 	snop  }
0x32: {  	[tilespmem:s10], [sflag:$0x2] =	stream.indirect.gather.add.f32 [hbm:s6], $0x80, s15, s7, $0xb8;
	[tilespmem:$0xAA00] =	vst v63  }
0x33: {  	_ = 	snop  }
0x34: {  	[tilespmem:s4], [sflag:$0x2] =	stream.indirect.gather.add.f32 [hbm:s6], $0x80, s16, s7, $0xb8;
	[tilespmem:$0xAA00] =	vst v63  }
0x35: {  	_ = 	snop  }
0x36: {  	[tilespmem:s8], [sflag:$0x2] =	stream.indirect.gather.add.f32 [hbm:s6], $0x80, s17, s7, $0xb8;
	[tilespmem:$0xAA00] =	vst v63  }
0x37: {  	_ = 	snop  }
0x38: {  	[tilespmem:s9], [sflag:$0x2] =	stream.indirect.gather.add.f32 [hbm:s6], $0x80, s18, s7, $0xb8;
	[tilespmem:$0xAA00] =	vst v63  }
0x39: {  	_ = 	snop  }
0x3a: {  	[tilespmem:s10], [sflag:$0x2] =	stream.indirect.gather.add.f32 [hbm:s6], $0x80, s19, s7, $0xb8;
	[tilespmem:$0xAA00] =	vst v63  }
0x3b: {  	_ = 	snop  }
0x3c: {  	[tilespmem:s4], [sflag:$0x2] =	stream.indirect.gather.add.f32 [hbm:s6], $0x80, s20, s7, $0xb8;
	[tilespmem:$0xAA00] =	vst v63  }
0x3d: {  	_ = 	snop  }
0x3e: {  	[tilespmem:s8], [sflag:$0x2] =	stream.indirect.gather.add.f32 [hbm:s6], $0x80, s21, s7, $0xb8;
	[tilespmem:$0xAA00] =	vst v63  }
0x3f: {  	_ = 	snop  }
0x40: {  	[tilespmem:s9], [sflag:$0x2] =	stream.indirect.gather.add.f32 [hbm:s6], $0x80, s23, s7, $0xb8;
	[tilespmem:$0xAA00] =	vst v63  }
0x41: {  	_ = 	snop  }
0x42: {  	[tilespmem:s10], [sflag:$0x2] =	stream.indirect.gather.add.f32 [hbm:s6], $0x80, s24, s7, $0xb8;
	[tilespmem:$0xAA00] =	vst v63  }
0x43: {  	_ = 	snop  }
0x44: {  	[tilespmem:s4], [sflag:$0x2] =	stream.indirect.gather.add.f32 [hbm:s6], $0x80, s25, s7, $0xb8;
	[tilespmem:$0xAA00] =	vst v63  }
0x45: {  	_ = 	snop  }
0x46: {  	[tilespmem:s8], [sflag:$0x2] =	stream.indirect.gather.add.f32 [hbm:s6], $0x80, s26, s7, $0xb8;
	[tilespmem:$0xAA00] =	vst v63  }
0x47: {  	_ = 	snop  }
0x48: {  	[tilespmem:s9], [sflag:$0x2] =	stream.indirect.gather.add.f32 [hbm:s6], $0x80, s28, s7, $0xb8;
	[tilespmem:$0xAA00] =	vst v63  }
0x49: {  	_ = 	snop  }
0x4a: {  	[tilespmem:s10], [sflag:$0x2] =	stream.indirect.gather.add.f32 [hbm:s6], $0x80, s29, s7, $0xb8;
	[tilespmem:$0xAA00] =	vst v63  }
0x4b: {  	_ =	swait.ge [sflag:s5], $0x2800  }
0x4c: {  	[sflag:s5] =	ssyncset.done $0x0  }
0x4d: {  	[sflag:s5] =	ssyncadd.s32 $0xFFFFD800  }
0x4e: {  	_ =	swait.ge [sflag:s5], $0x2800  }
0x4f: {  	[sflag:s5] =	ssyncset.done $0x0  }
0x50: {  	[sflag:s5] =	ssyncadd.s32 $0xFFFFD800  }
0x51: {  	_ =	swait.ge [sflag:s5], $0x2800  }
0x52: {  	[sflag:s5] =	ssyncset.done $0x0  }
0x53: {  	[sflag:s5] =	ssyncadd.s32 $0xFFFFD800  }
0x54: {  	_ =	swait.ge [sflag:s5], $0x2800  }
0x55: {  	[sflag:s5] =	ssyncset.done $0x0  }
0x56: {  	[sflag:s5] =	ssyncadd.s32 $0xFFFFD800  }
0x57: {  	_ =	swait.ge [sflag:s5], $0x2800  }
0x58: {  	[sflag:s5] =	ssyncset.done $0x0  }
0x59: {  	[sflag:s5] =	ssyncadd.s32 $0xFFFFD800  }
0x5a: {  	_ =	swait.ge [sflag:s5], $0x2800  }
0x5b: {  	[sflag:s5] =	ssyncset.done $0x0  }
0x5c: {  	[sflag:s5] =	ssyncadd.s32 $0xFFFFD800  }
0x5d: {  	_ =	swait.ge [sflag:s5], $0x2800  }
0x5e: {  	[sflag:s5] =	ssyncset.done $0x0  }
0x5f: {  	[sflag:s5] =	ssyncadd.s32 $0xFFFFD800  }
0x60: {  	_ =	swait.ge [sflag:s5], $0x2800  }
0x61: {  	[sflag:s5] =	ssyncset.done $0x0  }
0x62: {  	[sflag:s5] =	ssyncadd.s32 $0xFFFFD800  }
0x63: {  	_ =	swait.ge [sflag:s5], $0x2800  }
0x64: {  	[sflag:s5] =	ssyncset.done $0x0  }
0x65: {  	[sflag:s5] =	ssyncadd.s32 $0xFFFFD800  }
0x66: {  	_ =	swait.ge [sflag:s5], $0x2800  }
0x67: {  	[sflag:s5] =	ssyncset.done $0x0  }
0x68: {  	[sflag:s5] =	ssyncadd.s32 $0xFFFFD800  }
0x69: {  	_ =	swait.ge [sflag:s5], $0x2800  }
0x6a: {  	[sflag:s5] =	ssyncset.done $0x0  }
0x6b: {  	[sflag:s5] =	ssyncadd.s32 $0xFFFFD800  }
0x6c: {  	_ =	swait.ge [sflag:s5], $0x2800  }
0x6d: {  	[sflag:s5] =	ssyncset.done $0x0  }
0x6e: {  	[sflag:s5] =	ssyncadd.s32 $0xFFFFD800  }
0x6f: {  	_ =	swait.ge [sflag:s5], $0x2800  }
0x70: {  	[sflag:s5] =	ssyncset.done $0x0  }
0x71: {  	[sflag:s5] =	ssyncadd.s32 $0xFFFFD800  }
0x72: {  	_ =	swait.ge [sflag:s5], $0x2800  }
0x73: {  	[sflag:s5] =	ssyncset.done $0x0  }
0x74: {  	[sflag:s5] =	ssyncadd.s32 $0xFFFFD800  }
0x75: {  	_ =	swait.ge [sflag:s5], $0x2800  }
0x76: {  	[sflag:s5] =	ssyncset.done $0x0  }
0x77: {  	[sflag:s5] =	ssyncadd.s32 $0xFFFFD800  }
0x78: {  	p1 =	sne.s32 s12, $0x1;
	_ =	swait.ge [sflag:s5], $0x2800  }
.Ltmp1:
0x79: {  	[sflag:s5] =	ssyncset.done $0x0;
	(pc) =	sbr.rel @!p1 .LBB2_3-.Ltmp1, $4  }
0x7a: {  	s1 =	rddreg [dreg:$0x3];
	[sflag:s5] =	ssyncadd.s32 $0xFFFFD800  }
0x7b: {  	[hbm4b:s1+s2] =	stream.linear.scatter [tilespmem:s4], [sflag:$0x3], $0xA000, $0x38;
	[tilespmem:$0xAA00] =	vst v63  }
0x7c: {  	p0 =	por $0x1, $0x1;
	_ =	swait.ge [sflag:s3], $0xA000  }
0x7d: {  	s1 =	sadd.s32 $0xFFFFFFFF, s12;
	s0 =	rddreg [dreg:$0x2];
	[sflag:s3] =	ssyncset.done $0x0  }
.LBB2_4:
0x7e: {  	s12 =	rddreg [dreg:$0x4];
	[sflag:s3] =	ssyncadd.s32 $0xFFFF6000  }
0x7f: {  	[tilespmem:s2], [sflag:$0x3] =	stream.strided.gather [hbm4b:s0+s11], $0xA00, s12, s11, $0x38;
	[tilespmem:$0xAA00] =	vst v63  }
0x80: {  	_ =	swait.ge [sflag:s3], $0xA00  }
0x81: {  	[sflag:s3] =	ssyncset.done $0x0  }
0x82: {  	[sflag:s3] =	ssyncadd.s32 $0xFFFFF600  }
0x83: {  	[tilespmem:s4], [sflag:$0x1] =	stream.indirect.gather [hbm4b:s6+s7], $0x80, s2, s7, $0xb8;
	[tilespmem:$0xAA00] =	vst v63  }
0x84: {  	_ = 	snop  }
0x85: {  	[tilespmem:s8], [sflag:$0x1] =	stream.indirect.gather [hbm4b:s6+s7], $0x80, s30, s7, $0xb8;
	[tilespmem:$0xAA00] =	vst v63  }
0x86: {  	_ = 	snop  }
0x87: {  	[tilespmem:s9], [sflag:$0x1] =	stream.indirect.gather [hbm4b:s6+s7], $0x80, s31, s7, $0xb8;
	[tilespmem:$0xAA00] =	vst v63  }
0x88: {  	_ = 	snop  }
0x89: {  	[tilespmem:s10], [sflag:$0x1] =	stream.indirect.gather [hbm4b:s6+s7], $0x80, s13, s7, $0xb8;
	[tilespmem:$0xAA00] =	vst v63  }
0x8a: {  	_ =	swait.ge [sflag:s22], $0x2800  }
0x8b: {  	[sflag:s22] =	ssyncset.done $0x0  }
0x8c: {  	[sflag:s22] =	ssyncadd.s32 $0xFFFFD800  }
0x8d: {  	_ =	swait.ge [sflag:s22], $0x2800  }
0x8e: {  	[sflag:s22] =	ssyncset.done $0x0  }
0x8f: {  	[sflag:s22] =	ssyncadd.s32 $0xFFFFD800  }
0x90: {  	_ =	swait.ge [sflag:s22], $0x2800  }
0x91: {  	[sflag:s22] =	ssyncset.done $0x0  }
0x92: {  	[sflag:s22] =	ssyncadd.s32 $0xFFFFD800  }
0x93: {  	_ =	swait.ge [sflag:s22], $0x2800  }
0x94: {  	[sflag:s22] =	ssyncset.done $0x0  }
0x95: {  	[sflag:s22] =	ssyncadd.s32 $0xFFFFD800  }
0x96: {  	[tilespmem:s4], [sflag:$0x2] =	stream.indirect.gather.add.f32 [hbm:s6], $0x80, s11, s7, $0xb8;
	[tilespmem:$0xAA00] =	vst v63  }
0x97: {  	s12 =	simm.s32 $0x280  }
0x98: {  	[tilespmem:s8], [sflag:$0x2] =	stream.indirect.gather.add.f32 [hbm:s6], $0x80, s12, s7, $0xb8;
	[tilespmem:$0xAA00] =	vst v63  }
0x99: {  	_ = 	snop  }
0x9a: {  	[tilespmem:s9], [sflag:$0x2] =	stream.indirect.gather.add.f32 [hbm:s6], $0x80, s14, s7, $0xb8;
	[tilespmem:$0xAA00] =	vst v63  }
0x9b: {  	_ = 	snop  }
0x9c: {  	[tilespmem:s10], [sflag:$0x2] =	stream.indirect.gather.add.f32 [hbm:s6], $0x80, s15, s7, $0xb8;
	[tilespmem:$0xAA00] =	vst v63  }
0x9d: {  	_ = 	snop  }
0x9e: {  	[tilespmem:s4], [sflag:$0x2] =	stream.indirect.gather.add.f32 [hbm:s6], $0x80, s16, s7, $0xb8;
	[tilespmem:$0xAA00] =	vst v63  }
0x9f: {  	_ = 	snop  }
0xa0: {  	[tilespmem:s8], [sflag:$0x2] =	stream.indirect.gather.add.f32 [hbm:s6], $0x80, s17, s7, $0xb8;
	[tilespmem:$0xAA00] =	vst v63  }
0xa1: {  	_ = 	snop  }
0xa2: {  	[tilespmem:s9], [sflag:$0x2] =	stream.indirect.gather.add.f32 [hbm:s6], $0x80, s18, s7, $0xb8;
	[tilespmem:$0xAA00] =	vst v63  }
0xa3: {  	_ = 	snop  }
0xa4: {  	[tilespmem:s10], [sflag:$0x2] =	stream.indirect.gather.add.f32 [hbm:s6], $0x80, s19, s7, $0xb8;
	[tilespmem:$0xAA00] =	vst v63  }
0xa5: {  	_ = 	snop  }
0xa6: {  	[tilespmem:s4], [sflag:$0x2] =	stream.indirect.gather.add.f32 [hbm:s6], $0x80, s20, s7, $0xb8;
	[tilespmem:$0xAA00] =	vst v63  }
0xa7: {  	_ = 	snop  }
0xa8: {  	[tilespmem:s8], [sflag:$0x2] =	stream.indirect.gather.add.f32 [hbm:s6], $0x80, s21, s7, $0xb8;
	[tilespmem:$0xAA00] =	vst v63  }
0xa9: {  	_ = 	snop  }
0xaa: {  	[tilespmem:s9], [sflag:$0x2] =	stream.indirect.gather.add.f32 [hbm:s6], $0x80, s23, s7, $0xb8;
	[tilespmem:$0xAA00] =	vst v63  }
0xab: {  	_ = 	snop  }
0xac: {  	[tilespmem:s10], [sflag:$0x2] =	stream.indirect.gather.add.f32 [hbm:s6], $0x80, s24, s7, $0xb8;
	[tilespmem:$0xAA00] =	vst v63  }
0xad: {  	_ = 	snop  }
0xae: {  	[tilespmem:s4], [sflag:$0x2] =	stream.indirect.gather.add.f32 [hbm:s6], $0x80, s25, s7, $0xb8;
	[tilespmem:$0xAA00] =	vst v63  }
0xaf: {  	_ = 	snop  }
0xb0: {  	[tilespmem:s8], [sflag:$0x2] =	stream.indirect.gather.add.f32 [hbm:s6], $0x80, s26, s7, $0xb8;
	[tilespmem:$0xAA00] =	vst v63  }
0xb1: {  	_ = 	snop  }
0xb2: {  	[tilespmem:s9], [sflag:$0x2] =	stream.indirect.gather.add.f32 [hbm:s6], $0x80, s28, s7, $0xb8;
	[tilespmem:$0xAA00] =	vst v63  }
0xb3: {  	_ = 	snop  }
0xb4: {  	[tilespmem:s10], [sflag:$0x2] =	stream.indirect.gather.add.f32 [hbm:s6], $0x80, s29, s7, $0xb8;
	[tilespmem:$0xAA00] =	vst v63  }
0xb5: {  	_ =	swait.ge [sflag:s5], $0x2800  }
0xb6: {  	[sflag:s5] =	ssyncset.done $0x0  }
0xb7: {  	[sflag:s5] =	ssyncadd.s32 $0xFFFFD800  }
0xb8: {  	_ =	swait.ge [sflag:s5], $0x2800  }
0xb9: {  	[sflag:s5] =	ssyncset.done $0x0  }
0xba: {  	[sflag:s5] =	ssyncadd.s32 $0xFFFFD800  }
0xbb: {  	_ =	swait.ge [sflag:s5], $0x2800  }
0xbc: {  	[sflag:s5] =	ssyncset.done $0x0  }
0xbd: {  	[sflag:s5] =	ssyncadd.s32 $0xFFFFD800  }
0xbe: {  	_ =	swait.ge [sflag:s5], $0x2800  }
0xbf: {  	[sflag:s5] =	ssyncset.done $0x0  }
0xc0: {  	[sflag:s5] =	ssyncadd.s32 $0xFFFFD800  }
0xc1: {  	_ =	swait.ge [sflag:s5], $0x2800  }
0xc2: {  	[sflag:s5] =	ssyncset.done $0x0  }
0xc3: {  	[sflag:s5] =	ssyncadd.s32 $0xFFFFD800  }
0xc4: {  	_ =	swait.ge [sflag:s5], $0x2800  }
0xc5: {  	[sflag:s5] =	ssyncset.done $0x0  }
0xc6: {  	[sflag:s5] =	ssyncadd.s32 $0xFFFFD800  }
0xc7: {  	_ =	swait.ge [sflag:s5], $0x2800  }
0xc8: {  	[sflag:s5] =	ssyncset.done $0x0  }
0xc9: {  	[sflag:s5] =	ssyncadd.s32 $0xFFFFD800  }
0xca: {  	_ =	swait.ge [sflag:s5], $0x2800  }
0xcb: {  	[sflag:s5] =	ssyncset.done $0x0  }
0xcc: {  	[sflag:s5] =	ssyncadd.s32 $0xFFFFD800  }
0xcd: {  	_ =	swait.ge [sflag:s5], $0x2800  }
0xce: {  	[sflag:s5] =	ssyncset.done $0x0  }
0xcf: {  	[sflag:s5] =	ssyncadd.s32 $0xFFFFD800  }
0xd0: {  	_ =	swait.ge [sflag:s5], $0x2800  }
0xd1: {  	[sflag:s5] =	ssyncset.done $0x0  }
0xd2: {  	[sflag:s5] =	ssyncadd.s32 $0xFFFFD800  }
0xd3: {  	_ =	swait.ge [sflag:s5], $0x2800  }
0xd4: {  	[sflag:s5] =	ssyncset.done $0x0  }
0xd5: {  	[sflag:s5] =	ssyncadd.s32 $0xFFFFD800  }
0xd6: {  	_ =	swait.ge [sflag:s5], $0x2800  }
0xd7: {  	[sflag:s5] =	ssyncset.done $0x0  }
0xd8: {  	[sflag:s5] =	ssyncadd.s32 $0xFFFFD800  }
0xd9: {  	_ =	swait.ge [sflag:s5], $0x2800  }
0xda: {  	[sflag:s5] =	ssyncset.done $0x0  }
0xdb: {  	[sflag:s5] =	ssyncadd.s32 $0xFFFFD800  }
0xdc: {  	_ =	swait.ge [sflag:s5], $0x2800  }
0xdd: {  	[sflag:s5] =	ssyncset.done $0x0  }
0xde: {  	[sflag:s5] =	ssyncadd.s32 $0xFFFFD800  }
0xdf: {  	_ =	swait.ge [sflag:s5], $0x2800  }
0xe0: {  	[sflag:s5] =	ssyncset.done $0x0  }
0xe1: {  	[sflag:s5] =	ssyncadd.s32 $0xFFFFD800  }
0xe2: {  	p1 =	sne.s32 s1, $0x1;
	_ =	swait.ge [sflag:s5], $0x2800  }
.Ltmp2:
0xe3: {  	[sflag:s5] =	ssyncset.done $0x0;
	(pc) =	sbr.rel @p1 .LBB2_4-.Ltmp2, $4  }
0xe4: {  	s12 =	rddreg [dreg:$0x3];
	[sflag:s5] =	ssyncadd.s32 $0xFFFFD800  }
0xe5: {  	[hbm4b:s12+s2] =	stream.linear.scatter [tilespmem:s4], [sflag:$0x3], $0xA000, $0x38;
	[tilespmem:$0xAA00] =	vst v63  }
0xe6: {  	_ =	swait.ge [sflag:s3], $0xA000  }
0xe7: {  	s1 =	sadd.s32 $0xFFFFFFFF, s1;
	s0 =	rddreg [dreg:$0x2];
	[sflag:s3] =	ssyncset.done $0x0  }
0xe8: {  	s12 =	simm.s32 $0x180;
	s31 =	simm.s32 $0x100;
	s30 =	simm.s32 $0x80  }
0xe9: {  	s29 =	simm.s32 $0x980;
	s28 =	simm.s32 $0x900;
	s26 =	simm.s32 $0x880  }
0xea: {  	s25 =	simm.s32 $0x800;
	s24 =	simm.s32 $0x780;
	s23 =	simm.s32 $0x700  }
0xeb: {  	s21 =	simm.s32 $0x680;
	s20 =	simm.s32 $0x600;
	s19 =	simm.s32 $0x580  }
0xec: {  	s18 =	simm.s32 $0x500;
	s17 =	simm.s32 $0x480;
	s16 =	simm.s32 $0x400  }
0xed: {  	s15 =	simm.s32 $0x380;
	s14 =	simm.s32 $0x300;
	s13 =	simm.s32 $0x280  }
.LBB2_6:
0xee: {  	s1 =	rddreg [dreg:$0x4];
	[sflag:s3] =	ssyncadd.s32 @p0 $0xFFFF6000  }
0xef: {  	[tilespmem:s2], [sflag:$0x3] =	stream.strided.gather [hbm4b:s0+s11], $0xA00, s1, s11, $0x38;
	[tilespmem:$0xAA00] =	vst v63  }
0xf0: {  	_ =	swait.ge [sflag:s3], $0xA00  }
0xf1: {  	[sflag:s3] =	ssyncset.done $0x0  }
0xf2: {  	[sflag:s3] =	ssyncadd.s32 $0xFFFFF600  }
0xf3: {  	[tilespmem:s4], [sflag:$0x1] =	stream.indirect.gather [hbm4b:s6+s7], $0x80, s2, s7, $0xb8;
	[tilespmem:$0xAA00] =	vst v63  }
0xf4: {  	_ = 	snop  }
0xf5: {  	[tilespmem:s8], [sflag:$0x1] =	stream.indirect.gather [hbm4b:s6+s7], $0x80, s30, s7, $0xb8;
	[tilespmem:$0xAA00] =	vst v63  }
0xf6: {  	_ = 	snop  }
0xf7: {  	[tilespmem:s9], [sflag:$0x1] =	stream.indirect.gather [hbm4b:s6+s7], $0x80, s31, s7, $0xb8;
	[tilespmem:$0xAA00] =	vst v63  }
0xf8: {  	_ = 	snop  }
0xf9: {  	[tilespmem:s10], [sflag:$0x1] =	stream.indirect.gather [hbm4b:s6+s7], $0x80, s12, s7, $0xb8;
	[tilespmem:$0xAA00] =	vst v63  }
0xfa: {  	_ =	swait.ge [sflag:s22], $0x2800  }
0xfb: {  	[sflag:s22] =	ssyncset.done $0x0  }
0xfc: {  	[sflag:s22] =	ssyncadd.s32 $0xFFFFD800  }
0xfd: {  	_ =	swait.ge [sflag:s22], $0x2800  }
0xfe: {  	[sflag:s22] =	ssyncset.done $0x0  }
0xff: {  	[sflag:s22] =	ssyncadd.s32 $0xFFFFD800  }
0x100: {  	_ =	swait.ge [sflag:s22], $0x2800  }
0x101: {  	[sflag:s22] =	ssyncset.done $0x0  }
0x102: {  	[sflag:s22] =	ssyncadd.s32 $0xFFFFD800  }
0x103: {  	_ =	swait.ge [sflag:s22], $0x2800  }
0x104: {  	[sflag:s22] =	ssyncset.done $0x0  }
0x105: {  	[sflag:s22] =	ssyncadd.s32 $0xFFFFD800  }
0x106: {  	[tilespmem:s4], [sflag:$0x2] =	stream.indirect.gather.add.f32 [hbm:s6], $0x80, s11, s7, $0xb8;
	[tilespmem:$0xAA00] =	vst v63  }
0x107: {  	_ = 	snop  }
0x108: {  	[tilespmem:s8], [sflag:$0x2] =	stream.indirect.gather.add.f32 [hbm:s6], $0x80, s13, s7, $0xb8;
	[tilespmem:$0xAA00] =	vst v63  }
0x109: {  	_ = 	snop  }
0x10a: {  	[tilespmem:s9], [sflag:$0x2] =	stream.indirect.gather.add.f32 [hbm:s6], $0x80, s14, s7, $0xb8;
	[tilespmem:$0xAA00] =	vst v63  }
0x10b: {  	_ = 	snop  }
0x10c: {  	[tilespmem:s10], [sflag:$0x2] =	stream.indirect.gather.add.f32 [hbm:s6], $0x80, s15, s7, $0xb8;
	[tilespmem:$0xAA00] =	vst v63  }
0x10d: {  	_ = 	snop  }
0x10e: {  	[tilespmem:s4], [sflag:$0x2] =	stream.indirect.gather.add.f32 [hbm:s6], $0x80, s16, s7, $0xb8;
	[tilespmem:$0xAA00] =	vst v63  }
0x10f: {  	_ = 	snop  }
0x110: {  	[tilespmem:s8], [sflag:$0x2] =	stream.indirect.gather.add.f32 [hbm:s6], $0x80, s17, s7, $0xb8;
	[tilespmem:$0xAA00] =	vst v63  }
0x111: {  	_ = 	snop  }
0x112: {  	[tilespmem:s9], [sflag:$0x2] =	stream.indirect.gather.add.f32 [hbm:s6], $0x80, s18, s7, $0xb8;
	[tilespmem:$0xAA00] =	vst v63  }
0x113: {  	_ = 	snop  }
0x114: {  	[tilespmem:s10], [sflag:$0x2] =	stream.indirect.gather.add.f32 [hbm:s6], $0x80, s19, s7, $0xb8;
	[tilespmem:$0xAA00] =	vst v63  }
0x115: {  	_ = 	snop  }
0x116: {  	[tilespmem:s4], [sflag:$0x2] =	stream.indirect.gather.add.f32 [hbm:s6], $0x80, s20, s7, $0xb8;
	[tilespmem:$0xAA00] =	vst v63  }
0x117: {  	_ = 	snop  }
0x118: {  	[tilespmem:s8], [sflag:$0x2] =	stream.indirect.gather.add.f32 [hbm:s6], $0x80, s21, s7, $0xb8;
	[tilespmem:$0xAA00] =	vst v63  }
0x119: {  	_ = 	snop  }
0x11a: {  	[tilespmem:s9], [sflag:$0x2] =	stream.indirect.gather.add.f32 [hbm:s6], $0x80, s23, s7, $0xb8;
	[tilespmem:$0xAA00] =	vst v63  }
0x11b: {  	_ = 	snop  }
0x11c: {  	[tilespmem:s10], [sflag:$0x2] =	stream.indirect.gather.add.f32 [hbm:s6], $0x80, s24, s7, $0xb8;
	[tilespmem:$0xAA00] =	vst v63  }
0x11d: {  	_ = 	snop  }
0x11e: {  	[tilespmem:s4], [sflag:$0x2] =	stream.indirect.gather.add.f32 [hbm:s6], $0x80, s25, s7, $0xb8;
	[tilespmem:$0xAA00] =	vst v63  }
0x11f: {  	_ = 	snop  }
0x120: {  	[tilespmem:s8], [sflag:$0x2] =	stream.indirect.gather.add.f32 [hbm:s6], $0x80, s26, s7, $0xb8;
	[tilespmem:$0xAA00] =	vst v63  }
0x121: {  	_ = 	snop  }
0x122: {  	[tilespmem:s9], [sflag:$0x2] =	stream.indirect.gather.add.f32 [hbm:s6], $0x80, s28, s7, $0xb8;
	[tilespmem:$0xAA00] =	vst v63  }
0x123: {  	_ = 	snop  }
0x124: {  	[tilespmem:s10], [sflag:$0x2] =	stream.indirect.gather.add.f32 [hbm:s6], $0x80, s29, s7, $0xb8;
	[tilespmem:$0xAA00] =	vst v63  }
0x125: {  	_ =	swait.ge [sflag:s5], $0x2800  }
0x126: {  	[sflag:s5] =	ssyncset.done $0x0  }
0x127: {  	[sflag:s5] =	ssyncadd.s32 $0xFFFFD800  }
0x128: {  	_ =	swait.ge [sflag:s5], $0x2800  }
0x129: {  	[sflag:s5] =	ssyncset.done $0x0  }
0x12a: {  	[sflag:s5] =	ssyncadd.s32 $0xFFFFD800  }
0x12b: {  	_ =	swait.ge [sflag:s5], $0x2800  }
0x12c: {  	[sflag:s5] =	ssyncset.done $0x0  }
0x12d: {  	[sflag:s5] =	ssyncadd.s32 $0xFFFFD800  }
0x12e: {  	_ =	swait.ge [sflag:s5], $0x2800  }
0x12f: {  	[sflag:s5] =	ssyncset.done $0x0  }
0x130: {  	[sflag:s5] =	ssyncadd.s32 $0xFFFFD800  }
0x131: {  	_ =	swait.ge [sflag:s5], $0x2800  }
0x132: {  	[sflag:s5] =	ssyncset.done $0x0  }
0x133: {  	[sflag:s5] =	ssyncadd.s32 $0xFFFFD800  }
0x134: {  	_ =	swait.ge [sflag:s5], $0x2800  }
0x135: {  	[sflag:s5] =	ssyncset.done $0x0  }
0x136: {  	[sflag:s5] =	ssyncadd.s32 $0xFFFFD800  }
0x137: {  	_ =	swait.ge [sflag:s5], $0x2800  }
0x138: {  	[sflag:s5] =	ssyncset.done $0x0  }
0x139: {  	[sflag:s5] =	ssyncadd.s32 $0xFFFFD800  }
0x13a: {  	_ =	swait.ge [sflag:s5], $0x2800  }
0x13b: {  	[sflag:s5] =	ssyncset.done $0x0  }
0x13c: {  	[sflag:s5] =	ssyncadd.s32 $0xFFFFD800  }
0x13d: {  	_ =	swait.ge [sflag:s5], $0x2800  }
0x13e: {  	[sflag:s5] =	ssyncset.done $0x0  }
0x13f: {  	[sflag:s5] =	ssyncadd.s32 $0xFFFFD800  }
0x140: {  	_ =	swait.ge [sflag:s5], $0x2800  }
0x141: {  	[sflag:s5] =	ssyncset.done $0x0  }
0x142: {  	[sflag:s5] =	ssyncadd.s32 $0xFFFFD800  }
0x143: {  	_ =	swait.ge [sflag:s5], $0x2800  }
0x144: {  	[sflag:s5] =	ssyncset.done $0x0  }
0x145: {  	[sflag:s5] =	ssyncadd.s32 $0xFFFFD800  }
0x146: {  	_ =	swait.ge [sflag:s5], $0x2800  }
0x147: {  	[sflag:s5] =	ssyncset.done $0x0  }
0x148: {  	[sflag:s5] =	ssyncadd.s32 $0xFFFFD800  }
0x149: {  	_ =	swait.ge [sflag:s5], $0x2800  }
0x14a: {  	[sflag:s5] =	ssyncset.done $0x0  }
0x14b: {  	[sflag:s5] =	ssyncadd.s32 $0xFFFFD800  }
0x14c: {  	_ =	swait.ge [sflag:s5], $0x2800  }
0x14d: {  	[sflag:s5] =	ssyncset.done $0x0  }
0x14e: {  	[sflag:s5] =	ssyncadd.s32 $0xFFFFD800  }
0x14f: {  	_ =	swait.ge [sflag:s5], $0x2800  }
0x150: {  	[sflag:s5] =	ssyncset.done $0x0  }
0x151: {  	[sflag:s5] =	ssyncadd.s32 $0xFFFFD800  }
0x152: {  	_ =	swait.ge [sflag:s5], $0x2800  }
0x153: {  	[sflag:s5] =	ssyncset.done $0x0  }
0x154: {  	s30 =	rddreg [dreg:$0x3];
	[sflag:s5] =	ssyncadd.s32 $0xFFFFD800  }
0x155: {  	[hbm4b:s30+s2] =	stream.linear.scatter [tilespmem:s4], [sflag:$0x3], $0xA000, $0x38;
	[tilespmem:$0xAA00] =	vst v63  }
0x156: {  	_ =	swait.ge [sflag:s3], $0xA000  }
0x157: {  	[sflag:s3] =	ssyncset.done $0x0  }
0x158: {  	[sflag:s3] =	ssyncadd.s32 $0xFFFF6000  }
0x159: {  	_ =	sfence.sel $0x180000  }
0x15a: {  	[bflag:$0x0] =	sbarrier.arrive $0xFFFF  }
0x15b: {  	_ =	strace $0x9000004D  }
0x15c: {  	s31 =	stileid.u32;
	[bflag:$0x2] =	sbarrier.arrive $0xFFFF  }
0x15d: {  	p0 =	sne.s32 s31, $0x0;
	s0 =	rddreg [dreg:$0x1]  }
0x15e: {  	s0 =	sadd.s32 @!p0 $0x100000, s0  }
0x15f: {  	[sflag:s0] =	ssyncadd.tile.s32 @!p0 $0x1;
	_ =	shalt  }
.LBB2_1:
0x160: {  	s12 =	simm.s32 $0x180  }
0x161: {  	s31 =	simm.s32 $0x100;
	s30 =	simm.s32 $0x80;
	s29 =	simm.s32 $0x980  }
.Ltmp3:
0x162: {  	s28 =	simm.s32 $0x900;
	s26 =	simm.s32 $0x880;
	(pc) =	sbr.rel .LBB2_6-.Ltmp3, $4  }
0x163: {  	s25 =	simm.s32 $0x800;
	s24 =	simm.s32 $0x780;
	s23 =	simm.s32 $0x700  }
0x164: {  	s21 =	simm.s32 $0x680;
	s20 =	simm.s32 $0x600;
	s19 =	simm.s32 $0x580  }
0x165: {  	s18 =	simm.s32 $0x500;
	s17 =	simm.s32 $0x480;
	s16 =	simm.s32 $0x400  }
0x166: {  	s15 =	simm.s32 $0x380;
	s14 =	simm.s32 $0x300;
	s13 =	simm.s32 $0x280  }
.LBB2_3:
0x167: {  	s12 =	simm.s32 $0x180  }
0x168: {  	s31 =	simm.s32 $0x100;
	s30 =	simm.s32 $0x80;
	s29 =	simm.s32 $0x980  }
.Ltmp4:
0x169: {  	s28 =	simm.s32 $0x900;
	s26 =	simm.s32 $0x880;
	(pc) =	sbr.rel .LBB2_6-.Ltmp4, $4  }
0x16a: {  	s25 =	simm.s32 $0x800;
	s24 =	simm.s32 $0x780;
	s23 =	simm.s32 $0x700  }
0x16b: {  	s21 =	simm.s32 $0x680;
	s20 =	simm.s32 $0x600;
	s19 =	simm.s32 $0x580  }
0x16c: {  	s18 =	simm.s32 $0x500;
	s17 =	simm.s32 $0x480;
	s16 =	simm.s32 $0x400  }
0x16d: {  	s15 =	simm.s32 $0x380;
	s14 =	simm.s32 $0x300;
	s13 =	simm.s32 $0x280  }
.Lfunc_end2:
_tile_overlayer_lowered:
.L_overlay_start_2:
0x16e: {  	(tag) =	ssettag $0x2  }
0x16f: {  	s0 =	rddreg [dreg:$0x0];
	s2 =	stileid.u32  }
0x170: {  	s1 =	rddreg [dreg:$0x1];
	p0 =	sne.s32 s2, $0x0  }
0x171: {  	s3 =	rddreg [dreg:$0x2];
	[bflag:$0x3] =	sbarrier.arrive $0xFFFF;
	s2 =	simm.s32 @!p0 $0x1C03  }
0x172: {  	[timem:s3], [sflag:s2] =	dma.local @!p0 [hbm:s0], s1  }
0x173: {  	s0 =	simm.s32 @!p0 $0x3  }
0x174: {  	_ =	swait.ge @!p0 [sflag:s0], s1  }
0x175: {  	s1 =	ssub.s32 @!p0 $0x0, s1;
	[sflag:s0] =	ssyncset.done @!p0 $0x0  }
0x176: {  	[sflag:s0] =	ssyncadd.s32 @!p0 s1  }
0x177: {  	[bflag:$0x3] =	sbarrier.arrive $0xFFFF  }
0x178: {  	_ =	shalt  }

// kernel: kernel.20.cloned.1.call-start
scs
__scs_entry_jumppad:
0x0: {  	(pc) =	sbr.rel $0x88, $3  }
0x1: {  	(tag) =	ssettag $0x0;
	lr =	simm.s32 $0x1  }
0x2: {  	[smem:$0x3F91] =	sst lr;
	_ =	strace $0xD0000000  }
0x3: {  	_ = 	snop  }
0x4: {  	_ = 	snop  }
0x5: {  	_ = 	snop  }
0x6: {  	_ = 	snop  }
0x7: {  	_ = 	snop  }
__scs_overlays_trampoline_lowered:
0x8: {  	[smem:$0x3FA0] =	sst s0  }
0x9: {  	[smem:$0x3FA1] =	sst s1  }
0xa: {  	[smem:$0x3FA2] =	sst s2  }
0xb: {  	[smem:$0x3FA3] =	sst s3  }
0xc: {  	[smem:$0x3FA4] =	sst s4  }
0xd: {  	[smem:$0x3FA5] =	sst s5  }
0xe: {  	[smem:$0x3FA6] =	sst s6  }
0xf: {  	[smem:$0x3FA7] =	sst s7  }
0x10: {  	[smem:$0x3FA8] =	sst s8  }
0x11: {  	[smem:$0x3FA9] =	sst s9;
	s0 =	simm.s32 @!p0 $0x0  }
0x12: {  	s1 =	sld [smem:$0x3F8F];
	s0 =	simm.s32 @p0 $0x1  }
0x13: {  	[smem:$0x3FAA] =	sst s0;
	s0 =	simm.s32 @!p1 $0x0  }
0x14: {  	s2 =	sld [smem:$0x3F8E];
	s0 =	simm.s32 @p1 $0x1  }
0x15: {  	[smem:$0x3FAB] =	sst s0;
	s0 =	simm.s32 @!p2 $0x0  }
0x16: {  	s3 =	sld [smem:$0x3FDB];
	s0 =	simm.s32 @p2 $0x1  }
0x17: {  	s4 =	simm.s32 $0x1BF5;
	[smem:$0x3FAD] =	sst s0  }
0x18: {  	s0 =	sld [smem:$0x3F90];
	_ =	swait.ge [sflag:s4], $0x0  }
0x19: {  	s7 =	sld [smem:$0x3F91]  }
0x1a: {  	s8 =	sadd.s32 $0xFFFFE003, lr  }
0x1b: {  	s9 =	sadd.s32 $0xFFFFFEF7, lr;
	s5 =	simm.s32 $0xFFFFFFFF;
	p2 =	slt.u32 s8, $0xFFFFF086  }
0x1c: {  	p1 =	slt.u32 s9, $0xF7A;
	s5 =	simm.s32 @!p2 $0x0  }
0x1d: {  	s5 =	simm.s32 @p1 $0x1;
	p0 =	seq.s32 s7, s2  }
0x1e: {  	s7 =	smul.u32 @!p0 $0xF7A, s2;
	p2 =	seq.s32 @!p0 s5, $0x0  }
0x1f: {  	s9 =	smul.u32 $0xF7A, s1;
	s8 =	simm.s32 @!p0 $0x1BF5;
	p2 =	por !p2, p0  }
0x20: {  	[sflag:s8] =	ssyncset.s32 @!p0 $0xFFFFF086;
	s6 =	sadd.s32 @!p0 s3, s7;
	s7 =	simm.s32 @!p0 $0x108  }
0x21: {  	s3 =	sadd.s32 s3, s9;
	s6 =	sadd.s32 @!p0 $0x88, s6;
	s7 =	simm.s32 @p2 $0x1082  }
0x22: {  	[simem:s7], [sflag:s8] =	dma.local @!p0 [hbm:s6], $0xF7A  }
0x23: {  	s9 =	sor.u32 $0xD0000000, s2;
	s6 =	simm.s32 $0x108;
	_ =	swait.ge @!p0 [sflag:s8], $0x0  }
0x24: {  	s3 =	sadd.s32 $0x88, s3;
	s6 =	simm.s32 @!p1 $0x1082;
	[sflag:s4] =	ssyncset.s32 $0xFFFFF086  }
0x25: {  	[simem:s6], [sflag:s4] =	dma.local [hbm:s3], $0xF7A  }
0x26: {  	[smem:$0x3F91] =	sst s1;
	(tag) =	ssettag s2;
	_ =	strace s9  }
0x27: {  	s1 =	sld [smem:$0x3FA1]  }
0x28: {  	s2 =	sld [smem:$0x3FA2]  }
0x29: {  	s4 =	sld [smem:$0x3FA4]  }
0x2a: {  	p0 =	seq.s32 s5, $0x0;
	s5 =	sld [smem:$0x3FA5]  }
0x2b: {  	s6 =	sld [smem:$0x3FA6]  }
0x2c: {  	s7 =	sld [smem:$0x3FA7]  }
0x2d: {  	s3 =	simm.s32 $0x108;
	s8 =	sld [smem:$0x3FA8]  }
0x2e: {  	s3 =	simm.s32 @!p0 $0x1082;
	s9 =	sld [smem:$0x3FA9]  }
0x2f: {  	lr =	sadd.s32 s0, s3;
	s0 =	sld [smem:$0x3FA0]  }
0x30: {  	s3 =	sld [smem:$0x3FA3]  }
0x31: {  	[smem:$0x3FAC] =	sst s10  }
0x32: {  	s10 =	sld [smem:$0x3FAA];
	_ =	sdelay $0x3  }
0x33: {  	p0 =	seq.s32 s10, $0x1;
	s10 =	sld [smem:$0x3FAC];
	_ =	sdelay $0x3  }
0x34: {  	[smem:$0x3FAC] =	sst s10  }
0x35: {  	s10 =	sld [smem:$0x3FAB];
	_ =	sdelay $0x3  }
0x36: {  	p1 =	seq.s32 s10, $0x1;
	s10 =	sld [smem:$0x3FAC];
	_ =	sdelay $0x3  }
0x37: {  	[smem:$0x3FAC] =	sst s10  }
0x38: {  	s10 =	sld [smem:$0x3FAD]  }
0x39: {  	_ = 	snop;
	(pc) =	sbr.ind lr, $3  }
0x3a: {  	_ = 	snop  }
0x3b: {  	_ = 	snop  }
0x3c: {  	p2 =	seq.s32 s10, $0x1;
	s10 =	sld [smem:$0x3FAC]  }
0x3d: {  	_ =	shalt  }
0x3e: {  	_ =	shalt  }
0x3f: {  	_ =	shalt  }
0x40: {  	_ =	shalt  }
0x41: {  	_ =	shalt  }
0x42: {  	_ =	shalt  }
0x43: {  	_ =	shalt  }
0x44: {  	_ =	shalt  }
0x45: {  	_ =	shalt  }
0x46: {  	_ =	shalt  }
0x47: {  	_ =	shalt  }
0x48: {  	_ =	shalt  }
0x49: {  	_ =	shalt  }
0x4a: {  	_ =	shalt  }
0x4b: {  	_ =	shalt  }
0x4c: {  	_ =	shalt  }
0x4d: {  	_ =	shalt  }
0x4e: {  	_ =	shalt  }
0x4f: {  	_ =	shalt  }
0x50: {  	_ =	shalt  }
0x51: {  	_ =	shalt  }
0x52: {  	_ =	shalt  }
0x53: {  	_ =	shalt  }
0x54: {  	_ =	shalt  }
0x55: {  	_ =	shalt  }
0x56: {  	_ =	shalt  }
0x57: {  	_ =	shalt  }
0x58: {  	_ =	shalt  }
0x59: {  	_ =	shalt  }
0x5a: {  	_ =	shalt  }
0x5b: {  	_ =	shalt  }
0x5c: {  	_ =	shalt  }
0x5d: {  	_ =	shalt  }
0x5e: {  	_ =	shalt  }
0x5f: {  	_ =	shalt  }
0x60: {  	_ =	shalt  }
0x61: {  	_ =	shalt  }
0x62: {  	_ =	shalt  }
0x63: {  	_ =	shalt  }
0x64: {  	_ =	shalt  }
0x65: {  	_ =	shalt  }
0x66: {  	_ =	shalt  }
0x67: {  	_ =	shalt  }
0x68: {  	_ =	shalt  }
0x69: {  	_ =	shalt  }
0x6a: {  	_ =	shalt  }
0x6b: {  	_ =	shalt  }
0x6c: {  	_ =	shalt  }
0x6d: {  	_ =	shalt  }
0x6e: {  	_ =	shalt  }
0x6f: {  	_ =	shalt  }
0x70: {  	_ =	shalt  }
0x71: {  	_ =	shalt  }
0x72: {  	_ =	shalt  }
0x73: {  	_ =	shalt  }
0x74: {  	_ =	shalt  }
0x75: {  	_ =	shalt  }
0x76: {  	_ =	shalt  }
0x77: {  	_ =	shalt  }
0x78: {  	_ =	shalt  }
0x79: {  	_ =	shalt  }
0x7a: {  	_ =	shalt  }
0x7b: {  	_ =	shalt  }
0x7c: {  	_ =	shalt  }
0x7d: {  	_ =	shalt  }
0x7e: {  	_ =	shalt  }
0x7f: {  	_ =	shalt  }
0x80: {  	_ =	shalt  }
0x81: {  	_ =	shalt  }
0x82: {  	_ =	shalt  }
0x83: {  	_ =	shalt  }
0x84: {  	_ =	shalt  }
0x85: {  	_ =	shalt  }
0x86: {  	_ =	shalt  }
0x87: {  	_ =	shalt  }
.Lfunc_end0:
.L_simem_size_0:
called_computation.3_lowered:
.L_overlay_start_0:
0x88: {  	s2 =	sld [smem:$0x3FD9]  }
0x89: {  	s3 =	sld [smem:$0x3FFE];
	_ =	sdelay $0x1  }
0x8a: {  	s1 =	srdreg.scid  }
0x8b: {  	s0 =	sand.u32 $0x1, s1  }
0x8c: {  	s16 =	sshll.u32 s0, $0xA;
	s2 =	sadd.s32 s3, s2  }
0x8d: {  	s2 =	sadd.s32 s2, s16  }
0x8e: {  	[smem:$0x3FB8] =	sst s2  }
0x8f: {  	_ = 	snop  }
0x90: {  	(tm) =	ssettm $0x1  }
0x91: {  	s17 =	sld [smem:$0x3FFB];
	_ =	sdelay $0x3  }
0x92: {  	_ =	strace s17  }
0x93: {  	s2 =	sld [smem:$0x3FFC];
	_ =	sdelay $0x3  }
0x94: {  	_ =	strace s2  }
0x95: {  	s2 =	sld [smem:$0x3FFD];
	_ =	sdelay $0x3  }
0x96: {  	_ =	strace s2  }
0x97: {  	_ =	strace $0x8FFFFFFF  }
0x98: {  	s18 =	sld [smem:$0x3FDB];
	_ =	sdelay $0x1  }
0x99: {  	s19 =	simm.s32 $_scs_section_size  }
0x9a: {  	s4 =	simm.s32 $_size__tile_overlayer_lowered;
	s5 =	simm.s32 $_tile_overlayer_lowered  }
0x9b: {  	s22 =	simm.s32 $0x1BFF;
	s21 =	sshll.u32 s5, $0x1;
	s2 =	sadd.s32 s19, s18  }
0x9c: {  	s6 =	simm.s32 $0x0;
	s20 =	sshll.u32 s4, $0x1;
	s4 =	sadd.s32 s21, s2  }
0x9d: {  	[timem:s6], [sflag:s22] =	dma.local [hbm:s4], s20  }
0x9e: {  	_ =	swait.ge [sflag:s22], s20  }
0x9f: {  	s3 =	ssub.s32 $0x0, s20;
	[sflag:s22] =	ssyncset.done $0x0  }
0xa0: {  	[sflag:s22] =	ssyncadd.s32 s3;
	_ =	sdelay $0x1  }
0xa1: {  	s23 =	simm.s32 $0x1B8B  }
0xa2: {  	_ =	swait.ge [sflag:s23], $0x1  }
0xa3: {  	[sflag:s23] =	ssyncset.done $0x0  }
0xa4: {  	s25 =	simm.s32 $0x1B8E;
	s24 =	sld [smem:$0x3FFE];
	[sflag:s23] =	ssyncadd.s32 $0xFFFFFFFF  }
0xa5: {  	s26 =	simm.s32 $execute0_lowered;
	[smem:$0x3FD2] =	sst s25  }
0xa6: {  	s4 =	sshll.u32 s26, $0x1;
	_ =	strace $0x8000004F;
	[dreg:$0x1] =	wrdreg $0xFFFFFFFF  }
0xa7: {  	s28 =	simm.s32 $_size_execute0_lowered;
	s2 =	sadd.s32 s2, s4;
	[dreg:$0x0] =	wrdreg $0x0  }
0xa8: {  	s4 =	sshll.u32 s28, $0x1;
	[dreg:$0x2] =	wrdreg s2  }
0xa9: {  	[dreg:$0x3] =	wrdreg s4  }
0xaa: {  	[dreg:$0x4] =	wrdreg $0xC0  }
0xab: {  	_ =	task [dreg:s6], $0x5FFFF  }
0xac: {  	[dreg:$0x1] =	wrdreg $0xFFFFFFFF  }
0xad: {  	[dreg:$0x0] =	wrdreg $0x60  }
0xae: {  	[dreg:$0x2] =	wrdreg s24  }
0xaf: {  	[dreg:$0x3] =	wrdreg $0x9  }
0xb0: {  	_ =	task.clear_ibuf [dreg:s6], $0x4FFFF;
	_ =	strace $0x9000004F  }
0xb1: {  	s29 =	simm.s32 $0x9;
	_ =	strace $0x80000051  }
0xb2: {  	_ =	swait.ge [sflag:s29], $0x1  }
0xb3: {  	[sflag:s29] =	ssyncadd.s32 $0xFFFFFFFF  }
0xb4: {  	_ =	strace $0x90000051  }
0xb5: {  	_ =	sfence  }
0xb6: {  	s30 =	sld [smem:$0x0];
	_ =	sdelay $0x2  }
0xb7: {  	s31 =	sshll.u32 s1, $0xD;
	s1 =	sshrl.u32 s1, $0x2  }
0xb8: {  	s3 =	sand.u32 $0x4000, s31;
	s1 =	sadd.s32 s1, s30  }
0xb9: {  	s0 =	sor.u32 s3, s0;
	s1 =	sshll.u32 s1, $0x11  }
0xba: {  	s0 =	sor.u32 s1, s0  }
0xbb: {  	s0 =	sadd.s32 $0x8F2B, s0  }
0xbc: {  	[sflag:s0] =	ssyncadd.remote.s32 $0x1  }
0xbd: {  	_ =	sfence.sel $0xFFFF  }
0xbe: {  	[dreg:$0x0] =	wrdreg $0xFFFFFFFF;
	(pc) =	sbr.abs _section_cstart, $3  }
0xbf: {  	[dreg:$0x1] =	wrdreg $0xFFFFFFFF  }
0xc0: {  	_ =	task.clear_ibuf [dreg:s6], $0x2FFFF;
	_ =	strace $0x9FFFFFFF  }
0xc1: {  	(tm) =	ssettm $0x7FFFFFFF  }
tec
execute0_lowered:
.L_overlay_start_1:
0x0: {  	(tag) =	ssettag $0x1  }
0x1: {  	s0 =	srdreg.scid  }
0x2: {  	s2 =	stileid.u32;
	s1 =	rddreg [dreg:$0x0];
	s26 =	simm.s32 $0x4000  }
0x3: {  	s11 =	simm.s32 $0x200;
	s7 =	simm.s32 $0x50;
	s30 =	simm.s32 $0x80  }
0x4: {  	s8 =	simm.s32 $0x3200;
	s31 =	simm.s32 $0x100;
	s9 =	simm.s32 $0x5A00  }
0x5: {  	s13 =	simm.s32 $0x180;
	s10 =	simm.s32 $0x8200;
	s22 =	simm.s32 $0x1  }
0x6: {  	s14 =	simm.s32 $0x300;
	s15 =	simm.s32 $0x380;
	s16 =	simm.s32 $0x400  }
0x7: {  	s17 =	simm.s32 $0x480;
	s18 =	simm.s32 $0x500;
	s19 =	simm.s32 $0x580  }
0x8: {  	s20 =	simm.s32 $0x600;
	s21 =	simm.s32 $0x680;
	s23 =	simm.s32 $0x700  }
0x9: {  	p0 =	por $0x0, $0x0;
	s0 =	sand.u32 $0x1, s0;
	s3 =	sshll.u32 s2, $0x1  }
0xa: {  	s28 =	simm.s32 $0x900;
	s3 =	sor.u32 s0, s3;
	s0 =	ssub.s32 $0x2, s0  }
0xb: {  	s29 =	simm.s32 $0x980;
	s5 =	simm.s32 $0x2;
	s25 =	sshrl.u32 s0, $0x1  }
0xc: {  	s2 =	simm.s32 $0x0;
	s6 =	sadd.s32 $0x4000, s1;
	s0 =	ssub.s32 s0, s25  }
0xd: {  	[smem:$0x7FF] =	sst s2;
	s4 =	sshll.u32 s3, $0x6;
	s0 =	smax.u32 s0, $0x1  }
0xe: {  	s3 =	smul.u32 $0x1400, s3;
	_ =	strace $0x80000050;
	p1 =	sne.s32 s0, $0x1  }
.Ltmp0:
0xf: {  	[dreg:$0x4] =	wrdreg s26;
	s4 =	sadd.s32 s4, s1;
	(pc) =	sbr.rel @!p1 .LBB2_1-.Ltmp0, $4  }
0x10: {  	s26 =	simm.s32 $0x880;
	s1 =	sadd.s32 s3, s1;
	s24 =	sadd.s32 $0x2D000, s4  }
0x11: {  	s25 =	simm.s32 $0x800;
	[dreg:$0x2] =	wrdreg s24;
	s1 =	sadd.s32 $0x2F800, s1  }
0x12: {  	s3 =	simm.s32 $0x3;
	s4 =	simm.s32 $0xA00;
	[dreg:$0x3] =	wrdreg s1  }
0x13: {  	s12 =	sadd.s32 $0xFFFFFFFF, s0;
	s24 =	simm.s32 $0x780;
	s0 =	rddreg [dreg:$0x2]  }
0x14: {  	s1 =	rddreg [dreg:$0x4]  }
0x15: {  	[tilespmem:s2], [sflag:$0x3] =	stream.strided.gather [hbm4b:s0+s11], $0xA00, s1, s11, $0x38;
	[tilespmem:$0xAA00] =	vst v63  }
0x16: {  	_ =	swait.ge [sflag:s3], $0xA00  }
0x17: {  	[sflag:s3] =	ssyncset.done $0x0  }
0x18: {  	[sflag:s3] =	ssyncadd.s32 $0xFFFFF600  }
0x19: {  	[tilespmem:s4], [sflag:$0x1] =	stream.indirect.gather [hbm4b:s6+s7], $0x80, s2, s7, $0xb8;
	[tilespmem:$0xAA00] =	vst v63  }
0x1a: {  	_ = 	snop  }
0x1b: {  	[tilespmem:s8], [sflag:$0x1] =	stream.indirect.gather [hbm4b:s6+s7], $0x80, s30, s7, $0xb8;
	[tilespmem:$0xAA00] =	vst v63  }
0x1c: {  	_ = 	snop  }
0x1d: {  	[tilespmem:s9], [sflag:$0x1] =	stream.indirect.gather [hbm4b:s6+s7], $0x80, s31, s7, $0xb8;
	[tilespmem:$0xAA00] =	vst v63  }
0x1e: {  	_ = 	snop  }
0x1f: {  	[tilespmem:s10], [sflag:$0x1] =	stream.indirect.gather [hbm4b:s6+s7], $0x80, s13, s7, $0xb8;
	[tilespmem:$0xAA00] =	vst v63  }
0x20: {  	_ =	swait.ge [sflag:s22], $0x2800  }
0x21: {  	[sflag:s22] =	ssyncset.done $0x0  }
0x22: {  	[sflag:s22] =	ssyncadd.s32 $0xFFFFD800  }
0x23: {  	_ =	swait.ge [sflag:s22], $0x2800  }
0x24: {  	[sflag:s22] =	ssyncset.done $0x0  }
0x25: {  	[sflag:s22] =	ssyncadd.s32 $0xFFFFD800  }
0x26: {  	_ =	swait.ge [sflag:s22], $0x2800  }
0x27: {  	[sflag:s22] =	ssyncset.done $0x0  }
0x28: {  	[sflag:s22] =	ssyncadd.s32 $0xFFFFD800  }
0x29: {  	_ =	swait.ge [sflag:s22], $0x2800  }
0x2a: {  	[sflag:s22] =	ssyncset.done $0x0  }
0x2b: {  	[sflag:s22] =	ssyncadd.s32 $0xFFFFD800  }
0x2c: {  	[tilespmem:s4], [sflag:$0x2] =	stream.indirect.gather.add.f32 [hbm:s6], $0x80, s11, s7, $0xb8;
	[tilespmem:$0xAA00] =	vst v63  }
0x2d: {  	s1 =	simm.s32 $0x280  }
0x2e: {  	[tilespmem:s8], [sflag:$0x2] =	stream.indirect.gather.add.f32 [hbm:s6], $0x80, s1, s7, $0xb8;
	[tilespmem:$0xAA00] =	vst v63  }
0x2f: {  	_ = 	snop  }
0x30: {  	[tilespmem:s9], [sflag:$0x2] =	stream.indirect.gather.add.f32 [hbm:s6], $0x80, s14, s7, $0xb8;
	[tilespmem:$0xAA00] =	vst v63  }
0x31: {  	_ = 	snop  }
0x32: {  	[tilespmem:s10], [sflag:$0x2] =	stream.indirect.gather.add.f32 [hbm:s6], $0x80, s15, s7, $0xb8;
	[tilespmem:$0xAA00] =	vst v63  }
0x33: {  	_ = 	snop  }
0x34: {  	[tilespmem:s4], [sflag:$0x2] =	stream.indirect.gather.add.f32 [hbm:s6], $0x80, s16, s7, $0xb8;
	[tilespmem:$0xAA00] =	vst v63  }
0x35: {  	_ = 	snop  }
0x36: {  	[tilespmem:s8], [sflag:$0x2] =	stream.indirect.gather.add.f32 [hbm:s6], $0x80, s17, s7, $0xb8;
	[tilespmem:$0xAA00] =	vst v63  }
0x37: {  	_ = 	snop  }
0x38: {  	[tilespmem:s9], [sflag:$0x2] =	stream.indirect.gather.add.f32 [hbm:s6], $0x80, s18, s7, $0xb8;
	[tilespmem:$0xAA00] =	vst v63  }
0x39: {  	_ = 	snop  }
0x3a: {  	[tilespmem:s10], [sflag:$0x2] =	stream.indirect.gather.add.f32 [hbm:s6], $0x80, s19, s7, $0xb8;
	[tilespmem:$0xAA00] =	vst v63  }
0x3b: {  	_ = 	snop  }
0x3c: {  	[tilespmem:s4], [sflag:$0x2] =	stream.indirect.gather.add.f32 [hbm:s6], $0x80, s20, s7, $0xb8;
	[tilespmem:$0xAA00] =	vst v63  }
0x3d: {  	_ = 	snop  }
0x3e: {  	[tilespmem:s8], [sflag:$0x2] =	stream.indirect.gather.add.f32 [hbm:s6], $0x80, s21, s7, $0xb8;
	[tilespmem:$0xAA00] =	vst v63  }
0x3f: {  	_ = 	snop  }
0x40: {  	[tilespmem:s9], [sflag:$0x2] =	stream.indirect.gather.add.f32 [hbm:s6], $0x80, s23, s7, $0xb8;
	[tilespmem:$0xAA00] =	vst v63  }
0x41: {  	_ = 	snop  }
0x42: {  	[tilespmem:s10], [sflag:$0x2] =	stream.indirect.gather.add.f32 [hbm:s6], $0x80, s24, s7, $0xb8;
	[tilespmem:$0xAA00] =	vst v63  }
0x43: {  	_ = 	snop  }
0x44: {  	[tilespmem:s4], [sflag:$0x2] =	stream.indirect.gather.add.f32 [hbm:s6], $0x80, s25, s7, $0xb8;
	[tilespmem:$0xAA00] =	vst v63  }
0x45: {  	_ = 	snop  }
0x46: {  	[tilespmem:s8], [sflag:$0x2] =	stream.indirect.gather.add.f32 [hbm:s6], $0x80, s26, s7, $0xb8;
	[tilespmem:$0xAA00] =	vst v63  }
0x47: {  	_ = 	snop  }
0x48: {  	[tilespmem:s9], [sflag:$0x2] =	stream.indirect.gather.add.f32 [hbm:s6], $0x80, s28, s7, $0xb8;
	[tilespmem:$0xAA00] =	vst v63  }
0x49: {  	_ = 	snop  }
0x4a: {  	[tilespmem:s10], [sflag:$0x2] =	stream.indirect.gather.add.f32 [hbm:s6], $0x80, s29, s7, $0xb8;
	[tilespmem:$0xAA00] =	vst v63  }
0x4b: {  	_ =	swait.ge [sflag:s5], $0x2800  }
0x4c: {  	[sflag:s5] =	ssyncset.done $0x0  }
0x4d: {  	[sflag:s5] =	ssyncadd.s32 $0xFFFFD800  }
0x4e: {  	_ =	swait.ge [sflag:s5], $0x2800  }
0x4f: {  	[sflag:s5] =	ssyncset.done $0x0  }
0x50: {  	[sflag:s5] =	ssyncadd.s32 $0xFFFFD800  }
0x51: {  	_ =	swait.ge [sflag:s5], $0x2800  }
0x52: {  	[sflag:s5] =	ssyncset.done $0x0  }
0x53: {  	[sflag:s5] =	ssyncadd.s32 $0xFFFFD800  }
0x54: {  	_ =	swait.ge [sflag:s5], $0x2800  }
0x55: {  	[sflag:s5] =	ssyncset.done $0x0  }
0x56: {  	[sflag:s5] =	ssyncadd.s32 $0xFFFFD800  }
0x57: {  	_ =	swait.ge [sflag:s5], $0x2800  }
0x58: {  	[sflag:s5] =	ssyncset.done $0x0  }
0x59: {  	[sflag:s5] =	ssyncadd.s32 $0xFFFFD800  }
0x5a: {  	_ =	swait.ge [sflag:s5], $0x2800  }
0x5b: {  	[sflag:s5] =	ssyncset.done $0x0  }
0x5c: {  	[sflag:s5] =	ssyncadd.s32 $0xFFFFD800  }
0x5d: {  	_ =	swait.ge [sflag:s5], $0x2800  }
0x5e: {  	[sflag:s5] =	ssyncset.done $0x0  }
0x5f: {  	[sflag:s5] =	ssyncadd.s32 $0xFFFFD800  }
0x60: {  	_ =	swait.ge [sflag:s5], $0x2800  }
0x61: {  	[sflag:s5] =	ssyncset.done $0x0  }
0x62: {  	[sflag:s5] =	ssyncadd.s32 $0xFFFFD800  }
0x63: {  	_ =	swait.ge [sflag:s5], $0x2800  }
0x64: {  	[sflag:s5] =	ssyncset.done $0x0  }
0x65: {  	[sflag:s5] =	ssyncadd.s32 $0xFFFFD800  }
0x66: {  	_ =	swait.ge [sflag:s5], $0x2800  }
0x67: {  	[sflag:s5] =	ssyncset.done $0x0  }
0x68: {  	[sflag:s5] =	ssyncadd.s32 $0xFFFFD800  }
0x69: {  	_ =	swait.ge [sflag:s5], $0x2800  }
0x6a: {  	[sflag:s5] =	ssyncset.done $0x0  }
0x6b: {  	[sflag:s5] =	ssyncadd.s32 $0xFFFFD800  }
0x6c: {  	_ =	swait.ge [sflag:s5], $0x2800  }
0x6d: {  	[sflag:s5] =	ssyncset.done $0x0  }
0x6e: {  	[sflag:s5] =	ssyncadd.s32 $0xFFFFD800  }
0x6f: {  	_ =	swait.ge [sflag:s5], $0x2800  }
0x70: {  	[sflag:s5] =	ssyncset.done $0x0  }
0x71: {  	[sflag:s5] =	ssyncadd.s32 $0xFFFFD800  }
0x72: {  	_ =	swait.ge [sflag:s5], $0x2800  }
0x73: {  	[sflag:s5] =	ssyncset.done $0x0  }
0x74: {  	[sflag:s5] =	ssyncadd.s32 $0xFFFFD800  }
0x75: {  	_ =	swait.ge [sflag:s5], $0x2800  }
0x76: {  	[sflag:s5] =	ssyncset.done $0x0  }
0x77: {  	[sflag:s5] =	ssyncadd.s32 $0xFFFFD800  }
0x78: {  	p1 =	sne.s32 s12, $0x1;
	_ =	swait.ge [sflag:s5], $0x2800  }
.Ltmp1:
0x79: {  	[sflag:s5] =	ssyncset.done $0x0;
	(pc) =	sbr.rel @!p1 .LBB2_3-.Ltmp1, $4  }
0x7a: {  	s1 =	rddreg [dreg:$0x3];
	[sflag:s5] =	ssyncadd.s32 $0xFFFFD800  }
0x7b: {  	[hbm4b:s1+s2] =	stream.linear.scatter [tilespmem:s4], [sflag:$0x3], $0xA000, $0x38;
	[tilespmem:$0xAA00] =	vst v63  }
0x7c: {  	p0 =	por $0x1, $0x1;
	_ =	swait.ge [sflag:s3], $0xA000  }
0x7d: {  	s1 =	sadd.s32 $0xFFFFFFFF, s12;
	s0 =	rddreg [dreg:$0x2];
	[sflag:s3] =	ssyncset.done $0x0  }
.LBB2_4:
0x7e: {  	s12 =	rddreg [dreg:$0x4];
	[sflag:s3] =	ssyncadd.s32 $0xFFFF6000  }
0x7f: {  	[tilespmem:s2], [sflag:$0x3] =	stream.strided.gather [hbm4b:s0+s11], $0xA00, s12, s11, $0x38;
	[tilespmem:$0xAA00] =	vst v63  }
0x80: {  	_ =	swait.ge [sflag:s3], $0xA00  }
0x81: {  	[sflag:s3] =	ssyncset.done $0x0  }
0x82: {  	[sflag:s3] =	ssyncadd.s32 $0xFFFFF600  }
0x83: {  	[tilespmem:s4], [sflag:$0x1] =	stream.indirect.gather [hbm4b:s6+s7], $0x80, s2, s7, $0xb8;
	[tilespmem:$0xAA00] =	vst v63  }
0x84: {  	_ = 	snop  }
0x85: {  	[tilespmem:s8], [sflag:$0x1] =	stream.indirect.gather [hbm4b:s6+s7], $0x80, s30, s7, $0xb8;
	[tilespmem:$0xAA00] =	vst v63  }
0x86: {  	_ = 	snop  }
0x87: {  	[tilespmem:s9], [sflag:$0x1] =	stream.indirect.gather [hbm4b:s6+s7], $0x80, s31, s7, $0xb8;
	[tilespmem:$0xAA00] =	vst v63  }
0x88: {  	_ = 	snop  }
0x89: {  	[tilespmem:s10], [sflag:$0x1] =	stream.indirect.gather [hbm4b:s6+s7], $0x80, s13, s7, $0xb8;
	[tilespmem:$0xAA00] =	vst v63  }
0x8a: {  	_ =	swait.ge [sflag:s22], $0x2800  }
0x8b: {  	[sflag:s22] =	ssyncset.done $0x0  }
0x8c: {  	[sflag:s22] =	ssyncadd.s32 $0xFFFFD800  }
0x8d: {  	_ =	swait.ge [sflag:s22], $0x2800  }
0x8e: {  	[sflag:s22] =	ssyncset.done $0x0  }
0x8f: {  	[sflag:s22] =	ssyncadd.s32 $0xFFFFD800  }
0x90: {  	_ =	swait.ge [sflag:s22], $0x2800  }
0x91: {  	[sflag:s22] =	ssyncset.done $0x0  }
0x92: {  	[sflag:s22] =	ssyncadd.s32 $0xFFFFD800  }
0x93: {  	_ =	swait.ge [sflag:s22], $0x2800  }
0x94: {  	[sflag:s22] =	ssyncset.done $0x0  }
0x95: {  	[sflag:s22] =	ssyncadd.s32 $0xFFFFD800  }
0x96: {  	[tilespmem:s4], [sflag:$0x2] =	stream.indirect.gather.add.f32 [hbm:s6], $0x80, s11, s7, $0xb8;
	[tilespmem:$0xAA00] =	vst v63  }
0x97: {  	s12 =	simm.s32 $0x280  }
0x98: {  	[tilespmem:s8], [sflag:$0x2] =	stream.indirect.gather.add.f32 [hbm:s6], $0x80, s12, s7, $0xb8;
	[tilespmem:$0xAA00] =	vst v63  }
0x99: {  	_ = 	snop  }
0x9a: {  	[tilespmem:s9], [sflag:$0x2] =	stream.indirect.gather.add.f32 [hbm:s6], $0x80, s14, s7, $0xb8;
	[tilespmem:$0xAA00] =	vst v63  }
0x9b: {  	_ = 	snop  }
0x9c: {  	[tilespmem:s10], [sflag:$0x2] =	stream.indirect.gather.add.f32 [hbm:s6], $0x80, s15, s7, $0xb8;
	[tilespmem:$0xAA00] =	vst v63  }
0x9d: {  	_ = 	snop  }
0x9e: {  	[tilespmem:s4], [sflag:$0x2] =	stream.indirect.gather.add.f32 [hbm:s6], $0x80, s16, s7, $0xb8;
	[tilespmem:$0xAA00] =	vst v63  }
0x9f: {  	_ = 	snop  }
0xa0: {  	[tilespmem:s8], [sflag:$0x2] =	stream.indirect.gather.add.f32 [hbm:s6], $0x80, s17, s7, $0xb8;
	[tilespmem:$0xAA00] =	vst v63  }
0xa1: {  	_ = 	snop  }
0xa2: {  	[tilespmem:s9], [sflag:$0x2] =	stream.indirect.gather.add.f32 [hbm:s6], $0x80, s18, s7, $0xb8;
	[tilespmem:$0xAA00] =	vst v63  }
0xa3: {  	_ = 	snop  }
0xa4: {  	[tilespmem:s10], [sflag:$0x2] =	stream.indirect.gather.add.f32 [hbm:s6], $0x80, s19, s7, $0xb8;
	[tilespmem:$0xAA00] =	vst v63  }
0xa5: {  	_ = 	snop  }
0xa6: {  	[tilespmem:s4], [sflag:$0x2] =	stream.indirect.gather.add.f32 [hbm:s6], $0x80, s20, s7, $0xb8;
	[tilespmem:$0xAA00] =	vst v63  }
0xa7: {  	_ = 	snop  }
0xa8: {  	[tilespmem:s8], [sflag:$0x2] =	stream.indirect.gather.add.f32 [hbm:s6], $0x80, s21, s7, $0xb8;
	[tilespmem:$0xAA00] =	vst v63  }
0xa9: {  	_ = 	snop  }
0xaa: {  	[tilespmem:s9], [sflag:$0x2] =	stream.indirect.gather.add.f32 [hbm:s6], $0x80, s23, s7, $0xb8;
	[tilespmem:$0xAA00] =	vst v63  }
0xab: {  	_ = 	snop  }
0xac: {  	[tilespmem:s10], [sflag:$0x2] =	stream.indirect.gather.add.f32 [hbm:s6], $0x80, s24, s7, $0xb8;
	[tilespmem:$0xAA00] =	vst v63  }
0xad: {  	_ = 	snop  }
0xae: {  	[tilespmem:s4], [sflag:$0x2] =	stream.indirect.gather.add.f32 [hbm:s6], $0x80, s25, s7, $0xb8;
	[tilespmem:$0xAA00] =	vst v63  }
0xaf: {  	_ = 	snop  }
0xb0: {  	[tilespmem:s8], [sflag:$0x2] =	stream.indirect.gather.add.f32 [hbm:s6], $0x80, s26, s7, $0xb8;
	[tilespmem:$0xAA00] =	vst v63  }
0xb1: {  	_ = 	snop  }
0xb2: {  	[tilespmem:s9], [sflag:$0x2] =	stream.indirect.gather.add.f32 [hbm:s6], $0x80, s28, s7, $0xb8;
	[tilespmem:$0xAA00] =	vst v63  }
0xb3: {  	_ = 	snop  }
0xb4: {  	[tilespmem:s10], [sflag:$0x2] =	stream.indirect.gather.add.f32 [hbm:s6], $0x80, s29, s7, $0xb8;
	[tilespmem:$0xAA00] =	vst v63  }
0xb5: {  	_ =	swait.ge [sflag:s5], $0x2800  }
0xb6: {  	[sflag:s5] =	ssyncset.done $0x0  }
0xb7: {  	[sflag:s5] =	ssyncadd.s32 $0xFFFFD800  }
0xb8: {  	_ =	swait.ge [sflag:s5], $0x2800  }
0xb9: {  	[sflag:s5] =	ssyncset.done $0x0  }
0xba: {  	[sflag:s5] =	ssyncadd.s32 $0xFFFFD800  }
0xbb: {  	_ =	swait.ge [sflag:s5], $0x2800  }
0xbc: {  	[sflag:s5] =	ssyncset.done $0x0  }
0xbd: {  	[sflag:s5] =	ssyncadd.s32 $0xFFFFD800  }
0xbe: {  	_ =	swait.ge [sflag:s5], $0x2800  }
0xbf: {  	[sflag:s5] =	ssyncset.done $0x0  }
0xc0: {  	[sflag:s5] =	ssyncadd.s32 $0xFFFFD800  }
0xc1: {  	_ =	swait.ge [sflag:s5], $0x2800  }
0xc2: {  	[sflag:s5] =	ssyncset.done $0x0  }
0xc3: {  	[sflag:s5] =	ssyncadd.s32 $0xFFFFD800  }
0xc4: {  	_ =	swait.ge [sflag:s5], $0x2800  }
0xc5: {  	[sflag:s5] =	ssyncset.done $0x0  }
0xc6: {  	[sflag:s5] =	ssyncadd.s32 $0xFFFFD800  }
0xc7: {  	_ =	swait.ge [sflag:s5], $0x2800  }
0xc8: {  	[sflag:s5] =	ssyncset.done $0x0  }
0xc9: {  	[sflag:s5] =	ssyncadd.s32 $0xFFFFD800  }
0xca: {  	_ =	swait.ge [sflag:s5], $0x2800  }
0xcb: {  	[sflag:s5] =	ssyncset.done $0x0  }
0xcc: {  	[sflag:s5] =	ssyncadd.s32 $0xFFFFD800  }
0xcd: {  	_ =	swait.ge [sflag:s5], $0x2800  }
0xce: {  	[sflag:s5] =	ssyncset.done $0x0  }
0xcf: {  	[sflag:s5] =	ssyncadd.s32 $0xFFFFD800  }
0xd0: {  	_ =	swait.ge [sflag:s5], $0x2800  }
0xd1: {  	[sflag:s5] =	ssyncset.done $0x0  }
0xd2: {  	[sflag:s5] =	ssyncadd.s32 $0xFFFFD800  }
0xd3: {  	_ =	swait.ge [sflag:s5], $0x2800  }
0xd4: {  	[sflag:s5] =	ssyncset.done $0x0  }
0xd5: {  	[sflag:s5] =	ssyncadd.s32 $0xFFFFD800  }
0xd6: {  	_ =	swait.ge [sflag:s5], $0x2800  }
0xd7: {  	[sflag:s5] =	ssyncset.done $0x0  }
0xd8: {  	[sflag:s5] =	ssyncadd.s32 $0xFFFFD800  }
0xd9: {  	_ =	swait.ge [sflag:s5], $0x2800  }
0xda: {  	[sflag:s5] =	ssyncset.done $0x0  }
0xdb: {  	[sflag:s5] =	ssyncadd.s32 $0xFFFFD800  }
0xdc: {  	_ =	swait.ge [sflag:s5], $0x2800  }
0xdd: {  	[sflag:s5] =	ssyncset.done $0x0  }
0xde: {  	[sflag:s5] =	ssyncadd.s32 $0xFFFFD800  }
0xdf: {  	_ =	swait.ge [sflag:s5], $0x2800  }
0xe0: {  	[sflag:s5] =	ssyncset.done $0x0  }
0xe1: {  	[sflag:s5] =	ssyncadd.s32 $0xFFFFD800  }
0xe2: {  	p1 =	sne.s32 s1, $0x1;
	_ =	swait.ge [sflag:s5], $0x2800  }
.Ltmp2:
0xe3: {  	[sflag:s5] =	ssyncset.done $0x0;
	(pc) =	sbr.rel @p1 .LBB2_4-.Ltmp2, $4  }
0xe4: {  	s12 =	rddreg [dreg:$0x3];
	[sflag:s5] =	ssyncadd.s32 $0xFFFFD800  }
0xe5: {  	[hbm4b:s12+s2] =	stream.linear.scatter [tilespmem:s4], [sflag:$0x3], $0xA000, $0x38;
	[tilespmem:$0xAA00] =	vst v63  }
0xe6: {  	_ =	swait.ge [sflag:s3], $0xA000  }
0xe7: {  	s1 =	sadd.s32 $0xFFFFFFFF, s1;
	s0 =	rddreg [dreg:$0x2];
	[sflag:s3] =	ssyncset.done $0x0  }
0xe8: {  	s12 =	simm.s32 $0x180;
	s31 =	simm.s32 $0x100;
	s30 =	simm.s32 $0x80  }
0xe9: {  	s29 =	simm.s32 $0x980;
	s28 =	simm.s32 $0x900;
	s26 =	simm.s32 $0x880  }
0xea: {  	s25 =	simm.s32 $0x800;
	s24 =	simm.s32 $0x780;
	s23 =	simm.s32 $0x700  }
0xeb: {  	s21 =	simm.s32 $0x680;
	s20 =	simm.s32 $0x600;
	s19 =	simm.s32 $0x580  }
0xec: {  	s18 =	simm.s32 $0x500;
	s17 =	simm.s32 $0x480;
	s16 =	simm.s32 $0x400  }
0xed: {  	s15 =	simm.s32 $0x380;
	s14 =	simm.s32 $0x300;
	s13 =	simm.s32 $0x280  }
.LBB2_6:
0xee: {  	s1 =	rddreg [dreg:$0x4];
	[sflag:s3] =	ssyncadd.s32 @p0 $0xFFFF6000  }
0xef: {  	[tilespmem:s2], [sflag:$0x3] =	stream.strided.gather [hbm4b:s0+s11], $0xA00, s1, s11, $0x38;
	[tilespmem:$0xAA00] =	vst v63  }
0xf0: {  	_ =	swait.ge [sflag:s3], $0xA00  }
0xf1: {  	[sflag:s3] =	ssyncset.done $0x0  }
0xf2: {  	[sflag:s3] =	ssyncadd.s32 $0xFFFFF600  }
0xf3: {  	[tilespmem:s4], [sflag:$0x1] =	stream.indirect.gather [hbm4b:s6+s7], $0x80, s2, s7, $0xb8;
	[tilespmem:$0xAA00] =	vst v63  }
0xf4: {  	_ = 	snop  }
0xf5: {  	[tilespmem:s8], [sflag:$0x1] =	stream.indirect.gather [hbm4b:s6+s7], $0x80, s30, s7, $0xb8;
	[tilespmem:$0xAA00] =	vst v63  }
0xf6: {  	_ = 	snop  }
0xf7: {  	[tilespmem:s9], [sflag:$0x1] =	stream.indirect.gather [hbm4b:s6+s7], $0x80, s31, s7, $0xb8;
	[tilespmem:$0xAA00] =	vst v63  }
0xf8: {  	_ = 	snop  }
0xf9: {  	[tilespmem:s10], [sflag:$0x1] =	stream.indirect.gather [hbm4b:s6+s7], $0x80, s12, s7, $0xb8;
	[tilespmem:$0xAA00] =	vst v63  }
0xfa: {  	_ =	swait.ge [sflag:s22], $0x2800  }
0xfb: {  	[sflag:s22] =	ssyncset.done $0x0  }
0xfc: {  	[sflag:s22] =	ssyncadd.s32 $0xFFFFD800  }
0xfd: {  	_ =	swait.ge [sflag:s22], $0x2800  }
0xfe: {  	[sflag:s22] =	ssyncset.done $0x0  }
0xff: {  	[sflag:s22] =	ssyncadd.s32 $0xFFFFD800  }
0x100: {  	_ =	swait.ge [sflag:s22], $0x2800  }
0x101: {  	[sflag:s22] =	ssyncset.done $0x0  }
0x102: {  	[sflag:s22] =	ssyncadd.s32 $0xFFFFD800  }
0x103: {  	_ =	swait.ge [sflag:s22], $0x2800  }
0x104: {  	[sflag:s22] =	ssyncset.done $0x0  }
0x105: {  	[sflag:s22] =	ssyncadd.s32 $0xFFFFD800  }
0x106: {  	[tilespmem:s4], [sflag:$0x2] =	stream.indirect.gather.add.f32 [hbm:s6], $0x80, s11, s7, $0xb8;
	[tilespmem:$0xAA00] =	vst v63  }
0x107: {  	_ = 	snop  }
0x108: {  	[tilespmem:s8], [sflag:$0x2] =	stream.indirect.gather.add.f32 [hbm:s6], $0x80, s13, s7, $0xb8;
	[tilespmem:$0xAA00] =	vst v63  }
0x109: {  	_ = 	snop  }
0x10a: {  	[tilespmem:s9], [sflag:$0x2] =	stream.indirect.gather.add.f32 [hbm:s6], $0x80, s14, s7, $0xb8;
	[tilespmem:$0xAA00] =	vst v63  }
0x10b: {  	_ = 	snop  }
0x10c: {  	[tilespmem:s10], [sflag:$0x2] =	stream.indirect.gather.add.f32 [hbm:s6], $0x80, s15, s7, $0xb8;
	[tilespmem:$0xAA00] =	vst v63  }
0x10d: {  	_ = 	snop  }
0x10e: {  	[tilespmem:s4], [sflag:$0x2] =	stream.indirect.gather.add.f32 [hbm:s6], $0x80, s16, s7, $0xb8;
	[tilespmem:$0xAA00] =	vst v63  }
0x10f: {  	_ = 	snop  }
0x110: {  	[tilespmem:s8], [sflag:$0x2] =	stream.indirect.gather.add.f32 [hbm:s6], $0x80, s17, s7, $0xb8;
	[tilespmem:$0xAA00] =	vst v63  }
0x111: {  	_ = 	snop  }
0x112: {  	[tilespmem:s9], [sflag:$0x2] =	stream.indirect.gather.add.f32 [hbm:s6], $0x80, s18, s7, $0xb8;
	[tilespmem:$0xAA00] =	vst v63  }
0x113: {  	_ = 	snop  }
0x114: {  	[tilespmem:s10], [sflag:$0x2] =	stream.indirect.gather.add.f32 [hbm:s6], $0x80, s19, s7, $0xb8;
	[tilespmem:$0xAA00] =	vst v63  }
0x115: {  	_ = 	snop  }
0x116: {  	[tilespmem:s4], [sflag:$0x2] =	stream.indirect.gather.add.f32 [hbm:s6], $0x80, s20, s7, $0xb8;
	[tilespmem:$0xAA00] =	vst v63  }
0x117: {  	_ = 	snop  }
0x118: {  	[tilespmem:s8], [sflag:$0x2] =	stream.indirect.gather.add.f32 [hbm:s6], $0x80, s21, s7, $0xb8;
	[tilespmem:$0xAA00] =	vst v63  }
0x119: {  	_ = 	snop  }
0x11a: {  	[tilespmem:s9], [sflag:$0x2] =	stream.indirect.gather.add.f32 [hbm:s6], $0x80, s23, s7, $0xb8;
	[tilespmem:$0xAA00] =	vst v63  }
0x11b: {  	_ = 	snop  }
0x11c: {  	[tilespmem:s10], [sflag:$0x2] =	stream.indirect.gather.add.f32 [hbm:s6], $0x80, s24, s7, $0xb8;
	[tilespmem:$0xAA00] =	vst v63  }
0x11d: {  	_ = 	snop  }
0x11e: {  	[tilespmem:s4], [sflag:$0x2] =	stream.indirect.gather.add.f32 [hbm:s6], $0x80, s25, s7, $0xb8;
	[tilespmem:$0xAA00] =	vst v63  }
0x11f: {  	_ = 	snop  }
0x120: {  	[tilespmem:s8], [sflag:$0x2] =	stream.indirect.gather.add.f32 [hbm:s6], $0x80, s26, s7, $0xb8;
	[tilespmem:$0xAA00] =	vst v63  }
0x121: {  	_ = 	snop  }
0x122: {  	[tilespmem:s9], [sflag:$0x2] =	stream.indirect.gather.add.f32 [hbm:s6], $0x80, s28, s7, $0xb8;
	[tilespmem:$0xAA00] =	vst v63  }
0x123: {  	_ = 	snop  }
0x124: {  	[tilespmem:s10], [sflag:$0x2] =	stream.indirect.gather.add.f32 [hbm:s6], $0x80, s29, s7, $0xb8;
	[tilespmem:$0xAA00] =	vst v63  }
0x125: {  	_ =	swait.ge [sflag:s5], $0x2800  }
0x126: {  	[sflag:s5] =	ssyncset.done $0x0  }
0x127: {  	[sflag:s5] =	ssyncadd.s32 $0xFFFFD800  }
0x128: {  	_ =	swait.ge [sflag:s5], $0x2800  }
0x129: {  	[sflag:s5] =	ssyncset.done $0x0  }
0x12a: {  	[sflag:s5] =	ssyncadd.s32 $0xFFFFD800  }
0x12b: {  	_ =	swait.ge [sflag:s5], $0x2800  }
0x12c: {  	[sflag:s5] =	ssyncset.done $0x0  }
0x12d: {  	[sflag:s5] =	ssyncadd.s32 $0xFFFFD800  }
0x12e: {  	_ =	swait.ge [sflag:s5], $0x2800  }
0x12f: {  	[sflag:s5] =	ssyncset.done $0x0  }
0x130: {  	[sflag:s5] =	ssyncadd.s32 $0xFFFFD800  }
0x131: {  	_ =	swait.ge [sflag:s5], $0x2800  }
0x132: {  	[sflag:s5] =	ssyncset.done $0x0  }
0x133: {  	[sflag:s5] =	ssyncadd.s32 $0xFFFFD800  }
0x134: {  	_ =	swait.ge [sflag:s5], $0x2800  }
0x135: {  	[sflag:s5] =	ssyncset.done $0x0  }
0x136: {  	[sflag:s5] =	ssyncadd.s32 $0xFFFFD800  }
0x137: {  	_ =	swait.ge [sflag:s5], $0x2800  }
0x138: {  	[sflag:s5] =	ssyncset.done $0x0  }
0x139: {  	[sflag:s5] =	ssyncadd.s32 $0xFFFFD800  }
0x13a: {  	_ =	swait.ge [sflag:s5], $0x2800  }
0x13b: {  	[sflag:s5] =	ssyncset.done $0x0  }
0x13c: {  	[sflag:s5] =	ssyncadd.s32 $0xFFFFD800  }
0x13d: {  	_ =	swait.ge [sflag:s5], $0x2800  }
0x13e: {  	[sflag:s5] =	ssyncset.done $0x0  }
0x13f: {  	[sflag:s5] =	ssyncadd.s32 $0xFFFFD800  }
0x140: {  	_ =	swait.ge [sflag:s5], $0x2800  }
0x141: {  	[sflag:s5] =	ssyncset.done $0x0  }
0x142: {  	[sflag:s5] =	ssyncadd.s32 $0xFFFFD800  }
0x143: {  	_ =	swait.ge [sflag:s5], $0x2800  }
0x144: {  	[sflag:s5] =	ssyncset.done $0x0  }
0x145: {  	[sflag:s5] =	ssyncadd.s32 $0xFFFFD800  }
0x146: {  	_ =	swait.ge [sflag:s5], $0x2800  }
0x147: {  	[sflag:s5] =	ssyncset.done $0x0  }
0x148: {  	[sflag:s5] =	ssyncadd.s32 $0xFFFFD800  }
0x149: {  	_ =	swait.ge [sflag:s5], $0x2800  }
0x14a: {  	[sflag:s5] =	ssyncset.done $0x0  }
0x14b: {  	[sflag:s5] =	ssyncadd.s32 $0xFFFFD800  }
0x14c: {  	_ =	swait.ge [sflag:s5], $0x2800  }
0x14d: {  	[sflag:s5] =	ssyncset.done $0x0  }
0x14e: {  	[sflag:s5] =	ssyncadd.s32 $0xFFFFD800  }
0x14f: {  	_ =	swait.ge [sflag:s5], $0x2800  }
0x150: {  	[sflag:s5] =	ssyncset.done $0x0  }
0x151: {  	[sflag:s5] =	ssyncadd.s32 $0xFFFFD800  }
0x152: {  	_ =	swait.ge [sflag:s5], $0x2800  }
0x153: {  	[sflag:s5] =	ssyncset.done $0x0  }
0x154: {  	s30 =	rddreg [dreg:$0x3];
	[sflag:s5] =	ssyncadd.s32 $0xFFFFD800  }
0x155: {  	[hbm4b:s30+s2] =	stream.linear.scatter [tilespmem:s4], [sflag:$0x3], $0xA000, $0x38;
	[tilespmem:$0xAA00] =	vst v63  }
0x156: {  	_ =	swait.ge [sflag:s3], $0xA000  }
0x157: {  	[sflag:s3] =	ssyncset.done $0x0  }
0x158: {  	[sflag:s3] =	ssyncadd.s32 $0xFFFF6000  }
0x159: {  	_ =	sfence.sel $0x180000  }
0x15a: {  	[bflag:$0x0] =	sbarrier.arrive $0xFFFF  }
0x15b: {  	_ =	strace $0x90000050  }
0x15c: {  	s31 =	stileid.u32;
	[bflag:$0x2] =	sbarrier.arrive $0xFFFF  }
0x15d: {  	p0 =	sne.s32 s31, $0x0;
	s0 =	rddreg [dreg:$0x1]  }
0x15e: {  	s0 =	sadd.s32 @!p0 $0x100000, s0  }
0x15f: {  	[sflag:s0] =	ssyncadd.tile.s32 @!p0 $0x1;
	_ =	shalt  }
.LBB2_1:
0x160: {  	s12 =	simm.s32 $0x180  }
0x161: {  	s31 =	simm.s32 $0x100;
	s30 =	simm.s32 $0x80;
	s29 =	simm.s32 $0x980  }
.Ltmp3:
0x162: {  	s28 =	simm.s32 $0x900;
	s26 =	simm.s32 $0x880;
	(pc) =	sbr.rel .LBB2_6-.Ltmp3, $4  }
0x163: {  	s25 =	simm.s32 $0x800;
	s24 =	simm.s32 $0x780;
	s23 =	simm.s32 $0x700  }
0x164: {  	s21 =	simm.s32 $0x680;
	s20 =	simm.s32 $0x600;
	s19 =	simm.s32 $0x580  }
0x165: {  	s18 =	simm.s32 $0x500;
	s17 =	simm.s32 $0x480;
	s16 =	simm.s32 $0x400  }
0x166: {  	s15 =	simm.s32 $0x380;
	s14 =	simm.s32 $0x300;
	s13 =	simm.s32 $0x280  }
.LBB2_3:
0x167: {  	s12 =	simm.s32 $0x180  }
0x168: {  	s31 =	simm.s32 $0x100;
	s30 =	simm.s32 $0x80;
	s29 =	simm.s32 $0x980  }
.Ltmp4:
0x169: {  	s28 =	simm.s32 $0x900;
	s26 =	simm.s32 $0x880;
	(pc) =	sbr.rel .LBB2_6-.Ltmp4, $4  }
0x16a: {  	s25 =	simm.s32 $0x800;
	s24 =	simm.s32 $0x780;
	s23 =	simm.s32 $0x700  }
0x16b: {  	s21 =	simm.s32 $0x680;
	s20 =	simm.s32 $0x600;
	s19 =	simm.s32 $0x580  }
0x16c: {  	s18 =	simm.s32 $0x500;
	s17 =	simm.s32 $0x480;
	s16 =	simm.s32 $0x400  }
0x16d: {  	s15 =	simm.s32 $0x380;
	s14 =	simm.s32 $0x300;
	s13 =	simm.s32 $0x280  }
.Lfunc_end2:
_tile_overlayer_lowered:
.L_overlay_start_2:
0x16e: {  	(tag) =	ssettag $0x2  }
0x16f: {  	s0 =	rddreg [dreg:$0x0];
	s2 =	stileid.u32  }
0x170: {  	s1 =	rddreg [dreg:$0x1];
	p0 =	sne.s32 s2, $0x0  }
0x171: {  	s3 =	rddreg [dreg:$0x2];
	[bflag:$0x3] =	sbarrier.arrive $0xFFFF;
	s2 =	simm.s32 @!p0 $0x1C03  }
0x172: {  	[timem:s3], [sflag:s2] =	dma.local @!p0 [hbm:s0], s1  }
0x173: {  	s0 =	simm.s32 @!p0 $0x3  }
0x174: {  	_ =	swait.ge @!p0 [sflag:s0], s1  }
0x175: {  	s1 =	ssub.s32 @!p0 $0x0, s1;
	[sflag:s0] =	ssyncset.done @!p0 $0x0  }
0x176: {  	[sflag:s0] =	ssyncadd.s32 @!p0 s1  }
0x177: {  	[bflag:$0x3] =	sbarrier.arrive $0xFFFF  }
0x178: {  	_ =	shalt  }

</sc_bundles>
